<compile_context>
chip_gen: v7x
topology: tpu7x:2x2x1
jax: 0.10.2.dev20260603
libtpu: 0.0.44.dev20260713+nightly
codegen_flags: <defaults>
</compile_context>

<pallas_src>
import functools

import jax
import jax.numpy as jnp
from jax import lax
from jax.experimental import pallas as pl
from jax.experimental.pallas import tpu as pltpu
from jax.experimental.pallas import tpu_sc as plsc

B, N, M, K = 4, 8192, 1024, 32
R2 = 0.2 * 0.2
EPS = 1e-5
BM = B * M
KBM = K * BM

MBLK = 256
NCH = 1024
MB2 = 1024
NW = 32
PER_W = KBM // NW
CH = 128


def _prep_body(x_ref, f_ref, wa_ref, wb_ref, t1_ref, g_ref):
    g_ref[...] = (
        jnp.dot(x_ref[...], wa_ref[...], preferred_element_type=jnp.float32)
        + jnp.dot(f_ref[...], wb_ref[...], preferred_element_type=jnp.float32)
        + t1_ref[...])


def _select_body(c_ref, xt_ref, w_ref, ut_ref, gidx_ref, ne_ref, cout_ref,
                 acc_ref, cnt_ref):
    cblk = c_ref[...]
    cout_ref[...] = jnp.dot(cblk, w_ref[...],
                            preferred_element_type=jnp.float32)
    cx = cblk[:, 0:1]
    cy = cblk[:, 1:2]
    cz = cblk[:, 2:3]
    acc_ref[...] = jnp.zeros((MBLK, K), jnp.float32)
    cnt_ref[...] = jnp.zeros((MBLK, 1), jnp.float32)

    for ch in range(N // NCH):
        @pl.when(jnp.min(cnt_ref[...]) < K)
        def _chunk():
            xs = xt_ref[0, :, ch * NCH:(ch + 1) * NCH]
            dx = cx - xs[0:1, :]
            dy = cy - xs[1:2, :]
            dz = cz - xs[2:3, :]
            d2 = dx * dx + dy * dy + dz * dz
            m = jnp.where(d2 < R2, 1.0, 0.0).astype(jnp.bfloat16)
            rank = cnt_ref[...] + jnp.dot(
                m, ut_ref[...], preferred_element_type=jnp.float32)
            cnt_ref[...] = rank[:, NCH - 1:NCH]
            cols = [jnp.sum(jnp.where(rank <= k, 1.0, 0.0), axis=1,
                            keepdims=True) for k in range(K)]
            acc_ref[...] += jnp.concatenate(cols, axis=1)

    acc = acc_ref[...]
    idx0 = acc[:, 0:1]
    fixed = jnp.where(acc >= float(N),
                      jnp.where(idx0 >= float(N), 0.0, idx0), acc)
    batch = pl.program_id(0) * MBLK // M
    gidx_ref[...] = fixed.astype(jnp.int32) + batch * N
    ne_ref[...] = jnp.where(idx0 < float(N), 1.0, 0.0)


def _mlp_body(x_ref, c_ref, ne_ref, w2_ref, w3_ref, t2_ref, t3_ref, o_ref):
    k = pl.program_id(1)
    x = x_ref[0]
    h1 = jnp.maximum(x - c_ref[...], 0.0)
    h2 = jnp.dot(h1.astype(jnp.bfloat16), w2_ref[...],
                 preferred_element_type=jnp.float32)
    h2 = jnp.maximum(h2 + t2_ref[...], 0.0)
    h3 = jnp.dot(h2.astype(jnp.bfloat16), w3_ref[...],
                 preferred_element_type=jnp.float32)
    h3 = jnp.maximum(h3 + t3_ref[...], 0.0)

    @pl.when(k == 0)
    def _():
        o_ref[...] = h3

    @pl.when(k > 0)
    def _():
        o_ref[...] = jnp.maximum(o_ref[...], h3)

    @pl.when(k == K - 1)
    def _():
        o_ref[...] = o_ref[...] * ne_ref[...]


def _make_gather():
    mesh = plsc.VectorSubcoreMesh(core_axis_name="c", subcore_axis_name="s")

    @functools.partial(
        pl.kernel, mesh=mesh,
        compiler_params=pltpu.CompilerParams(use_tc_tiling_on_sc=False),
        out_type=jax.ShapeDtypeStruct((KBM, 64), jnp.float32),
        scratch_types=[
            pltpu.VMEM((PER_W // CH, CH), jnp.int32),
            pltpu.VMEM((CH, 64), jnp.float32),
            pltpu.VMEM((CH, 64), jnp.float32),
            pltpu.SemaphoreType.DMA,
            pltpu.SemaphoreType.DMA,
        ],
    )
    def gather_k(table_hbm, idx_hbm, out_hbm, idx_v, rows_v0, rows_v1,
                 sem0, sem1):
        wid = lax.axis_index("s") * 2 + lax.axis_index("c")
        nrow = PER_W // CH
        pltpu.sync_copy(idx_hbm.at[pl.ds(wid * nrow, nrow)], idx_v)
        base = wid * PER_W

        cp0 = pltpu.async_copy(table_hbm.at[idx_v.at[0]], rows_v0, sem0)

        def body(p, carry):
            j0 = 2 * p
            pltpu.async_copy(table_hbm.at[idx_v.at[j0 + 1]], rows_v1, sem1)
            pltpu.make_async_copy(table_hbm.at[idx_v.at[j0]], rows_v0,
                                  sem0).wait()
            pltpu.sync_copy(rows_v0, out_hbm.at[pl.ds(base + j0 * CH, CH)])

            @pl.when(p < nrow // 2 - 1)
            def _():
                pltpu.async_copy(table_hbm.at[idx_v.at[j0 + 2]], rows_v0,
                                 sem0)

            pltpu.make_async_copy(table_hbm.at[idx_v.at[j0 + 1]], rows_v1,
                                  sem1).wait()
            pltpu.sync_copy(rows_v1,
                            out_hbm.at[pl.ds(base + (j0 + 1) * CH, CH)])
            return carry

        lax.fori_loop(0, nrow // 2, body, 0)

    return gather_k


_gather = _make_gather()


def kernel(xyz, new_xyz, feats, W1, g1, be1, rm1, rv1, W2, g2, be2, rm2,
           rv2, W3, g3, be3, rm3, rv3):
    s1 = g1 * jax.lax.rsqrt(rv1 + EPS)
    t1 = be1 - rm1 * s1
    s2 = g2 * jax.lax.rsqrt(rv2 + EPS)
    t2 = be2 - rm2 * s2
    s3 = g3 * jax.lax.rsqrt(rv3 + EPS)
    t3 = be3 - rm3 * s3

    W1f = W1 * s1[None, :]
    G = pl.pallas_call(
        _prep_body,
        grid=(16,),
        in_specs=[
            pl.BlockSpec((B * N // 16, 3), lambda j: (j, 0)),
            pl.BlockSpec((B * N // 16, 64), lambda j: (j, 0)),
            pl.BlockSpec((3, 64), lambda j: (0, 0)),
            pl.BlockSpec((64, 64), lambda j: (0, 0)),
            pl.BlockSpec((1, 64), lambda j: (0, 0)),
        ],
        out_specs=pl.BlockSpec((B * N // 16, 64), lambda j: (j, 0)),
        out_shape=jax.ShapeDtypeStruct((B * N, 64), jnp.float32),
    )(xyz.reshape(B * N, 3), feats.reshape(B * N, 64), W1f[:3], W1f[3:],
      t1.reshape(1, 64))

    cpad = jnp.pad(new_xyz.reshape(BM, 3), ((0, 0), (0, 5)))
    xyzT = jnp.pad(jnp.transpose(xyz, (0, 2, 1)), ((0, 0), (0, 5), (0, 0)))
    w1a = jnp.pad(W1f[:3], ((0, 5), (0, 0)))
    ut = (lax.broadcasted_iota(jnp.int32, (NCH, NCH), 0)
          <= lax.broadcasted_iota(jnp.int32, (NCH, NCH), 1)
          ).astype(jnp.bfloat16)
    gidx, ne, C = pl.pallas_call(
        _select_body,
        grid=(BM // MBLK,),
        in_specs=[
            pl.BlockSpec((MBLK, 8), lambda j: (j, 0)),
            pl.BlockSpec((1, 8, N), lambda j: (j * MBLK // M, 0, 0)),
            pl.BlockSpec((8, 64), lambda j: (0, 0)),
            pl.BlockSpec((NCH, NCH), lambda j: (0, 0)),
        ],
        out_specs=[
            pl.BlockSpec((MBLK, K), lambda j: (j, 0)),
            pl.BlockSpec((MBLK, 1), lambda j: (j, 0)),
            pl.BlockSpec((MBLK, 64), lambda j: (j, 0)),
        ],
        out_shape=[
            jax.ShapeDtypeStruct((BM, K), jnp.int32),
            jax.ShapeDtypeStruct((BM, 1), jnp.float32),
            jax.ShapeDtypeStruct((BM, 64), jnp.float32),
        ],
        scratch_shapes=[
            pltpu.VMEM((MBLK, K), jnp.float32),
            pltpu.VMEM((MBLK, 1), jnp.float32),
        ],
    )(cpad, xyzT, w1a, ut)

    gidx_t = gidx.T.reshape(KBM // CH, CH)
    rows = _gather(G, gidx_t)

    rows3 = rows.reshape(K, BM, 64)
    r2 = lambda v: v.reshape(1, -1)
    out = pl.pallas_call(
        _mlp_body,
        grid=(BM // MB2, K),
        in_specs=[
            pl.BlockSpec((1, MB2, 64), lambda j, k: (k, j, 0)),
            pl.BlockSpec((MB2, 64), lambda j, k: (j, 0)),
            pl.BlockSpec((MB2, 1), lambda j, k: (j, 0)),
            pl.BlockSpec((64, 64), lambda j, k: (0, 0)),
            pl.BlockSpec((64, 128), lambda j, k: (0, 0)),
            pl.BlockSpec((1, 64), lambda j, k: (0, 0)),
            pl.BlockSpec((1, 128), lambda j, k: (0, 0)),
        ],
        out_specs=pl.BlockSpec((MB2, 128), lambda j, k: (j, 0)),
        out_shape=jax.ShapeDtypeStruct((BM, 128), jnp.float32),
        compiler_params=pltpu.CompilerParams(
            dimension_semantics=("parallel", "arbitrary")),
    )(rows3, C, ne, (W2 * s2[None, :]).astype(jnp.bfloat16),
      (W3 * s3[None, :]).astype(jnp.bfloat16), r2(t2), r2(t3))

    return (out.reshape(B, M, 128),)

# --- scband reference (transcript-rebuilt; emitter-appended) ---
"""Pipeline reference for scband-ball-query-point-grouping-51127290692137 (READ-ONLY COPY).

The authoritative reference and input builder live on the scoring server;
editing this copy changes nothing except your own understanding.
"""

import jax, jax.numpy as jnp
import numpy as np

B, N, M, K = 4, 8192, 1024, 32
RADIUS = 0.2
C_IN = 64
MLPS = [64, 64, 128]
EPS = 1e-5


def setup_inputs(seed: int = 0):
    key = jax.random.key(seed)
    ks = jax.random.split(key, 8)
    xyz = jax.random.uniform(ks[0], (B, N, 3), dtype=jnp.float32)
    new_xyz = jax.random.uniform(ks[1], (B, M, 3), dtype=jnp.float32)
    feats = jax.random.normal(ks[2], (B, N, C_IN), dtype=jnp.float32)
    dims = [C_IN + 3] + MLPS
    inp = {"xyz": xyz, "new_xyz": new_xyz, "feats": feats}
    for i in range(3):
        inp[f"W{i+1}"] = jax.random.normal(ks[3 + i], (dims[i], dims[i + 1]), dtype=jnp.float32) * (1.0 / np.sqrt(dims[i]))
        inp[f"g{i+1}"] = jnp.ones((dims[i + 1],), jnp.float32)
        inp[f"be{i+1}"] = jnp.zeros((dims[i + 1],), jnp.float32)
        inp[f"rm{i+1}"] = jnp.zeros((dims[i + 1],), jnp.float32)
        inp[f"rv{i+1}"] = jnp.ones((dims[i + 1],), jnp.float32)
    return inp


def ball_query(xyz, new_xyz):
    # (B, M, N) squared distances from centroids to all points
    d2 = jnp.sum((new_xyz[:, :, None, :] - xyz[:, None, :, :]) ** 2, axis=-1)
    mask = d2 < RADIUS ** 2
    # CUDA ball_query semantics: take the first K in-radius points (by index order),
    # pad with the first found index when fewer than K are in-radius.
    cand = jnp.where(mask, jnp.arange(N)[None, None, :], N)
    idx = jnp.sort(cand, axis=-1)[:, :, :K]
    first = idx[:, :, :1]
    idx = jnp.where(idx == N, first, idx)
    idx = jnp.clip(idx, 0, N - 1)
    cnt = jnp.minimum(jnp.sum(mask, axis=-1), K)
    return cnt, idx


def mlp(x, params):
    # Linear(bias=False) -> BatchNorm1d (eval-mode, running stats) -> ReLU, applied over last dim
    for W, g, be, rm, rv in params:
        x = x @ W
        x = g * (x - rm) / jnp.sqrt(rv + EPS) + be
        x = jax.nn.relu(x)
    return x


def reference(xyz, new_xyz, feats, W1, g1, be1, rm1, rv1, W2, g2, be2, rm2, rv2, W3, g3, be3, rm3, rv3):
    cnt, idx = ball_query(xyz, new_xyz)
    b = jnp.arange(B)[:, None, None]
    grouped_xyz = xyz[b, idx] - new_xyz[:, :, None, :]   # (B, M, K, 3)
    grouped_feats = feats[b, idx]                         # (B, M, K, C_IN)
    nf = jnp.concatenate([grouped_xyz, grouped_feats], axis=-1)
    nf = mlp(nf, [(W1, g1, be1, rm1, rv1), (W2, g2, be2, rm2, rv2), (W3, g3, be3, rm3, rv3)])
    empty = (cnt > 0).astype(nf.dtype)
    nf = nf * empty[:, :, None, None]
    out = jnp.max(nf, axis=2)                             # (B, M, 128)
    return (out,)

if __name__ == "__main__":
    import jax
    _d = setup_inputs()
    print(jax.jit(kernel)(*tuple(_d.values())))

</pallas_src>

<mosaic_0001>
#map = affine_map<(d0, d1) -> (0, 0)>
module attributes {stable_mosaic.version = 14 : i64} {
  func.func @gather_k(%arg0: i32, %arg1: i32, %arg2: memref<32768x64xf32, #tpu.memory_space<hbm>>, %arg3: memref<1024x128xi32, #tpu.memory_space<hbm>>, %arg4: memref<131072x64xf32, #tpu.memory_space<hbm>>, %arg5: memref<32x128xi32, #tpu.memory_space<vmem>>, %arg6: memref<128x64xf32, #tpu.memory_space<vmem>>, %arg7: memref<128x64xf32, #tpu.memory_space<vmem>>, %arg8: memref<!tpu.dma_semaphore, #tpu.memory_space<semaphore_mem>>, %arg9: memref<!tpu.dma_semaphore, #tpu.memory_space<semaphore_mem>>) attributes {dimension_semantics = [#tpu.dimension_semantics<core_parallel>, #tpu.dimension_semantics<subcore_parallel>], iteration_bounds = array<i64: 2, 16>, scalar_prefetch = 0 : i64, scratch_operands = 5 : i64, tpu.core_type = #tpu.core_type<sc_vector_subcore>, window_params = [{transform_indices = #map}, {transform_indices = #map}, {transform_indices = #map}]} {
    %mul3A = arith.constant 2 : i32
    %mul3A_0 = arith.muli %arg1, %mul3A : i32
    %add3A = arith.addi %mul3A_0, %arg0 : i32
    %mul3A_1 = arith.constant 32 : i32
    %mul3A_2 = arith.muli %add3A, %mul3A_1 : i32
    "tpu.region"() ({
      %run_scoped3A = tpu.sem_alloc : memref<!tpu.dma_semaphore, #tpu.memory_space<semaphore_mem>>
      %dma_start3A_16 = arith.constant 0 : i32
      %dma_start3A_17 = tpu.memref_slice %arg3[%mul3A_2, %dma_start3A_16] : memref<1024x128xi32, #tpu.memory_space<hbm>> -> memref<32x128xi32, #tpu.memory_space<hbm>>
      %dma_start3A_18 = arith.constant 0 : i32
      %dma_start3A_19 = tpu.memref_slice %arg3[%mul3A_2, %dma_start3A_18] : memref<1024x128xi32, #tpu.memory_space<hbm>> -> memref<32x128xi32, #tpu.memory_space<hbm>>
      tpu.enqueue_dma source(%dma_start3A_19 : memref<32x128xi32, #tpu.memory_space<hbm>>) target(%arg5 : memref<32x128xi32, #tpu.memory_space<vmem>>) target_semaphore(%run_scoped3A : memref<!tpu.dma_semaphore, #tpu.memory_space<semaphore_mem>>)
      %dma_wait3A = arith.constant 0 : i32
      %dma_wait3A_20 = tpu.memref_slice %arg3[%mul3A_2, %dma_wait3A] : memref<1024x128xi32, #tpu.memory_space<hbm>> -> memref<32x128xi32, #tpu.memory_space<hbm>>
      %dma_wait3A_21 = arith.constant 0 : i32
      %dma_wait3A_22 = tpu.memref_slice %arg3[%mul3A_2, %dma_wait3A_21] : memref<1024x128xi32, #tpu.memory_space<hbm>> -> memref<32x128xi32, #tpu.memory_space<hbm>>
      tpu.wait_dma2 semaphore(%run_scoped3A : memref<!tpu.dma_semaphore, #tpu.memory_space<semaphore_mem>>) src(%dma_wait3A_22 : memref<32x128xi32, #tpu.memory_space<hbm>>) dst(%arg5 : memref<32x128xi32, #tpu.memory_space<vmem>>)
      tpu.yield
    }) : () -> ()
    %mul3A_3 = arith.constant 4096 : i32
    %mul3A_4 = arith.muli %add3A, %mul3A_3 : i32
    %dma_start3A = arith.constant 0 : i32
    %dma_start3A_5 = arith.constant 0 : i32
    %dma_start3A_6 = tpu.memref_slice %arg5[%dma_start3A, %dma_start3A_5] : memref<32x128xi32, #tpu.memory_space<vmem>> -> memref<1x128xi32, #tpu.memory_space<vmem>>
    %dma_start3A_7 = tpu.memref_squeeze %dma_start3A_6 : memref<1x128xi32, #tpu.memory_space<vmem>> -> memref<128xi32, #tpu.memory_space<vmem>>
    %dma_start3A_8 = arith.constant 0 : i32
    %dma_start3A_9 = arith.constant 0 : i32
    %dma_start3A_10 = tpu.memref_slice %arg2[%dma_start3A_8, %dma_start3A_9] : memref<32768x64xf32, #tpu.memory_space<hbm>> -> memref<32768x64xf32, #tpu.memory_space<hbm>>
    tpu.enqueue_indirect_dma source(%dma_start3A_10 : memref<32768x64xf32, #tpu.memory_space<hbm>>) target(%arg6 : memref<128x64xf32, #tpu.memory_space<vmem>>) offsets(%dma_start3A_7 : memref<128xi32, #tpu.memory_space<vmem>>) semaphore(%arg8 : memref<!tpu.dma_semaphore, #tpu.memory_space<semaphore_mem>>)
    %scan3A = arith.constant 0 : i32
    %scan3A_11 = arith.constant 0 : i32
    %scan3A_12 = arith.constant 16 : i32
    %scan3A_13 = arith.addi %scan3A_11, %scan3A_12 : i32
    %scan3A_14 = arith.constant 1 : i32
    scf.for %scan3A_16 = %scan3A_11 to %scan3A_13 step %scan3A_14  : i32 {
      %mul3A_17 = arith.constant 2 : i32
      %mul3A_18 = arith.muli %mul3A_17, %scan3A_16 : i32
      %add3A_19 = arith.constant 1 : i32
      %add3A_20 = arith.addi %mul3A_18, %add3A_19 : i32
      %dma_start3A_21 = arith.constant 0 : i32
      %dma_start3A_22 = tpu.memref_slice %arg5[%add3A_20, %dma_start3A_21] : memref<32x128xi32, #tpu.memory_space<vmem>> -> memref<1x128xi32, #tpu.memory_space<vmem>>
      %dma_start3A_23 = tpu.memref_squeeze %dma_start3A_22 : memref<1x128xi32, #tpu.memory_space<vmem>> -> memref<128xi32, #tpu.memory_space<vmem>>
      %dma_start3A_24 = arith.constant 0 : i32
      %dma_start3A_25 = arith.constant 0 : i32
      %dma_start3A_26 = tpu.memref_slice %arg2[%dma_start3A_24, %dma_start3A_25] : memref<32768x64xf32, #tpu.memory_space<hbm>> -> memref<32768x64xf32, #tpu.memory_space<hbm>>
      tpu.enqueue_indirect_dma source(%dma_start3A_26 : memref<32768x64xf32, #tpu.memory_space<hbm>>) target(%arg7 : memref<128x64xf32, #tpu.memory_space<vmem>>) offsets(%dma_start3A_23 : memref<128xi32, #tpu.memory_space<vmem>>) semaphore(%arg9 : memref<!tpu.dma_semaphore, #tpu.memory_space<semaphore_mem>>)
      %dma_wait3A = arith.constant 0 : i32
      %dma_wait3A_27 = tpu.memref_slice %arg5[%mul3A_18, %dma_wait3A] : memref<32x128xi32, #tpu.memory_space<vmem>> -> memref<1x128xi32, #tpu.memory_space<vmem>>
      %dma_wait3A_28 = tpu.memref_squeeze %dma_wait3A_27 : memref<1x128xi32, #tpu.memory_space<vmem>> -> memref<128xi32, #tpu.memory_space<vmem>>
      %dma_wait3A_29 = arith.constant 0 : i32
      %dma_wait3A_30 = arith.constant 0 : i32
      %dma_wait3A_31 = tpu.memref_slice %arg2[%dma_wait3A_29, %dma_wait3A_30] : memref<32768x64xf32, #tpu.memory_space<hbm>> -> memref<32768x64xf32, #tpu.memory_space<hbm>>
      tpu.wait_indirect_dma semaphore(%arg8 : memref<!tpu.dma_semaphore, #tpu.memory_space<semaphore_mem>>) src(%dma_wait3A_31 : memref<32768x64xf32, #tpu.memory_space<hbm>>) dst(%arg6 : memref<128x64xf32, #tpu.memory_space<vmem>>)
      %mul3A_32 = arith.constant 128 : i32
      %mul3A_33 = arith.muli %mul3A_18, %mul3A_32 : i32
      %add3A_34 = arith.addi %mul3A_4, %mul3A_33 : i32
      "tpu.region"() ({
        %run_scoped3A = tpu.sem_alloc : memref<!tpu.dma_semaphore, #tpu.memory_space<semaphore_mem>>
        %dma_start3A_50 = arith.constant 0 : i32
        %dma_start3A_51 = tpu.memref_slice %arg4[%add3A_34, %dma_start3A_50] : memref<131072x64xf32, #tpu.memory_space<hbm>> -> memref<128x64xf32, #tpu.memory_space<hbm>>
        %dma_start3A_52 = arith.constant 0 : i32
        %dma_start3A_53 = tpu.memref_slice %arg4[%add3A_34, %dma_start3A_52] : memref<131072x64xf32, #tpu.memory_space<hbm>> -> memref<128x64xf32, #tpu.memory_space<hbm>>
        tpu.enqueue_dma source(%arg6 : memref<128x64xf32, #tpu.memory_space<vmem>>) target(%dma_start3A_53 : memref<128x64xf32, #tpu.memory_space<hbm>>) target_semaphore(%run_scoped3A : memref<!tpu.dma_semaphore, #tpu.memory_space<semaphore_mem>>)
        %dma_wait3A_54 = arith.constant 0 : i32
        %dma_wait3A_55 = tpu.memref_slice %arg4[%add3A_34, %dma_wait3A_54] : memref<131072x64xf32, #tpu.memory_space<hbm>> -> memref<128x64xf32, #tpu.memory_space<hbm>>
        %dma_wait3A_56 = arith.constant 0 : i32
        %dma_wait3A_57 = tpu.memref_slice %arg4[%add3A_34, %dma_wait3A_56] : memref<131072x64xf32, #tpu.memory_space<hbm>> -> memref<128x64xf32, #tpu.memory_space<hbm>>
        tpu.wait_dma2 semaphore(%run_scoped3A : memref<!tpu.dma_semaphore, #tpu.memory_space<semaphore_mem>>) src(%arg6 : memref<128x64xf32, #tpu.memory_space<vmem>>) dst(%dma_wait3A_57 : memref<128x64xf32, #tpu.memory_space<hbm>>)
        tpu.yield
      }) : () -> ()
      %lt3A = arith.constant 15 : i32
      %lt3A_35 = arith.cmpi slt, %scan3A_16, %lt3A : i32
      %convert_element_type3A = arith.extui %lt3A_35 : i1 to i32
      %cond3A = arith.constant 0 : i32
      %cond3A_36 = arith.cmpi ne, %convert_element_type3A, %cond3A : i32
      scf.if %cond3A_36 {
        %add3A_50 = arith.constant 2 : i32
        %add3A_51 = arith.addi %mul3A_18, %add3A_50 : i32
        %dma_start3A_52 = arith.constant 0 : i32
        %dma_start3A_53 = tpu.memref_slice %arg5[%add3A_51, %dma_start3A_52] : memref<32x128xi32, #tpu.memory_space<vmem>> -> memref<1x128xi32, #tpu.memory_space<vmem>>
        %dma_start3A_54 = tpu.memref_squeeze %dma_start3A_53 : memref<1x128xi32, #tpu.memory_space<vmem>> -> memref<128xi32, #tpu.memory_space<vmem>>
        %dma_start3A_55 = arith.constant 0 : i32
        %dma_start3A_56 = arith.constant 0 : i32
        %dma_start3A_57 = tpu.memref_slice %arg2[%dma_start3A_55, %dma_start3A_56] : memref<32768x64xf32, #tpu.memory_space<hbm>> -> memref<32768x64xf32, #tpu.memory_space<hbm>>
        tpu.enqueue_indirect_dma source(%dma_start3A_57 : memref<32768x64xf32, #tpu.memory_space<hbm>>) target(%arg6 : memref<128x64xf32, #tpu.memory_space<vmem>>) offsets(%dma_start3A_54 : memref<128xi32, #tpu.memory_space<vmem>>) semaphore(%arg8 : memref<!tpu.dma_semaphore, #tpu.memory_space<semaphore_mem>>)
      } else {
      }
      %add3A_37 = arith.constant 1 : i32
      %add3A_38 = arith.addi %mul3A_18, %add3A_37 : i32
      %dma_wait3A_39 = arith.constant 0 : i32
      %dma_wait3A_40 = tpu.memref_slice %arg5[%add3A_38, %dma_wait3A_39] : memref<32x128xi32, #tpu.memory_space<vmem>> -> memref<1x128xi32, #tpu.memory_space<vmem>>
      %dma_wait3A_41 = tpu.memref_squeeze %dma_wait3A_40 : memref<1x128xi32, #tpu.memory_space<vmem>> -> memref<128xi32, #tpu.memory_space<vmem>>
      %dma_wait3A_42 = arith.constant 0 : i32
      %dma_wait3A_43 = arith.constant 0 : i32
      %dma_wait3A_44 = tpu.memref_slice %arg2[%dma_wait3A_42, %dma_wait3A_43] : memref<32768x64xf32, #tpu.memory_space<hbm>> -> memref<32768x64xf32, #tpu.memory_space<hbm>>
      tpu.wait_indirect_dma semaphore(%arg9 : memref<!tpu.dma_semaphore, #tpu.memory_space<semaphore_mem>>) src(%dma_wait3A_44 : memref<32768x64xf32, #tpu.memory_space<hbm>>) dst(%arg7 : memref<128x64xf32, #tpu.memory_space<vmem>>)
      %add3A_45 = arith.constant 1 : i32
      %add3A_46 = arith.addi %mul3A_18, %add3A_45 : i32
      %mul3A_47 = arith.constant 128 : i32
      %mul3A_48 = arith.muli %add3A_46, %mul3A_47 : i32
      %add3A_49 = arith.addi %mul3A_4, %mul3A_48 : i32
      "tpu.region"() ({
        %run_scoped3A = tpu.sem_alloc : memref<!tpu.dma_semaphore, #tpu.memory_space<semaphore_mem>>
        %dma_start3A_50 = arith.constant 0 : i32
        %dma_start3A_51 = tpu.memref_slice %arg4[%add3A_49, %dma_start3A_50] : memref<131072x64xf32, #tpu.memory_space<hbm>> -> memref<128x64xf32, #tpu.memory_space<hbm>>
        %dma_start3A_52 = arith.constant 0 : i32
        %dma_start3A_53 = tpu.memref_slice %arg4[%add3A_49, %dma_start3A_52] : memref<131072x64xf32, #tpu.memory_space<hbm>> -> memref<128x64xf32, #tpu.memory_space<hbm>>
        tpu.enqueue_dma source(%arg7 : memref<128x64xf32, #tpu.memory_space<vmem>>) target(%dma_start3A_53 : memref<128x64xf32, #tpu.memory_space<hbm>>) target_semaphore(%run_scoped3A : memref<!tpu.dma_semaphore, #tpu.memory_space<semaphore_mem>>)
        %dma_wait3A_54 = arith.constant 0 : i32
        %dma_wait3A_55 = tpu.memref_slice %arg4[%add3A_49, %dma_wait3A_54] : memref<131072x64xf32, #tpu.memory_space<hbm>> -> memref<128x64xf32, #tpu.memory_space<hbm>>
        %dma_wait3A_56 = arith.constant 0 : i32
        %dma_wait3A_57 = tpu.memref_slice %arg4[%add3A_49, %dma_wait3A_56] : memref<131072x64xf32, #tpu.memory_space<hbm>> -> memref<128x64xf32, #tpu.memory_space<hbm>>
        tpu.wait_dma2 semaphore(%run_scoped3A : memref<!tpu.dma_semaphore, #tpu.memory_space<semaphore_mem>>) src(%arg7 : memref<128x64xf32, #tpu.memory_space<vmem>>) dst(%dma_wait3A_57 : memref<128x64xf32, #tpu.memory_space<hbm>>)
        tpu.yield
      }) : () -> ()
    }
    %scan3A_15 = arith.constant 16 : i32
    return
  }
}

module attributes {stable_mosaic.version = 14 : i64} {
  func.func @_prep_body(%arg0: i32, %arg1: memref<2048x3xf32, #tpu.memory_space<vmem>>, %arg2: memref<2048x64xf32, #tpu.memory_space<vmem>>, %arg3: memref<3x64xf32, #tpu.memory_space<vmem>>, %arg4: memref<64x64xf32, #tpu.memory_space<vmem>>, %arg5: memref<1x64xf32, #tpu.memory_space<vmem>>, %arg6: memref<2048x64xf32, #tpu.memory_space<vmem>>) attributes {dimension_semantics = [#tpu.dimension_semantics<arbitrary>], iteration_bounds = array<i64: 16>, scalar_prefetch = 0 : i64, scratch_operands = 0 : i64, tpu.core_type = #tpu.core_type<tc>, window_params = [{transform_indices = @transform_0, window_bounds = array<i64: 2048, 3>}, {transform_indices = @transform_1, window_bounds = array<i64: 2048, 64>}, {pipeline_mode = #tpu.pipeline_mode<synchronous>, transform_indices = @transform_2, window_bounds = array<i64: 3, 64>}, {pipeline_mode = #tpu.pipeline_mode<synchronous>, transform_indices = @transform_3, window_bounds = array<i64: 64, 64>}, {pipeline_mode = #tpu.pipeline_mode<synchronous>, transform_indices = @transform_4, window_bounds = array<i64: 1, 64>}, {transform_indices = @transform_5, window_bounds = array<i64: 2048, 64>}]} {
    %get3A = arith.constant 0 : index
    %get3A_0 = arith.constant 0 : index
    %get3A_1 = vector.load %arg1[%get3A, %get3A_0] : memref<2048x3xf32, #tpu.memory_space<vmem>>, vector<2048x3xf32>
    %get3A_2 = arith.constant 0 : index
    %get3A_3 = arith.constant 0 : index
    %get3A_4 = vector.load %arg3[%get3A_2, %get3A_3] : memref<3x64xf32, #tpu.memory_space<vmem>>, vector<3x64xf32>
    %dot_general3A = arith.constant dense<0.000000e+00> : vector<2048x64xf32>
    %dot_general3A_5 = tpu.matmul %get3A_1, %get3A_4, %dot_general3A {dimension_numbers = #tpu.dot_dimension_numbers<[1], [0], [0], [1], [0, 0, 1, 1], [], []>, transpose_lhs_hint = false} : vector<2048x3xf32>, vector<3x64xf32>, vector<2048x64xf32> -> vector<2048x64xf32>
    %get3A_6 = arith.constant 0 : index
    %get3A_7 = arith.constant 0 : index
    %get3A_8 = vector.load %arg2[%get3A_6, %get3A_7] : memref<2048x64xf32, #tpu.memory_space<vmem>>, vector<2048x64xf32>
    %get3A_9 = arith.constant 0 : index
    %get3A_10 = arith.constant 0 : index
    %get3A_11 = vector.load %arg4[%get3A_9, %get3A_10] : memref<64x64xf32, #tpu.memory_space<vmem>>, vector<64x64xf32>
    %dot_general3A_12 = arith.constant dense<0.000000e+00> : vector<2048x64xf32>
    %dot_general3A_13 = tpu.matmul %get3A_8, %get3A_11, %dot_general3A_12 {dimension_numbers = #tpu.dot_dimension_numbers<[1], [0], [0], [1], [0, 0, 1, 1], [], []>, transpose_lhs_hint = false} : vector<2048x64xf32>, vector<64x64xf32>, vector<2048x64xf32> -> vector<2048x64xf32>
    %add3A = arith.addf %dot_general3A_5, %dot_general3A_13 : vector<2048x64xf32>
    %get3A_14 = arith.constant 0 : index
    %get3A_15 = arith.constant 0 : index
    %get3A_16 = vector.load %arg5[%get3A_14, %get3A_15] : memref<1x64xf32, #tpu.memory_space<vmem>>, vector<1x64xf32>
    %add3A_17 = vector.broadcast %get3A_16 : vector<1x64xf32> to vector<2048x64xf32>
    %add3A_18 = arith.addf %add3A, %add3A_17 : vector<2048x64xf32>
    %swap3A = arith.constant 0 : index
    %swap3A_19 = arith.constant 0 : index
    %swap3A_20 = vector.load %arg6[%swap3A, %swap3A_19] : memref<2048x64xf32, #tpu.memory_space<vmem>>, vector<2048x64xf32>
    tpu.vector_store %arg6[%swap3A, %swap3A_19], %add3A_18 {strides = array<i32>} : memref<2048x64xf32, #tpu.memory_space<vmem>>, vector<2048x64xf32>,
    return
  }
  func.func @transform_0(%arg0: i32) -> (i32, i32) {
    %c0_i32 = arith.constant 0 : i32
    %c0_i32_0 = arith.constant 0 : i32
    return %arg0, %c0_i32 : i32, i32
  }
  func.func @transform_1(%arg0: i32) -> (i32, i32) {
    %c0_i32 = arith.constant 0 : i32
    %c0_i32_0 = arith.constant 0 : i32
    return %arg0, %c0_i32 : i32, i32
  }
  func.func @transform_2(%arg0: i32) -> (i32, i32) {
    %c0_i32 = arith.constant 0 : i32
    %c0_i32_0 = arith.constant 0 : i32
    %c0_i32_1 = arith.constant 0 : i32
    return %c0_i32, %c0_i32_0 : i32, i32
  }
  func.func @transform_3(%arg0: i32) -> (i32, i32) {
    %c0_i32 = arith.constant 0 : i32
    %c0_i32_0 = arith.constant 0 : i32
    %c0_i32_1 = arith.constant 0 : i32
    return %c0_i32, %c0_i32_0 : i32, i32
  }
  func.func @transform_4(%arg0: i32) -> (i32, i32) {
    %c0_i32 = arith.constant 0 : i32
    %c0_i32_0 = arith.constant 0 : i32
    %c0_i32_1 = arith.constant 0 : i32
    return %c0_i32, %c0_i32_0 : i32, i32
  }
  func.func @transform_5(%arg0: i32) -> (i32, i32) {
    %c0_i32 = arith.constant 0 : i32
    %c0_i32_0 = arith.constant 0 : i32
    return %arg0, %c0_i32 : i32, i32
  }
}

module attributes {stable_mosaic.version = 14 : i64} {
  func.func @_select_body(%arg0: i32, %arg1: memref<256x8xf32, #tpu.memory_space<vmem>>, %arg2: memref<1x8x8192xf32, #tpu.memory_space<vmem>>, %arg3: memref<8x64xf32, #tpu.memory_space<vmem>>, %arg4: memref<1024x1024xbf16, #tpu.memory_space<vmem>>, %arg5: memref<256x32xi32, #tpu.memory_space<vmem>>, %arg6: memref<256x1xf32, #tpu.memory_space<vmem>>, %arg7: memref<256x64xf32, #tpu.memory_space<vmem>>, %arg8: memref<256x32xf32, #tpu.memory_space<vmem>>, %arg9: memref<256x1xf32, #tpu.memory_space<vmem>>) attributes {dimension_semantics = [#tpu.dimension_semantics<arbitrary>], iteration_bounds = array<i64: 16>, scalar_prefetch = 0 : i64, scratch_operands = 2 : i64, tpu.core_type = #tpu.core_type<tc>, window_params = [{transform_indices = @transform_0, window_bounds = array<i64: 256, 8>}, {transform_indices = @transform_1, window_bounds = array<i64: 1, 8, 8192>}, {pipeline_mode = #tpu.pipeline_mode<synchronous>, transform_indices = @transform_2, window_bounds = array<i64: 8, 64>}, {pipeline_mode = #tpu.pipeline_mode<synchronous>, transform_indices = @transform_3, window_bounds = array<i64: 1024, 1024>}, {transform_indices = @transform_4, window_bounds = array<i64: 256, 32>}, {transform_indices = @transform_5, window_bounds = array<i64: 256, 1>}, {transform_indices = @transform_6, window_bounds = array<i64: 256, 64>}]} {
    %get3A = arith.constant 0 : index
    %get3A_0 = arith.constant 0 : index
    %get3A_1 = vector.load %arg1[%get3A, %get3A_0] : memref<256x8xf32, #tpu.memory_space<vmem>>, vector<256x8xf32>
    %get3A_2 = arith.constant 0 : index
    %get3A_3 = arith.constant 0 : index
    %get3A_4 = vector.load %arg3[%get3A_2, %get3A_3] : memref<8x64xf32, #tpu.memory_space<vmem>>, vector<8x64xf32>
    %dot_general3A = arith.constant dense<0.000000e+00> : vector<256x64xf32>
    %dot_general3A_5 = tpu.matmul %get3A_1, %get3A_4, %dot_general3A {dimension_numbers = #tpu.dot_dimension_numbers<[1], [0], [0], [1], [0, 0, 1, 1], [], []>, transpose_lhs_hint = false} : vector<256x8xf32>, vector<8x64xf32>, vector<256x64xf32> -> vector<256x64xf32>
    %swap3A = arith.constant 0 : index
    %swap3A_6 = arith.constant 0 : index
    %swap3A_7 = vector.load %arg7[%swap3A, %swap3A_6] : memref<256x64xf32, #tpu.memory_space<vmem>>, vector<256x64xf32>
    tpu.vector_store %arg7[%swap3A, %swap3A_6], %dot_general3A_5 {strides = array<i32>} : memref<256x64xf32, #tpu.memory_space<vmem>>, vector<256x64xf32>,
    %slice3A = vector.extract_strided_slice %get3A_1 {offsets = [0, 0], sizes = [256, 1], strides = [1, 1]} : vector<256x8xf32> to vector<256x1xf32>
    %slice3A_8 = vector.extract_strided_slice %get3A_1 {offsets = [0, 1], sizes = [256, 1], strides = [1, 1]} : vector<256x8xf32> to vector<256x1xf32>
    %slice3A_9 = vector.extract_strided_slice %get3A_1 {offsets = [0, 2], sizes = [256, 1], strides = [1, 1]} : vector<256x8xf32> to vector<256x1xf32>
    %broadcast_in_dim3A = arith.constant 0.000000e+00 : f32
    %broadcast_in_dim3A_10 = vector.broadcast %broadcast_in_dim3A : f32 to vector<256x32xf32>
    %swap3A_11 = arith.constant 0 : index
    %swap3A_12 = arith.constant 0 : index
    %swap3A_13 = vector.load %arg8[%swap3A_11, %swap3A_12] : memref<256x32xf32, #tpu.memory_space<vmem>>, vector<256x32xf32>
    tpu.vector_store %arg8[%swap3A_11, %swap3A_12], %broadcast_in_dim3A_10 {strides = array<i32>} : memref<256x32xf32, #tpu.memory_space<vmem>>, vector<256x32xf32>,
    %broadcast_in_dim3A_14 = arith.constant 0.000000e+00 : f32
    %broadcast_in_dim3A_15 = vector.broadcast %broadcast_in_dim3A_14 : f32 to vector<256x1xf32>
    %swap3A_16 = arith.constant 0 : index
    %swap3A_17 = arith.constant 0 : index
    %swap3A_18 = vector.load %arg9[%swap3A_16, %swap3A_17] : memref<256x1xf32, #tpu.memory_space<vmem>>, vector<256x1xf32>
    tpu.vector_store %arg9[%swap3A_16, %swap3A_17], %broadcast_in_dim3A_15 {strides = array<i32>} : memref<256x1xf32, #tpu.memory_space<vmem>>, vector<256x1xf32>,
    %get3A_19 = arith.constant 0 : index
    %get3A_20 = arith.constant 0 : index
    %get3A_21 = vector.load %arg9[%get3A_19, %get3A_20] : memref<256x1xf32, #tpu.memory_space<vmem>>, vector<256x1xf32>
    %reduce_min3A = vector.shape_cast %get3A_21 : vector<256x1xf32> to vector<1x256x1xf32>
    %reduce_min3A_22 = arith.constant dense<0x7F800000> : vector<1xf32>
    %reduce_min3A_23 = vector.multi_reduction <minimumf>, %reduce_min3A, %reduce_min3A_22 [1, 2] : vector<1x256x1xf32> to vector<1xf32>
    %reduce_min3A_24 = vector.shape_cast %reduce_min3A_23 : vector<1xf32> to vector<1x1x1xf32>
    %reduce_min3A_25 = vector.extract %reduce_min3A_24[0, 0, 0] : f32 from vector<1x1x1xf32>
    %lt3A = arith.constant 3.200000e+01 : f32
    %lt3A_26 = arith.cmpf olt, %reduce_min3A_25, %lt3A : f32
    %convert_element_type3A = arith.extui %lt3A_26 : i1 to i32
    %cond3A = arith.constant 0 : i32
    %cond3A_27 = arith.cmpi ne, %convert_element_type3A, %cond3A : i32
    scf.if %cond3A_27 {
      %get3A_169 = arith.constant 0 : index
      %get3A_170 = arith.constant 0 : index
      %get3A_171 = arith.constant 0 : index
      %get3A_172 = vector.load %arg2[%get3A_169, %get3A_170, %get3A_171] : memref<1x8x8192xf32, #tpu.memory_space<vmem>>, vector<1x8x1024xf32>
      %get3A_173 = vector.shape_cast %get3A_172 : vector<1x8x1024xf32> to vector<8x1024xf32>
      %slice3A_174 = vector.extract_strided_slice %get3A_173 {offsets = [0, 0], sizes = [1, 1024], strides = [1, 1]} : vector<8x1024xf32> to vector<1x1024xf32>
      %sub3A_175 = vector.broadcast %slice3A : vector<256x1xf32> to vector<256x1024xf32>
      %sub3A_176 = vector.broadcast %slice3A_174 : vector<1x1024xf32> to vector<256x1024xf32>
      %sub3A_177 = arith.subf %sub3A_175, %sub3A_176 : vector<256x1024xf32>
      %slice3A_178 = vector.extract_strided_slice %get3A_173 {offsets = [1, 0], sizes = [1, 1024], strides = [1, 1]} : vector<8x1024xf32> to vector<1x1024xf32>
      %sub3A_179 = vector.broadcast %slice3A_8 : vector<256x1xf32> to vector<256x1024xf32>
      %sub3A_180 = vector.broadcast %slice3A_178 : vector<1x1024xf32> to vector<256x1024xf32>
      %sub3A_181 = arith.subf %sub3A_179, %sub3A_180 : vector<256x1024xf32>
      %slice3A_182 = vector.extract_strided_slice %get3A_173 {offsets = [2, 0], sizes = [1, 1024], strides = [1, 1]} : vector<8x1024xf32> to vector<1x1024xf32>
      %sub3A_183 = vector.broadcast %slice3A_9 : vector<256x1xf32> to vector<256x1024xf32>
      %sub3A_184 = vector.broadcast %slice3A_182 : vector<1x1024xf32> to vector<256x1024xf32>
      %sub3A_185 = arith.subf %sub3A_183, %sub3A_184 : vector<256x1024xf32>
      %mul3A_186 = arith.mulf %sub3A_177, %sub3A_177 : vector<256x1024xf32>
      %mul3A_187 = arith.mulf %sub3A_181, %sub3A_181 : vector<256x1024xf32>
      %add3A_188 = arith.addf %mul3A_186, %mul3A_187 : vector<256x1024xf32>
      %mul3A_189 = arith.mulf %sub3A_185, %sub3A_185 : vector<256x1024xf32>
      %add3A_190 = arith.addf %add3A_188, %mul3A_189 : vector<256x1024xf32>
      %lt3A_191 = arith.constant 4.000000e-02 : f32
      %lt3A_192 = vector.broadcast %lt3A_191 : f32 to vector<256x1024xf32>
      %lt3A_193 = arith.cmpf olt, %add3A_190, %lt3A_192 : vector<256x1024xf32>
      %jit3A_194 = arith.constant 1.000000e+00 : f32
      %jit3A_195 = arith.constant 0.000000e+00 : f32
      %broadcast_in_dim3A_196 = vector.broadcast %jit3A_194 : f32 to vector<256x1024xf32>
      %broadcast_in_dim3A_197 = vector.broadcast %jit3A_195 : f32 to vector<256x1024xf32>
      %select_n3A_198 = arith.select %lt3A_193, %broadcast_in_dim3A_196, %broadcast_in_dim3A_197 : vector<256x1024xi1>, vector<256x1024xf32>
      %convert_element_type3A_199 = arith.truncf %select_n3A_198 : vector<256x1024xf32> to vector<256x1024xbf16>
      %get3A_200 = arith.constant 0 : index
      %get3A_201 = arith.constant 0 : index
      %get3A_202 = vector.load %arg9[%get3A_200, %get3A_201] : memref<256x1xf32, #tpu.memory_space<vmem>>, vector<256x1xf32>
      %get3A_203 = arith.constant 0 : index
      %get3A_204 = arith.constant 0 : index
      %get3A_205 = vector.load %arg4[%get3A_203, %get3A_204] : memref<1024x1024xbf16, #tpu.memory_space<vmem>>, vector<1024x1024xbf16>
      %dot_general3A_206 = arith.constant dense<0.000000e+00> : vector<256x1024xf32>
      %dot_general3A_207 = tpu.matmul %convert_element_type3A_199, %get3A_205, %dot_general3A_206 {dimension_numbers = #tpu.dot_dimension_numbers<[1], [0], [0], [1], [0, 0, 1, 1], [], []>, transpose_lhs_hint = false} : vector<256x1024xbf16>, vector<1024x1024xbf16>, vector<256x1024xf32> -> vector<256x1024xf32>
      %add3A_208 = vector.broadcast %get3A_202 : vector<256x1xf32> to vector<256x1024xf32>
      %add3A_209 = arith.addf %add3A_208, %dot_general3A_207 : vector<256x1024xf32>
      %slice3A_210 = vector.extract_strided_slice %add3A_209 {offsets = [0, 1023], sizes = [256, 1], strides = [1, 1]} : vector<256x1024xf32> to vector<256x1xf32>
      %swap3A_211 = arith.constant 0 : index
      %swap3A_212 = arith.constant 0 : index
      %swap3A_213 = vector.load %arg9[%swap3A_211, %swap3A_212] : memref<256x1xf32, #tpu.memory_space<vmem>>, vector<256x1xf32>
      tpu.vector_store %arg9[%swap3A_211, %swap3A_212], %slice3A_210 {strides = array<i32>} : memref<256x1xf32, #tpu.memory_space<vmem>>, vector<256x1xf32>,
      %le3A = arith.constant 0.000000e+00 : f32
      %le3A_214 = vector.broadcast %le3A : f32 to vector<256x1024xf32>
      %le3A_215 = arith.cmpf ole, %add3A_209, %le3A_214 : vector<256x1024xf32>
      %jit3A_216 = arith.constant 1.000000e+00 : f32
      %jit3A_217 = arith.constant 0.000000e+00 : f32
      %broadcast_in_dim3A_218 = vector.broadcast %jit3A_216 : f32 to vector<256x1024xf32>
      %broadcast_in_dim3A_219 = vector.broadcast %jit3A_217 : f32 to vector<256x1024xf32>
      %select_n3A_220 = arith.select %le3A_215, %broadcast_in_dim3A_218, %broadcast_in_dim3A_219 : vector<256x1024xi1>, vector<256x1024xf32>
      %reduce_sum3A = arith.constant dense<0.000000e+00> : vector<256xf32>
      %reduce_sum3A_221 = vector.multi_reduction <add>, %select_n3A_220, %reduce_sum3A [1] : vector<256x1024xf32> to vector<256xf32>
      %broadcast_in_dim3A_222 = vector.shape_cast %reduce_sum3A_221 : vector<256xf32> to vector<256x1xf32>
      %le3A_223 = arith.constant 1.000000e+00 : f32
      %le3A_224 = vector.broadcast %le3A_223 : f32 to vector<256x1024xf32>
      %le3A_225 = arith.cmpf ole, %add3A_209, %le3A_224 : vector<256x1024xf32>
      %jit3A_226 = arith.constant 1.000000e+00 : f32
      %jit3A_227 = arith.constant 0.000000e+00 : f32
      %broadcast_in_dim3A_228 = vector.broadcast %jit3A_226 : f32 to vector<256x1024xf32>
      %broadcast_in_dim3A_229 = vector.broadcast %jit3A_227 : f32 to vector<256x1024xf32>
      %select_n3A_230 = arith.select %le3A_225, %broadcast_in_dim3A_228, %broadcast_in_dim3A_229 : vector<256x1024xi1>, vector<256x1024xf32>
      %reduce_sum3A_231 = arith.constant dense<0.000000e+00> : vector<256xf32>
      %reduce_sum3A_232 = vector.multi_reduction <add>, %select_n3A_230, %reduce_sum3A_231 [1] : vector<256x1024xf32> to vector<256xf32>
      %broadcast_in_dim3A_233 = vector.shape_cast %reduce_sum3A_232 : vector<256xf32> to vector<256x1xf32>
      %le3A_234 = arith.constant 2.000000e+00 : f32
      %le3A_235 = vector.broadcast %le3A_234 : f32 to vector<256x1024xf32>
      %le3A_236 = arith.cmpf ole, %add3A_209, %le3A_235 : vector<256x1024xf32>
      %jit3A_237 = arith.constant 1.000000e+00 : f32
      %jit3A_238 = arith.constant 0.000000e+00 : f32
      %broadcast_in_dim3A_239 = vector.broadcast %jit3A_237 : f32 to vector<256x1024xf32>
      %broadcast_in_dim3A_240 = vector.broadcast %jit3A_238 : f32 to vector<256x1024xf32>
      %select_n3A_241 = arith.select %le3A_236, %broadcast_in_dim3A_239, %broadcast_in_dim3A_240 : vector<256x1024xi1>, vector<256x1024xf32>
      %reduce_sum3A_242 = arith.constant dense<0.000000e+00> : vector<256xf32>
      %reduce_sum3A_243 = vector.multi_reduction <add>, %select_n3A_241, %reduce_sum3A_242 [1] : vector<256x1024xf32> to vector<256xf32>
      %broadcast_in_dim3A_244 = vector.shape_cast %reduce_sum3A_243 : vector<256xf32> to vector<256x1xf32>
      %le3A_245 = arith.constant 3.000000e+00 : f32
      %le3A_246 = vector.broadcast %le3A_245 : f32 to vector<256x1024xf32>
      %le3A_247 = arith.cmpf ole, %add3A_209, %le3A_246 : vector<256x1024xf32>
      %jit3A_248 = arith.constant 1.000000e+00 : f32
      %jit3A_249 = arith.constant 0.000000e+00 : f32
      %broadcast_in_dim3A_250 = vector.broadcast %jit3A_248 : f32 to vector<256x1024xf32>
      %broadcast_in_dim3A_251 = vector.broadcast %jit3A_249 : f32 to vector<256x1024xf32>
      %select_n3A_252 = arith.select %le3A_247, %broadcast_in_dim3A_250, %broadcast_in_dim3A_251 : vector<256x1024xi1>, vector<256x1024xf32>
      %reduce_sum3A_253 = arith.constant dense<0.000000e+00> : vector<256xf32>
      %reduce_sum3A_254 = vector.multi_reduction <add>, %select_n3A_252, %reduce_sum3A_253 [1] : vector<256x1024xf32> to vector<256xf32>
      %broadcast_in_dim3A_255 = vector.shape_cast %reduce_sum3A_254 : vector<256xf32> to vector<256x1xf32>
      %le3A_256 = arith.constant 4.000000e+00 : f32
      %le3A_257 = vector.broadcast %le3A_256 : f32 to vector<256x1024xf32>
      %le3A_258 = arith.cmpf ole, %add3A_209, %le3A_257 : vector<256x1024xf32>
      %jit3A_259 = arith.constant 1.000000e+00 : f32
      %jit3A_260 = arith.constant 0.000000e+00 : f32
      %broadcast_in_dim3A_261 = vector.broadcast %jit3A_259 : f32 to vector<256x1024xf32>
      %broadcast_in_dim3A_262 = vector.broadcast %jit3A_260 : f32 to vector<256x1024xf32>
      %select_n3A_263 = arith.select %le3A_258, %broadcast_in_dim3A_261, %broadcast_in_dim3A_262 : vector<256x1024xi1>, vector<256x1024xf32>
      %reduce_sum3A_264 = arith.constant dense<0.000000e+00> : vector<256xf32>
      %reduce_sum3A_265 = vector.multi_reduction <add>, %select_n3A_263, %reduce_sum3A_264 [1] : vector<256x1024xf32> to vector<256xf32>
      %broadcast_in_dim3A_266 = vector.shape_cast %reduce_sum3A_265 : vector<256xf32> to vector<256x1xf32>
      %le3A_267 = arith.constant 5.000000e+00 : f32
      %le3A_268 = vector.broadcast %le3A_267 : f32 to vector<256x1024xf32>
      %le3A_269 = arith.cmpf ole, %add3A_209, %le3A_268 : vector<256x1024xf32>
      %jit3A_270 = arith.constant 1.000000e+00 : f32
      %jit3A_271 = arith.constant 0.000000e+00 : f32
      %broadcast_in_dim3A_272 = vector.broadcast %jit3A_270 : f32 to vector<256x1024xf32>
      %broadcast_in_dim3A_273 = vector.broadcast %jit3A_271 : f32 to vector<256x1024xf32>
      %select_n3A_274 = arith.select %le3A_269, %broadcast_in_dim3A_272, %broadcast_in_dim3A_273 : vector<256x1024xi1>, vector<256x1024xf32>
      %reduce_sum3A_275 = arith.constant dense<0.000000e+00> : vector<256xf32>
      %reduce_sum3A_276 = vector.multi_reduction <add>, %select_n3A_274, %reduce_sum3A_275 [1] : vector<256x1024xf32> to vector<256xf32>
      %broadcast_in_dim3A_277 = vector.shape_cast %reduce_sum3A_276 : vector<256xf32> to vector<256x1xf32>
      %le3A_278 = arith.constant 6.000000e+00 : f32
      %le3A_279 = vector.broadcast %le3A_278 : f32 to vector<256x1024xf32>
      %le3A_280 = arith.cmpf ole, %add3A_209, %le3A_279 : vector<256x1024xf32>
      %jit3A_281 = arith.constant 1.000000e+00 : f32
      %jit3A_282 = arith.constant 0.000000e+00 : f32
      %broadcast_in_dim3A_283 = vector.broadcast %jit3A_281 : f32 to vector<256x1024xf32>
      %broadcast_in_dim3A_284 = vector.broadcast %jit3A_282 : f32 to vector<256x1024xf32>
      %select_n3A_285 = arith.select %le3A_280, %broadcast_in_dim3A_283, %broadcast_in_dim3A_284 : vector<256x1024xi1>, vector<256x1024xf32>
      %reduce_sum3A_286 = arith.constant dense<0.000000e+00> : vector<256xf32>
      %reduce_sum3A_287 = vector.multi_reduction <add>, %select_n3A_285, %reduce_sum3A_286 [1] : vector<256x1024xf32> to vector<256xf32>
      %broadcast_in_dim3A_288 = vector.shape_cast %reduce_sum3A_287 : vector<256xf32> to vector<256x1xf32>
      %le3A_289 = arith.constant 7.000000e+00 : f32
      %le3A_290 = vector.broadcast %le3A_289 : f32 to vector<256x1024xf32>
      %le3A_291 = arith.cmpf ole, %add3A_209, %le3A_290 : vector<256x1024xf32>
      %jit3A_292 = arith.constant 1.000000e+00 : f32
      %jit3A_293 = arith.constant 0.000000e+00 : f32
      %broadcast_in_dim3A_294 = vector.broadcast %jit3A_292 : f32 to vector<256x1024xf32>
      %broadcast_in_dim3A_295 = vector.broadcast %jit3A_293 : f32 to vector<256x1024xf32>
      %select_n3A_296 = arith.select %le3A_291, %broadcast_in_dim3A_294, %broadcast_in_dim3A_295 : vector<256x1024xi1>, vector<256x1024xf32>
      %reduce_sum3A_297 = arith.constant dense<0.000000e+00> : vector<256xf32>
      %reduce_sum3A_298 = vector.multi_reduction <add>, %select_n3A_296, %reduce_sum3A_297 [1] : vector<256x1024xf32> to vector<256xf32>
      %broadcast_in_dim3A_299 = vector.shape_cast %reduce_sum3A_298 : vector<256xf32> to vector<256x1xf32>
      %le3A_300 = arith.constant 8.000000e+00 : f32
      %le3A_301 = vector.broadcast %le3A_300 : f32 to vector<256x1024xf32>
      %le3A_302 = arith.cmpf ole, %add3A_209, %le3A_301 : vector<256x1024xf32>
      %jit3A_303 = arith.constant 1.000000e+00 : f32
      %jit3A_304 = arith.constant 0.000000e+00 : f32
      %broadcast_in_dim3A_305 = vector.broadcast %jit3A_303 : f32 to vector<256x1024xf32>
      %broadcast_in_dim3A_306 = vector.broadcast %jit3A_304 : f32 to vector<256x1024xf32>
      %select_n3A_307 = arith.select %le3A_302, %broadcast_in_dim3A_305, %broadcast_in_dim3A_306 : vector<256x1024xi1>, vector<256x1024xf32>
      %reduce_sum3A_308 = arith.constant dense<0.000000e+00> : vector<256xf32>
      %reduce_sum3A_309 = vector.multi_reduction <add>, %select_n3A_307, %reduce_sum3A_308 [1] : vector<256x1024xf32> to vector<256xf32>
      %broadcast_in_dim3A_310 = vector.shape_cast %reduce_sum3A_309 : vector<256xf32> to vector<256x1xf32>
      %le3A_311 = arith.constant 9.000000e+00 : f32
      %le3A_312 = vector.broadcast %le3A_311 : f32 to vector<256x1024xf32>
      %le3A_313 = arith.cmpf ole, %add3A_209, %le3A_312 : vector<256x1024xf32>
      %jit3A_314 = arith.constant 1.000000e+00 : f32
      %jit3A_315 = arith.constant 0.000000e+00 : f32
      %broadcast_in_dim3A_316 = vector.broadcast %jit3A_314 : f32 to vector<256x1024xf32>
      %broadcast_in_dim3A_317 = vector.broadcast %jit3A_315 : f32 to vector<256x1024xf32>
      %select_n3A_318 = arith.select %le3A_313, %broadcast_in_dim3A_316, %broadcast_in_dim3A_317 : vector<256x1024xi1>, vector<256x1024xf32>
      %reduce_sum3A_319 = arith.constant dense<0.000000e+00> : vector<256xf32>
      %reduce_sum3A_320 = vector.multi_reduction <add>, %select_n3A_318, %reduce_sum3A_319 [1] : vector<256x1024xf32> to vector<256xf32>
      %broadcast_in_dim3A_321 = vector.shape_cast %reduce_sum3A_320 : vector<256xf32> to vector<256x1xf32>
      %le3A_322 = arith.constant 1.000000e+01 : f32
      %le3A_323 = vector.broadcast %le3A_322 : f32 to vector<256x1024xf32>
      %le3A_324 = arith.cmpf ole, %add3A_209, %le3A_323 : vector<256x1024xf32>
      %jit3A_325 = arith.constant 1.000000e+00 : f32
      %jit3A_326 = arith.constant 0.000000e+00 : f32
      %broadcast_in_dim3A_327 = vector.broadcast %jit3A_325 : f32 to vector<256x1024xf32>
      %broadcast_in_dim3A_328 = vector.broadcast %jit3A_326 : f32 to vector<256x1024xf32>
      %select_n3A_329 = arith.select %le3A_324, %broadcast_in_dim3A_327, %broadcast_in_dim3A_328 : vector<256x1024xi1>, vector<256x1024xf32>
      %reduce_sum3A_330 = arith.constant dense<0.000000e+00> : vector<256xf32>
      %reduce_sum3A_331 = vector.multi_reduction <add>, %select_n3A_329, %reduce_sum3A_330 [1] : vector<256x1024xf32> to vector<256xf32>
      %broadcast_in_dim3A_332 = vector.shape_cast %reduce_sum3A_331 : vector<256xf32> to vector<256x1xf32>
      %le3A_333 = arith.constant 1.100000e+01 : f32
      %le3A_334 = vector.broadcast %le3A_333 : f32 to vector<256x1024xf32>
      %le3A_335 = arith.cmpf ole, %add3A_209, %le3A_334 : vector<256x1024xf32>
      %jit3A_336 = arith.constant 1.000000e+00 : f32
      %jit3A_337 = arith.constant 0.000000e+00 : f32
      %broadcast_in_dim3A_338 = vector.broadcast %jit3A_336 : f32 to vector<256x1024xf32>
      %broadcast_in_dim3A_339 = vector.broadcast %jit3A_337 : f32 to vector<256x1024xf32>
      %select_n3A_340 = arith.select %le3A_335, %broadcast_in_dim3A_338, %broadcast_in_dim3A_339 : vector<256x1024xi1>, vector<256x1024xf32>
      %reduce_sum3A_341 = arith.constant dense<0.000000e+00> : vector<256xf32>
      %reduce_sum3A_342 = vector.multi_reduction <add>, %select_n3A_340, %reduce_sum3A_341 [1] : vector<256x1024xf32> to vector<256xf32>
      %broadcast_in_dim3A_343 = vector.shape_cast %reduce_sum3A_342 : vector<256xf32> to vector<256x1xf32>
      %le3A_344 = arith.constant 1.200000e+01 : f32
      %le3A_345 = vector.broadcast %le3A_344 : f32 to vector<256x1024xf32>
      %le3A_346 = arith.cmpf ole, %add3A_209, %le3A_345 : vector<256x1024xf32>
      %jit3A_347 = arith.constant 1.000000e+00 : f32
      %jit3A_348 = arith.constant 0.000000e+00 : f32
      %broadcast_in_dim3A_349 = vector.broadcast %jit3A_347 : f32 to vector<256x1024xf32>
      %broadcast_in_dim3A_350 = vector.broadcast %jit3A_348 : f32 to vector<256x1024xf32>
      %select_n3A_351 = arith.select %le3A_346, %broadcast_in_dim3A_349, %broadcast_in_dim3A_350 : vector<256x1024xi1>, vector<256x1024xf32>
      %reduce_sum3A_352 = arith.constant dense<0.000000e+00> : vector<256xf32>
      %reduce_sum3A_353 = vector.multi_reduction <add>, %select_n3A_351, %reduce_sum3A_352 [1] : vector<256x1024xf32> to vector<256xf32>
      %broadcast_in_dim3A_354 = vector.shape_cast %reduce_sum3A_353 : vector<256xf32> to vector<256x1xf32>
      %le3A_355 = arith.constant 1.300000e+01 : f32
      %le3A_356 = vector.broadcast %le3A_355 : f32 to vector<256x1024xf32>
      %le3A_357 = arith.cmpf ole, %add3A_209, %le3A_356 : vector<256x1024xf32>
      %jit3A_358 = arith.constant 1.000000e+00 : f32
      %jit3A_359 = arith.constant 0.000000e+00 : f32
      %broadcast_in_dim3A_360 = vector.broadcast %jit3A_358 : f32 to vector<256x1024xf32>
      %broadcast_in_dim3A_361 = vector.broadcast %jit3A_359 : f32 to vector<256x1024xf32>
      %select_n3A_362 = arith.select %le3A_357, %broadcast_in_dim3A_360, %broadcast_in_dim3A_361 : vector<256x1024xi1>, vector<256x1024xf32>
      %reduce_sum3A_363 = arith.constant dense<0.000000e+00> : vector<256xf32>
      %reduce_sum3A_364 = vector.multi_reduction <add>, %select_n3A_362, %reduce_sum3A_363 [1] : vector<256x1024xf32> to vector<256xf32>
      %broadcast_in_dim3A_365 = vector.shape_cast %reduce_sum3A_364 : vector<256xf32> to vector<256x1xf32>
      %le3A_366 = arith.constant 1.400000e+01 : f32
      %le3A_367 = vector.broadcast %le3A_366 : f32 to vector<256x1024xf32>
      %le3A_368 = arith.cmpf ole, %add3A_209, %le3A_367 : vector<256x1024xf32>
      %jit3A_369 = arith.constant 1.000000e+00 : f32
      %jit3A_370 = arith.constant 0.000000e+00 : f32
      %broadcast_in_dim3A_371 = vector.broadcast %jit3A_369 : f32 to vector<256x1024xf32>
      %broadcast_in_dim3A_372 = vector.broadcast %jit3A_370 : f32 to vector<256x1024xf32>
      %select_n3A_373 = arith.select %le3A_368, %broadcast_in_dim3A_371, %broadcast_in_dim3A_372 : vector<256x1024xi1>, vector<256x1024xf32>
      %reduce_sum3A_374 = arith.constant dense<0.000000e+00> : vector<256xf32>
      %reduce_sum3A_375 = vector.multi_reduction <add>, %select_n3A_373, %reduce_sum3A_374 [1] : vector<256x1024xf32> to vector<256xf32>
      %broadcast_in_dim3A_376 = vector.shape_cast %reduce_sum3A_375 : vector<256xf32> to vector<256x1xf32>
      %le3A_377 = arith.constant 1.500000e+01 : f32
      %le3A_378 = vector.broadcast %le3A_377 : f32 to vector<256x1024xf32>
      %le3A_379 = arith.cmpf ole, %add3A_209, %le3A_378 : vector<256x1024xf32>
      %jit3A_380 = arith.constant 1.000000e+00 : f32
      %jit3A_381 = arith.constant 0.000000e+00 : f32
      %broadcast_in_dim3A_382 = vector.broadcast %jit3A_380 : f32 to vector<256x1024xf32>
      %broadcast_in_dim3A_383 = vector.broadcast %jit3A_381 : f32 to vector<256x1024xf32>
      %select_n3A_384 = arith.select %le3A_379, %broadcast_in_dim3A_382, %broadcast_in_dim3A_383 : vector<256x1024xi1>, vector<256x1024xf32>
      %reduce_sum3A_385 = arith.constant dense<0.000000e+00> : vector<256xf32>
      %reduce_sum3A_386 = vector.multi_reduction <add>, %select_n3A_384, %reduce_sum3A_385 [1] : vector<256x1024xf32> to vector<256xf32>
      %broadcast_in_dim3A_387 = vector.shape_cast %reduce_sum3A_386 : vector<256xf32> to vector<256x1xf32>
      %le3A_388 = arith.constant 1.600000e+01 : f32
      %le3A_389 = vector.broadcast %le3A_388 : f32 to vector<256x1024xf32>
      %le3A_390 = arith.cmpf ole, %add3A_209, %le3A_389 : vector<256x1024xf32>
      %jit3A_391 = arith.constant 1.000000e+00 : f32
      %jit3A_392 = arith.constant 0.000000e+00 : f32
      %broadcast_in_dim3A_393 = vector.broadcast %jit3A_391 : f32 to vector<256x1024xf32>
      %broadcast_in_dim3A_394 = vector.broadcast %jit3A_392 : f32 to vector<256x1024xf32>
      %select_n3A_395 = arith.select %le3A_390, %broadcast_in_dim3A_393, %broadcast_in_dim3A_394 : vector<256x1024xi1>, vector<256x1024xf32>
      %reduce_sum3A_396 = arith.constant dense<0.000000e+00> : vector<256xf32>
      %reduce_sum3A_397 = vector.multi_reduction <add>, %select_n3A_395, %reduce_sum3A_396 [1] : vector<256x1024xf32> to vector<256xf32>
      %broadcast_in_dim3A_398 = vector.shape_cast %reduce_sum3A_397 : vector<256xf32> to vector<256x1xf32>
      %le3A_399 = arith.constant 1.700000e+01 : f32
      %le3A_400 = vector.broadcast %le3A_399 : f32 to vector<256x1024xf32>
      %le3A_401 = arith.cmpf ole, %add3A_209, %le3A_400 : vector<256x1024xf32>
      %jit3A_402 = arith.constant 1.000000e+00 : f32
      %jit3A_403 = arith.constant 0.000000e+00 : f32
      %broadcast_in_dim3A_404 = vector.broadcast %jit3A_402 : f32 to vector<256x1024xf32>
      %broadcast_in_dim3A_405 = vector.broadcast %jit3A_403 : f32 to vector<256x1024xf32>
      %select_n3A_406 = arith.select %le3A_401, %broadcast_in_dim3A_404, %broadcast_in_dim3A_405 : vector<256x1024xi1>, vector<256x1024xf32>
      %reduce_sum3A_407 = arith.constant dense<0.000000e+00> : vector<256xf32>
      %reduce_sum3A_408 = vector.multi_reduction <add>, %select_n3A_406, %reduce_sum3A_407 [1] : vector<256x1024xf32> to vector<256xf32>
      %broadcast_in_dim3A_409 = vector.shape_cast %reduce_sum3A_408 : vector<256xf32> to vector<256x1xf32>
      %le3A_410 = arith.constant 1.800000e+01 : f32
      %le3A_411 = vector.broadcast %le3A_410 : f32 to vector<256x1024xf32>
      %le3A_412 = arith.cmpf ole, %add3A_209, %le3A_411 : vector<256x1024xf32>
      %jit3A_413 = arith.constant 1.000000e+00 : f32
      %jit3A_414 = arith.constant 0.000000e+00 : f32
      %broadcast_in_dim3A_415 = vector.broadcast %jit3A_413 : f32 to vector<256x1024xf32>
      %broadcast_in_dim3A_416 = vector.broadcast %jit3A_414 : f32 to vector<256x1024xf32>
      %select_n3A_417 = arith.select %le3A_412, %broadcast_in_dim3A_415, %broadcast_in_dim3A_416 : vector<256x1024xi1>, vector<256x1024xf32>
      %reduce_sum3A_418 = arith.constant dense<0.000000e+00> : vector<256xf32>
      %reduce_sum3A_419 = vector.multi_reduction <add>, %select_n3A_417, %reduce_sum3A_418 [1] : vector<256x1024xf32> to vector<256xf32>
      %broadcast_in_dim3A_420 = vector.shape_cast %reduce_sum3A_419 : vector<256xf32> to vector<256x1xf32>
      %le3A_421 = arith.constant 1.900000e+01 : f32
      %le3A_422 = vector.broadcast %le3A_421 : f32 to vector<256x1024xf32>
      %le3A_423 = arith.cmpf ole, %add3A_209, %le3A_422 : vector<256x1024xf32>
      %jit3A_424 = arith.constant 1.000000e+00 : f32
      %jit3A_425 = arith.constant 0.000000e+00 : f32
      %broadcast_in_dim3A_426 = vector.broadcast %jit3A_424 : f32 to vector<256x1024xf32>
      %broadcast_in_dim3A_427 = vector.broadcast %jit3A_425 : f32 to vector<256x1024xf32>
      %select_n3A_428 = arith.select %le3A_423, %broadcast_in_dim3A_426, %broadcast_in_dim3A_427 : vector<256x1024xi1>, vector<256x1024xf32>
      %reduce_sum3A_429 = arith.constant dense<0.000000e+00> : vector<256xf32>
      %reduce_sum3A_430 = vector.multi_reduction <add>, %select_n3A_428, %reduce_sum3A_429 [1] : vector<256x1024xf32> to vector<256xf32>
      %broadcast_in_dim3A_431 = vector.shape_cast %reduce_sum3A_430 : vector<256xf32> to vector<256x1xf32>
      %le3A_432 = arith.constant 2.000000e+01 : f32
      %le3A_433 = vector.broadcast %le3A_432 : f32 to vector<256x1024xf32>
      %le3A_434 = arith.cmpf ole, %add3A_209, %le3A_433 : vector<256x1024xf32>
      %jit3A_435 = arith.constant 1.000000e+00 : f32
      %jit3A_436 = arith.constant 0.000000e+00 : f32
      %broadcast_in_dim3A_437 = vector.broadcast %jit3A_435 : f32 to vector<256x1024xf32>
      %broadcast_in_dim3A_438 = vector.broadcast %jit3A_436 : f32 to vector<256x1024xf32>
      %select_n3A_439 = arith.select %le3A_434, %broadcast_in_dim3A_437, %broadcast_in_dim3A_438 : vector<256x1024xi1>, vector<256x1024xf32>
      %reduce_sum3A_440 = arith.constant dense<0.000000e+00> : vector<256xf32>
      %reduce_sum3A_441 = vector.multi_reduction <add>, %select_n3A_439, %reduce_sum3A_440 [1] : vector<256x1024xf32> to vector<256xf32>
      %broadcast_in_dim3A_442 = vector.shape_cast %reduce_sum3A_441 : vector<256xf32> to vector<256x1xf32>
      %le3A_443 = arith.constant 2.100000e+01 : f32
      %le3A_444 = vector.broadcast %le3A_443 : f32 to vector<256x1024xf32>
      %le3A_445 = arith.cmpf ole, %add3A_209, %le3A_444 : vector<256x1024xf32>
      %jit3A_446 = arith.constant 1.000000e+00 : f32
      %jit3A_447 = arith.constant 0.000000e+00 : f32
      %broadcast_in_dim3A_448 = vector.broadcast %jit3A_446 : f32 to vector<256x1024xf32>
      %broadcast_in_dim3A_449 = vector.broadcast %jit3A_447 : f32 to vector<256x1024xf32>
      %select_n3A_450 = arith.select %le3A_445, %broadcast_in_dim3A_448, %broadcast_in_dim3A_449 : vector<256x1024xi1>, vector<256x1024xf32>
      %reduce_sum3A_451 = arith.constant dense<0.000000e+00> : vector<256xf32>
      %reduce_sum3A_452 = vector.multi_reduction <add>, %select_n3A_450, %reduce_sum3A_451 [1] : vector<256x1024xf32> to vector<256xf32>
      %broadcast_in_dim3A_453 = vector.shape_cast %reduce_sum3A_452 : vector<256xf32> to vector<256x1xf32>
      %le3A_454 = arith.constant 2.200000e+01 : f32
      %le3A_455 = vector.broadcast %le3A_454 : f32 to vector<256x1024xf32>
      %le3A_456 = arith.cmpf ole, %add3A_209, %le3A_455 : vector<256x1024xf32>
      %jit3A_457 = arith.constant 1.000000e+00 : f32
      %jit3A_458 = arith.constant 0.000000e+00 : f32
      %broadcast_in_dim3A_459 = vector.broadcast %jit3A_457 : f32 to vector<256x1024xf32>
      %broadcast_in_dim3A_460 = vector.broadcast %jit3A_458 : f32 to vector<256x1024xf32>
      %select_n3A_461 = arith.select %le3A_456, %broadcast_in_dim3A_459, %broadcast_in_dim3A_460 : vector<256x1024xi1>, vector<256x1024xf32>
      %reduce_sum3A_462 = arith.constant dense<0.000000e+00> : vector<256xf32>
      %reduce_sum3A_463 = vector.multi_reduction <add>, %select_n3A_461, %reduce_sum3A_462 [1] : vector<256x1024xf32> to vector<256xf32>
      %broadcast_in_dim3A_464 = vector.shape_cast %reduce_sum3A_463 : vector<256xf32> to vector<256x1xf32>
      %le3A_465 = arith.constant 2.300000e+01 : f32
      %le3A_466 = vector.broadcast %le3A_465 : f32 to vector<256x1024xf32>
      %le3A_467 = arith.cmpf ole, %add3A_209, %le3A_466 : vector<256x1024xf32>
      %jit3A_468 = arith.constant 1.000000e+00 : f32
      %jit3A_469 = arith.constant 0.000000e+00 : f32
      %broadcast_in_dim3A_470 = vector.broadcast %jit3A_468 : f32 to vector<256x1024xf32>
      %broadcast_in_dim3A_471 = vector.broadcast %jit3A_469 : f32 to vector<256x1024xf32>
      %select_n3A_472 = arith.select %le3A_467, %broadcast_in_dim3A_470, %broadcast_in_dim3A_471 : vector<256x1024xi1>, vector<256x1024xf32>
      %reduce_sum3A_473 = arith.constant dense<0.000000e+00> : vector<256xf32>
      %reduce_sum3A_474 = vector.multi_reduction <add>, %select_n3A_472, %reduce_sum3A_473 [1] : vector<256x1024xf32> to vector<256xf32>
      %broadcast_in_dim3A_475 = vector.shape_cast %reduce_sum3A_474 : vector<256xf32> to vector<256x1xf32>
      %le3A_476 = arith.constant 2.400000e+01 : f32
      %le3A_477 = vector.broadcast %le3A_476 : f32 to vector<256x1024xf32>
      %le3A_478 = arith.cmpf ole, %add3A_209, %le3A_477 : vector<256x1024xf32>
      %jit3A_479 = arith.constant 1.000000e+00 : f32
      %jit3A_480 = arith.constant 0.000000e+00 : f32
      %broadcast_in_dim3A_481 = vector.broadcast %jit3A_479 : f32 to vector<256x1024xf32>
      %broadcast_in_dim3A_482 = vector.broadcast %jit3A_480 : f32 to vector<256x1024xf32>
      %select_n3A_483 = arith.select %le3A_478, %broadcast_in_dim3A_481, %broadcast_in_dim3A_482 : vector<256x1024xi1>, vector<256x1024xf32>
      %reduce_sum3A_484 = arith.constant dense<0.000000e+00> : vector<256xf32>
      %reduce_sum3A_485 = vector.multi_reduction <add>, %select_n3A_483, %reduce_sum3A_484 [1] : vector<256x1024xf32> to vector<256xf32>
      %broadcast_in_dim3A_486 = vector.shape_cast %reduce_sum3A_485 : vector<256xf32> to vector<256x1xf32>
      %le3A_487 = arith.constant 2.500000e+01 : f32
      %le3A_488 = vector.broadcast %le3A_487 : f32 to vector<256x1024xf32>
      %le3A_489 = arith.cmpf ole, %add3A_209, %le3A_488 : vector<256x1024xf32>
      %jit3A_490 = arith.constant 1.000000e+00 : f32
      %jit3A_491 = arith.constant 0.000000e+00 : f32
      %broadcast_in_dim3A_492 = vector.broadcast %jit3A_490 : f32 to vector<256x1024xf32>
      %broadcast_in_dim3A_493 = vector.broadcast %jit3A_491 : f32 to vector<256x1024xf32>
      %select_n3A_494 = arith.select %le3A_489, %broadcast_in_dim3A_492, %broadcast_in_dim3A_493 : vector<256x1024xi1>, vector<256x1024xf32>
      %reduce_sum3A_495 = arith.constant dense<0.000000e+00> : vector<256xf32>
      %reduce_sum3A_496 = vector.multi_reduction <add>, %select_n3A_494, %reduce_sum3A_495 [1] : vector<256x1024xf32> to vector<256xf32>
      %broadcast_in_dim3A_497 = vector.shape_cast %reduce_sum3A_496 : vector<256xf32> to vector<256x1xf32>
      %le3A_498 = arith.constant 2.600000e+01 : f32
      %le3A_499 = vector.broadcast %le3A_498 : f32 to vector<256x1024xf32>
      %le3A_500 = arith.cmpf ole, %add3A_209, %le3A_499 : vector<256x1024xf32>
      %jit3A_501 = arith.constant 1.000000e+00 : f32
      %jit3A_502 = arith.constant 0.000000e+00 : f32
      %broadcast_in_dim3A_503 = vector.broadcast %jit3A_501 : f32 to vector<256x1024xf32>
      %broadcast_in_dim3A_504 = vector.broadcast %jit3A_502 : f32 to vector<256x1024xf32>
      %select_n3A_505 = arith.select %le3A_500, %broadcast_in_dim3A_503, %broadcast_in_dim3A_504 : vector<256x1024xi1>, vector<256x1024xf32>
      %reduce_sum3A_506 = arith.constant dense<0.000000e+00> : vector<256xf32>
      %reduce_sum3A_507 = vector.multi_reduction <add>, %select_n3A_505, %reduce_sum3A_506 [1] : vector<256x1024xf32> to vector<256xf32>
      %broadcast_in_dim3A_508 = vector.shape_cast %reduce_sum3A_507 : vector<256xf32> to vector<256x1xf32>
      %le3A_509 = arith.constant 2.700000e+01 : f32
      %le3A_510 = vector.broadcast %le3A_509 : f32 to vector<256x1024xf32>
      %le3A_511 = arith.cmpf ole, %add3A_209, %le3A_510 : vector<256x1024xf32>
      %jit3A_512 = arith.constant 1.000000e+00 : f32
      %jit3A_513 = arith.constant 0.000000e+00 : f32
      %broadcast_in_dim3A_514 = vector.broadcast %jit3A_512 : f32 to vector<256x1024xf32>
      %broadcast_in_dim3A_515 = vector.broadcast %jit3A_513 : f32 to vector<256x1024xf32>
      %select_n3A_516 = arith.select %le3A_511, %broadcast_in_dim3A_514, %broadcast_in_dim3A_515 : vector<256x1024xi1>, vector<256x1024xf32>
      %reduce_sum3A_517 = arith.constant dense<0.000000e+00> : vector<256xf32>
      %reduce_sum3A_518 = vector.multi_reduction <add>, %select_n3A_516, %reduce_sum3A_517 [1] : vector<256x1024xf32> to vector<256xf32>
      %broadcast_in_dim3A_519 = vector.shape_cast %reduce_sum3A_518 : vector<256xf32> to vector<256x1xf32>
      %le3A_520 = arith.constant 2.800000e+01 : f32
      %le3A_521 = vector.broadcast %le3A_520 : f32 to vector<256x1024xf32>
      %le3A_522 = arith.cmpf ole, %add3A_209, %le3A_521 : vector<256x1024xf32>
      %jit3A_523 = arith.constant 1.000000e+00 : f32
      %jit3A_524 = arith.constant 0.000000e+00 : f32
      %broadcast_in_dim3A_525 = vector.broadcast %jit3A_523 : f32 to vector<256x1024xf32>
      %broadcast_in_dim3A_526 = vector.broadcast %jit3A_524 : f32 to vector<256x1024xf32>
      %select_n3A_527 = arith.select %le3A_522, %broadcast_in_dim3A_525, %broadcast_in_dim3A_526 : vector<256x1024xi1>, vector<256x1024xf32>
      %reduce_sum3A_528 = arith.constant dense<0.000000e+00> : vector<256xf32>
      %reduce_sum3A_529 = vector.multi_reduction <add>, %select_n3A_527, %reduce_sum3A_528 [1] : vector<256x1024xf32> to vector<256xf32>
      %broadcast_in_dim3A_530 = vector.shape_cast %reduce_sum3A_529 : vector<256xf32> to vector<256x1xf32>
      %le3A_531 = arith.constant 2.900000e+01 : f32
      %le3A_532 = vector.broadcast %le3A_531 : f32 to vector<256x1024xf32>
      %le3A_533 = arith.cmpf ole, %add3A_209, %le3A_532 : vector<256x1024xf32>
      %jit3A_534 = arith.constant 1.000000e+00 : f32
      %jit3A_535 = arith.constant 0.000000e+00 : f32
      %broadcast_in_dim3A_536 = vector.broadcast %jit3A_534 : f32 to vector<256x1024xf32>
      %broadcast_in_dim3A_537 = vector.broadcast %jit3A_535 : f32 to vector<256x1024xf32>
      %select_n3A_538 = arith.select %le3A_533, %broadcast_in_dim3A_536, %broadcast_in_dim3A_537 : vector<256x1024xi1>, vector<256x1024xf32>
      %reduce_sum3A_539 = arith.constant dense<0.000000e+00> : vector<256xf32>
      %reduce_sum3A_540 = vector.multi_reduction <add>, %select_n3A_538, %reduce_sum3A_539 [1] : vector<256x1024xf32> to vector<256xf32>
      %broadcast_in_dim3A_541 = vector.shape_cast %reduce_sum3A_540 : vector<256xf32> to vector<256x1xf32>
      %le3A_542 = arith.constant 3.000000e+01 : f32
      %le3A_543 = vector.broadcast %le3A_542 : f32 to vector<256x1024xf32>
      %le3A_544 = arith.cmpf ole, %add3A_209, %le3A_543 : vector<256x1024xf32>
      %jit3A_545 = arith.constant 1.000000e+00 : f32
      %jit3A_546 = arith.constant 0.000000e+00 : f32
      %broadcast_in_dim3A_547 = vector.broadcast %jit3A_545 : f32 to vector<256x1024xf32>
      %broadcast_in_dim3A_548 = vector.broadcast %jit3A_546 : f32 to vector<256x1024xf32>
      %select_n3A_549 = arith.select %le3A_544, %broadcast_in_dim3A_547, %broadcast_in_dim3A_548 : vector<256x1024xi1>, vector<256x1024xf32>
      %reduce_sum3A_550 = arith.constant dense<0.000000e+00> : vector<256xf32>
      %reduce_sum3A_551 = vector.multi_reduction <add>, %select_n3A_549, %reduce_sum3A_550 [1] : vector<256x1024xf32> to vector<256xf32>
      %broadcast_in_dim3A_552 = vector.shape_cast %reduce_sum3A_551 : vector<256xf32> to vector<256x1xf32>
      %le3A_553 = arith.constant 3.100000e+01 : f32
      %le3A_554 = vector.broadcast %le3A_553 : f32 to vector<256x1024xf32>
      %le3A_555 = arith.cmpf ole, %add3A_209, %le3A_554 : vector<256x1024xf32>
      %jit3A_556 = arith.constant 1.000000e+00 : f32
      %jit3A_557 = arith.constant 0.000000e+00 : f32
      %broadcast_in_dim3A_558 = vector.broadcast %jit3A_556 : f32 to vector<256x1024xf32>
      %broadcast_in_dim3A_559 = vector.broadcast %jit3A_557 : f32 to vector<256x1024xf32>
      %select_n3A_560 = arith.select %le3A_555, %broadcast_in_dim3A_558, %broadcast_in_dim3A_559 : vector<256x1024xi1>, vector<256x1024xf32>
      %reduce_sum3A_561 = arith.constant dense<0.000000e+00> : vector<256xf32>
      %reduce_sum3A_562 = vector.multi_reduction <add>, %select_n3A_560, %reduce_sum3A_561 [1] : vector<256x1024xf32> to vector<256xf32>
      %broadcast_in_dim3A_563 = vector.shape_cast %reduce_sum3A_562 : vector<256xf32> to vector<256x1xf32>
      %get3A_564 = arith.constant 0 : index
      %get3A_565 = arith.constant 0 : index
      %get3A_566 = vector.load %arg8[%get3A_564, %get3A_565] : memref<256x32xf32, #tpu.memory_space<vmem>>, vector<256x32xf32>
      %concatenate3A = tpu.concatenate %broadcast_in_dim3A_222, %broadcast_in_dim3A_233, %broadcast_in_dim3A_244, %broadcast_in_dim3A_255, %broadcast_in_dim3A_266, %broadcast_in_dim3A_277, %broadcast_in_dim3A_288, %broadcast_in_dim3A_299, %broadcast_in_dim3A_310, %broadcast_in_dim3A_321, %broadcast_in_dim3A_332, %broadcast_in_dim3A_343, %broadcast_in_dim3A_354, %broadcast_in_dim3A_365, %broadcast_in_dim3A_376, %broadcast_in_dim3A_387, %broadcast_in_dim3A_398, %broadcast_in_dim3A_409, %broadcast_in_dim3A_420, %broadcast_in_dim3A_431, %broadcast_in_dim3A_442, %broadcast_in_dim3A_453, %broadcast_in_dim3A_464, %broadcast_in_dim3A_475, %broadcast_in_dim3A_486, %broadcast_in_dim3A_497, %broadcast_in_dim3A_508, %broadcast_in_dim3A_519, %broadcast_in_dim3A_530, %broadcast_in_dim3A_541, %broadcast_in_dim3A_552, %broadcast_in_dim3A_563 in 1 : vector<256x1xf32>, vector<256x1xf32>, vector<256x1xf32>, vector<256x1xf32>, vector<256x1xf32>, vector<256x1xf32>, vector<256x1xf32>, vector<256x1xf32>, vector<256x1xf32>, vector<256x1xf32>, vector<256x1xf32>, vector<256x1xf32>, vector<256x1xf32>, vector<256x1xf32>, vector<256x1xf32>, vector<256x1xf32>, vector<256x1xf32>, vector<256x1xf32>, vector<256x1xf32>, vector<256x1xf32>, vector<256x1xf32>, vector<256x1xf32>, vector<256x1xf32>, vector<256x1xf32>, vector<256x1xf32>, vector<256x1xf32>, vector<256x1xf32>, vector<256x1xf32>, vector<256x1xf32>, vector<256x1xf32>, vector<256x1xf32>, vector<256x1xf32> -> vector<256x32xf32>
      %add3A_567 = arith.addf %get3A_566, %concatenate3A : vector<256x32xf32>
      %swap3A_568 = arith.constant 0 : index
      %swap3A_569 = arith.constant 0 : index
      %swap3A_570 = vector.load %arg8[%swap3A_568, %swap3A_569] : memref<256x32xf32, #tpu.memory_space<vmem>>, vector<256x32xf32>
      tpu.vector_store %arg8[%swap3A_568, %swap3A_569], %add3A_567 {strides = array<i32>} : memref<256x32xf32, #tpu.memory_space<vmem>>, vector<256x32xf32>,
    } else {
    }
    %get3A_28 = arith.constant 0 : index
    %get3A_29 = arith.constant 0 : index
    %get3A_30 = vector.load %arg9[%get3A_28, %get3A_29] : memref<256x1xf32, #tpu.memory_space<vmem>>, vector<256x1xf32>
    %reduce_min3A_31 = vector.shape_cast %get3A_30 : vector<256x1xf32> to vector<1x256x1xf32>
    %reduce_min3A_32 = arith.constant dense<0x7F800000> : vector<1xf32>
    %reduce_min3A_33 = vector.multi_reduction <minimumf>, %reduce_min3A_31, %reduce_min3A_32 [1, 2] : vector<1x256x1xf32> to vector<1xf32>
    %reduce_min3A_34 = vector.shape_cast %reduce_min3A_33 : vector<1xf32> to vector<1x1x1xf32>
    %reduce_min3A_35 = vector.extract %reduce_min3A_34[0, 0, 0] : f32 from vector<1x1x1xf32>
    %lt3A_36 = arith.constant 3.200000e+01 : f32
    %lt3A_37 = arith.cmpf olt, %reduce_min3A_35, %lt3A_36 : f32
    %convert_element_type3A_38 = arith.extui %lt3A_37 : i1 to i32
    %cond3A_39 = arith.constant 0 : i32
    %cond3A_40 = arith.cmpi ne, %convert_element_type3A_38, %cond3A_39 : i32
    scf.if %cond3A_40 {
      %get3A_169 = arith.constant 0 : index
      %get3A_170 = arith.constant 0 : index
      %get3A_171 = arith.constant 1024 : index
      %get3A_172 = vector.load %arg2[%get3A_169, %get3A_170, %get3A_171] : memref<1x8x8192xf32, #tpu.memory_space<vmem>>, vector<1x8x1024xf32>
      %get3A_173 = vector.shape_cast %get3A_172 : vector<1x8x1024xf32> to vector<8x1024xf32>
      %slice3A_174 = vector.extract_strided_slice %get3A_173 {offsets = [0, 0], sizes = [1, 1024], strides = [1, 1]} : vector<8x1024xf32> to vector<1x1024xf32>
      %sub3A_175 = vector.broadcast %slice3A : vector<256x1xf32> to vector<256x1024xf32>
      %sub3A_176 = vector.broadcast %slice3A_174 : vector<1x1024xf32> to vector<256x1024xf32>
      %sub3A_177 = arith.subf %sub3A_175, %sub3A_176 : vector<256x1024xf32>
      %slice3A_178 = vector.extract_strided_slice %get3A_173 {offsets = [1, 0], sizes = [1, 1024], strides = [1, 1]} : vector<8x1024xf32> to vector<1x1024xf32>
      %sub3A_179 = vector.broadcast %slice3A_8 : vector<256x1xf32> to vector<256x1024xf32>
      %sub3A_180 = vector.broadcast %slice3A_178 : vector<1x1024xf32> to vector<256x1024xf32>
      %sub3A_181 = arith.subf %sub3A_179, %sub3A_180 : vector<256x1024xf32>
      %slice3A_182 = vector.extract_strided_slice %get3A_173 {offsets = [2, 0], sizes = [1, 1024], strides = [1, 1]} : vector<8x1024xf32> to vector<1x1024xf32>
      %sub3A_183 = vector.broadcast %slice3A_9 : vector<256x1xf32> to vector<256x1024xf32>
      %sub3A_184 = vector.broadcast %slice3A_182 : vector<1x1024xf32> to vector<256x1024xf32>
      %sub3A_185 = arith.subf %sub3A_183, %sub3A_184 : vector<256x1024xf32>
      %mul3A_186 = arith.mulf %sub3A_177, %sub3A_177 : vector<256x1024xf32>
      %mul3A_187 = arith.mulf %sub3A_181, %sub3A_181 : vector<256x1024xf32>
      %add3A_188 = arith.addf %mul3A_186, %mul3A_187 : vector<256x1024xf32>
      %mul3A_189 = arith.mulf %sub3A_185, %sub3A_185 : vector<256x1024xf32>
      %add3A_190 = arith.addf %add3A_188, %mul3A_189 : vector<256x1024xf32>
      %lt3A_191 = arith.constant 4.000000e-02 : f32
      %lt3A_192 = vector.broadcast %lt3A_191 : f32 to vector<256x1024xf32>
      %lt3A_193 = arith.cmpf olt, %add3A_190, %lt3A_192 : vector<256x1024xf32>
      %jit3A_194 = arith.constant 1.000000e+00 : f32
      %jit3A_195 = arith.constant 0.000000e+00 : f32
      %broadcast_in_dim3A_196 = vector.broadcast %jit3A_194 : f32 to vector<256x1024xf32>
      %broadcast_in_dim3A_197 = vector.broadcast %jit3A_195 : f32 to vector<256x1024xf32>
      %select_n3A_198 = arith.select %lt3A_193, %broadcast_in_dim3A_196, %broadcast_in_dim3A_197 : vector<256x1024xi1>, vector<256x1024xf32>
      %convert_element_type3A_199 = arith.truncf %select_n3A_198 : vector<256x1024xf32> to vector<256x1024xbf16>
      %get3A_200 = arith.constant 0 : index
      %get3A_201 = arith.constant 0 : index
      %get3A_202 = vector.load %arg9[%get3A_200, %get3A_201] : memref<256x1xf32, #tpu.memory_space<vmem>>, vector<256x1xf32>
      %get3A_203 = arith.constant 0 : index
      %get3A_204 = arith.constant 0 : index
      %get3A_205 = vector.load %arg4[%get3A_203, %get3A_204] : memref<1024x1024xbf16, #tpu.memory_space<vmem>>, vector<1024x1024xbf16>
      %dot_general3A_206 = arith.constant dense<0.000000e+00> : vector<256x1024xf32>
      %dot_general3A_207 = tpu.matmul %convert_element_type3A_199, %get3A_205, %dot_general3A_206 {dimension_numbers = #tpu.dot_dimension_numbers<[1], [0], [0], [1], [0, 0, 1, 1], [], []>, transpose_lhs_hint = false} : vector<256x1024xbf16>, vector<1024x1024xbf16>, vector<256x1024xf32> -> vector<256x1024xf32>
      %add3A_208 = vector.broadcast %get3A_202 : vector<256x1xf32> to vector<256x1024xf32>
      %add3A_209 = arith.addf %add3A_208, %dot_general3A_207 : vector<256x1024xf32>
      %slice3A_210 = vector.extract_strided_slice %add3A_209 {offsets = [0, 1023], sizes = [256, 1], strides = [1, 1]} : vector<256x1024xf32> to vector<256x1xf32>
      %swap3A_211 = arith.constant 0 : index
      %swap3A_212 = arith.constant 0 : index
      %swap3A_213 = vector.load %arg9[%swap3A_211, %swap3A_212] : memref<256x1xf32, #tpu.memory_space<vmem>>, vector<256x1xf32>
      tpu.vector_store %arg9[%swap3A_211, %swap3A_212], %slice3A_210 {strides = array<i32>} : memref<256x1xf32, #tpu.memory_space<vmem>>, vector<256x1xf32>,
      %le3A = arith.constant 0.000000e+00 : f32
      %le3A_214 = vector.broadcast %le3A : f32 to vector<256x1024xf32>
      %le3A_215 = arith.cmpf ole, %add3A_209, %le3A_214 : vector<256x1024xf32>
      %jit3A_216 = arith.constant 1.000000e+00 : f32
      %jit3A_217 = arith.constant 0.000000e+00 : f32
      %broadcast_in_dim3A_218 = vector.broadcast %jit3A_216 : f32 to vector<256x1024xf32>
      %broadcast_in_dim3A_219 = vector.broadcast %jit3A_217 : f32 to vector<256x1024xf32>
      %select_n3A_220 = arith.select %le3A_215, %broadcast_in_dim3A_218, %broadcast_in_dim3A_219 : vector<256x1024xi1>, vector<256x1024xf32>
      %reduce_sum3A = arith.constant dense<0.000000e+00> : vector<256xf32>
      %reduce_sum3A_221 = vector.multi_reduction <add>, %select_n3A_220, %reduce_sum3A [1] : vector<256x1024xf32> to vector<256xf32>
      %broadcast_in_dim3A_222 = vector.shape_cast %reduce_sum3A_221 : vector<256xf32> to vector<256x1xf32>
      %le3A_223 = arith.constant 1.000000e+00 : f32
      %le3A_224 = vector.broadcast %le3A_223 : f32 to vector<256x1024xf32>
      %le3A_225 = arith.cmpf ole, %add3A_209, %le3A_224 : vector<256x1024xf32>
      %jit3A_226 = arith.constant 1.000000e+00 : f32
      %jit3A_227 = arith.constant 0.000000e+00 : f32
      %broadcast_in_dim3A_228 = vector.broadcast %jit3A_226 : f32 to vector<256x1024xf32>
      %broadcast_in_dim3A_229 = vector.broadcast %jit3A_227 : f32 to vector<256x1024xf32>
      %select_n3A_230 = arith.select %le3A_225, %broadcast_in_dim3A_228, %broadcast_in_dim3A_229 : vector<256x1024xi1>, vector<256x1024xf32>
      %reduce_sum3A_231 = arith.constant dense<0.000000e+00> : vector<256xf32>
      %reduce_sum3A_232 = vector.multi_reduction <add>, %select_n3A_230, %reduce_sum3A_231 [1] : vector<256x1024xf32> to vector<256xf32>
      %broadcast_in_dim3A_233 = vector.shape_cast %reduce_sum3A_232 : vector<256xf32> to vector<256x1xf32>
      %le3A_234 = arith.constant 2.000000e+00 : f32
      %le3A_235 = vector.broadcast %le3A_234 : f32 to vector<256x1024xf32>
      %le3A_236 = arith.cmpf ole, %add3A_209, %le3A_235 : vector<256x1024xf32>
      %jit3A_237 = arith.constant 1.000000e+00 : f32
      %jit3A_238 = arith.constant 0.000000e+00 : f32
      %broadcast_in_dim3A_239 = vector.broadcast %jit3A_237 : f32 to vector<256x1024xf32>
      %broadcast_in_dim3A_240 = vector.broadcast %jit3A_238 : f32 to vector<256x1024xf32>
      %select_n3A_241 = arith.select %le3A_236, %broadcast_in_dim3A_239, %broadcast_in_dim3A_240 : vector<256x1024xi1>, vector<256x1024xf32>
      %reduce_sum3A_242 = arith.constant dense<0.000000e+00> : vector<256xf32>
      %reduce_sum3A_243 = vector.multi_reduction <add>, %select_n3A_241, %reduce_sum3A_242 [1] : vector<256x1024xf32> to vector<256xf32>
      %broadcast_in_dim3A_244 = vector.shape_cast %reduce_sum3A_243 : vector<256xf32> to vector<256x1xf32>
      %le3A_245 = arith.constant 3.000000e+00 : f32
      %le3A_246 = vector.broadcast %le3A_245 : f32 to vector<256x1024xf32>
      %le3A_247 = arith.cmpf ole, %add3A_209, %le3A_246 : vector<256x1024xf32>
      %jit3A_248 = arith.constant 1.000000e+00 : f32
      %jit3A_249 = arith.constant 0.000000e+00 : f32
      %broadcast_in_dim3A_250 = vector.broadcast %jit3A_248 : f32 to vector<256x1024xf32>
      %broadcast_in_dim3A_251 = vector.broadcast %jit3A_249 : f32 to vector<256x1024xf32>
      %select_n3A_252 = arith.select %le3A_247, %broadcast_in_dim3A_250, %broadcast_in_dim3A_251 : vector<256x1024xi1>, vector<256x1024xf32>
      %reduce_sum3A_253 = arith.constant dense<0.000000e+00> : vector<256xf32>
      %reduce_sum3A_254 = vector.multi_reduction <add>, %select_n3A_252, %reduce_sum3A_253 [1] : vector<256x1024xf32> to vector<256xf32>
      %broadcast_in_dim3A_255 = vector.shape_cast %reduce_sum3A_254 : vector<256xf32> to vector<256x1xf32>
      %le3A_256 = arith.constant 4.000000e+00 : f32
      %le3A_257 = vector.broadcast %le3A_256 : f32 to vector<256x1024xf32>
      %le3A_258 = arith.cmpf ole, %add3A_209, %le3A_257 : vector<256x1024xf32>
      %jit3A_259 = arith.constant 1.000000e+00 : f32
      %jit3A_260 = arith.constant 0.000000e+00 : f32
      %broadcast_in_dim3A_261 = vector.broadcast %jit3A_259 : f32 to vector<256x1024xf32>
      %broadcast_in_dim3A_262 = vector.broadcast %jit3A_260 : f32 to vector<256x1024xf32>
      %select_n3A_263 = arith.select %le3A_258, %broadcast_in_dim3A_261, %broadcast_in_dim3A_262 : vector<256x1024xi1>, vector<256x1024xf32>
      %reduce_sum3A_264 = arith.constant dense<0.000000e+00> : vector<256xf32>
      %reduce_sum3A_265 = vector.multi_reduction <add>, %select_n3A_263, %reduce_sum3A_264 [1] : vector<256x1024xf32> to vector<256xf32>
      %broadcast_in_dim3A_266 = vector.shape_cast %reduce_sum3A_265 : vector<256xf32> to vector<256x1xf32>
      %le3A_267 = arith.constant 5.000000e+00 : f32
      %le3A_268 = vector.broadcast %le3A_267 : f32 to vector<256x1024xf32>
      %le3A_269 = arith.cmpf ole, %add3A_209, %le3A_268 : vector<256x1024xf32>
      %jit3A_270 = arith.constant 1.000000e+00 : f32
      %jit3A_271 = arith.constant 0.000000e+00 : f32
      %broadcast_in_dim3A_272 = vector.broadcast %jit3A_270 : f32 to vector<256x1024xf32>
      %broadcast_in_dim3A_273 = vector.broadcast %jit3A_271 : f32 to vector<256x1024xf32>
      %select_n3A_274 = arith.select %le3A_269, %broadcast_in_dim3A_272, %broadcast_in_dim3A_273 : vector<256x1024xi1>, vector<256x1024xf32>
      %reduce_sum3A_275 = arith.constant dense<0.000000e+00> : vector<256xf32>
      %reduce_sum3A_276 = vector.multi_reduction <add>, %select_n3A_274, %reduce_sum3A_275 [1] : vector<256x1024xf32> to vector<256xf32>
      %broadcast_in_dim3A_277 = vector.shape_cast %reduce_sum3A_276 : vector<256xf32> to vector<256x1xf32>
      %le3A_278 = arith.constant 6.000000e+00 : f32
      %le3A_279 = vector.broadcast %le3A_278 : f32 to vector<256x1024xf32>
      %le3A_280 = arith.cmpf ole, %add3A_209, %le3A_279 : vector<256x1024xf32>
      %jit3A_281 = arith.constant 1.000000e+00 : f32
      %jit3A_282 = arith.constant 0.000000e+00 : f32
      %broadcast_in_dim3A_283 = vector.broadcast %jit3A_281 : f32 to vector<256x1024xf32>
      %broadcast_in_dim3A_284 = vector.broadcast %jit3A_282 : f32 to vector<256x1024xf32>
      %select_n3A_285 = arith.select %le3A_280, %broadcast_in_dim3A_283, %broadcast_in_dim3A_284 : vector<256x1024xi1>, vector<256x1024xf32>
      %reduce_sum3A_286 = arith.constant dense<0.000000e+00> : vector<256xf32>
      %reduce_sum3A_287 = vector.multi_reduction <add>, %select_n3A_285, %reduce_sum3A_286 [1] : vector<256x1024xf32> to vector<256xf32>
      %broadcast_in_dim3A_288 = vector.shape_cast %reduce_sum3A_287 : vector<256xf32> to vector<256x1xf32>
      %le3A_289 = arith.constant 7.000000e+00 : f32
      %le3A_290 = vector.broadcast %le3A_289 : f32 to vector<256x1024xf32>
      %le3A_291 = arith.cmpf ole, %add3A_209, %le3A_290 : vector<256x1024xf32>
      %jit3A_292 = arith.constant 1.000000e+00 : f32
      %jit3A_293 = arith.constant 0.000000e+00 : f32
      %broadcast_in_dim3A_294 = vector.broadcast %jit3A_292 : f32 to vector<256x1024xf32>
      %broadcast_in_dim3A_295 = vector.broadcast %jit3A_293 : f32 to vector<256x1024xf32>
      %select_n3A_296 = arith.select %le3A_291, %broadcast_in_dim3A_294, %broadcast_in_dim3A_295 : vector<256x1024xi1>, vector<256x1024xf32>
      %reduce_sum3A_297 = arith.constant dense<0.000000e+00> : vector<256xf32>
      %reduce_sum3A_298 = vector.multi_reduction <add>, %select_n3A_296, %reduce_sum3A_297 [1] : vector<256x1024xf32> to vector<256xf32>
      %broadcast_in_dim3A_299 = vector.shape_cast %reduce_sum3A_298 : vector<256xf32> to vector<256x1xf32>
      %le3A_300 = arith.constant 8.000000e+00 : f32
      %le3A_301 = vector.broadcast %le3A_300 : f32 to vector<256x1024xf32>
      %le3A_302 = arith.cmpf ole, %add3A_209, %le3A_301 : vector<256x1024xf32>
      %jit3A_303 = arith.constant 1.000000e+00 : f32
      %jit3A_304 = arith.constant 0.000000e+00 : f32
      %broadcast_in_dim3A_305 = vector.broadcast %jit3A_303 : f32 to vector<256x1024xf32>
      %broadcast_in_dim3A_306 = vector.broadcast %jit3A_304 : f32 to vector<256x1024xf32>
      %select_n3A_307 = arith.select %le3A_302, %broadcast_in_dim3A_305, %broadcast_in_dim3A_306 : vector<256x1024xi1>, vector<256x1024xf32>
      %reduce_sum3A_308 = arith.constant dense<0.000000e+00> : vector<256xf32>
      %reduce_sum3A_309 = vector.multi_reduction <add>, %select_n3A_307, %reduce_sum3A_308 [1] : vector<256x1024xf32> to vector<256xf32>
      %broadcast_in_dim3A_310 = vector.shape_cast %reduce_sum3A_309 : vector<256xf32> to vector<256x1xf32>
      %le3A_311 = arith.constant 9.000000e+00 : f32
      %le3A_312 = vector.broadcast %le3A_311 : f32 to vector<256x1024xf32>
      %le3A_313 = arith.cmpf ole, %add3A_209, %le3A_312 : vector<256x1024xf32>
      %jit3A_314 = arith.constant 1.000000e+00 : f32
      %jit3A_315 = arith.constant 0.000000e+00 : f32
      %broadcast_in_dim3A_316 = vector.broadcast %jit3A_314 : f32 to vector<256x1024xf32>
      %broadcast_in_dim3A_317 = vector.broadcast %jit3A_315 : f32 to vector<256x1024xf32>
      %select_n3A_318 = arith.select %le3A_313, %broadcast_in_dim3A_316, %broadcast_in_dim3A_317 : vector<256x1024xi1>, vector<256x1024xf32>
      %reduce_sum3A_319 = arith.constant dense<0.000000e+00> : vector<256xf32>
      %reduce_sum3A_320 = vector.multi_reduction <add>, %select_n3A_318, %reduce_sum3A_319 [1] : vector<256x1024xf32> to vector<256xf32>
      %broadcast_in_dim3A_321 = vector.shape_cast %reduce_sum3A_320 : vector<256xf32> to vector<256x1xf32>
      %le3A_322 = arith.constant 1.000000e+01 : f32
      %le3A_323 = vector.broadcast %le3A_322 : f32 to vector<256x1024xf32>
      %le3A_324 = arith.cmpf ole, %add3A_209, %le3A_323 : vector<256x1024xf32>
      %jit3A_325 = arith.constant 1.000000e+00 : f32
      %jit3A_326 = arith.constant 0.000000e+00 : f32
      %broadcast_in_dim3A_327 = vector.broadcast %jit3A_325 : f32 to vector<256x1024xf32>
      %broadcast_in_dim3A_328 = vector.broadcast %jit3A_326 : f32 to vector<256x1024xf32>
      %select_n3A_329 = arith.select %le3A_324, %broadcast_in_dim3A_327, %broadcast_in_dim3A_328 : vector<256x1024xi1>, vector<256x1024xf32>
      %reduce_sum3A_330 = arith.constant dense<0.000000e+00> : vector<256xf32>
      %reduce_sum3A_331 = vector.multi_reduction <add>, %select_n3A_329, %reduce_sum3A_330 [1] : vector<256x1024xf32> to vector<256xf32>
      %broadcast_in_dim3A_332 = vector.shape_cast %reduce_sum3A_331 : vector<256xf32> to vector<256x1xf32>
      %le3A_333 = arith.constant 1.100000e+01 : f32
      %le3A_334 = vector.broadcast %le3A_333 : f32 to vector<256x1024xf32>
      %le3A_335 = arith.cmpf ole, %add3A_209, %le3A_334 : vector<256x1024xf32>
      %jit3A_336 = arith.constant 1.000000e+00 : f32
      %jit3A_337 = arith.constant 0.000000e+00 : f32
      %broadcast_in_dim3A_338 = vector.broadcast %jit3A_336 : f32 to vector<256x1024xf32>
      %broadcast_in_dim3A_339 = vector.broadcast %jit3A_337 : f32 to vector<256x1024xf32>
      %select_n3A_340 = arith.select %le3A_335, %broadcast_in_dim3A_338, %broadcast_in_dim3A_339 : vector<256x1024xi1>, vector<256x1024xf32>
      %reduce_sum3A_341 = arith.constant dense<0.000000e+00> : vector<256xf32>
      %reduce_sum3A_342 = vector.multi_reduction <add>, %select_n3A_340, %reduce_sum3A_341 [1] : vector<256x1024xf32> to vector<256xf32>
      %broadcast_in_dim3A_343 = vector.shape_cast %reduce_sum3A_342 : vector<256xf32> to vector<256x1xf32>
      %le3A_344 = arith.constant 1.200000e+01 : f32
      %le3A_345 = vector.broadcast %le3A_344 : f32 to vector<256x1024xf32>
      %le3A_346 = arith.cmpf ole, %add3A_209, %le3A_345 : vector<256x1024xf32>
      %jit3A_347 = arith.constant 1.000000e+00 : f32
      %jit3A_348 = arith.constant 0.000000e+00 : f32
      %broadcast_in_dim3A_349 = vector.broadcast %jit3A_347 : f32 to vector<256x1024xf32>
      %broadcast_in_dim3A_350 = vector.broadcast %jit3A_348 : f32 to vector<256x1024xf32>
      %select_n3A_351 = arith.select %le3A_346, %broadcast_in_dim3A_349, %broadcast_in_dim3A_350 : vector<256x1024xi1>, vector<256x1024xf32>
      %reduce_sum3A_352 = arith.constant dense<0.000000e+00> : vector<256xf32>
      %reduce_sum3A_353 = vector.multi_reduction <add>, %select_n3A_351, %reduce_sum3A_352 [1] : vector<256x1024xf32> to vector<256xf32>
      %broadcast_in_dim3A_354 = vector.shape_cast %reduce_sum3A_353 : vector<256xf32> to vector<256x1xf32>
      %le3A_355 = arith.constant 1.300000e+01 : f32
      %le3A_356 = vector.broadcast %le3A_355 : f32 to vector<256x1024xf32>
      %le3A_357 = arith.cmpf ole, %add3A_209, %le3A_356 : vector<256x1024xf32>
      %jit3A_358 = arith.constant 1.000000e+00 : f32
      %jit3A_359 = arith.constant 0.000000e+00 : f32
      %broadcast_in_dim3A_360 = vector.broadcast %jit3A_358 : f32 to vector<256x1024xf32>
      %broadcast_in_dim3A_361 = vector.broadcast %jit3A_359 : f32 to vector<256x1024xf32>
      %select_n3A_362 = arith.select %le3A_357, %broadcast_in_dim3A_360, %broadcast_in_dim3A_361 : vector<256x1024xi1>, vector<256x1024xf32>
      %reduce_sum3A_363 = arith.constant dense<0.000000e+00> : vector<256xf32>
      %reduce_sum3A_364 = vector.multi_reduction <add>, %select_n3A_362, %reduce_sum3A_363 [1] : vector<256x1024xf32> to vector<256xf32>
      %broadcast_in_dim3A_365 = vector.shape_cast %reduce_sum3A_364 : vector<256xf32> to vector<256x1xf32>
      %le3A_366 = arith.constant 1.400000e+01 : f32
      %le3A_367 = vector.broadcast %le3A_366 : f32 to vector<256x1024xf32>
      %le3A_368 = arith.cmpf ole, %add3A_209, %le3A_367 : vector<256x1024xf32>
      %jit3A_369 = arith.constant 1.000000e+00 : f32
      %jit3A_370 = arith.constant 0.000000e+00 : f32
      %broadcast_in_dim3A_371 = vector.broadcast %jit3A_369 : f32 to vector<256x1024xf32>
      %broadcast_in_dim3A_372 = vector.broadcast %jit3A_370 : f32 to vector<256x1024xf32>
      %select_n3A_373 = arith.select %le3A_368, %broadcast_in_dim3A_371, %broadcast_in_dim3A_372 : vector<256x1024xi1>, vector<256x1024xf32>
      %reduce_sum3A_374 = arith.constant dense<0.000000e+00> : vector<256xf32>
      %reduce_sum3A_375 = vector.multi_reduction <add>, %select_n3A_373, %reduce_sum3A_374 [1] : vector<256x1024xf32> to vector<256xf32>
      %broadcast_in_dim3A_376 = vector.shape_cast %reduce_sum3A_375 : vector<256xf32> to vector<256x1xf32>
      %le3A_377 = arith.constant 1.500000e+01 : f32
      %le3A_378 = vector.broadcast %le3A_377 : f32 to vector<256x1024xf32>
      %le3A_379 = arith.cmpf ole, %add3A_209, %le3A_378 : vector<256x1024xf32>
      %jit3A_380 = arith.constant 1.000000e+00 : f32
      %jit3A_381 = arith.constant 0.000000e+00 : f32
      %broadcast_in_dim3A_382 = vector.broadcast %jit3A_380 : f32 to vector<256x1024xf32>
      %broadcast_in_dim3A_383 = vector.broadcast %jit3A_381 : f32 to vector<256x1024xf32>
      %select_n3A_384 = arith.select %le3A_379, %broadcast_in_dim3A_382, %broadcast_in_dim3A_383 : vector<256x1024xi1>, vector<256x1024xf32>
      %reduce_sum3A_385 = arith.constant dense<0.000000e+00> : vector<256xf32>
      %reduce_sum3A_386 = vector.multi_reduction <add>, %select_n3A_384, %reduce_sum3A_385 [1] : vector<256x1024xf32> to vector<256xf32>
      %broadcast_in_dim3A_387 = vector.shape_cast %reduce_sum3A_386 : vector<256xf32> to vector<256x1xf32>
      %le3A_388 = arith.constant 1.600000e+01 : f32
      %le3A_389 = vector.broadcast %le3A_388 : f32 to vector<256x1024xf32>
      %le3A_390 = arith.cmpf ole, %add3A_209, %le3A_389 : vector<256x1024xf32>
      %jit3A_391 = arith.constant 1.000000e+00 : f32
      %jit3A_392 = arith.constant 0.000000e+00 : f32
      %broadcast_in_dim3A_393 = vector.broadcast %jit3A_391 : f32 to vector<256x1024xf32>
      %broadcast_in_dim3A_394 = vector.broadcast %jit3A_392 : f32 to vector<256x1024xf32>
      %select_n3A_395 = arith.select %le3A_390, %broadcast_in_dim3A_393, %broadcast_in_dim3A_394 : vector<256x1024xi1>, vector<256x1024xf32>
      %reduce_sum3A_396 = arith.constant dense<0.000000e+00> : vector<256xf32>
      %reduce_sum3A_397 = vector.multi_reduction <add>, %select_n3A_395, %reduce_sum3A_396 [1] : vector<256x1024xf32> to vector<256xf32>
      %broadcast_in_dim3A_398 = vector.shape_cast %reduce_sum3A_397 : vector<256xf32> to vector<256x1xf32>
      %le3A_399 = arith.constant 1.700000e+01 : f32
      %le3A_400 = vector.broadcast %le3A_399 : f32 to vector<256x1024xf32>
      %le3A_401 = arith.cmpf ole, %add3A_209, %le3A_400 : vector<256x1024xf32>
      %jit3A_402 = arith.constant 1.000000e+00 : f32
      %jit3A_403 = arith.constant 0.000000e+00 : f32
      %broadcast_in_dim3A_404 = vector.broadcast %jit3A_402 : f32 to vector<256x1024xf32>
      %broadcast_in_dim3A_405 = vector.broadcast %jit3A_403 : f32 to vector<256x1024xf32>
      %select_n3A_406 = arith.select %le3A_401, %broadcast_in_dim3A_404, %broadcast_in_dim3A_405 : vector<256x1024xi1>, vector<256x1024xf32>
      %reduce_sum3A_407 = arith.constant dense<0.000000e+00> : vector<256xf32>
      %reduce_sum3A_408 = vector.multi_reduction <add>, %select_n3A_406, %reduce_sum3A_407 [1] : vector<256x1024xf32> to vector<256xf32>
      %broadcast_in_dim3A_409 = vector.shape_cast %reduce_sum3A_408 : vector<256xf32> to vector<256x1xf32>
      %le3A_410 = arith.constant 1.800000e+01 : f32
      %le3A_411 = vector.broadcast %le3A_410 : f32 to vector<256x1024xf32>
      %le3A_412 = arith.cmpf ole, %add3A_209, %le3A_411 : vector<256x1024xf32>
      %jit3A_413 = arith.constant 1.000000e+00 : f32
      %jit3A_414 = arith.constant 0.000000e+00 : f32
      %broadcast_in_dim3A_415 = vector.broadcast %jit3A_413 : f32 to vector<256x1024xf32>
      %broadcast_in_dim3A_416 = vector.broadcast %jit3A_414 : f32 to vector<256x1024xf32>
      %select_n3A_417 = arith.select %le3A_412, %broadcast_in_dim3A_415, %broadcast_in_dim3A_416 : vector<256x1024xi1>, vector<256x1024xf32>
      %reduce_sum3A_418 = arith.constant dense<0.000000e+00> : vector<256xf32>
      %reduce_sum3A_419 = vector.multi_reduction <add>, %select_n3A_417, %reduce_sum3A_418 [1] : vector<256x1024xf32> to vector<256xf32>
      %broadcast_in_dim3A_420 = vector.shape_cast %reduce_sum3A_419 : vector<256xf32> to vector<256x1xf32>
      %le3A_421 = arith.constant 1.900000e+01 : f32
      %le3A_422 = vector.broadcast %le3A_421 : f32 to vector<256x1024xf32>
      %le3A_423 = arith.cmpf ole, %add3A_209, %le3A_422 : vector<256x1024xf32>
      %jit3A_424 = arith.constant 1.000000e+00 : f32
      %jit3A_425 = arith.constant 0.000000e+00 : f32
      %broadcast_in_dim3A_426 = vector.broadcast %jit3A_424 : f32 to vector<256x1024xf32>
      %broadcast_in_dim3A_427 = vector.broadcast %jit3A_425 : f32 to vector<256x1024xf32>
      %select_n3A_428 = arith.select %le3A_423, %broadcast_in_dim3A_426, %broadcast_in_dim3A_427 : vector<256x1024xi1>, vector<256x1024xf32>
      %reduce_sum3A_429 = arith.constant dense<0.000000e+00> : vector<256xf32>
      %reduce_sum3A_430 = vector.multi_reduction <add>, %select_n3A_428, %reduce_sum3A_429 [1] : vector<256x1024xf32> to vector<256xf32>
      %broadcast_in_dim3A_431 = vector.shape_cast %reduce_sum3A_430 : vector<256xf32> to vector<256x1xf32>
      %le3A_432 = arith.constant 2.000000e+01 : f32
      %le3A_433 = vector.broadcast %le3A_432 : f32 to vector<256x1024xf32>
      %le3A_434 = arith.cmpf ole, %add3A_209, %le3A_433 : vector<256x1024xf32>
      %jit3A_435 = arith.constant 1.000000e+00 : f32
      %jit3A_436 = arith.constant 0.000000e+00 : f32
      %broadcast_in_dim3A_437 = vector.broadcast %jit3A_435 : f32 to vector<256x1024xf32>
      %broadcast_in_dim3A_438 = vector.broadcast %jit3A_436 : f32 to vector<256x1024xf32>
      %select_n3A_439 = arith.select %le3A_434, %broadcast_in_dim3A_437, %broadcast_in_dim3A_438 : vector<256x1024xi1>, vector<256x1024xf32>
      %reduce_sum3A_440 = arith.constant dense<0.000000e+00> : vector<256xf32>
      %reduce_sum3A_441 = vector.multi_reduction <add>, %select_n3A_439, %reduce_sum3A_440 [1] : vector<256x1024xf32> to vector<256xf32>
      %broadcast_in_dim3A_442 = vector.shape_cast %reduce_sum3A_441 : vector<256xf32> to vector<256x1xf32>
      %le3A_443 = arith.constant 2.100000e+01 : f32
      %le3A_444 = vector.broadcast %le3A_443 : f32 to vector<256x1024xf32>
      %le3A_445 = arith.cmpf ole, %add3A_209, %le3A_444 : vector<256x1024xf32>
      %jit3A_446 = arith.constant 1.000000e+00 : f32
      %jit3A_447 = arith.constant 0.000000e+00 : f32
      %broadcast_in_dim3A_448 = vector.broadcast %jit3A_446 : f32 to vector<256x1024xf32>
      %broadcast_in_dim3A_449 = vector.broadcast %jit3A_447 : f32 to vector<256x1024xf32>
      %select_n3A_450 = arith.select %le3A_445, %broadcast_in_dim3A_448, %broadcast_in_dim3A_449 : vector<256x1024xi1>, vector<256x1024xf32>
      %reduce_sum3A_451 = arith.constant dense<0.000000e+00> : vector<256xf32>
      %reduce_sum3A_452 = vector.multi_reduction <add>, %select_n3A_450, %reduce_sum3A_451 [1] : vector<256x1024xf32> to vector<256xf32>
      %broadcast_in_dim3A_453 = vector.shape_cast %reduce_sum3A_452 : vector<256xf32> to vector<256x1xf32>
      %le3A_454 = arith.constant 2.200000e+01 : f32
      %le3A_455 = vector.broadcast %le3A_454 : f32 to vector<256x1024xf32>
      %le3A_456 = arith.cmpf ole, %add3A_209, %le3A_455 : vector<256x1024xf32>
      %jit3A_457 = arith.constant 1.000000e+00 : f32
      %jit3A_458 = arith.constant 0.000000e+00 : f32
      %broadcast_in_dim3A_459 = vector.broadcast %jit3A_457 : f32 to vector<256x1024xf32>
      %broadcast_in_dim3A_460 = vector.broadcast %jit3A_458 : f32 to vector<256x1024xf32>
      %select_n3A_461 = arith.select %le3A_456, %broadcast_in_dim3A_459, %broadcast_in_dim3A_460 : vector<256x1024xi1>, vector<256x1024xf32>
      %reduce_sum3A_462 = arith.constant dense<0.000000e+00> : vector<256xf32>
      %reduce_sum3A_463 = vector.multi_reduction <add>, %select_n3A_461, %reduce_sum3A_462 [1] : vector<256x1024xf32> to vector<256xf32>
      %broadcast_in_dim3A_464 = vector.shape_cast %reduce_sum3A_463 : vector<256xf32> to vector<256x1xf32>
      %le3A_465 = arith.constant 2.300000e+01 : f32
      %le3A_466 = vector.broadcast %le3A_465 : f32 to vector<256x1024xf32>
      %le3A_467 = arith.cmpf ole, %add3A_209, %le3A_466 : vector<256x1024xf32>
      %jit3A_468 = arith.constant 1.000000e+00 : f32
      %jit3A_469 = arith.constant 0.000000e+00 : f32
      %broadcast_in_dim3A_470 = vector.broadcast %jit3A_468 : f32 to vector<256x1024xf32>
      %broadcast_in_dim3A_471 = vector.broadcast %jit3A_469 : f32 to vector<256x1024xf32>
      %select_n3A_472 = arith.select %le3A_467, %broadcast_in_dim3A_470, %broadcast_in_dim3A_471 : vector<256x1024xi1>, vector<256x1024xf32>
      %reduce_sum3A_473 = arith.constant dense<0.000000e+00> : vector<256xf32>
      %reduce_sum3A_474 = vector.multi_reduction <add>, %select_n3A_472, %reduce_sum3A_473 [1] : vector<256x1024xf32> to vector<256xf32>
      %broadcast_in_dim3A_475 = vector.shape_cast %reduce_sum3A_474 : vector<256xf32> to vector<256x1xf32>
      %le3A_476 = arith.constant 2.400000e+01 : f32
      %le3A_477 = vector.broadcast %le3A_476 : f32 to vector<256x1024xf32>
      %le3A_478 = arith.cmpf ole, %add3A_209, %le3A_477 : vector<256x1024xf32>
      %jit3A_479 = arith.constant 1.000000e+00 : f32
      %jit3A_480 = arith.constant 0.000000e+00 : f32
      %broadcast_in_dim3A_481 = vector.broadcast %jit3A_479 : f32 to vector<256x1024xf32>
      %broadcast_in_dim3A_482 = vector.broadcast %jit3A_480 : f32 to vector<256x1024xf32>
      %select_n3A_483 = arith.select %le3A_478, %broadcast_in_dim3A_481, %broadcast_in_dim3A_482 : vector<256x1024xi1>, vector<256x1024xf32>
      %reduce_sum3A_484 = arith.constant dense<0.000000e+00> : vector<256xf32>
      %reduce_sum3A_485 = vector.multi_reduction <add>, %select_n3A_483, %reduce_sum3A_484 [1] : vector<256x1024xf32> to vector<256xf32>
      %broadcast_in_dim3A_486 = vector.shape_cast %reduce_sum3A_485 : vector<256xf32> to vector<256x1xf32>
      %le3A_487 = arith.constant 2.500000e+01 : f32
      %le3A_488 = vector.broadcast %le3A_487 : f32 to vector<256x1024xf32>
      %le3A_489 = arith.cmpf ole, %add3A_209, %le3A_488 : vector<256x1024xf32>
      %jit3A_490 = arith.constant 1.000000e+00 : f32
      %jit3A_491 = arith.constant 0.000000e+00 : f32
      %broadcast_in_dim3A_492 = vector.broadcast %jit3A_490 : f32 to vector<256x1024xf32>
      %broadcast_in_dim3A_493 = vector.broadcast %jit3A_491 : f32 to vector<256x1024xf32>
      %select_n3A_494 = arith.select %le3A_489, %broadcast_in_dim3A_492, %broadcast_in_dim3A_493 : vector<256x1024xi1>, vector<256x1024xf32>
      %reduce_sum3A_495 = arith.constant dense<0.000000e+00> : vector<256xf32>
      %reduce_sum3A_496 = vector.multi_reduction <add>, %select_n3A_494, %reduce_sum3A_495 [1] : vector<256x1024xf32> to vector<256xf32>
      %broadcast_in_dim3A_497 = vector.shape_cast %reduce_sum3A_496 : vector<256xf32> to vector<256x1xf32>
      %le3A_498 = arith.constant 2.600000e+01 : f32
      %le3A_499 = vector.broadcast %le3A_498 : f32 to vector<256x1024xf32>
      %le3A_500 = arith.cmpf ole, %add3A_209, %le3A_499 : vector<256x1024xf32>
      %jit3A_501 = arith.constant 1.000000e+00 : f32
      %jit3A_502 = arith.constant 0.000000e+00 : f32
      %broadcast_in_dim3A_503 = vector.broadcast %jit3A_501 : f32 to vector<256x1024xf32>
      %broadcast_in_dim3A_504 = vector.broadcast %jit3A_502 : f32 to vector<256x1024xf32>
      %select_n3A_505 = arith.select %le3A_500, %broadcast_in_dim3A_503, %broadcast_in_dim3A_504 : vector<256x1024xi1>, vector<256x1024xf32>
      %reduce_sum3A_506 = arith.constant dense<0.000000e+00> : vector<256xf32>
      %reduce_sum3A_507 = vector.multi_reduction <add>, %select_n3A_505, %reduce_sum3A_506 [1] : vector<256x1024xf32> to vector<256xf32>
      %broadcast_in_dim3A_508 = vector.shape_cast %reduce_sum3A_507 : vector<256xf32> to vector<256x1xf32>
      %le3A_509 = arith.constant 2.700000e+01 : f32
      %le3A_510 = vector.broadcast %le3A_509 : f32 to vector<256x1024xf32>
      %le3A_511 = arith.cmpf ole, %add3A_209, %le3A_510 : vector<256x1024xf32>
      %jit3A_512 = arith.constant 1.000000e+00 : f32
      %jit3A_513 = arith.constant 0.000000e+00 : f32
      %broadcast_in_dim3A_514 = vector.broadcast %jit3A_512 : f32 to vector<256x1024xf32>
      %broadcast_in_dim3A_515 = vector.broadcast %jit3A_513 : f32 to vector<256x1024xf32>
      %select_n3A_516 = arith.select %le3A_511, %broadcast_in_dim3A_514, %broadcast_in_dim3A_515 : vector<256x1024xi1>, vector<256x1024xf32>
      %reduce_sum3A_517 = arith.constant dense<0.000000e+00> : vector<256xf32>
      %reduce_sum3A_518 = vector.multi_reduction <add>, %select_n3A_516, %reduce_sum3A_517 [1] : vector<256x1024xf32> to vector<256xf32>
      %broadcast_in_dim3A_519 = vector.shape_cast %reduce_sum3A_518 : vector<256xf32> to vector<256x1xf32>
      %le3A_520 = arith.constant 2.800000e+01 : f32
      %le3A_521 = vector.broadcast %le3A_520 : f32 to vector<256x1024xf32>
      %le3A_522 = arith.cmpf ole, %add3A_209, %le3A_521 : vector<256x1024xf32>
      %jit3A_523 = arith.constant 1.000000e+00 : f32
      %jit3A_524 = arith.constant 0.000000e+00 : f32
      %broadcast_in_dim3A_525 = vector.broadcast %jit3A_523 : f32 to vector<256x1024xf32>
      %broadcast_in_dim3A_526 = vector.broadcast %jit3A_524 : f32 to vector<256x1024xf32>
      %select_n3A_527 = arith.select %le3A_522, %broadcast_in_dim3A_525, %broadcast_in_dim3A_526 : vector<256x1024xi1>, vector<256x1024xf32>
      %reduce_sum3A_528 = arith.constant dense<0.000000e+00> : vector<256xf32>
      %reduce_sum3A_529 = vector.multi_reduction <add>, %select_n3A_527, %reduce_sum3A_528 [1] : vector<256x1024xf32> to vector<256xf32>
      %broadcast_in_dim3A_530 = vector.shape_cast %reduce_sum3A_529 : vector<256xf32> to vector<256x1xf32>
      %le3A_531 = arith.constant 2.900000e+01 : f32
      %le3A_532 = vector.broadcast %le3A_531 : f32 to vector<256x1024xf32>
      %le3A_533 = arith.cmpf ole, %add3A_209, %le3A_532 : vector<256x1024xf32>
      %jit3A_534 = arith.constant 1.000000e+00 : f32
      %jit3A_535 = arith.constant 0.000000e+00 : f32
      %broadcast_in_dim3A_536 = vector.broadcast %jit3A_534 : f32 to vector<256x1024xf32>
      %broadcast_in_dim3A_537 = vector.broadcast %jit3A_535 : f32 to vector<256x1024xf32>
      %select_n3A_538 = arith.select %le3A_533, %broadcast_in_dim3A_536, %broadcast_in_dim3A_537 : vector<256x1024xi1>, vector<256x1024xf32>
      %reduce_sum3A_539 = arith.constant dense<0.000000e+00> : vector<256xf32>
      %reduce_sum3A_540 = vector.multi_reduction <add>, %select_n3A_538, %reduce_sum3A_539 [1] : vector<256x1024xf32> to vector<256xf32>
      %broadcast_in_dim3A_541 = vector.shape_cast %reduce_sum3A_540 : vector<256xf32> to vector<256x1xf32>
      %le3A_542 = arith.constant 3.000000e+01 : f32
      %le3A_543 = vector.broadcast %le3A_542 : f32 to vector<256x1024xf32>
      %le3A_544 = arith.cmpf ole, %add3A_209, %le3A_543 : vector<256x1024xf32>
      %jit3A_545 = arith.constant 1.000000e+00 : f32
      %jit3A_546 = arith.constant 0.000000e+00 : f32
      %broadcast_in_dim3A_547 = vector.broadcast %jit3A_545 : f32 to vector<256x1024xf32>
      %broadcast_in_dim3A_548 = vector.broadcast %jit3A_546 : f32 to vector<256x1024xf32>
      %select_n3A_549 = arith.select %le3A_544, %broadcast_in_dim3A_547, %broadcast_in_dim3A_548 : vector<256x1024xi1>, vector<256x1024xf32>
      %reduce_sum3A_550 = arith.constant dense<0.000000e+00> : vector<256xf32>
      %reduce_sum3A_551 = vector.multi_reduction <add>, %select_n3A_549, %reduce_sum3A_550 [1] : vector<256x1024xf32> to vector<256xf32>
      %broadcast_in_dim3A_552 = vector.shape_cast %reduce_sum3A_551 : vector<256xf32> to vector<256x1xf32>
      %le3A_553 = arith.constant 3.100000e+01 : f32
      %le3A_554 = vector.broadcast %le3A_553 : f32 to vector<256x1024xf32>
      %le3A_555 = arith.cmpf ole, %add3A_209, %le3A_554 : vector<256x1024xf32>
      %jit3A_556 = arith.constant 1.000000e+00 : f32
      %jit3A_557 = arith.constant 0.000000e+00 : f32
      %broadcast_in_dim3A_558 = vector.broadcast %jit3A_556 : f32 to vector<256x1024xf32>
      %broadcast_in_dim3A_559 = vector.broadcast %jit3A_557 : f32 to vector<256x1024xf32>
      %select_n3A_560 = arith.select %le3A_555, %broadcast_in_dim3A_558, %broadcast_in_dim3A_559 : vector<256x1024xi1>, vector<256x1024xf32>
      %reduce_sum3A_561 = arith.constant dense<0.000000e+00> : vector<256xf32>
      %reduce_sum3A_562 = vector.multi_reduction <add>, %select_n3A_560, %reduce_sum3A_561 [1] : vector<256x1024xf32> to vector<256xf32>
      %broadcast_in_dim3A_563 = vector.shape_cast %reduce_sum3A_562 : vector<256xf32> to vector<256x1xf32>
      %get3A_564 = arith.constant 0 : index
      %get3A_565 = arith.constant 0 : index
      %get3A_566 = vector.load %arg8[%get3A_564, %get3A_565] : memref<256x32xf32, #tpu.memory_space<vmem>>, vector<256x32xf32>
      %concatenate3A = tpu.concatenate %broadcast_in_dim3A_222, %broadcast_in_dim3A_233, %broadcast_in_dim3A_244, %broadcast_in_dim3A_255, %broadcast_in_dim3A_266, %broadcast_in_dim3A_277, %broadcast_in_dim3A_288, %broadcast_in_dim3A_299, %broadcast_in_dim3A_310, %broadcast_in_dim3A_321, %broadcast_in_dim3A_332, %broadcast_in_dim3A_343, %broadcast_in_dim3A_354, %broadcast_in_dim3A_365, %broadcast_in_dim3A_376, %broadcast_in_dim3A_387, %broadcast_in_dim3A_398, %broadcast_in_dim3A_409, %broadcast_in_dim3A_420, %broadcast_in_dim3A_431, %broadcast_in_dim3A_442, %broadcast_in_dim3A_453, %broadcast_in_dim3A_464, %broadcast_in_dim3A_475, %broadcast_in_dim3A_486, %broadcast_in_dim3A_497, %broadcast_in_dim3A_508, %broadcast_in_dim3A_519, %broadcast_in_dim3A_530, %broadcast_in_dim3A_541, %broadcast_in_dim3A_552, %broadcast_in_dim3A_563 in 1 : vector<256x1xf32>, vector<256x1xf32>, vector<256x1xf32>, vector<256x1xf32>, vector<256x1xf32>, vector<256x1xf32>, vector<256x1xf32>, vector<256x1xf32>, vector<256x1xf32>, vector<256x1xf32>, vector<256x1xf32>, vector<256x1xf32>, vector<256x1xf32>, vector<256x1xf32>, vector<256x1xf32>, vector<256x1xf32>, vector<256x1xf32>, vector<256x1xf32>, vector<256x1xf32>, vector<256x1xf32>, vector<256x1xf32>, vector<256x1xf32>, vector<256x1xf32>, vector<256x1xf32>, vector<256x1xf32>, vector<256x1xf32>, vector<256x1xf32>, vector<256x1xf32>, vector<256x1xf32>, vector<256x1xf32>, vector<256x1xf32>, vector<256x1xf32> -> vector<256x32xf32>
      %add3A_567 = arith.addf %get3A_566, %concatenate3A : vector<256x32xf32>
      %swap3A_568 = arith.constant 0 : index
      %swap3A_569 = arith.constant 0 : index
      %swap3A_570 = vector.load %arg8[%swap3A_568, %swap3A_569] : memref<256x32xf32, #tpu.memory_space<vmem>>, vector<256x32xf32>
      tpu.vector_store %arg8[%swap3A_568, %swap3A_569], %add3A_567 {strides = array<i32>} : memref<256x32xf32, #tpu.memory_space<vmem>>, vector<256x32xf32>,
    } else {
    }
    %get3A_41 = arith.constant 0 : index
    %get3A_42 = arith.constant 0 : index
    %get3A_43 = vector.load %arg9[%get3A_41, %get3A_42] : memref<256x1xf32, #tpu.memory_space<vmem>>, vector<256x1xf32>
    %reduce_min3A_44 = vector.shape_cast %get3A_43 : vector<256x1xf32> to vector<1x256x1xf32>
    %reduce_min3A_45 = arith.constant dense<0x7F800000> : vector<1xf32>
    %reduce_min3A_46 = vector.multi_reduction <minimumf>, %reduce_min3A_44, %reduce_min3A_45 [1, 2] : vector<1x256x1xf32> to vector<1xf32>
    %reduce_min3A_47 = vector.shape_cast %reduce_min3A_46 : vector<1xf32> to vector<1x1x1xf32>
    %reduce_min3A_48 = vector.extract %reduce_min3A_47[0, 0, 0] : f32 from vector<1x1x1xf32>
    %lt3A_49 = arith.constant 3.200000e+01 : f32
    %lt3A_50 = arith.cmpf olt, %reduce_min3A_48, %lt3A_49 : f32
    %convert_element_type3A_51 = arith.extui %lt3A_50 : i1 to i32
    %cond3A_52 = arith.constant 0 : i32
    %cond3A_53 = arith.cmpi ne, %convert_element_type3A_51, %cond3A_52 : i32
    scf.if %cond3A_53 {
      %get3A_169 = arith.constant 0 : index
      %get3A_170 = arith.constant 0 : index
      %get3A_171 = arith.constant 2048 : index
      %get3A_172 = vector.load %arg2[%get3A_169, %get3A_170, %get3A_171] : memref<1x8x8192xf32, #tpu.memory_space<vmem>>, vector<1x8x1024xf32>
      %get3A_173 = vector.shape_cast %get3A_172 : vector<1x8x1024xf32> to vector<8x1024xf32>
      %slice3A_174 = vector.extract_strided_slice %get3A_173 {offsets = [0, 0], sizes = [1, 1024], strides = [1, 1]} : vector<8x1024xf32> to vector<1x1024xf32>
      %sub3A_175 = vector.broadcast %slice3A : vector<256x1xf32> to vector<256x1024xf32>
      %sub3A_176 = vector.broadcast %slice3A_174 : vector<1x1024xf32> to vector<256x1024xf32>
      %sub3A_177 = arith.subf %sub3A_175, %sub3A_176 : vector<256x1024xf32>
      %slice3A_178 = vector.extract_strided_slice %get3A_173 {offsets = [1, 0], sizes = [1, 1024], strides = [1, 1]} : vector<8x1024xf32> to vector<1x1024xf32>
      %sub3A_179 = vector.broadcast %slice3A_8 : vector<256x1xf32> to vector<256x1024xf32>
      %sub3A_180 = vector.broadcast %slice3A_178 : vector<1x1024xf32> to vector<256x1024xf32>
      %sub3A_181 = arith.subf %sub3A_179, %sub3A_180 : vector<256x1024xf32>
      %slice3A_182 = vector.extract_strided_slice %get3A_173 {offsets = [2, 0], sizes = [1, 1024], strides = [1, 1]} : vector<8x1024xf32> to vector<1x1024xf32>
      %sub3A_183 = vector.broadcast %slice3A_9 : vector<256x1xf32> to vector<256x1024xf32>
      %sub3A_184 = vector.broadcast %slice3A_182 : vector<1x1024xf32> to vector<256x1024xf32>
      %sub3A_185 = arith.subf %sub3A_183, %sub3A_184 : vector<256x1024xf32>
      %mul3A_186 = arith.mulf %sub3A_177, %sub3A_177 : vector<256x1024xf32>
      %mul3A_187 = arith.mulf %sub3A_181, %sub3A_181 : vector<256x1024xf32>
      %add3A_188 = arith.addf %mul3A_186, %mul3A_187 : vector<256x1024xf32>
      %mul3A_189 = arith.mulf %sub3A_185, %sub3A_185 : vector<256x1024xf32>
      %add3A_190 = arith.addf %add3A_188, %mul3A_189 : vector<256x1024xf32>
      %lt3A_191 = arith.constant 4.000000e-02 : f32
      %lt3A_192 = vector.broadcast %lt3A_191 : f32 to vector<256x1024xf32>
      %lt3A_193 = arith.cmpf olt, %add3A_190, %lt3A_192 : vector<256x1024xf32>
      %jit3A_194 = arith.constant 1.000000e+00 : f32
      %jit3A_195 = arith.constant 0.000000e+00 : f32
      %broadcast_in_dim3A_196 = vector.broadcast %jit3A_194 : f32 to vector<256x1024xf32>
      %broadcast_in_dim3A_197 = vector.broadcast %jit3A_195 : f32 to vector<256x1024xf32>
      %select_n3A_198 = arith.select %lt3A_193, %broadcast_in_dim3A_196, %broadcast_in_dim3A_197 : vector<256x1024xi1>, vector<256x1024xf32>
      %convert_element_type3A_199 = arith.truncf %select_n3A_198 : vector<256x1024xf32> to vector<256x1024xbf16>
      %get3A_200 = arith.constant 0 : index
      %get3A_201 = arith.constant 0 : index
      %get3A_202 = vector.load %arg9[%get3A_200, %get3A_201] : memref<256x1xf32, #tpu.memory_space<vmem>>, vector<256x1xf32>
      %get3A_203 = arith.constant 0 : index
      %get3A_204 = arith.constant 0 : index
      %get3A_205 = vector.load %arg4[%get3A_203, %get3A_204] : memref<1024x1024xbf16, #tpu.memory_space<vmem>>, vector<1024x1024xbf16>
      %dot_general3A_206 = arith.constant dense<0.000000e+00> : vector<256x1024xf32>
      %dot_general3A_207 = tpu.matmul %convert_element_type3A_199, %get3A_205, %dot_general3A_206 {dimension_numbers = #tpu.dot_dimension_numbers<[1], [0], [0], [1], [0, 0, 1, 1], [], []>, transpose_lhs_hint = false} : vector<256x1024xbf16>, vector<1024x1024xbf16>, vector<256x1024xf32> -> vector<256x1024xf32>
      %add3A_208 = vector.broadcast %get3A_202 : vector<256x1xf32> to vector<256x1024xf32>
      %add3A_209 = arith.addf %add3A_208, %dot_general3A_207 : vector<256x1024xf32>
      %slice3A_210 = vector.extract_strided_slice %add3A_209 {offsets = [0, 1023], sizes = [256, 1], strides = [1, 1]} : vector<256x1024xf32> to vector<256x1xf32>
      %swap3A_211 = arith.constant 0 : index
      %swap3A_212 = arith.constant 0 : index
      %swap3A_213 = vector.load %arg9[%swap3A_211, %swap3A_212] : memref<256x1xf32, #tpu.memory_space<vmem>>, vector<256x1xf32>
      tpu.vector_store %arg9[%swap3A_211, %swap3A_212], %slice3A_210 {strides = array<i32>} : memref<256x1xf32, #tpu.memory_space<vmem>>, vector<256x1xf32>,
      %le3A = arith.constant 0.000000e+00 : f32
      %le3A_214 = vector.broadcast %le3A : f32 to vector<256x1024xf32>
      %le3A_215 = arith.cmpf ole, %add3A_209, %le3A_214 : vector<256x1024xf32>
      %jit3A_216 = arith.constant 1.000000e+00 : f32
      %jit3A_217 = arith.constant 0.000000e+00 : f32
      %broadcast_in_dim3A_218 = vector.broadcast %jit3A_216 : f32 to vector<256x1024xf32>
      %broadcast_in_dim3A_219 = vector.broadcast %jit3A_217 : f32 to vector<256x1024xf32>
      %select_n3A_220 = arith.select %le3A_215, %broadcast_in_dim3A_218, %broadcast_in_dim3A_219 : vector<256x1024xi1>, vector<256x1024xf32>
      %reduce_sum3A = arith.constant dense<0.000000e+00> : vector<256xf32>
      %reduce_sum3A_221 = vector.multi_reduction <add>, %select_n3A_220, %reduce_sum3A [1] : vector<256x1024xf32> to vector<256xf32>
      %broadcast_in_dim3A_222 = vector.shape_cast %reduce_sum3A_221 : vector<256xf32> to vector<256x1xf32>
      %le3A_223 = arith.constant 1.000000e+00 : f32
      %le3A_224 = vector.broadcast %le3A_223 : f32 to vector<256x1024xf32>
      %le3A_225 = arith.cmpf ole, %add3A_209, %le3A_224 : vector<256x1024xf32>
      %jit3A_226 = arith.constant 1.000000e+00 : f32
      %jit3A_227 = arith.constant 0.000000e+00 : f32
      %broadcast_in_dim3A_228 = vector.broadcast %jit3A_226 : f32 to vector<256x1024xf32>
      %broadcast_in_dim3A_229 = vector.broadcast %jit3A_227 : f32 to vector<256x1024xf32>
      %select_n3A_230 = arith.select %le3A_225, %broadcast_in_dim3A_228, %broadcast_in_dim3A_229 : vector<256x1024xi1>, vector<256x1024xf32>
      %reduce_sum3A_231 = arith.constant dense<0.000000e+00> : vector<256xf32>
      %reduce_sum3A_232 = vector.multi_reduction <add>, %select_n3A_230, %reduce_sum3A_231 [1] : vector<256x1024xf32> to vector<256xf32>
      %broadcast_in_dim3A_233 = vector.shape_cast %reduce_sum3A_232 : vector<256xf32> to vector<256x1xf32>
      %le3A_234 = arith.constant 2.000000e+00 : f32
      %le3A_235 = vector.broadcast %le3A_234 : f32 to vector<256x1024xf32>
      %le3A_236 = arith.cmpf ole, %add3A_209, %le3A_235 : vector<256x1024xf32>
      %jit3A_237 = arith.constant 1.000000e+00 : f32
      %jit3A_238 = arith.constant 0.000000e+00 : f32
      %broadcast_in_dim3A_239 = vector.broadcast %jit3A_237 : f32 to vector<256x1024xf32>
      %broadcast_in_dim3A_240 = vector.broadcast %jit3A_238 : f32 to vector<256x1024xf32>
      %select_n3A_241 = arith.select %le3A_236, %broadcast_in_dim3A_239, %broadcast_in_dim3A_240 : vector<256x1024xi1>, vector<256x1024xf32>
      %reduce_sum3A_242 = arith.constant dense<0.000000e+00> : vector<256xf32>
      %reduce_sum3A_243 = vector.multi_reduction <add>, %select_n3A_241, %reduce_sum3A_242 [1] : vector<256x1024xf32> to vector<256xf32>
      %broadcast_in_dim3A_244 = vector.shape_cast %reduce_sum3A_243 : vector<256xf32> to vector<256x1xf32>
      %le3A_245 = arith.constant 3.000000e+00 : f32
      %le3A_246 = vector.broadcast %le3A_245 : f32 to vector<256x1024xf32>
      %le3A_247 = arith.cmpf ole, %add3A_209, %le3A_246 : vector<256x1024xf32>
      %jit3A_248 = arith.constant 1.000000e+00 : f32
      %jit3A_249 = arith.constant 0.000000e+00 : f32
      %broadcast_in_dim3A_250 = vector.broadcast %jit3A_248 : f32 to vector<256x1024xf32>
      %broadcast_in_dim3A_251 = vector.broadcast %jit3A_249 : f32 to vector<256x1024xf32>
      %select_n3A_252 = arith.select %le3A_247, %broadcast_in_dim3A_250, %broadcast_in_dim3A_251 : vector<256x1024xi1>, vector<256x1024xf32>
      %reduce_sum3A_253 = arith.constant dense<0.000000e+00> : vector<256xf32>
      %reduce_sum3A_254 = vector.multi_reduction <add>, %select_n3A_252, %reduce_sum3A_253 [1] : vector<256x1024xf32> to vector<256xf32>
      %broadcast_in_dim3A_255 = vector.shape_cast %reduce_sum3A_254 : vector<256xf32> to vector<256x1xf32>
      %le3A_256 = arith.constant 4.000000e+00 : f32
      %le3A_257 = vector.broadcast %le3A_256 : f32 to vector<256x1024xf32>
      %le3A_258 = arith.cmpf ole, %add3A_209, %le3A_257 : vector<256x1024xf32>
      %jit3A_259 = arith.constant 1.000000e+00 : f32
      %jit3A_260 = arith.constant 0.000000e+00 : f32
      %broadcast_in_dim3A_261 = vector.broadcast %jit3A_259 : f32 to vector<256x1024xf32>
      %broadcast_in_dim3A_262 = vector.broadcast %jit3A_260 : f32 to vector<256x1024xf32>
      %select_n3A_263 = arith.select %le3A_258, %broadcast_in_dim3A_261, %broadcast_in_dim3A_262 : vector<256x1024xi1>, vector<256x1024xf32>
      %reduce_sum3A_264 = arith.constant dense<0.000000e+00> : vector<256xf32>
      %reduce_sum3A_265 = vector.multi_reduction <add>, %select_n3A_263, %reduce_sum3A_264 [1] : vector<256x1024xf32> to vector<256xf32>
      %broadcast_in_dim3A_266 = vector.shape_cast %reduce_sum3A_265 : vector<256xf32> to vector<256x1xf32>
      %le3A_267 = arith.constant 5.000000e+00 : f32
      %le3A_268 = vector.broadcast %le3A_267 : f32 to vector<256x1024xf32>
      %le3A_269 = arith.cmpf ole, %add3A_209, %le3A_268 : vector<256x1024xf32>
      %jit3A_270 = arith.constant 1.000000e+00 : f32
      %jit3A_271 = arith.constant 0.000000e+00 : f32
      %broadcast_in_dim3A_272 = vector.broadcast %jit3A_270 : f32 to vector<256x1024xf32>
      %broadcast_in_dim3A_273 = vector.broadcast %jit3A_271 : f32 to vector<256x1024xf32>
      %select_n3A_274 = arith.select %le3A_269, %broadcast_in_dim3A_272, %broadcast_in_dim3A_273 : vector<256x1024xi1>, vector<256x1024xf32>
      %reduce_sum3A_275 = arith.constant dense<0.000000e+00> : vector<256xf32>
      %reduce_sum3A_276 = vector.multi_reduction <add>, %select_n3A_274, %reduce_sum3A_275 [1] : vector<256x1024xf32> to vector<256xf32>
      %broadcast_in_dim3A_277 = vector.shape_cast %reduce_sum3A_276 : vector<256xf32> to vector<256x1xf32>
      %le3A_278 = arith.constant 6.000000e+00 : f32
      %le3A_279 = vector.broadcast %le3A_278 : f32 to vector<256x1024xf32>
      %le3A_280 = arith.cmpf ole, %add3A_209, %le3A_279 : vector<256x1024xf32>
      %jit3A_281 = arith.constant 1.000000e+00 : f32
      %jit3A_282 = arith.constant 0.000000e+00 : f32
      %broadcast_in_dim3A_283 = vector.broadcast %jit3A_281 : f32 to vector<256x1024xf32>
      %broadcast_in_dim3A_284 = vector.broadcast %jit3A_282 : f32 to vector<256x1024xf32>
      %select_n3A_285 = arith.select %le3A_280, %broadcast_in_dim3A_283, %broadcast_in_dim3A_284 : vector<256x1024xi1>, vector<256x1024xf32>
      %reduce_sum3A_286 = arith.constant dense<0.000000e+00> : vector<256xf32>
      %reduce_sum3A_287 = vector.multi_reduction <add>, %select_n3A_285, %reduce_sum3A_286 [1] : vector<256x1024xf32> to vector<256xf32>
      %broadcast_in_dim3A_288 = vector.shape_cast %reduce_sum3A_287 : vector<256xf32> to vector<256x1xf32>
      %le3A_289 = arith.constant 7.000000e+00 : f32
      %le3A_290 = vector.broadcast %le3A_289 : f32 to vector<256x1024xf32>
      %le3A_291 = arith.cmpf ole, %add3A_209, %le3A_290 : vector<256x1024xf32>
      %jit3A_292 = arith.constant 1.000000e+00 : f32
      %jit3A_293 = arith.constant 0.000000e+00 : f32
      %broadcast_in_dim3A_294 = vector.broadcast %jit3A_292 : f32 to vector<256x1024xf32>
      %broadcast_in_dim3A_295 = vector.broadcast %jit3A_293 : f32 to vector<256x1024xf32>
      %select_n3A_296 = arith.select %le3A_291, %broadcast_in_dim3A_294, %broadcast_in_dim3A_295 : vector<256x1024xi1>, vector<256x1024xf32>
      %reduce_sum3A_297 = arith.constant dense<0.000000e+00> : vector<256xf32>
      %reduce_sum3A_298 = vector.multi_reduction <add>, %select_n3A_296, %reduce_sum3A_297 [1] : vector<256x1024xf32> to vector<256xf32>
      %broadcast_in_dim3A_299 = vector.shape_cast %reduce_sum3A_298 : vector<256xf32> to vector<256x1xf32>
      %le3A_300 = arith.constant 8.000000e+00 : f32
      %le3A_301 = vector.broadcast %le3A_300 : f32 to vector<256x1024xf32>
      %le3A_302 = arith.cmpf ole, %add3A_209, %le3A_301 : vector<256x1024xf32>
      %jit3A_303 = arith.constant 1.000000e+00 : f32
      %jit3A_304 = arith.constant 0.000000e+00 : f32
      %broadcast_in_dim3A_305 = vector.broadcast %jit3A_303 : f32 to vector<256x1024xf32>
      %broadcast_in_dim3A_306 = vector.broadcast %jit3A_304 : f32 to vector<256x1024xf32>
      %select_n3A_307 = arith.select %le3A_302, %broadcast_in_dim3A_305, %broadcast_in_dim3A_306 : vector<256x1024xi1>, vector<256x1024xf32>
      %reduce_sum3A_308 = arith.constant dense<0.000000e+00> : vector<256xf32>
      %reduce_sum3A_309 = vector.multi_reduction <add>, %select_n3A_307, %reduce_sum3A_308 [1] : vector<256x1024xf32> to vector<256xf32>
      %broadcast_in_dim3A_310 = vector.shape_cast %reduce_sum3A_309 : vector<256xf32> to vector<256x1xf32>
      %le3A_311 = arith.constant 9.000000e+00 : f32
      %le3A_312 = vector.broadcast %le3A_311 : f32 to vector<256x1024xf32>
      %le3A_313 = arith.cmpf ole, %add3A_209, %le3A_312 : vector<256x1024xf32>
      %jit3A_314 = arith.constant 1.000000e+00 : f32
      %jit3A_315 = arith.constant 0.000000e+00 : f32
      %broadcast_in_dim3A_316 = vector.broadcast %jit3A_314 : f32 to vector<256x1024xf32>
      %broadcast_in_dim3A_317 = vector.broadcast %jit3A_315 : f32 to vector<256x1024xf32>
      %select_n3A_318 = arith.select %le3A_313, %broadcast_in_dim3A_316, %broadcast_in_dim3A_317 : vector<256x1024xi1>, vector<256x1024xf32>
      %reduce_sum3A_319 = arith.constant dense<0.000000e+00> : vector<256xf32>
      %reduce_sum3A_320 = vector.multi_reduction <add>, %select_n3A_318, %reduce_sum3A_319 [1] : vector<256x1024xf32> to vector<256xf32>
      %broadcast_in_dim3A_321 = vector.shape_cast %reduce_sum3A_320 : vector<256xf32> to vector<256x1xf32>
      %le3A_322 = arith.constant 1.000000e+01 : f32
      %le3A_323 = vector.broadcast %le3A_322 : f32 to vector<256x1024xf32>
      %le3A_324 = arith.cmpf ole, %add3A_209, %le3A_323 : vector<256x1024xf32>
      %jit3A_325 = arith.constant 1.000000e+00 : f32
      %jit3A_326 = arith.constant 0.000000e+00 : f32
      %broadcast_in_dim3A_327 = vector.broadcast %jit3A_325 : f32 to vector<256x1024xf32>
      %broadcast_in_dim3A_328 = vector.broadcast %jit3A_326 : f32 to vector<256x1024xf32>
      %select_n3A_329 = arith.select %le3A_324, %broadcast_in_dim3A_327, %broadcast_in_dim3A_328 : vector<256x1024xi1>, vector<256x1024xf32>
      %reduce_sum3A_330 = arith.constant dense<0.000000e+00> : vector<256xf32>
      %reduce_sum3A_331 = vector.multi_reduction <add>, %select_n3A_329, %reduce_sum3A_330 [1] : vector<256x1024xf32> to vector<256xf32>
      %broadcast_in_dim3A_332 = vector.shape_cast %reduce_sum3A_331 : vector<256xf32> to vector<256x1xf32>
      %le3A_333 = arith.constant 1.100000e+01 : f32
      %le3A_334 = vector.broadcast %le3A_333 : f32 to vector<256x1024xf32>
      %le3A_335 = arith.cmpf ole, %add3A_209, %le3A_334 : vector<256x1024xf32>
      %jit3A_336 = arith.constant 1.000000e+00 : f32
      %jit3A_337 = arith.constant 0.000000e+00 : f32
      %broadcast_in_dim3A_338 = vector.broadcast %jit3A_336 : f32 to vector<256x1024xf32>
      %broadcast_in_dim3A_339 = vector.broadcast %jit3A_337 : f32 to vector<256x1024xf32>
      %select_n3A_340 = arith.select %le3A_335, %broadcast_in_dim3A_338, %broadcast_in_dim3A_339 : vector<256x1024xi1>, vector<256x1024xf32>
      %reduce_sum3A_341 = arith.constant dense<0.000000e+00> : vector<256xf32>
      %reduce_sum3A_342 = vector.multi_reduction <add>, %select_n3A_340, %reduce_sum3A_341 [1] : vector<256x1024xf32> to vector<256xf32>
      %broadcast_in_dim3A_343 = vector.shape_cast %reduce_sum3A_342 : vector<256xf32> to vector<256x1xf32>
      %le3A_344 = arith.constant 1.200000e+01 : f32
      %le3A_345 = vector.broadcast %le3A_344 : f32 to vector<256x1024xf32>
      %le3A_346 = arith.cmpf ole, %add3A_209, %le3A_345 : vector<256x1024xf32>
      %jit3A_347 = arith.constant 1.000000e+00 : f32
      %jit3A_348 = arith.constant 0.000000e+00 : f32
      %broadcast_in_dim3A_349 = vector.broadcast %jit3A_347 : f32 to vector<256x1024xf32>
      %broadcast_in_dim3A_350 = vector.broadcast %jit3A_348 : f32 to vector<256x1024xf32>
      %select_n3A_351 = arith.select %le3A_346, %broadcast_in_dim3A_349, %broadcast_in_dim3A_350 : vector<256x1024xi1>, vector<256x1024xf32>
      %reduce_sum3A_352 = arith.constant dense<0.000000e+00> : vector<256xf32>
      %reduce_sum3A_353 = vector.multi_reduction <add>, %select_n3A_351, %reduce_sum3A_352 [1] : vector<256x1024xf32> to vector<256xf32>
      %broadcast_in_dim3A_354 = vector.shape_cast %reduce_sum3A_353 : vector<256xf32> to vector<256x1xf32>
      %le3A_355 = arith.constant 1.300000e+01 : f32
      %le3A_356 = vector.broadcast %le3A_355 : f32 to vector<256x1024xf32>
      %le3A_357 = arith.cmpf ole, %add3A_209, %le3A_356 : vector<256x1024xf32>
      %jit3A_358 = arith.constant 1.000000e+00 : f32
      %jit3A_359 = arith.constant 0.000000e+00 : f32
      %broadcast_in_dim3A_360 = vector.broadcast %jit3A_358 : f32 to vector<256x1024xf32>
      %broadcast_in_dim3A_361 = vector.broadcast %jit3A_359 : f32 to vector<256x1024xf32>
      %select_n3A_362 = arith.select %le3A_357, %broadcast_in_dim3A_360, %broadcast_in_dim3A_361 : vector<256x1024xi1>, vector<256x1024xf32>
      %reduce_sum3A_363 = arith.constant dense<0.000000e+00> : vector<256xf32>
      %reduce_sum3A_364 = vector.multi_reduction <add>, %select_n3A_362, %reduce_sum3A_363 [1] : vector<256x1024xf32> to vector<256xf32>
      %broadcast_in_dim3A_365 = vector.shape_cast %reduce_sum3A_364 : vector<256xf32> to vector<256x1xf32>
      %le3A_366 = arith.constant 1.400000e+01 : f32
      %le3A_367 = vector.broadcast %le3A_366 : f32 to vector<256x1024xf32>
      %le3A_368 = arith.cmpf ole, %add3A_209, %le3A_367 : vector<256x1024xf32>
      %jit3A_369 = arith.constant 1.000000e+00 : f32
      %jit3A_370 = arith.constant 0.000000e+00 : f32
      %broadcast_in_dim3A_371 = vector.broadcast %jit3A_369 : f32 to vector<256x1024xf32>
      %broadcast_in_dim3A_372 = vector.broadcast %jit3A_370 : f32 to vector<256x1024xf32>
      %select_n3A_373 = arith.select %le3A_368, %broadcast_in_dim3A_371, %broadcast_in_dim3A_372 : vector<256x1024xi1>, vector<256x1024xf32>
      %reduce_sum3A_374 = arith.constant dense<0.000000e+00> : vector<256xf32>
      %reduce_sum3A_375 = vector.multi_reduction <add>, %select_n3A_373, %reduce_sum3A_374 [1] : vector<256x1024xf32> to vector<256xf32>
      %broadcast_in_dim3A_376 = vector.shape_cast %reduce_sum3A_375 : vector<256xf32> to vector<256x1xf32>
      %le3A_377 = arith.constant 1.500000e+01 : f32
      %le3A_378 = vector.broadcast %le3A_377 : f32 to vector<256x1024xf32>
      %le3A_379 = arith.cmpf ole, %add3A_209, %le3A_378 : vector<256x1024xf32>
      %jit3A_380 = arith.constant 1.000000e+00 : f32
      %jit3A_381 = arith.constant 0.000000e+00 : f32
      %broadcast_in_dim3A_382 = vector.broadcast %jit3A_380 : f32 to vector<256x1024xf32>
      %broadcast_in_dim3A_383 = vector.broadcast %jit3A_381 : f32 to vector<256x1024xf32>
      %select_n3A_384 = arith.select %le3A_379, %broadcast_in_dim3A_382, %broadcast_in_dim3A_383 : vector<256x1024xi1>, vector<256x1024xf32>
      %reduce_sum3A_385 = arith.constant dense<0.000000e+00> : vector<256xf32>
      %reduce_sum3A_386 = vector.multi_reduction <add>, %select_n3A_384, %reduce_sum3A_385 [1] : vector<256x1024xf32> to vector<256xf32>
      %broadcast_in_dim3A_387 = vector.shape_cast %reduce_sum3A_386 : vector<256xf32> to vector<256x1xf32>
      %le3A_388 = arith.constant 1.600000e+01 : f32
      %le3A_389 = vector.broadcast %le3A_388 : f32 to vector<256x1024xf32>
      %le3A_390 = arith.cmpf ole, %add3A_209, %le3A_389 : vector<256x1024xf32>
      %jit3A_391 = arith.constant 1.000000e+00 : f32
      %jit3A_392 = arith.constant 0.000000e+00 : f32
      %broadcast_in_dim3A_393 = vector.broadcast %jit3A_391 : f32 to vector<256x1024xf32>
      %broadcast_in_dim3A_394 = vector.broadcast %jit3A_392 : f32 to vector<256x1024xf32>
      %select_n3A_395 = arith.select %le3A_390, %broadcast_in_dim3A_393, %broadcast_in_dim3A_394 : vector<256x1024xi1>, vector<256x1024xf32>
      %reduce_sum3A_396 = arith.constant dense<0.000000e+00> : vector<256xf32>
      %reduce_sum3A_397 = vector.multi_reduction <add>, %select_n3A_395, %reduce_sum3A_396 [1] : vector<256x1024xf32> to vector<256xf32>
      %broadcast_in_dim3A_398 = vector.shape_cast %reduce_sum3A_397 : vector<256xf32> to vector<256x1xf32>
      %le3A_399 = arith.constant 1.700000e+01 : f32
      %le3A_400 = vector.broadcast %le3A_399 : f32 to vector<256x1024xf32>
      %le3A_401 = arith.cmpf ole, %add3A_209, %le3A_400 : vector<256x1024xf32>
      %jit3A_402 = arith.constant 1.000000e+00 : f32
      %jit3A_403 = arith.constant 0.000000e+00 : f32
      %broadcast_in_dim3A_404 = vector.broadcast %jit3A_402 : f32 to vector<256x1024xf32>
      %broadcast_in_dim3A_405 = vector.broadcast %jit3A_403 : f32 to vector<256x1024xf32>
      %select_n3A_406 = arith.select %le3A_401, %broadcast_in_dim3A_404, %broadcast_in_dim3A_405 : vector<256x1024xi1>, vector<256x1024xf32>
      %reduce_sum3A_407 = arith.constant dense<0.000000e+00> : vector<256xf32>
      %reduce_sum3A_408 = vector.multi_reduction <add>, %select_n3A_406, %reduce_sum3A_407 [1] : vector<256x1024xf32> to vector<256xf32>
      %broadcast_in_dim3A_409 = vector.shape_cast %reduce_sum3A_408 : vector<256xf32> to vector<256x1xf32>
      %le3A_410 = arith.constant 1.800000e+01 : f32
      %le3A_411 = vector.broadcast %le3A_410 : f32 to vector<256x1024xf32>
      %le3A_412 = arith.cmpf ole, %add3A_209, %le3A_411 : vector<256x1024xf32>
      %jit3A_413 = arith.constant 1.000000e+00 : f32
      %jit3A_414 = arith.constant 0.000000e+00 : f32
      %broadcast_in_dim3A_415 = vector.broadcast %jit3A_413 : f32 to vector<256x1024xf32>
      %broadcast_in_dim3A_416 = vector.broadcast %jit3A_414 : f32 to vector<256x1024xf32>
      %select_n3A_417 = arith.select %le3A_412, %broadcast_in_dim3A_415, %broadcast_in_dim3A_416 : vector<256x1024xi1>, vector<256x1024xf32>
      %reduce_sum3A_418 = arith.constant dense<0.000000e+00> : vector<256xf32>
      %reduce_sum3A_419 = vector.multi_reduction <add>, %select_n3A_417, %reduce_sum3A_418 [1] : vector<256x1024xf32> to vector<256xf32>
      %broadcast_in_dim3A_420 = vector.shape_cast %reduce_sum3A_419 : vector<256xf32> to vector<256x1xf32>
      %le3A_421 = arith.constant 1.900000e+01 : f32
      %le3A_422 = vector.broadcast %le3A_421 : f32 to vector<256x1024xf32>
      %le3A_423 = arith.cmpf ole, %add3A_209, %le3A_422 : vector<256x1024xf32>
      %jit3A_424 = arith.constant 1.000000e+00 : f32
      %jit3A_425 = arith.constant 0.000000e+00 : f32
      %broadcast_in_dim3A_426 = vector.broadcast %jit3A_424 : f32 to vector<256x1024xf32>
      %broadcast_in_dim3A_427 = vector.broadcast %jit3A_425 : f32 to vector<256x1024xf32>
      %select_n3A_428 = arith.select %le3A_423, %broadcast_in_dim3A_426, %broadcast_in_dim3A_427 : vector<256x1024xi1>, vector<256x1024xf32>
      %reduce_sum3A_429 = arith.constant dense<0.000000e+00> : vector<256xf32>
      %reduce_sum3A_430 = vector.multi_reduction <add>, %select_n3A_428, %reduce_sum3A_429 [1] : vector<256x1024xf32> to vector<256xf32>
      %broadcast_in_dim3A_431 = vector.shape_cast %reduce_sum3A_430 : vector<256xf32> to vector<256x1xf32>
      %le3A_432 = arith.constant 2.000000e+01 : f32
      %le3A_433 = vector.broadcast %le3A_432 : f32 to vector<256x1024xf32>
      %le3A_434 = arith.cmpf ole, %add3A_209, %le3A_433 : vector<256x1024xf32>
      %jit3A_435 = arith.constant 1.000000e+00 : f32
      %jit3A_436 = arith.constant 0.000000e+00 : f32
      %broadcast_in_dim3A_437 = vector.broadcast %jit3A_435 : f32 to vector<256x1024xf32>
      %broadcast_in_dim3A_438 = vector.broadcast %jit3A_436 : f32 to vector<256x1024xf32>
      %select_n3A_439 = arith.select %le3A_434, %broadcast_in_dim3A_437, %broadcast_in_dim3A_438 : vector<256x1024xi1>, vector<256x1024xf32>
      %reduce_sum3A_440 = arith.constant dense<0.000000e+00> : vector<256xf32>
      %reduce_sum3A_441 = vector.multi_reduction <add>, %select_n3A_439, %reduce_sum3A_440 [1] : vector<256x1024xf32> to vector<256xf32>
      %broadcast_in_dim3A_442 = vector.shape_cast %reduce_sum3A_441 : vector<256xf32> to vector<256x1xf32>
      %le3A_443 = arith.constant 2.100000e+01 : f32
      %le3A_444 = vector.broadcast %le3A_443 : f32 to vector<256x1024xf32>
      %le3A_445 = arith.cmpf ole, %add3A_209, %le3A_444 : vector<256x1024xf32>
      %jit3A_446 = arith.constant 1.000000e+00 : f32
      %jit3A_447 = arith.constant 0.000000e+00 : f32
      %broadcast_in_dim3A_448 = vector.broadcast %jit3A_446 : f32 to vector<256x1024xf32>
      %broadcast_in_dim3A_449 = vector.broadcast %jit3A_447 : f32 to vector<256x1024xf32>
      %select_n3A_450 = arith.select %le3A_445, %broadcast_in_dim3A_448, %broadcast_in_dim3A_449 : vector<256x1024xi1>, vector<256x1024xf32>
      %reduce_sum3A_451 = arith.constant dense<0.000000e+00> : vector<256xf32>
      %reduce_sum3A_452 = vector.multi_reduction <add>, %select_n3A_450, %reduce_sum3A_451 [1] : vector<256x1024xf32> to vector<256xf32>
      %broadcast_in_dim3A_453 = vector.shape_cast %reduce_sum3A_452 : vector<256xf32> to vector<256x1xf32>
      %le3A_454 = arith.constant 2.200000e+01 : f32
      %le3A_455 = vector.broadcast %le3A_454 : f32 to vector<256x1024xf32>
      %le3A_456 = arith.cmpf ole, %add3A_209, %le3A_455 : vector<256x1024xf32>
      %jit3A_457 = arith.constant 1.000000e+00 : f32
      %jit3A_458 = arith.constant 0.000000e+00 : f32
      %broadcast_in_dim3A_459 = vector.broadcast %jit3A_457 : f32 to vector<256x1024xf32>
      %broadcast_in_dim3A_460 = vector.broadcast %jit3A_458 : f32 to vector<256x1024xf32>
      %select_n3A_461 = arith.select %le3A_456, %broadcast_in_dim3A_459, %broadcast_in_dim3A_460 : vector<256x1024xi1>, vector<256x1024xf32>
      %reduce_sum3A_462 = arith.constant dense<0.000000e+00> : vector<256xf32>
      %reduce_sum3A_463 = vector.multi_reduction <add>, %select_n3A_461, %reduce_sum3A_462 [1] : vector<256x1024xf32> to vector<256xf32>
      %broadcast_in_dim3A_464 = vector.shape_cast %reduce_sum3A_463 : vector<256xf32> to vector<256x1xf32>
      %le3A_465 = arith.constant 2.300000e+01 : f32
      %le3A_466 = vector.broadcast %le3A_465 : f32 to vector<256x1024xf32>
      %le3A_467 = arith.cmpf ole, %add3A_209, %le3A_466 : vector<256x1024xf32>
      %jit3A_468 = arith.constant 1.000000e+00 : f32
      %jit3A_469 = arith.constant 0.000000e+00 : f32
      %broadcast_in_dim3A_470 = vector.broadcast %jit3A_468 : f32 to vector<256x1024xf32>
      %broadcast_in_dim3A_471 = vector.broadcast %jit3A_469 : f32 to vector<256x1024xf32>
      %select_n3A_472 = arith.select %le3A_467, %broadcast_in_dim3A_470, %broadcast_in_dim3A_471 : vector<256x1024xi1>, vector<256x1024xf32>
      %reduce_sum3A_473 = arith.constant dense<0.000000e+00> : vector<256xf32>
      %reduce_sum3A_474 = vector.multi_reduction <add>, %select_n3A_472, %reduce_sum3A_473 [1] : vector<256x1024xf32> to vector<256xf32>
      %broadcast_in_dim3A_475 = vector.shape_cast %reduce_sum3A_474 : vector<256xf32> to vector<256x1xf32>
      %le3A_476 = arith.constant 2.400000e+01 : f32
      %le3A_477 = vector.broadcast %le3A_476 : f32 to vector<256x1024xf32>
      %le3A_478 = arith.cmpf ole, %add3A_209, %le3A_477 : vector<256x1024xf32>
      %jit3A_479 = arith.constant 1.000000e+00 : f32
      %jit3A_480 = arith.constant 0.000000e+00 : f32
      %broadcast_in_dim3A_481 = vector.broadcast %jit3A_479 : f32 to vector<256x1024xf32>
      %broadcast_in_dim3A_482 = vector.broadcast %jit3A_480 : f32 to vector<256x1024xf32>
      %select_n3A_483 = arith.select %le3A_478, %broadcast_in_dim3A_481, %broadcast_in_dim3A_482 : vector<256x1024xi1>, vector<256x1024xf32>
      %reduce_sum3A_484 = arith.constant dense<0.000000e+00> : vector<256xf32>
      %reduce_sum3A_485 = vector.multi_reduction <add>, %select_n3A_483, %reduce_sum3A_484 [1] : vector<256x1024xf32> to vector<256xf32>
      %broadcast_in_dim3A_486 = vector.shape_cast %reduce_sum3A_485 : vector<256xf32> to vector<256x1xf32>
      %le3A_487 = arith.constant 2.500000e+01 : f32
      %le3A_488 = vector.broadcast %le3A_487 : f32 to vector<256x1024xf32>
      %le3A_489 = arith.cmpf ole, %add3A_209, %le3A_488 : vector<256x1024xf32>
      %jit3A_490 = arith.constant 1.000000e+00 : f32
      %jit3A_491 = arith.constant 0.000000e+00 : f32
      %broadcast_in_dim3A_492 = vector.broadcast %jit3A_490 : f32 to vector<256x1024xf32>
      %broadcast_in_dim3A_493 = vector.broadcast %jit3A_491 : f32 to vector<256x1024xf32>
      %select_n3A_494 = arith.select %le3A_489, %broadcast_in_dim3A_492, %broadcast_in_dim3A_493 : vector<256x1024xi1>, vector<256x1024xf32>
      %reduce_sum3A_495 = arith.constant dense<0.000000e+00> : vector<256xf32>
      %reduce_sum3A_496 = vector.multi_reduction <add>, %select_n3A_494, %reduce_sum3A_495 [1] : vector<256x1024xf32> to vector<256xf32>
      %broadcast_in_dim3A_497 = vector.shape_cast %reduce_sum3A_496 : vector<256xf32> to vector<256x1xf32>
      %le3A_498 = arith.constant 2.600000e+01 : f32
      %le3A_499 = vector.broadcast %le3A_498 : f32 to vector<256x1024xf32>
      %le3A_500 = arith.cmpf ole, %add3A_209, %le3A_499 : vector<256x1024xf32>
      %jit3A_501 = arith.constant 1.000000e+00 : f32
      %jit3A_502 = arith.constant 0.000000e+00 : f32
      %broadcast_in_dim3A_503 = vector.broadcast %jit3A_501 : f32 to vector<256x1024xf32>
      %broadcast_in_dim3A_504 = vector.broadcast %jit3A_502 : f32 to vector<256x1024xf32>
      %select_n3A_505 = arith.select %le3A_500, %broadcast_in_dim3A_503, %broadcast_in_dim3A_504 : vector<256x1024xi1>, vector<256x1024xf32>
      %reduce_sum3A_506 = arith.constant dense<0.000000e+00> : vector<256xf32>
      %reduce_sum3A_507 = vector.multi_reduction <add>, %select_n3A_505, %reduce_sum3A_506 [1] : vector<256x1024xf32> to vector<256xf32>
      %broadcast_in_dim3A_508 = vector.shape_cast %reduce_sum3A_507 : vector<256xf32> to vector<256x1xf32>
      %le3A_509 = arith.constant 2.700000e+01 : f32
      %le3A_510 = vector.broadcast %le3A_509 : f32 to vector<256x1024xf32>
      %le3A_511 = arith.cmpf ole, %add3A_209, %le3A_510 : vector<256x1024xf32>
      %jit3A_512 = arith.constant 1.000000e+00 : f32
      %jit3A_513 = arith.constant 0.000000e+00 : f32
      %broadcast_in_dim3A_514 = vector.broadcast %jit3A_512 : f32 to vector<256x1024xf32>
      %broadcast_in_dim3A_515 = vector.broadcast %jit3A_513 : f32 to vector<256x1024xf32>
      %select_n3A_516 = arith.select %le3A_511, %broadcast_in_dim3A_514, %broadcast_in_dim3A_515 : vector<256x1024xi1>, vector<256x1024xf32>
      %reduce_sum3A_517 = arith.constant dense<0.000000e+00> : vector<256xf32>
      %reduce_sum3A_518 = vector.multi_reduction <add>, %select_n3A_516, %reduce_sum3A_517 [1] : vector<256x1024xf32> to vector<256xf32>
      %broadcast_in_dim3A_519 = vector.shape_cast %reduce_sum3A_518 : vector<256xf32> to vector<256x1xf32>
      %le3A_520 = arith.constant 2.800000e+01 : f32
      %le3A_521 = vector.broadcast %le3A_520 : f32 to vector<256x1024xf32>
      %le3A_522 = arith.cmpf ole, %add3A_209, %le3A_521 : vector<256x1024xf32>
      %jit3A_523 = arith.constant 1.000000e+00 : f32
      %jit3A_524 = arith.constant 0.000000e+00 : f32
      %broadcast_in_dim3A_525 = vector.broadcast %jit3A_523 : f32 to vector<256x1024xf32>
      %broadcast_in_dim3A_526 = vector.broadcast %jit3A_524 : f32 to vector<256x1024xf32>
      %select_n3A_527 = arith.select %le3A_522, %broadcast_in_dim3A_525, %broadcast_in_dim3A_526 : vector<256x1024xi1>, vector<256x1024xf32>
      %reduce_sum3A_528 = arith.constant dense<0.000000e+00> : vector<256xf32>
      %reduce_sum3A_529 = vector.multi_reduction <add>, %select_n3A_527, %reduce_sum3A_528 [1] : vector<256x1024xf32> to vector<256xf32>
      %broadcast_in_dim3A_530 = vector.shape_cast %reduce_sum3A_529 : vector<256xf32> to vector<256x1xf32>
      %le3A_531 = arith.constant 2.900000e+01 : f32
      %le3A_532 = vector.broadcast %le3A_531 : f32 to vector<256x1024xf32>
      %le3A_533 = arith.cmpf ole, %add3A_209, %le3A_532 : vector<256x1024xf32>
      %jit3A_534 = arith.constant 1.000000e+00 : f32
      %jit3A_535 = arith.constant 0.000000e+00 : f32
      %broadcast_in_dim3A_536 = vector.broadcast %jit3A_534 : f32 to vector<256x1024xf32>
      %broadcast_in_dim3A_537 = vector.broadcast %jit3A_535 : f32 to vector<256x1024xf32>
      %select_n3A_538 = arith.select %le3A_533, %broadcast_in_dim3A_536, %broadcast_in_dim3A_537 : vector<256x1024xi1>, vector<256x1024xf32>
      %reduce_sum3A_539 = arith.constant dense<0.000000e+00> : vector<256xf32>
      %reduce_sum3A_540 = vector.multi_reduction <add>, %select_n3A_538, %reduce_sum3A_539 [1] : vector<256x1024xf32> to vector<256xf32>
      %broadcast_in_dim3A_541 = vector.shape_cast %reduce_sum3A_540 : vector<256xf32> to vector<256x1xf32>
      %le3A_542 = arith.constant 3.000000e+01 : f32
      %le3A_543 = vector.broadcast %le3A_542 : f32 to vector<256x1024xf32>
      %le3A_544 = arith.cmpf ole, %add3A_209, %le3A_543 : vector<256x1024xf32>
      %jit3A_545 = arith.constant 1.000000e+00 : f32
      %jit3A_546 = arith.constant 0.000000e+00 : f32
      %broadcast_in_dim3A_547 = vector.broadcast %jit3A_545 : f32 to vector<256x1024xf32>
      %broadcast_in_dim3A_548 = vector.broadcast %jit3A_546 : f32 to vector<256x1024xf32>
      %select_n3A_549 = arith.select %le3A_544, %broadcast_in_dim3A_547, %broadcast_in_dim3A_548 : vector<256x1024xi1>, vector<256x1024xf32>
      %reduce_sum3A_550 = arith.constant dense<0.000000e+00> : vector<256xf32>
      %reduce_sum3A_551 = vector.multi_reduction <add>, %select_n3A_549, %reduce_sum3A_550 [1] : vector<256x1024xf32> to vector<256xf32>
      %broadcast_in_dim3A_552 = vector.shape_cast %reduce_sum3A_551 : vector<256xf32> to vector<256x1xf32>
      %le3A_553 = arith.constant 3.100000e+01 : f32
      %le3A_554 = vector.broadcast %le3A_553 : f32 to vector<256x1024xf32>
      %le3A_555 = arith.cmpf ole, %add3A_209, %le3A_554 : vector<256x1024xf32>
      %jit3A_556 = arith.constant 1.000000e+00 : f32
      %jit3A_557 = arith.constant 0.000000e+00 : f32
      %broadcast_in_dim3A_558 = vector.broadcast %jit3A_556 : f32 to vector<256x1024xf32>
      %broadcast_in_dim3A_559 = vector.broadcast %jit3A_557 : f32 to vector<256x1024xf32>
      %select_n3A_560 = arith.select %le3A_555, %broadcast_in_dim3A_558, %broadcast_in_dim3A_559 : vector<256x1024xi1>, vector<256x1024xf32>
      %reduce_sum3A_561 = arith.constant dense<0.000000e+00> : vector<256xf32>
      %reduce_sum3A_562 = vector.multi_reduction <add>, %select_n3A_560, %reduce_sum3A_561 [1] : vector<256x1024xf32> to vector<256xf32>
      %broadcast_in_dim3A_563 = vector.shape_cast %reduce_sum3A_562 : vector<256xf32> to vector<256x1xf32>
      %get3A_564 = arith.constant 0 : index
      %get3A_565 = arith.constant 0 : index
      %get3A_566 = vector.load %arg8[%get3A_564, %get3A_565] : memref<256x32xf32, #tpu.memory_space<vmem>>, vector<256x32xf32>
      %concatenate3A = tpu.concatenate %broadcast_in_dim3A_222, %broadcast_in_dim3A_233, %broadcast_in_dim3A_244, %broadcast_in_dim3A_255, %broadcast_in_dim3A_266, %broadcast_in_dim3A_277, %broadcast_in_dim3A_288, %broadcast_in_dim3A_299, %broadcast_in_dim3A_310, %broadcast_in_dim3A_321, %broadcast_in_dim3A_332, %broadcast_in_dim3A_343, %broadcast_in_dim3A_354, %broadcast_in_dim3A_365, %broadcast_in_dim3A_376, %broadcast_in_dim3A_387, %broadcast_in_dim3A_398, %broadcast_in_dim3A_409, %broadcast_in_dim3A_420, %broadcast_in_dim3A_431, %broadcast_in_dim3A_442, %broadcast_in_dim3A_453, %broadcast_in_dim3A_464, %broadcast_in_dim3A_475, %broadcast_in_dim3A_486, %broadcast_in_dim3A_497, %broadcast_in_dim3A_508, %broadcast_in_dim3A_519, %broadcast_in_dim3A_530, %broadcast_in_dim3A_541, %broadcast_in_dim3A_552, %broadcast_in_dim3A_563 in 1 : vector<256x1xf32>, vector<256x1xf32>, vector<256x1xf32>, vector<256x1xf32>, vector<256x1xf32>, vector<256x1xf32>, vector<256x1xf32>, vector<256x1xf32>, vector<256x1xf32>, vector<256x1xf32>, vector<256x1xf32>, vector<256x1xf32>, vector<256x1xf32>, vector<256x1xf32>, vector<256x1xf32>, vector<256x1xf32>, vector<256x1xf32>, vector<256x1xf32>, vector<256x1xf32>, vector<256x1xf32>, vector<256x1xf32>, vector<256x1xf32>, vector<256x1xf32>, vector<256x1xf32>, vector<256x1xf32>, vector<256x1xf32>, vector<256x1xf32>, vector<256x1xf32>, vector<256x1xf32>, vector<256x1xf32>, vector<256x1xf32>, vector<256x1xf32> -> vector<256x32xf32>
      %add3A_567 = arith.addf %get3A_566, %concatenate3A : vector<256x32xf32>
      %swap3A_568 = arith.constant 0 : index
      %swap3A_569 = arith.constant 0 : index
      %swap3A_570 = vector.load %arg8[%swap3A_568, %swap3A_569] : memref<256x32xf32, #tpu.memory_space<vmem>>, vector<256x32xf32>
      tpu.vector_store %arg8[%swap3A_568, %swap3A_569], %add3A_567 {strides = array<i32>} : memref<256x32xf32, #tpu.memory_space<vmem>>, vector<256x32xf32>,
    } else {
    }
    %get3A_54 = arith.constant 0 : index
    %get3A_55 = arith.constant 0 : index
    %get3A_56 = vector.load %arg9[%get3A_54, %get3A_55] : memref<256x1xf32, #tpu.memory_space<vmem>>, vector<256x1xf32>
    %reduce_min3A_57 = vector.shape_cast %get3A_56 : vector<256x1xf32> to vector<1x256x1xf32>
    %reduce_min3A_58 = arith.constant dense<0x7F800000> : vector<1xf32>
    %reduce_min3A_59 = vector.multi_reduction <minimumf>, %reduce_min3A_57, %reduce_min3A_58 [1, 2] : vector<1x256x1xf32> to vector<1xf32>
    %reduce_min3A_60 = vector.shape_cast %reduce_min3A_59 : vector<1xf32> to vector<1x1x1xf32>
    %reduce_min3A_61 = vector.extract %reduce_min3A_60[0, 0, 0] : f32 from vector<1x1x1xf32>
    %lt3A_62 = arith.constant 3.200000e+01 : f32
    %lt3A_63 = arith.cmpf olt, %reduce_min3A_61, %lt3A_62 : f32
    %convert_element_type3A_64 = arith.extui %lt3A_63 : i1 to i32
    %cond3A_65 = arith.constant 0 : i32
    %cond3A_66 = arith.cmpi ne, %convert_element_type3A_64, %cond3A_65 : i32
    scf.if %cond3A_66 {
      %get3A_169 = arith.constant 0 : index
      %get3A_170 = arith.constant 0 : index
      %get3A_171 = arith.constant 3072 : index
      %get3A_172 = vector.load %arg2[%get3A_169, %get3A_170, %get3A_171] : memref<1x8x8192xf32, #tpu.memory_space<vmem>>, vector<1x8x1024xf32>
      %get3A_173 = vector.shape_cast %get3A_172 : vector<1x8x1024xf32> to vector<8x1024xf32>
      %slice3A_174 = vector.extract_strided_slice %get3A_173 {offsets = [0, 0], sizes = [1, 1024], strides = [1, 1]} : vector<8x1024xf32> to vector<1x1024xf32>
      %sub3A_175 = vector.broadcast %slice3A : vector<256x1xf32> to vector<256x1024xf32>
      %sub3A_176 = vector.broadcast %slice3A_174 : vector<1x1024xf32> to vector<256x1024xf32>
      %sub3A_177 = arith.subf %sub3A_175, %sub3A_176 : vector<256x1024xf32>
      %slice3A_178 = vector.extract_strided_slice %get3A_173 {offsets = [1, 0], sizes = [1, 1024], strides = [1, 1]} : vector<8x1024xf32> to vector<1x1024xf32>
      %sub3A_179 = vector.broadcast %slice3A_8 : vector<256x1xf32> to vector<256x1024xf32>
      %sub3A_180 = vector.broadcast %slice3A_178 : vector<1x1024xf32> to vector<256x1024xf32>
      %sub3A_181 = arith.subf %sub3A_179, %sub3A_180 : vector<256x1024xf32>
      %slice3A_182 = vector.extract_strided_slice %get3A_173 {offsets = [2, 0], sizes = [1, 1024], strides = [1, 1]} : vector<8x1024xf32> to vector<1x1024xf32>
      %sub3A_183 = vector.broadcast %slice3A_9 : vector<256x1xf32> to vector<256x1024xf32>
      %sub3A_184 = vector.broadcast %slice3A_182 : vector<1x1024xf32> to vector<256x1024xf32>
      %sub3A_185 = arith.subf %sub3A_183, %sub3A_184 : vector<256x1024xf32>
      %mul3A_186 = arith.mulf %sub3A_177, %sub3A_177 : vector<256x1024xf32>
      %mul3A_187 = arith.mulf %sub3A_181, %sub3A_181 : vector<256x1024xf32>
      %add3A_188 = arith.addf %mul3A_186, %mul3A_187 : vector<256x1024xf32>
      %mul3A_189 = arith.mulf %sub3A_185, %sub3A_185 : vector<256x1024xf32>
      %add3A_190 = arith.addf %add3A_188, %mul3A_189 : vector<256x1024xf32>
      %lt3A_191 = arith.constant 4.000000e-02 : f32
      %lt3A_192 = vector.broadcast %lt3A_191 : f32 to vector<256x1024xf32>
      %lt3A_193 = arith.cmpf olt, %add3A_190, %lt3A_192 : vector<256x1024xf32>
      %jit3A_194 = arith.constant 1.000000e+00 : f32
      %jit3A_195 = arith.constant 0.000000e+00 : f32
      %broadcast_in_dim3A_196 = vector.broadcast %jit3A_194 : f32 to vector<256x1024xf32>
      %broadcast_in_dim3A_197 = vector.broadcast %jit3A_195 : f32 to vector<256x1024xf32>
      %select_n3A_198 = arith.select %lt3A_193, %broadcast_in_dim3A_196, %broadcast_in_dim3A_197 : vector<256x1024xi1>, vector<256x1024xf32>
      %convert_element_type3A_199 = arith.truncf %select_n3A_198 : vector<256x1024xf32> to vector<256x1024xbf16>
      %get3A_200 = arith.constant 0 : index
      %get3A_201 = arith.constant 0 : index
      %get3A_202 = vector.load %arg9[%get3A_200, %get3A_201] : memref<256x1xf32, #tpu.memory_space<vmem>>, vector<256x1xf32>
      %get3A_203 = arith.constant 0 : index
      %get3A_204 = arith.constant 0 : index
      %get3A_205 = vector.load %arg4[%get3A_203, %get3A_204] : memref<1024x1024xbf16, #tpu.memory_space<vmem>>, vector<1024x1024xbf16>
      %dot_general3A_206 = arith.constant dense<0.000000e+00> : vector<256x1024xf32>
      %dot_general3A_207 = tpu.matmul %convert_element_type3A_199, %get3A_205, %dot_general3A_206 {dimension_numbers = #tpu.dot_dimension_numbers<[1], [0], [0], [1], [0, 0, 1, 1], [], []>, transpose_lhs_hint = false} : vector<256x1024xbf16>, vector<1024x1024xbf16>, vector<256x1024xf32> -> vector<256x1024xf32>
      %add3A_208 = vector.broadcast %get3A_202 : vector<256x1xf32> to vector<256x1024xf32>
      %add3A_209 = arith.addf %add3A_208, %dot_general3A_207 : vector<256x1024xf32>
      %slice3A_210 = vector.extract_strided_slice %add3A_209 {offsets = [0, 1023], sizes = [256, 1], strides = [1, 1]} : vector<256x1024xf32> to vector<256x1xf32>
      %swap3A_211 = arith.constant 0 : index
      %swap3A_212 = arith.constant 0 : index
      %swap3A_213 = vector.load %arg9[%swap3A_211, %swap3A_212] : memref<256x1xf32, #tpu.memory_space<vmem>>, vector<256x1xf32>
      tpu.vector_store %arg9[%swap3A_211, %swap3A_212], %slice3A_210 {strides = array<i32>} : memref<256x1xf32, #tpu.memory_space<vmem>>, vector<256x1xf32>,
      %le3A = arith.constant 0.000000e+00 : f32
      %le3A_214 = vector.broadcast %le3A : f32 to vector<256x1024xf32>
      %le3A_215 = arith.cmpf ole, %add3A_209, %le3A_214 : vector<256x1024xf32>
      %jit3A_216 = arith.constant 1.000000e+00 : f32
      %jit3A_217 = arith.constant 0.000000e+00 : f32
      %broadcast_in_dim3A_218 = vector.broadcast %jit3A_216 : f32 to vector<256x1024xf32>
      %broadcast_in_dim3A_219 = vector.broadcast %jit3A_217 : f32 to vector<256x1024xf32>
      %select_n3A_220 = arith.select %le3A_215, %broadcast_in_dim3A_218, %broadcast_in_dim3A_219 : vector<256x1024xi1>, vector<256x1024xf32>
      %reduce_sum3A = arith.constant dense<0.000000e+00> : vector<256xf32>
      %reduce_sum3A_221 = vector.multi_reduction <add>, %select_n3A_220, %reduce_sum3A [1] : vector<256x1024xf32> to vector<256xf32>
      %broadcast_in_dim3A_222 = vector.shape_cast %reduce_sum3A_221 : vector<256xf32> to vector<256x1xf32>
      %le3A_223 = arith.constant 1.000000e+00 : f32
      %le3A_224 = vector.broadcast %le3A_223 : f32 to vector<256x1024xf32>
      %le3A_225 = arith.cmpf ole, %add3A_209, %le3A_224 : vector<256x1024xf32>
      %jit3A_226 = arith.constant 1.000000e+00 : f32
      %jit3A_227 = arith.constant 0.000000e+00 : f32
      %broadcast_in_dim3A_228 = vector.broadcast %jit3A_226 : f32 to vector<256x1024xf32>
      %broadcast_in_dim3A_229 = vector.broadcast %jit3A_227 : f32 to vector<256x1024xf32>
      %select_n3A_230 = arith.select %le3A_225, %broadcast_in_dim3A_228, %broadcast_in_dim3A_229 : vector<256x1024xi1>, vector<256x1024xf32>
      %reduce_sum3A_231 = arith.constant dense<0.000000e+00> : vector<256xf32>
      %reduce_sum3A_232 = vector.multi_reduction <add>, %select_n3A_230, %reduce_sum3A_231 [1] : vector<256x1024xf32> to vector<256xf32>
      %broadcast_in_dim3A_233 = vector.shape_cast %reduce_sum3A_232 : vector<256xf32> to vector<256x1xf32>
      %le3A_234 = arith.constant 2.000000e+00 : f32
      %le3A_235 = vector.broadcast %le3A_234 : f32 to vector<256x1024xf32>
      %le3A_236 = arith.cmpf ole, %add3A_209, %le3A_235 : vector<256x1024xf32>
      %jit3A_237 = arith.constant 1.000000e+00 : f32
      %jit3A_238 = arith.constant 0.000000e+00 : f32
      %broadcast_in_dim3A_239 = vector.broadcast %jit3A_237 : f32 to vector<256x1024xf32>
      %broadcast_in_dim3A_240 = vector.broadcast %jit3A_238 : f32 to vector<256x1024xf32>
      %select_n3A_241 = arith.select %le3A_236, %broadcast_in_dim3A_239, %broadcast_in_dim3A_240 : vector<256x1024xi1>, vector<256x1024xf32>
      %reduce_sum3A_242 = arith.constant dense<0.000000e+00> : vector<256xf32>
      %reduce_sum3A_243 = vector.multi_reduction <add>, %select_n3A_241, %reduce_sum3A_242 [1] : vector<256x1024xf32> to vector<256xf32>
      %broadcast_in_dim3A_244 = vector.shape_cast %reduce_sum3A_243 : vector<256xf32> to vector<256x1xf32>
      %le3A_245 = arith.constant 3.000000e+00 : f32
      %le3A_246 = vector.broadcast %le3A_245 : f32 to vector<256x1024xf32>
      %le3A_247 = arith.cmpf ole, %add3A_209, %le3A_246 : vector<256x1024xf32>
      %jit3A_248 = arith.constant 1.000000e+00 : f32
      %jit3A_249 = arith.constant 0.000000e+00 : f32
      %broadcast_in_dim3A_250 = vector.broadcast %jit3A_248 : f32 to vector<256x1024xf32>
      %broadcast_in_dim3A_251 = vector.broadcast %jit3A_249 : f32 to vector<256x1024xf32>
      %select_n3A_252 = arith.select %le3A_247, %broadcast_in_dim3A_250, %broadcast_in_dim3A_251 : vector<256x1024xi1>, vector<256x1024xf32>
      %reduce_sum3A_253 = arith.constant dense<0.000000e+00> : vector<256xf32>
      %reduce_sum3A_254 = vector.multi_reduction <add>, %select_n3A_252, %reduce_sum3A_253 [1] : vector<256x1024xf32> to vector<256xf32>
      %broadcast_in_dim3A_255 = vector.shape_cast %reduce_sum3A_254 : vector<256xf32> to vector<256x1xf32>
      %le3A_256 = arith.constant 4.000000e+00 : f32
      %le3A_257 = vector.broadcast %le3A_256 : f32 to vector<256x1024xf32>
      %le3A_258 = arith.cmpf ole, %add3A_209, %le3A_257 : vector<256x1024xf32>
      %jit3A_259 = arith.constant 1.000000e+00 : f32
      %jit3A_260 = arith.constant 0.000000e+00 : f32
      %broadcast_in_dim3A_261 = vector.broadcast %jit3A_259 : f32 to vector<256x1024xf32>
      %broadcast_in_dim3A_262 = vector.broadcast %jit3A_260 : f32 to vector<256x1024xf32>
      %select_n3A_263 = arith.select %le3A_258, %broadcast_in_dim3A_261, %broadcast_in_dim3A_262 : vector<256x1024xi1>, vector<256x1024xf32>
      %reduce_sum3A_264 = arith.constant dense<0.000000e+00> : vector<256xf32>
      %reduce_sum3A_265 = vector.multi_reduction <add>, %select_n3A_263, %reduce_sum3A_264 [1] : vector<256x1024xf32> to vector<256xf32>
      %broadcast_in_dim3A_266 = vector.shape_cast %reduce_sum3A_265 : vector<256xf32> to vector<256x1xf32>
      %le3A_267 = arith.constant 5.000000e+00 : f32
      %le3A_268 = vector.broadcast %le3A_267 : f32 to vector<256x1024xf32>
      %le3A_269 = arith.cmpf ole, %add3A_209, %le3A_268 : vector<256x1024xf32>
      %jit3A_270 = arith.constant 1.000000e+00 : f32
      %jit3A_271 = arith.constant 0.000000e+00 : f32
      %broadcast_in_dim3A_272 = vector.broadcast %jit3A_270 : f32 to vector<256x1024xf32>
      %broadcast_in_dim3A_273 = vector.broadcast %jit3A_271 : f32 to vector<256x1024xf32>
      %select_n3A_274 = arith.select %le3A_269, %broadcast_in_dim3A_272, %broadcast_in_dim3A_273 : vector<256x1024xi1>, vector<256x1024xf32>
      %reduce_sum3A_275 = arith.constant dense<0.000000e+00> : vector<256xf32>
      %reduce_sum3A_276 = vector.multi_reduction <add>, %select_n3A_274, %reduce_sum3A_275 [1] : vector<256x1024xf32> to vector<256xf32>
      %broadcast_in_dim3A_277 = vector.shape_cast %reduce_sum3A_276 : vector<256xf32> to vector<256x1xf32>
      %le3A_278 = arith.constant 6.000000e+00 : f32
      %le3A_279 = vector.broadcast %le3A_278 : f32 to vector<256x1024xf32>
      %le3A_280 = arith.cmpf ole, %add3A_209, %le3A_279 : vector<256x1024xf32>
      %jit3A_281 = arith.constant 1.000000e+00 : f32
      %jit3A_282 = arith.constant 0.000000e+00 : f32
      %broadcast_in_dim3A_283 = vector.broadcast %jit3A_281 : f32 to vector<256x1024xf32>
      %broadcast_in_dim3A_284 = vector.broadcast %jit3A_282 : f32 to vector<256x1024xf32>
      %select_n3A_285 = arith.select %le3A_280, %broadcast_in_dim3A_283, %broadcast_in_dim3A_284 : vector<256x1024xi1>, vector<256x1024xf32>
      %reduce_sum3A_286 = arith.constant dense<0.000000e+00> : vector<256xf32>
      %reduce_sum3A_287 = vector.multi_reduction <add>, %select_n3A_285, %reduce_sum3A_286 [1] : vector<256x1024xf32> to vector<256xf32>
      %broadcast_in_dim3A_288 = vector.shape_cast %reduce_sum3A_287 : vector<256xf32> to vector<256x1xf32>
      %le3A_289 = arith.constant 7.000000e+00 : f32
      %le3A_290 = vector.broadcast %le3A_289 : f32 to vector<256x1024xf32>
      %le3A_291 = arith.cmpf ole, %add3A_209, %le3A_290 : vector<256x1024xf32>
      %jit3A_292 = arith.constant 1.000000e+00 : f32
      %jit3A_293 = arith.constant 0.000000e+00 : f32
      %broadcast_in_dim3A_294 = vector.broadcast %jit3A_292 : f32 to vector<256x1024xf32>
      %broadcast_in_dim3A_295 = vector.broadcast %jit3A_293 : f32 to vector<256x1024xf32>
      %select_n3A_296 = arith.select %le3A_291, %broadcast_in_dim3A_294, %broadcast_in_dim3A_295 : vector<256x1024xi1>, vector<256x1024xf32>
      %reduce_sum3A_297 = arith.constant dense<0.000000e+00> : vector<256xf32>
      %reduce_sum3A_298 = vector.multi_reduction <add>, %select_n3A_296, %reduce_sum3A_297 [1] : vector<256x1024xf32> to vector<256xf32>
      %broadcast_in_dim3A_299 = vector.shape_cast %reduce_sum3A_298 : vector<256xf32> to vector<256x1xf32>
      %le3A_300 = arith.constant 8.000000e+00 : f32
      %le3A_301 = vector.broadcast %le3A_300 : f32 to vector<256x1024xf32>
      %le3A_302 = arith.cmpf ole, %add3A_209, %le3A_301 : vector<256x1024xf32>
      %jit3A_303 = arith.constant 1.000000e+00 : f32
      %jit3A_304 = arith.constant 0.000000e+00 : f32
      %broadcast_in_dim3A_305 = vector.broadcast %jit3A_303 : f32 to vector<256x1024xf32>
      %broadcast_in_dim3A_306 = vector.broadcast %jit3A_304 : f32 to vector<256x1024xf32>
      %select_n3A_307 = arith.select %le3A_302, %broadcast_in_dim3A_305, %broadcast_in_dim3A_306 : vector<256x1024xi1>, vector<256x1024xf32>
      %reduce_sum3A_308 = arith.constant dense<0.000000e+00> : vector<256xf32>
      %reduce_sum3A_309 = vector.multi_reduction <add>, %select_n3A_307, %reduce_sum3A_308 [1] : vector<256x1024xf32> to vector<256xf32>
      %broadcast_in_dim3A_310 = vector.shape_cast %reduce_sum3A_309 : vector<256xf32> to vector<256x1xf32>
      %le3A_311 = arith.constant 9.000000e+00 : f32
      %le3A_312 = vector.broadcast %le3A_311 : f32 to vector<256x1024xf32>
      %le3A_313 = arith.cmpf ole, %add3A_209, %le3A_312 : vector<256x1024xf32>
      %jit3A_314 = arith.constant 1.000000e+00 : f32
      %jit3A_315 = arith.constant 0.000000e+00 : f32
      %broadcast_in_dim3A_316 = vector.broadcast %jit3A_314 : f32 to vector<256x1024xf32>
      %broadcast_in_dim3A_317 = vector.broadcast %jit3A_315 : f32 to vector<256x1024xf32>
      %select_n3A_318 = arith.select %le3A_313, %broadcast_in_dim3A_316, %broadcast_in_dim3A_317 : vector<256x1024xi1>, vector<256x1024xf32>
      %reduce_sum3A_319 = arith.constant dense<0.000000e+00> : vector<256xf32>
      %reduce_sum3A_320 = vector.multi_reduction <add>, %select_n3A_318, %reduce_sum3A_319 [1] : vector<256x1024xf32> to vector<256xf32>
      %broadcast_in_dim3A_321 = vector.shape_cast %reduce_sum3A_320 : vector<256xf32> to vector<256x1xf32>
      %le3A_322 = arith.constant 1.000000e+01 : f32
      %le3A_323 = vector.broadcast %le3A_322 : f32 to vector<256x1024xf32>
      %le3A_324 = arith.cmpf ole, %add3A_209, %le3A_323 : vector<256x1024xf32>
      %jit3A_325 = arith.constant 1.000000e+00 : f32
      %jit3A_326 = arith.constant 0.000000e+00 : f32
      %broadcast_in_dim3A_327 = vector.broadcast %jit3A_325 : f32 to vector<256x1024xf32>
      %broadcast_in_dim3A_328 = vector.broadcast %jit3A_326 : f32 to vector<256x1024xf32>
      %select_n3A_329 = arith.select %le3A_324, %broadcast_in_dim3A_327, %broadcast_in_dim3A_328 : vector<256x1024xi1>, vector<256x1024xf32>
      %reduce_sum3A_330 = arith.constant dense<0.000000e+00> : vector<256xf32>
      %reduce_sum3A_331 = vector.multi_reduction <add>, %select_n3A_329, %reduce_sum3A_330 [1] : vector<256x1024xf32> to vector<256xf32>
      %broadcast_in_dim3A_332 = vector.shape_cast %reduce_sum3A_331 : vector<256xf32> to vector<256x1xf32>
      %le3A_333 = arith.constant 1.100000e+01 : f32
      %le3A_334 = vector.broadcast %le3A_333 : f32 to vector<256x1024xf32>
      %le3A_335 = arith.cmpf ole, %add3A_209, %le3A_334 : vector<256x1024xf32>
      %jit3A_336 = arith.constant 1.000000e+00 : f32
      %jit3A_337 = arith.constant 0.000000e+00 : f32
      %broadcast_in_dim3A_338 = vector.broadcast %jit3A_336 : f32 to vector<256x1024xf32>
      %broadcast_in_dim3A_339 = vector.broadcast %jit3A_337 : f32 to vector<256x1024xf32>
      %select_n3A_340 = arith.select %le3A_335, %broadcast_in_dim3A_338, %broadcast_in_dim3A_339 : vector<256x1024xi1>, vector<256x1024xf32>
      %reduce_sum3A_341 = arith.constant dense<0.000000e+00> : vector<256xf32>
      %reduce_sum3A_342 = vector.multi_reduction <add>, %select_n3A_340, %reduce_sum3A_341 [1] : vector<256x1024xf32> to vector<256xf32>
      %broadcast_in_dim3A_343 = vector.shape_cast %reduce_sum3A_342 : vector<256xf32> to vector<256x1xf32>
      %le3A_344 = arith.constant 1.200000e+01 : f32
      %le3A_345 = vector.broadcast %le3A_344 : f32 to vector<256x1024xf32>
      %le3A_346 = arith.cmpf ole, %add3A_209, %le3A_345 : vector<256x1024xf32>
      %jit3A_347 = arith.constant 1.000000e+00 : f32
      %jit3A_348 = arith.constant 0.000000e+00 : f32
      %broadcast_in_dim3A_349 = vector.broadcast %jit3A_347 : f32 to vector<256x1024xf32>
      %broadcast_in_dim3A_350 = vector.broadcast %jit3A_348 : f32 to vector<256x1024xf32>
      %select_n3A_351 = arith.select %le3A_346, %broadcast_in_dim3A_349, %broadcast_in_dim3A_350 : vector<256x1024xi1>, vector<256x1024xf32>
      %reduce_sum3A_352 = arith.constant dense<0.000000e+00> : vector<256xf32>
      %reduce_sum3A_353 = vector.multi_reduction <add>, %select_n3A_351, %reduce_sum3A_352 [1] : vector<256x1024xf32> to vector<256xf32>
      %broadcast_in_dim3A_354 = vector.shape_cast %reduce_sum3A_353 : vector<256xf32> to vector<256x1xf32>
      %le3A_355 = arith.constant 1.300000e+01 : f32
      %le3A_356 = vector.broadcast %le3A_355 : f32 to vector<256x1024xf32>
      %le3A_357 = arith.cmpf ole, %add3A_209, %le3A_356 : vector<256x1024xf32>
      %jit3A_358 = arith.constant 1.000000e+00 : f32
      %jit3A_359 = arith.constant 0.000000e+00 : f32
      %broadcast_in_dim3A_360 = vector.broadcast %jit3A_358 : f32 to vector<256x1024xf32>
      %broadcast_in_dim3A_361 = vector.broadcast %jit3A_359 : f32 to vector<256x1024xf32>
      %select_n3A_362 = arith.select %le3A_357, %broadcast_in_dim3A_360, %broadcast_in_dim3A_361 : vector<256x1024xi1>, vector<256x1024xf32>
      %reduce_sum3A_363 = arith.constant dense<0.000000e+00> : vector<256xf32>
      %reduce_sum3A_364 = vector.multi_reduction <add>, %select_n3A_362, %reduce_sum3A_363 [1] : vector<256x1024xf32> to vector<256xf32>
      %broadcast_in_dim3A_365 = vector.shape_cast %reduce_sum3A_364 : vector<256xf32> to vector<256x1xf32>
      %le3A_366 = arith.constant 1.400000e+01 : f32
      %le3A_367 = vector.broadcast %le3A_366 : f32 to vector<256x1024xf32>
      %le3A_368 = arith.cmpf ole, %add3A_209, %le3A_367 : vector<256x1024xf32>
      %jit3A_369 = arith.constant 1.000000e+00 : f32
      %jit3A_370 = arith.constant 0.000000e+00 : f32
      %broadcast_in_dim3A_371 = vector.broadcast %jit3A_369 : f32 to vector<256x1024xf32>
      %broadcast_in_dim3A_372 = vector.broadcast %jit3A_370 : f32 to vector<256x1024xf32>
      %select_n3A_373 = arith.select %le3A_368, %broadcast_in_dim3A_371, %broadcast_in_dim3A_372 : vector<256x1024xi1>, vector<256x1024xf32>
      %reduce_sum3A_374 = arith.constant dense<0.000000e+00> : vector<256xf32>
      %reduce_sum3A_375 = vector.multi_reduction <add>, %select_n3A_373, %reduce_sum3A_374 [1] : vector<256x1024xf32> to vector<256xf32>
      %broadcast_in_dim3A_376 = vector.shape_cast %reduce_sum3A_375 : vector<256xf32> to vector<256x1xf32>
      %le3A_377 = arith.constant 1.500000e+01 : f32
      %le3A_378 = vector.broadcast %le3A_377 : f32 to vector<256x1024xf32>
      %le3A_379 = arith.cmpf ole, %add3A_209, %le3A_378 : vector<256x1024xf32>
      %jit3A_380 = arith.constant 1.000000e+00 : f32
      %jit3A_381 = arith.constant 0.000000e+00 : f32
      %broadcast_in_dim3A_382 = vector.broadcast %jit3A_380 : f32 to vector<256x1024xf32>
      %broadcast_in_dim3A_383 = vector.broadcast %jit3A_381 : f32 to vector<256x1024xf32>
      %select_n3A_384 = arith.select %le3A_379, %broadcast_in_dim3A_382, %broadcast_in_dim3A_383 : vector<256x1024xi1>, vector<256x1024xf32>
      %reduce_sum3A_385 = arith.constant dense<0.000000e+00> : vector<256xf32>
      %reduce_sum3A_386 = vector.multi_reduction <add>, %select_n3A_384, %reduce_sum3A_385 [1] : vector<256x1024xf32> to vector<256xf32>
      %broadcast_in_dim3A_387 = vector.shape_cast %reduce_sum3A_386 : vector<256xf32> to vector<256x1xf32>
      %le3A_388 = arith.constant 1.600000e+01 : f32
      %le3A_389 = vector.broadcast %le3A_388 : f32 to vector<256x1024xf32>
      %le3A_390 = arith.cmpf ole, %add3A_209, %le3A_389 : vector<256x1024xf32>
      %jit3A_391 = arith.constant 1.000000e+00 : f32
      %jit3A_392 = arith.constant 0.000000e+00 : f32
      %broadcast_in_dim3A_393 = vector.broadcast %jit3A_391 : f32 to vector<256x1024xf32>
      %broadcast_in_dim3A_394 = vector.broadcast %jit3A_392 : f32 to vector<256x1024xf32>
      %select_n3A_395 = arith.select %le3A_390, %broadcast_in_dim3A_393, %broadcast_in_dim3A_394 : vector<256x1024xi1>, vector<256x1024xf32>
      %reduce_sum3A_396 = arith.constant dense<0.000000e+00> : vector<256xf32>
      %reduce_sum3A_397 = vector.multi_reduction <add>, %select_n3A_395, %reduce_sum3A_396 [1] : vector<256x1024xf32> to vector<256xf32>
      %broadcast_in_dim3A_398 = vector.shape_cast %reduce_sum3A_397 : vector<256xf32> to vector<256x1xf32>
      %le3A_399 = arith.constant 1.700000e+01 : f32
      %le3A_400 = vector.broadcast %le3A_399 : f32 to vector<256x1024xf32>
      %le3A_401 = arith.cmpf ole, %add3A_209, %le3A_400 : vector<256x1024xf32>
      %jit3A_402 = arith.constant 1.000000e+00 : f32
      %jit3A_403 = arith.constant 0.000000e+00 : f32
      %broadcast_in_dim3A_404 = vector.broadcast %jit3A_402 : f32 to vector<256x1024xf32>
      %broadcast_in_dim3A_405 = vector.broadcast %jit3A_403 : f32 to vector<256x1024xf32>
      %select_n3A_406 = arith.select %le3A_401, %broadcast_in_dim3A_404, %broadcast_in_dim3A_405 : vector<256x1024xi1>, vector<256x1024xf32>
      %reduce_sum3A_407 = arith.constant dense<0.000000e+00> : vector<256xf32>
      %reduce_sum3A_408 = vector.multi_reduction <add>, %select_n3A_406, %reduce_sum3A_407 [1] : vector<256x1024xf32> to vector<256xf32>
      %broadcast_in_dim3A_409 = vector.shape_cast %reduce_sum3A_408 : vector<256xf32> to vector<256x1xf32>
      %le3A_410 = arith.constant 1.800000e+01 : f32
      %le3A_411 = vector.broadcast %le3A_410 : f32 to vector<256x1024xf32>
      %le3A_412 = arith.cmpf ole, %add3A_209, %le3A_411 : vector<256x1024xf32>
      %jit3A_413 = arith.constant 1.000000e+00 : f32
      %jit3A_414 = arith.constant 0.000000e+00 : f32
      %broadcast_in_dim3A_415 = vector.broadcast %jit3A_413 : f32 to vector<256x1024xf32>
      %broadcast_in_dim3A_416 = vector.broadcast %jit3A_414 : f32 to vector<256x1024xf32>
      %select_n3A_417 = arith.select %le3A_412, %broadcast_in_dim3A_415, %broadcast_in_dim3A_416 : vector<256x1024xi1>, vector<256x1024xf32>
      %reduce_sum3A_418 = arith.constant dense<0.000000e+00> : vector<256xf32>
      %reduce_sum3A_419 = vector.multi_reduction <add>, %select_n3A_417, %reduce_sum3A_418 [1] : vector<256x1024xf32> to vector<256xf32>
      %broadcast_in_dim3A_420 = vector.shape_cast %reduce_sum3A_419 : vector<256xf32> to vector<256x1xf32>
      %le3A_421 = arith.constant 1.900000e+01 : f32
      %le3A_422 = vector.broadcast %le3A_421 : f32 to vector<256x1024xf32>
      %le3A_423 = arith.cmpf ole, %add3A_209, %le3A_422 : vector<256x1024xf32>
      %jit3A_424 = arith.constant 1.000000e+00 : f32
      %jit3A_425 = arith.constant 0.000000e+00 : f32
      %broadcast_in_dim3A_426 = vector.broadcast %jit3A_424 : f32 to vector<256x1024xf32>
      %broadcast_in_dim3A_427 = vector.broadcast %jit3A_425 : f32 to vector<256x1024xf32>
      %select_n3A_428 = arith.select %le3A_423, %broadcast_in_dim3A_426, %broadcast_in_dim3A_427 : vector<256x1024xi1>, vector<256x1024xf32>
      %reduce_sum3A_429 = arith.constant dense<0.000000e+00> : vector<256xf32>
      %reduce_sum3A_430 = vector.multi_reduction <add>, %select_n3A_428, %reduce_sum3A_429 [1] : vector<256x1024xf32> to vector<256xf32>
      %broadcast_in_dim3A_431 = vector.shape_cast %reduce_sum3A_430 : vector<256xf32> to vector<256x1xf32>
      %le3A_432 = arith.constant 2.000000e+01 : f32
      %le3A_433 = vector.broadcast %le3A_432 : f32 to vector<256x1024xf32>
      %le3A_434 = arith.cmpf ole, %add3A_209, %le3A_433 : vector<256x1024xf32>
      %jit3A_435 = arith.constant 1.000000e+00 : f32
      %jit3A_436 = arith.constant 0.000000e+00 : f32
      %broadcast_in_dim3A_437 = vector.broadcast %jit3A_435 : f32 to vector<256x1024xf32>
      %broadcast_in_dim3A_438 = vector.broadcast %jit3A_436 : f32 to vector<256x1024xf32>
      %select_n3A_439 = arith.select %le3A_434, %broadcast_in_dim3A_437, %broadcast_in_dim3A_438 : vector<256x1024xi1>, vector<256x1024xf32>
      %reduce_sum3A_440 = arith.constant dense<0.000000e+00> : vector<256xf32>
      %reduce_sum3A_441 = vector.multi_reduction <add>, %select_n3A_439, %reduce_sum3A_440 [1] : vector<256x1024xf32> to vector<256xf32>
      %broadcast_in_dim3A_442 = vector.shape_cast %reduce_sum3A_441 : vector<256xf32> to vector<256x1xf32>
      %le3A_443 = arith.constant 2.100000e+01 : f32
      %le3A_444 = vector.broadcast %le3A_443 : f32 to vector<256x1024xf32>
      %le3A_445 = arith.cmpf ole, %add3A_209, %le3A_444 : vector<256x1024xf32>
      %jit3A_446 = arith.constant 1.000000e+00 : f32
      %jit3A_447 = arith.constant 0.000000e+00 : f32
      %broadcast_in_dim3A_448 = vector.broadcast %jit3A_446 : f32 to vector<256x1024xf32>
      %broadcast_in_dim3A_449 = vector.broadcast %jit3A_447 : f32 to vector<256x1024xf32>
      %select_n3A_450 = arith.select %le3A_445, %broadcast_in_dim3A_448, %broadcast_in_dim3A_449 : vector<256x1024xi1>, vector<256x1024xf32>
      %reduce_sum3A_451 = arith.constant dense<0.000000e+00> : vector<256xf32>
      %reduce_sum3A_452 = vector.multi_reduction <add>, %select_n3A_450, %reduce_sum3A_451 [1] : vector<256x1024xf32> to vector<256xf32>
      %broadcast_in_dim3A_453 = vector.shape_cast %reduce_sum3A_452 : vector<256xf32> to vector<256x1xf32>
      %le3A_454 = arith.constant 2.200000e+01 : f32
      %le3A_455 = vector.broadcast %le3A_454 : f32 to vector<256x1024xf32>
      %le3A_456 = arith.cmpf ole, %add3A_209, %le3A_455 : vector<256x1024xf32>
      %jit3A_457 = arith.constant 1.000000e+00 : f32
      %jit3A_458 = arith.constant 0.000000e+00 : f32
      %broadcast_in_dim3A_459 = vector.broadcast %jit3A_457 : f32 to vector<256x1024xf32>
      %broadcast_in_dim3A_460 = vector.broadcast %jit3A_458 : f32 to vector<256x1024xf32>
      %select_n3A_461 = arith.select %le3A_456, %broadcast_in_dim3A_459, %broadcast_in_dim3A_460 : vector<256x1024xi1>, vector<256x1024xf32>
      %reduce_sum3A_462 = arith.constant dense<0.000000e+00> : vector<256xf32>
      %reduce_sum3A_463 = vector.multi_reduction <add>, %select_n3A_461, %reduce_sum3A_462 [1] : vector<256x1024xf32> to vector<256xf32>
      %broadcast_in_dim3A_464 = vector.shape_cast %reduce_sum3A_463 : vector<256xf32> to vector<256x1xf32>
      %le3A_465 = arith.constant 2.300000e+01 : f32
      %le3A_466 = vector.broadcast %le3A_465 : f32 to vector<256x1024xf32>
      %le3A_467 = arith.cmpf ole, %add3A_209, %le3A_466 : vector<256x1024xf32>
      %jit3A_468 = arith.constant 1.000000e+00 : f32
      %jit3A_469 = arith.constant 0.000000e+00 : f32
      %broadcast_in_dim3A_470 = vector.broadcast %jit3A_468 : f32 to vector<256x1024xf32>
      %broadcast_in_dim3A_471 = vector.broadcast %jit3A_469 : f32 to vector<256x1024xf32>
      %select_n3A_472 = arith.select %le3A_467, %broadcast_in_dim3A_470, %broadcast_in_dim3A_471 : vector<256x1024xi1>, vector<256x1024xf32>
      %reduce_sum3A_473 = arith.constant dense<0.000000e+00> : vector<256xf32>
      %reduce_sum3A_474 = vector.multi_reduction <add>, %select_n3A_472, %reduce_sum3A_473 [1] : vector<256x1024xf32> to vector<256xf32>
      %broadcast_in_dim3A_475 = vector.shape_cast %reduce_sum3A_474 : vector<256xf32> to vector<256x1xf32>
      %le3A_476 = arith.constant 2.400000e+01 : f32
      %le3A_477 = vector.broadcast %le3A_476 : f32 to vector<256x1024xf32>
      %le3A_478 = arith.cmpf ole, %add3A_209, %le3A_477 : vector<256x1024xf32>
      %jit3A_479 = arith.constant 1.000000e+00 : f32
      %jit3A_480 = arith.constant 0.000000e+00 : f32
      %broadcast_in_dim3A_481 = vector.broadcast %jit3A_479 : f32 to vector<256x1024xf32>
      %broadcast_in_dim3A_482 = vector.broadcast %jit3A_480 : f32 to vector<256x1024xf32>
      %select_n3A_483 = arith.select %le3A_478, %broadcast_in_dim3A_481, %broadcast_in_dim3A_482 : vector<256x1024xi1>, vector<256x1024xf32>
      %reduce_sum3A_484 = arith.constant dense<0.000000e+00> : vector<256xf32>
      %reduce_sum3A_485 = vector.multi_reduction <add>, %select_n3A_483, %reduce_sum3A_484 [1] : vector<256x1024xf32> to vector<256xf32>
      %broadcast_in_dim3A_486 = vector.shape_cast %reduce_sum3A_485 : vector<256xf32> to vector<256x1xf32>
      %le3A_487 = arith.constant 2.500000e+01 : f32
      %le3A_488 = vector.broadcast %le3A_487 : f32 to vector<256x1024xf32>
      %le3A_489 = arith.cmpf ole, %add3A_209, %le3A_488 : vector<256x1024xf32>
      %jit3A_490 = arith.constant 1.000000e+00 : f32
      %jit3A_491 = arith.constant 0.000000e+00 : f32
      %broadcast_in_dim3A_492 = vector.broadcast %jit3A_490 : f32 to vector<256x1024xf32>
      %broadcast_in_dim3A_493 = vector.broadcast %jit3A_491 : f32 to vector<256x1024xf32>
      %select_n3A_494 = arith.select %le3A_489, %broadcast_in_dim3A_492, %broadcast_in_dim3A_493 : vector<256x1024xi1>, vector<256x1024xf32>
      %reduce_sum3A_495 = arith.constant dense<0.000000e+00> : vector<256xf32>
      %reduce_sum3A_496 = vector.multi_reduction <add>, %select_n3A_494, %reduce_sum3A_495 [1] : vector<256x1024xf32> to vector<256xf32>
      %broadcast_in_dim3A_497 = vector.shape_cast %reduce_sum3A_496 : vector<256xf32> to vector<256x1xf32>
      %le3A_498 = arith.constant 2.600000e+01 : f32
      %le3A_499 = vector.broadcast %le3A_498 : f32 to vector<256x1024xf32>
      %le3A_500 = arith.cmpf ole, %add3A_209, %le3A_499 : vector<256x1024xf32>
      %jit3A_501 = arith.constant 1.000000e+00 : f32
      %jit3A_502 = arith.constant 0.000000e+00 : f32
      %broadcast_in_dim3A_503 = vector.broadcast %jit3A_501 : f32 to vector<256x1024xf32>
      %broadcast_in_dim3A_504 = vector.broadcast %jit3A_502 : f32 to vector<256x1024xf32>
      %select_n3A_505 = arith.select %le3A_500, %broadcast_in_dim3A_503, %broadcast_in_dim3A_504 : vector<256x1024xi1>, vector<256x1024xf32>
      %reduce_sum3A_506 = arith.constant dense<0.000000e+00> : vector<256xf32>
      %reduce_sum3A_507 = vector.multi_reduction <add>, %select_n3A_505, %reduce_sum3A_506 [1] : vector<256x1024xf32> to vector<256xf32>
      %broadcast_in_dim3A_508 = vector.shape_cast %reduce_sum3A_507 : vector<256xf32> to vector<256x1xf32>
      %le3A_509 = arith.constant 2.700000e+01 : f32
      %le3A_510 = vector.broadcast %le3A_509 : f32 to vector<256x1024xf32>
      %le3A_511 = arith.cmpf ole, %add3A_209, %le3A_510 : vector<256x1024xf32>
      %jit3A_512 = arith.constant 1.000000e+00 : f32
      %jit3A_513 = arith.constant 0.000000e+00 : f32
      %broadcast_in_dim3A_514 = vector.broadcast %jit3A_512 : f32 to vector<256x1024xf32>
      %broadcast_in_dim3A_515 = vector.broadcast %jit3A_513 : f32 to vector<256x1024xf32>
      %select_n3A_516 = arith.select %le3A_511, %broadcast_in_dim3A_514, %broadcast_in_dim3A_515 : vector<256x1024xi1>, vector<256x1024xf32>
      %reduce_sum3A_517 = arith.constant dense<0.000000e+00> : vector<256xf32>
      %reduce_sum3A_518 = vector.multi_reduction <add>, %select_n3A_516, %reduce_sum3A_517 [1] : vector<256x1024xf32> to vector<256xf32>
      %broadcast_in_dim3A_519 = vector.shape_cast %reduce_sum3A_518 : vector<256xf32> to vector<256x1xf32>
      %le3A_520 = arith.constant 2.800000e+01 : f32
      %le3A_521 = vector.broadcast %le3A_520 : f32 to vector<256x1024xf32>
      %le3A_522 = arith.cmpf ole, %add3A_209, %le3A_521 : vector<256x1024xf32>
      %jit3A_523 = arith.constant 1.000000e+00 : f32
      %jit3A_524 = arith.constant 0.000000e+00 : f32
      %broadcast_in_dim3A_525 = vector.broadcast %jit3A_523 : f32 to vector<256x1024xf32>
      %broadcast_in_dim3A_526 = vector.broadcast %jit3A_524 : f32 to vector<256x1024xf32>
      %select_n3A_527 = arith.select %le3A_522, %broadcast_in_dim3A_525, %broadcast_in_dim3A_526 : vector<256x1024xi1>, vector<256x1024xf32>
      %reduce_sum3A_528 = arith.constant dense<0.000000e+00> : vector<256xf32>
      %reduce_sum3A_529 = vector.multi_reduction <add>, %select_n3A_527, %reduce_sum3A_528 [1] : vector<256x1024xf32> to vector<256xf32>
      %broadcast_in_dim3A_530 = vector.shape_cast %reduce_sum3A_529 : vector<256xf32> to vector<256x1xf32>
      %le3A_531 = arith.constant 2.900000e+01 : f32
      %le3A_532 = vector.broadcast %le3A_531 : f32 to vector<256x1024xf32>
      %le3A_533 = arith.cmpf ole, %add3A_209, %le3A_532 : vector<256x1024xf32>
      %jit3A_534 = arith.constant 1.000000e+00 : f32
      %jit3A_535 = arith.constant 0.000000e+00 : f32
      %broadcast_in_dim3A_536 = vector.broadcast %jit3A_534 : f32 to vector<256x1024xf32>
      %broadcast_in_dim3A_537 = vector.broadcast %jit3A_535 : f32 to vector<256x1024xf32>
      %select_n3A_538 = arith.select %le3A_533, %broadcast_in_dim3A_536, %broadcast_in_dim3A_537 : vector<256x1024xi1>, vector<256x1024xf32>
      %reduce_sum3A_539 = arith.constant dense<0.000000e+00> : vector<256xf32>
      %reduce_sum3A_540 = vector.multi_reduction <add>, %select_n3A_538, %reduce_sum3A_539 [1] : vector<256x1024xf32> to vector<256xf32>
      %broadcast_in_dim3A_541 = vector.shape_cast %reduce_sum3A_540 : vector<256xf32> to vector<256x1xf32>
      %le3A_542 = arith.constant 3.000000e+01 : f32
      %le3A_543 = vector.broadcast %le3A_542 : f32 to vector<256x1024xf32>
      %le3A_544 = arith.cmpf ole, %add3A_209, %le3A_543 : vector<256x1024xf32>
      %jit3A_545 = arith.constant 1.000000e+00 : f32
      %jit3A_546 = arith.constant 0.000000e+00 : f32
      %broadcast_in_dim3A_547 = vector.broadcast %jit3A_545 : f32 to vector<256x1024xf32>
      %broadcast_in_dim3A_548 = vector.broadcast %jit3A_546 : f32 to vector<256x1024xf32>
      %select_n3A_549 = arith.select %le3A_544, %broadcast_in_dim3A_547, %broadcast_in_dim3A_548 : vector<256x1024xi1>, vector<256x1024xf32>
      %reduce_sum3A_550 = arith.constant dense<0.000000e+00> : vector<256xf32>
      %reduce_sum3A_551 = vector.multi_reduction <add>, %select_n3A_549, %reduce_sum3A_550 [1] : vector<256x1024xf32> to vector<256xf32>
      %broadcast_in_dim3A_552 = vector.shape_cast %reduce_sum3A_551 : vector<256xf32> to vector<256x1xf32>
      %le3A_553 = arith.constant 3.100000e+01 : f32
      %le3A_554 = vector.broadcast %le3A_553 : f32 to vector<256x1024xf32>
      %le3A_555 = arith.cmpf ole, %add3A_209, %le3A_554 : vector<256x1024xf32>
      %jit3A_556 = arith.constant 1.000000e+00 : f32
      %jit3A_557 = arith.constant 0.000000e+00 : f32
      %broadcast_in_dim3A_558 = vector.broadcast %jit3A_556 : f32 to vector<256x1024xf32>
      %broadcast_in_dim3A_559 = vector.broadcast %jit3A_557 : f32 to vector<256x1024xf32>
      %select_n3A_560 = arith.select %le3A_555, %broadcast_in_dim3A_558, %broadcast_in_dim3A_559 : vector<256x1024xi1>, vector<256x1024xf32>
      %reduce_sum3A_561 = arith.constant dense<0.000000e+00> : vector<256xf32>
      %reduce_sum3A_562 = vector.multi_reduction <add>, %select_n3A_560, %reduce_sum3A_561 [1] : vector<256x1024xf32> to vector<256xf32>
      %broadcast_in_dim3A_563 = vector.shape_cast %reduce_sum3A_562 : vector<256xf32> to vector<256x1xf32>
      %get3A_564 = arith.constant 0 : index
      %get3A_565 = arith.constant 0 : index
      %get3A_566 = vector.load %arg8[%get3A_564, %get3A_565] : memref<256x32xf32, #tpu.memory_space<vmem>>, vector<256x32xf32>
      %concatenate3A = tpu.concatenate %broadcast_in_dim3A_222, %broadcast_in_dim3A_233, %broadcast_in_dim3A_244, %broadcast_in_dim3A_255, %broadcast_in_dim3A_266, %broadcast_in_dim3A_277, %broadcast_in_dim3A_288, %broadcast_in_dim3A_299, %broadcast_in_dim3A_310, %broadcast_in_dim3A_321, %broadcast_in_dim3A_332, %broadcast_in_dim3A_343, %broadcast_in_dim3A_354, %broadcast_in_dim3A_365, %broadcast_in_dim3A_376, %broadcast_in_dim3A_387, %broadcast_in_dim3A_398, %broadcast_in_dim3A_409, %broadcast_in_dim3A_420, %broadcast_in_dim3A_431, %broadcast_in_dim3A_442, %broadcast_in_dim3A_453, %broadcast_in_dim3A_464, %broadcast_in_dim3A_475, %broadcast_in_dim3A_486, %broadcast_in_dim3A_497, %broadcast_in_dim3A_508, %broadcast_in_dim3A_519, %broadcast_in_dim3A_530, %broadcast_in_dim3A_541, %broadcast_in_dim3A_552, %broadcast_in_dim3A_563 in 1 : vector<256x1xf32>, vector<256x1xf32>, vector<256x1xf32>, vector<256x1xf32>, vector<256x1xf32>, vector<256x1xf32>, vector<256x1xf32>, vector<256x1xf32>, vector<256x1xf32>, vector<256x1xf32>, vector<256x1xf32>, vector<256x1xf32>, vector<256x1xf32>, vector<256x1xf32>, vector<256x1xf32>, vector<256x1xf32>, vector<256x1xf32>, vector<256x1xf32>, vector<256x1xf32>, vector<256x1xf32>, vector<256x1xf32>, vector<256x1xf32>, vector<256x1xf32>, vector<256x1xf32>, vector<256x1xf32>, vector<256x1xf32>, vector<256x1xf32>, vector<256x1xf32>, vector<256x1xf32>, vector<256x1xf32>, vector<256x1xf32>, vector<256x1xf32> -> vector<256x32xf32>
      %add3A_567 = arith.addf %get3A_566, %concatenate3A : vector<256x32xf32>
      %swap3A_568 = arith.constant 0 : index
      %swap3A_569 = arith.constant 0 : index
      %swap3A_570 = vector.load %arg8[%swap3A_568, %swap3A_569] : memref<256x32xf32, #tpu.memory_space<vmem>>, vector<256x32xf32>
      tpu.vector_store %arg8[%swap3A_568, %swap3A_569], %add3A_567 {strides = array<i32>} : memref<256x32xf32, #tpu.memory_space<vmem>>, vector<256x32xf32>,
    } else {
    }
    %get3A_67 = arith.constant 0 : index
    %get3A_68 = arith.constant 0 : index
    %get3A_69 = vector.load %arg9[%get3A_67, %get3A_68] : memref<256x1xf32, #tpu.memory_space<vmem>>, vector<256x1xf32>
    %reduce_min3A_70 = vector.shape_cast %get3A_69 : vector<256x1xf32> to vector<1x256x1xf32>
    %reduce_min3A_71 = arith.constant dense<0x7F800000> : vector<1xf32>
    %reduce_min3A_72 = vector.multi_reduction <minimumf>, %reduce_min3A_70, %reduce_min3A_71 [1, 2] : vector<1x256x1xf32> to vector<1xf32>
    %reduce_min3A_73 = vector.shape_cast %reduce_min3A_72 : vector<1xf32> to vector<1x1x1xf32>
    %reduce_min3A_74 = vector.extract %reduce_min3A_73[0, 0, 0] : f32 from vector<1x1x1xf32>
    %lt3A_75 = arith.constant 3.200000e+01 : f32
    %lt3A_76 = arith.cmpf olt, %reduce_min3A_74, %lt3A_75 : f32
    %convert_element_type3A_77 = arith.extui %lt3A_76 : i1 to i32
    %cond3A_78 = arith.constant 0 : i32
    %cond3A_79 = arith.cmpi ne, %convert_element_type3A_77, %cond3A_78 : i32
    scf.if %cond3A_79 {
      %get3A_169 = arith.constant 0 : index
      %get3A_170 = arith.constant 0 : index
      %get3A_171 = arith.constant 4096 : index
      %get3A_172 = vector.load %arg2[%get3A_169, %get3A_170, %get3A_171] : memref<1x8x8192xf32, #tpu.memory_space<vmem>>, vector<1x8x1024xf32>
      %get3A_173 = vector.shape_cast %get3A_172 : vector<1x8x1024xf32> to vector<8x1024xf32>
      %slice3A_174 = vector.extract_strided_slice %get3A_173 {offsets = [0, 0], sizes = [1, 1024], strides = [1, 1]} : vector<8x1024xf32> to vector<1x1024xf32>
      %sub3A_175 = vector.broadcast %slice3A : vector<256x1xf32> to vector<256x1024xf32>
      %sub3A_176 = vector.broadcast %slice3A_174 : vector<1x1024xf32> to vector<256x1024xf32>
      %sub3A_177 = arith.subf %sub3A_175, %sub3A_176 : vector<256x1024xf32>
      %slice3A_178 = vector.extract_strided_slice %get3A_173 {offsets = [1, 0], sizes = [1, 1024], strides = [1, 1]} : vector<8x1024xf32> to vector<1x1024xf32>
      %sub3A_179 = vector.broadcast %slice3A_8 : vector<256x1xf32> to vector<256x1024xf32>
      %sub3A_180 = vector.broadcast %slice3A_178 : vector<1x1024xf32> to vector<256x1024xf32>
      %sub3A_181 = arith.subf %sub3A_179, %sub3A_180 : vector<256x1024xf32>
      %slice3A_182 = vector.extract_strided_slice %get3A_173 {offsets = [2, 0], sizes = [1, 1024], strides = [1, 1]} : vector<8x1024xf32> to vector<1x1024xf32>
      %sub3A_183 = vector.broadcast %slice3A_9 : vector<256x1xf32> to vector<256x1024xf32>
      %sub3A_184 = vector.broadcast %slice3A_182 : vector<1x1024xf32> to vector<256x1024xf32>
      %sub3A_185 = arith.subf %sub3A_183, %sub3A_184 : vector<256x1024xf32>
      %mul3A_186 = arith.mulf %sub3A_177, %sub3A_177 : vector<256x1024xf32>
      %mul3A_187 = arith.mulf %sub3A_181, %sub3A_181 : vector<256x1024xf32>
      %add3A_188 = arith.addf %mul3A_186, %mul3A_187 : vector<256x1024xf32>
      %mul3A_189 = arith.mulf %sub3A_185, %sub3A_185 : vector<256x1024xf32>
      %add3A_190 = arith.addf %add3A_188, %mul3A_189 : vector<256x1024xf32>
      %lt3A_191 = arith.constant 4.000000e-02 : f32
      %lt3A_192 = vector.broadcast %lt3A_191 : f32 to vector<256x1024xf32>
      %lt3A_193 = arith.cmpf olt, %add3A_190, %lt3A_192 : vector<256x1024xf32>
      %jit3A_194 = arith.constant 1.000000e+00 : f32
      %jit3A_195 = arith.constant 0.000000e+00 : f32
      %broadcast_in_dim3A_196 = vector.broadcast %jit3A_194 : f32 to vector<256x1024xf32>
      %broadcast_in_dim3A_197 = vector.broadcast %jit3A_195 : f32 to vector<256x1024xf32>
      %select_n3A_198 = arith.select %lt3A_193, %broadcast_in_dim3A_196, %broadcast_in_dim3A_197 : vector<256x1024xi1>, vector<256x1024xf32>
      %convert_element_type3A_199 = arith.truncf %select_n3A_198 : vector<256x1024xf32> to vector<256x1024xbf16>
      %get3A_200 = arith.constant 0 : index
      %get3A_201 = arith.constant 0 : index
      %get3A_202 = vector.load %arg9[%get3A_200, %get3A_201] : memref<256x1xf32, #tpu.memory_space<vmem>>, vector<256x1xf32>
      %get3A_203 = arith.constant 0 : index
      %get3A_204 = arith.constant 0 : index
      %get3A_205 = vector.load %arg4[%get3A_203, %get3A_204] : memref<1024x1024xbf16, #tpu.memory_space<vmem>>, vector<1024x1024xbf16>
      %dot_general3A_206 = arith.constant dense<0.000000e+00> : vector<256x1024xf32>
      %dot_general3A_207 = tpu.matmul %convert_element_type3A_199, %get3A_205, %dot_general3A_206 {dimension_numbers = #tpu.dot_dimension_numbers<[1], [0], [0], [1], [0, 0, 1, 1], [], []>, transpose_lhs_hint = false} : vector<256x1024xbf16>, vector<1024x1024xbf16>, vector<256x1024xf32> -> vector<256x1024xf32>
      %add3A_208 = vector.broadcast %get3A_202 : vector<256x1xf32> to vector<256x1024xf32>
      %add3A_209 = arith.addf %add3A_208, %dot_general3A_207 : vector<256x1024xf32>
      %slice3A_210 = vector.extract_strided_slice %add3A_209 {offsets = [0, 1023], sizes = [256, 1], strides = [1, 1]} : vector<256x1024xf32> to vector<256x1xf32>
      %swap3A_211 = arith.constant 0 : index
      %swap3A_212 = arith.constant 0 : index
      %swap3A_213 = vector.load %arg9[%swap3A_211, %swap3A_212] : memref<256x1xf32, #tpu.memory_space<vmem>>, vector<256x1xf32>
      tpu.vector_store %arg9[%swap3A_211, %swap3A_212], %slice3A_210 {strides = array<i32>} : memref<256x1xf32, #tpu.memory_space<vmem>>, vector<256x1xf32>,
      %le3A = arith.constant 0.000000e+00 : f32
      %le3A_214 = vector.broadcast %le3A : f32 to vector<256x1024xf32>
      %le3A_215 = arith.cmpf ole, %add3A_209, %le3A_214 : vector<256x1024xf32>
      %jit3A_216 = arith.constant 1.000000e+00 : f32
      %jit3A_217 = arith.constant 0.000000e+00 : f32
      %broadcast_in_dim3A_218 = vector.broadcast %jit3A_216 : f32 to vector<256x1024xf32>
      %broadcast_in_dim3A_219 = vector.broadcast %jit3A_217 : f32 to vector<256x1024xf32>
      %select_n3A_220 = arith.select %le3A_215, %broadcast_in_dim3A_218, %broadcast_in_dim3A_219 : vector<256x1024xi1>, vector<256x1024xf32>
      %reduce_sum3A = arith.constant dense<0.000000e+00> : vector<256xf32>
      %reduce_sum3A_221 = vector.multi_reduction <add>, %select_n3A_220, %reduce_sum3A [1] : vector<256x1024xf32> to vector<256xf32>
      %broadcast_in_dim3A_222 = vector.shape_cast %reduce_sum3A_221 : vector<256xf32> to vector<256x1xf32>
      %le3A_223 = arith.constant 1.000000e+00 : f32
      %le3A_224 = vector.broadcast %le3A_223 : f32 to vector<256x1024xf32>
      %le3A_225 = arith.cmpf ole, %add3A_209, %le3A_224 : vector<256x1024xf32>
      %jit3A_226 = arith.constant 1.000000e+00 : f32
      %jit3A_227 = arith.constant 0.000000e+00 : f32
      %broadcast_in_dim3A_228 = vector.broadcast %jit3A_226 : f32 to vector<256x1024xf32>
      %broadcast_in_dim3A_229 = vector.broadcast %jit3A_227 : f32 to vector<256x1024xf32>
      %select_n3A_230 = arith.select %le3A_225, %broadcast_in_dim3A_228, %broadcast_in_dim3A_229 : vector<256x1024xi1>, vector<256x1024xf32>
      %reduce_sum3A_231 = arith.constant dense<0.000000e+00> : vector<256xf32>
      %reduce_sum3A_232 = vector.multi_reduction <add>, %select_n3A_230, %reduce_sum3A_231 [1] : vector<256x1024xf32> to vector<256xf32>
      %broadcast_in_dim3A_233 = vector.shape_cast %reduce_sum3A_232 : vector<256xf32> to vector<256x1xf32>
      %le3A_234 = arith.constant 2.000000e+00 : f32
      %le3A_235 = vector.broadcast %le3A_234 : f32 to vector<256x1024xf32>
      %le3A_236 = arith.cmpf ole, %add3A_209, %le3A_235 : vector<256x1024xf32>
      %jit3A_237 = arith.constant 1.000000e+00 : f32
      %jit3A_238 = arith.constant 0.000000e+00 : f32
      %broadcast_in_dim3A_239 = vector.broadcast %jit3A_237 : f32 to vector<256x1024xf32>
      %broadcast_in_dim3A_240 = vector.broadcast %jit3A_238 : f32 to vector<256x1024xf32>
      %select_n3A_241 = arith.select %le3A_236, %broadcast_in_dim3A_239, %broadcast_in_dim3A_240 : vector<256x1024xi1>, vector<256x1024xf32>
      %reduce_sum3A_242 = arith.constant dense<0.000000e+00> : vector<256xf32>
      %reduce_sum3A_243 = vector.multi_reduction <add>, %select_n3A_241, %reduce_sum3A_242 [1] : vector<256x1024xf32> to vector<256xf32>
      %broadcast_in_dim3A_244 = vector.shape_cast %reduce_sum3A_243 : vector<256xf32> to vector<256x1xf32>
      %le3A_245 = arith.constant 3.000000e+00 : f32
      %le3A_246 = vector.broadcast %le3A_245 : f32 to vector<256x1024xf32>
      %le3A_247 = arith.cmpf ole, %add3A_209, %le3A_246 : vector<256x1024xf32>
      %jit3A_248 = arith.constant 1.000000e+00 : f32
      %jit3A_249 = arith.constant 0.000000e+00 : f32
      %broadcast_in_dim3A_250 = vector.broadcast %jit3A_248 : f32 to vector<256x1024xf32>
      %broadcast_in_dim3A_251 = vector.broadcast %jit3A_249 : f32 to vector<256x1024xf32>
      %select_n3A_252 = arith.select %le3A_247, %broadcast_in_dim3A_250, %broadcast_in_dim3A_251 : vector<256x1024xi1>, vector<256x1024xf32>
      %reduce_sum3A_253 = arith.constant dense<0.000000e+00> : vector<256xf32>
      %reduce_sum3A_254 = vector.multi_reduction <add>, %select_n3A_252, %reduce_sum3A_253 [1] : vector<256x1024xf32> to vector<256xf32>
      %broadcast_in_dim3A_255 = vector.shape_cast %reduce_sum3A_254 : vector<256xf32> to vector<256x1xf32>
      %le3A_256 = arith.constant 4.000000e+00 : f32
      %le3A_257 = vector.broadcast %le3A_256 : f32 to vector<256x1024xf32>
      %le3A_258 = arith.cmpf ole, %add3A_209, %le3A_257 : vector<256x1024xf32>
      %jit3A_259 = arith.constant 1.000000e+00 : f32
      %jit3A_260 = arith.constant 0.000000e+00 : f32
      %broadcast_in_dim3A_261 = vector.broadcast %jit3A_259 : f32 to vector<256x1024xf32>
      %broadcast_in_dim3A_262 = vector.broadcast %jit3A_260 : f32 to vector<256x1024xf32>
      %select_n3A_263 = arith.select %le3A_258, %broadcast_in_dim3A_261, %broadcast_in_dim3A_262 : vector<256x1024xi1>, vector<256x1024xf32>
      %reduce_sum3A_264 = arith.constant dense<0.000000e+00> : vector<256xf32>
      %reduce_sum3A_265 = vector.multi_reduction <add>, %select_n3A_263, %reduce_sum3A_264 [1] : vector<256x1024xf32> to vector<256xf32>
      %broadcast_in_dim3A_266 = vector.shape_cast %reduce_sum3A_265 : vector<256xf32> to vector<256x1xf32>
      %le3A_267 = arith.constant 5.000000e+00 : f32
      %le3A_268 = vector.broadcast %le3A_267 : f32 to vector<256x1024xf32>
      %le3A_269 = arith.cmpf ole, %add3A_209, %le3A_268 : vector<256x1024xf32>
      %jit3A_270 = arith.constant 1.000000e+00 : f32
      %jit3A_271 = arith.constant 0.000000e+00 : f32
      %broadcast_in_dim3A_272 = vector.broadcast %jit3A_270 : f32 to vector<256x1024xf32>
      %broadcast_in_dim3A_273 = vector.broadcast %jit3A_271 : f32 to vector<256x1024xf32>
      %select_n3A_274 = arith.select %le3A_269, %broadcast_in_dim3A_272, %broadcast_in_dim3A_273 : vector<256x1024xi1>, vector<256x1024xf32>
      %reduce_sum3A_275 = arith.constant dense<0.000000e+00> : vector<256xf32>
      %reduce_sum3A_276 = vector.multi_reduction <add>, %select_n3A_274, %reduce_sum3A_275 [1] : vector<256x1024xf32> to vector<256xf32>
      %broadcast_in_dim3A_277 = vector.shape_cast %reduce_sum3A_276 : vector<256xf32> to vector<256x1xf32>
      %le3A_278 = arith.constant 6.000000e+00 : f32
      %le3A_279 = vector.broadcast %le3A_278 : f32 to vector<256x1024xf32>
      %le3A_280 = arith.cmpf ole, %add3A_209, %le3A_279 : vector<256x1024xf32>
      %jit3A_281 = arith.constant 1.000000e+00 : f32
      %jit3A_282 = arith.constant 0.000000e+00 : f32
      %broadcast_in_dim3A_283 = vector.broadcast %jit3A_281 : f32 to vector<256x1024xf32>
      %broadcast_in_dim3A_284 = vector.broadcast %jit3A_282 : f32 to vector<256x1024xf32>
      %select_n3A_285 = arith.select %le3A_280, %broadcast_in_dim3A_283, %broadcast_in_dim3A_284 : vector<256x1024xi1>, vector<256x1024xf32>
      %reduce_sum3A_286 = arith.constant dense<0.000000e+00> : vector<256xf32>
      %reduce_sum3A_287 = vector.multi_reduction <add>, %select_n3A_285, %reduce_sum3A_286 [1] : vector<256x1024xf32> to vector<256xf32>
      %broadcast_in_dim3A_288 = vector.shape_cast %reduce_sum3A_287 : vector<256xf32> to vector<256x1xf32>
      %le3A_289 = arith.constant 7.000000e+00 : f32
      %le3A_290 = vector.broadcast %le3A_289 : f32 to vector<256x1024xf32>
      %le3A_291 = arith.cmpf ole, %add3A_209, %le3A_290 : vector<256x1024xf32>
      %jit3A_292 = arith.constant 1.000000e+00 : f32
      %jit3A_293 = arith.constant 0.000000e+00 : f32
      %broadcast_in_dim3A_294 = vector.broadcast %jit3A_292 : f32 to vector<256x1024xf32>
      %broadcast_in_dim3A_295 = vector.broadcast %jit3A_293 : f32 to vector<256x1024xf32>
      %select_n3A_296 = arith.select %le3A_291, %broadcast_in_dim3A_294, %broadcast_in_dim3A_295 : vector<256x1024xi1>, vector<256x1024xf32>
      %reduce_sum3A_297 = arith.constant dense<0.000000e+00> : vector<256xf32>
      %reduce_sum3A_298 = vector.multi_reduction <add>, %select_n3A_296, %reduce_sum3A_297 [1] : vector<256x1024xf32> to vector<256xf32>
      %broadcast_in_dim3A_299 = vector.shape_cast %reduce_sum3A_298 : vector<256xf32> to vector<256x1xf32>
      %le3A_300 = arith.constant 8.000000e+00 : f32
      %le3A_301 = vector.broadcast %le3A_300 : f32 to vector<256x1024xf32>
      %le3A_302 = arith.cmpf ole, %add3A_209, %le3A_301 : vector<256x1024xf32>
      %jit3A_303 = arith.constant 1.000000e+00 : f32
      %jit3A_304 = arith.constant 0.000000e+00 : f32
      %broadcast_in_dim3A_305 = vector.broadcast %jit3A_303 : f32 to vector<256x1024xf32>
      %broadcast_in_dim3A_306 = vector.broadcast %jit3A_304 : f32 to vector<256x1024xf32>
      %select_n3A_307 = arith.select %le3A_302, %broadcast_in_dim3A_305, %broadcast_in_dim3A_306 : vector<256x1024xi1>, vector<256x1024xf32>
      %reduce_sum3A_308 = arith.constant dense<0.000000e+00> : vector<256xf32>
      %reduce_sum3A_309 = vector.multi_reduction <add>, %select_n3A_307, %reduce_sum3A_308 [1] : vector<256x1024xf32> to vector<256xf32>
      %broadcast_in_dim3A_310 = vector.shape_cast %reduce_sum3A_309 : vector<256xf32> to vector<256x1xf32>
      %le3A_311 = arith.constant 9.000000e+00 : f32
      %le3A_312 = vector.broadcast %le3A_311 : f32 to vector<256x1024xf32>
      %le3A_313 = arith.cmpf ole, %add3A_209, %le3A_312 : vector<256x1024xf32>
      %jit3A_314 = arith.constant 1.000000e+00 : f32
      %jit3A_315 = arith.constant 0.000000e+00 : f32
      %broadcast_in_dim3A_316 = vector.broadcast %jit3A_314 : f32 to vector<256x1024xf32>
      %broadcast_in_dim3A_317 = vector.broadcast %jit3A_315 : f32 to vector<256x1024xf32>
      %select_n3A_318 = arith.select %le3A_313, %broadcast_in_dim3A_316, %broadcast_in_dim3A_317 : vector<256x1024xi1>, vector<256x1024xf32>
      %reduce_sum3A_319 = arith.constant dense<0.000000e+00> : vector<256xf32>
      %reduce_sum3A_320 = vector.multi_reduction <add>, %select_n3A_318, %reduce_sum3A_319 [1] : vector<256x1024xf32> to vector<256xf32>
      %broadcast_in_dim3A_321 = vector.shape_cast %reduce_sum3A_320 : vector<256xf32> to vector<256x1xf32>
      %le3A_322 = arith.constant 1.000000e+01 : f32
      %le3A_323 = vector.broadcast %le3A_322 : f32 to vector<256x1024xf32>
      %le3A_324 = arith.cmpf ole, %add3A_209, %le3A_323 : vector<256x1024xf32>
      %jit3A_325 = arith.constant 1.000000e+00 : f32
      %jit3A_326 = arith.constant 0.000000e+00 : f32
      %broadcast_in_dim3A_327 = vector.broadcast %jit3A_325 : f32 to vector<256x1024xf32>
      %broadcast_in_dim3A_328 = vector.broadcast %jit3A_326 : f32 to vector<256x1024xf32>
      %select_n3A_329 = arith.select %le3A_324, %broadcast_in_dim3A_327, %broadcast_in_dim3A_328 : vector<256x1024xi1>, vector<256x1024xf32>
      %reduce_sum3A_330 = arith.constant dense<0.000000e+00> : vector<256xf32>
      %reduce_sum3A_331 = vector.multi_reduction <add>, %select_n3A_329, %reduce_sum3A_330 [1] : vector<256x1024xf32> to vector<256xf32>
      %broadcast_in_dim3A_332 = vector.shape_cast %reduce_sum3A_331 : vector<256xf32> to vector<256x1xf32>
      %le3A_333 = arith.constant 1.100000e+01 : f32
      %le3A_334 = vector.broadcast %le3A_333 : f32 to vector<256x1024xf32>
      %le3A_335 = arith.cmpf ole, %add3A_209, %le3A_334 : vector<256x1024xf32>
      %jit3A_336 = arith.constant 1.000000e+00 : f32
      %jit3A_337 = arith.constant 0.000000e+00 : f32
      %broadcast_in_dim3A_338 = vector.broadcast %jit3A_336 : f32 to vector<256x1024xf32>
      %broadcast_in_dim3A_339 = vector.broadcast %jit3A_337 : f32 to vector<256x1024xf32>
      %select_n3A_340 = arith.select %le3A_335, %broadcast_in_dim3A_338, %broadcast_in_dim3A_339 : vector<256x1024xi1>, vector<256x1024xf32>
      %reduce_sum3A_341 = arith.constant dense<0.000000e+00> : vector<256xf32>
      %reduce_sum3A_342 = vector.multi_reduction <add>, %select_n3A_340, %reduce_sum3A_341 [1] : vector<256x1024xf32> to vector<256xf32>
      %broadcast_in_dim3A_343 = vector.shape_cast %reduce_sum3A_342 : vector<256xf32> to vector<256x1xf32>
      %le3A_344 = arith.constant 1.200000e+01 : f32
      %le3A_345 = vector.broadcast %le3A_344 : f32 to vector<256x1024xf32>
      %le3A_346 = arith.cmpf ole, %add3A_209, %le3A_345 : vector<256x1024xf32>
      %jit3A_347 = arith.constant 1.000000e+00 : f32
      %jit3A_348 = arith.constant 0.000000e+00 : f32
      %broadcast_in_dim3A_349 = vector.broadcast %jit3A_347 : f32 to vector<256x1024xf32>
      %broadcast_in_dim3A_350 = vector.broadcast %jit3A_348 : f32 to vector<256x1024xf32>
      %select_n3A_351 = arith.select %le3A_346, %broadcast_in_dim3A_349, %broadcast_in_dim3A_350 : vector<256x1024xi1>, vector<256x1024xf32>
      %reduce_sum3A_352 = arith.constant dense<0.000000e+00> : vector<256xf32>
      %reduce_sum3A_353 = vector.multi_reduction <add>, %select_n3A_351, %reduce_sum3A_352 [1] : vector<256x1024xf32> to vector<256xf32>
      %broadcast_in_dim3A_354 = vector.shape_cast %reduce_sum3A_353 : vector<256xf32> to vector<256x1xf32>
      %le3A_355 = arith.constant 1.300000e+01 : f32
      %le3A_356 = vector.broadcast %le3A_355 : f32 to vector<256x1024xf32>
      %le3A_357 = arith.cmpf ole, %add3A_209, %le3A_356 : vector<256x1024xf32>
      %jit3A_358 = arith.constant 1.000000e+00 : f32
      %jit3A_359 = arith.constant 0.000000e+00 : f32
      %broadcast_in_dim3A_360 = vector.broadcast %jit3A_358 : f32 to vector<256x1024xf32>
      %broadcast_in_dim3A_361 = vector.broadcast %jit3A_359 : f32 to vector<256x1024xf32>
      %select_n3A_362 = arith.select %le3A_357, %broadcast_in_dim3A_360, %broadcast_in_dim3A_361 : vector<256x1024xi1>, vector<256x1024xf32>
      %reduce_sum3A_363 = arith.constant dense<0.000000e+00> : vector<256xf32>
      %reduce_sum3A_364 = vector.multi_reduction <add>, %select_n3A_362, %reduce_sum3A_363 [1] : vector<256x1024xf32> to vector<256xf32>
      %broadcast_in_dim3A_365 = vector.shape_cast %reduce_sum3A_364 : vector<256xf32> to vector<256x1xf32>
      %le3A_366 = arith.constant 1.400000e+01 : f32
      %le3A_367 = vector.broadcast %le3A_366 : f32 to vector<256x1024xf32>
      %le3A_368 = arith.cmpf ole, %add3A_209, %le3A_367 : vector<256x1024xf32>
      %jit3A_369 = arith.constant 1.000000e+00 : f32
      %jit3A_370 = arith.constant 0.000000e+00 : f32
      %broadcast_in_dim3A_371 = vector.broadcast %jit3A_369 : f32 to vector<256x1024xf32>
      %broadcast_in_dim3A_372 = vector.broadcast %jit3A_370 : f32 to vector<256x1024xf32>
      %select_n3A_373 = arith.select %le3A_368, %broadcast_in_dim3A_371, %broadcast_in_dim3A_372 : vector<256x1024xi1>, vector<256x1024xf32>
      %reduce_sum3A_374 = arith.constant dense<0.000000e+00> : vector<256xf32>
      %reduce_sum3A_375 = vector.multi_reduction <add>, %select_n3A_373, %reduce_sum3A_374 [1] : vector<256x1024xf32> to vector<256xf32>
      %broadcast_in_dim3A_376 = vector.shape_cast %reduce_sum3A_375 : vector<256xf32> to vector<256x1xf32>
      %le3A_377 = arith.constant 1.500000e+01 : f32
      %le3A_378 = vector.broadcast %le3A_377 : f32 to vector<256x1024xf32>
      %le3A_379 = arith.cmpf ole, %add3A_209, %le3A_378 : vector<256x1024xf32>
      %jit3A_380 = arith.constant 1.000000e+00 : f32
      %jit3A_381 = arith.constant 0.000000e+00 : f32
      %broadcast_in_dim3A_382 = vector.broadcast %jit3A_380 : f32 to vector<256x1024xf32>
      %broadcast_in_dim3A_383 = vector.broadcast %jit3A_381 : f32 to vector<256x1024xf32>
      %select_n3A_384 = arith.select %le3A_379, %broadcast_in_dim3A_382, %broadcast_in_dim3A_383 : vector<256x1024xi1>, vector<256x1024xf32>
      %reduce_sum3A_385 = arith.constant dense<0.000000e+00> : vector<256xf32>
      %reduce_sum3A_386 = vector.multi_reduction <add>, %select_n3A_384, %reduce_sum3A_385 [1] : vector<256x1024xf32> to vector<256xf32>
      %broadcast_in_dim3A_387 = vector.shape_cast %reduce_sum3A_386 : vector<256xf32> to vector<256x1xf32>
      %le3A_388 = arith.constant 1.600000e+01 : f32
      %le3A_389 = vector.broadcast %le3A_388 : f32 to vector<256x1024xf32>
      %le3A_390 = arith.cmpf ole, %add3A_209, %le3A_389 : vector<256x1024xf32>
      %jit3A_391 = arith.constant 1.000000e+00 : f32
      %jit3A_392 = arith.constant 0.000000e+00 : f32
      %broadcast_in_dim3A_393 = vector.broadcast %jit3A_391 : f32 to vector<256x1024xf32>
      %broadcast_in_dim3A_394 = vector.broadcast %jit3A_392 : f32 to vector<256x1024xf32>
      %select_n3A_395 = arith.select %le3A_390, %broadcast_in_dim3A_393, %broadcast_in_dim3A_394 : vector<256x1024xi1>, vector<256x1024xf32>
      %reduce_sum3A_396 = arith.constant dense<0.000000e+00> : vector<256xf32>
      %reduce_sum3A_397 = vector.multi_reduction <add>, %select_n3A_395, %reduce_sum3A_396 [1] : vector<256x1024xf32> to vector<256xf32>
      %broadcast_in_dim3A_398 = vector.shape_cast %reduce_sum3A_397 : vector<256xf32> to vector<256x1xf32>
      %le3A_399 = arith.constant 1.700000e+01 : f32
      %le3A_400 = vector.broadcast %le3A_399 : f32 to vector<256x1024xf32>
      %le3A_401 = arith.cmpf ole, %add3A_209, %le3A_400 : vector<256x1024xf32>
      %jit3A_402 = arith.constant 1.000000e+00 : f32
      %jit3A_403 = arith.constant 0.000000e+00 : f32
      %broadcast_in_dim3A_404 = vector.broadcast %jit3A_402 : f32 to vector<256x1024xf32>
      %broadcast_in_dim3A_405 = vector.broadcast %jit3A_403 : f32 to vector<256x1024xf32>
      %select_n3A_406 = arith.select %le3A_401, %broadcast_in_dim3A_404, %broadcast_in_dim3A_405 : vector<256x1024xi1>, vector<256x1024xf32>
      %reduce_sum3A_407 = arith.constant dense<0.000000e+00> : vector<256xf32>
      %reduce_sum3A_408 = vector.multi_reduction <add>, %select_n3A_406, %reduce_sum3A_407 [1] : vector<256x1024xf32> to vector<256xf32>
      %broadcast_in_dim3A_409 = vector.shape_cast %reduce_sum3A_408 : vector<256xf32> to vector<256x1xf32>
      %le3A_410 = arith.constant 1.800000e+01 : f32
      %le3A_411 = vector.broadcast %le3A_410 : f32 to vector<256x1024xf32>
      %le3A_412 = arith.cmpf ole, %add3A_209, %le3A_411 : vector<256x1024xf32>
      %jit3A_413 = arith.constant 1.000000e+00 : f32
      %jit3A_414 = arith.constant 0.000000e+00 : f32
      %broadcast_in_dim3A_415 = vector.broadcast %jit3A_413 : f32 to vector<256x1024xf32>
      %broadcast_in_dim3A_416 = vector.broadcast %jit3A_414 : f32 to vector<256x1024xf32>
      %select_n3A_417 = arith.select %le3A_412, %broadcast_in_dim3A_415, %broadcast_in_dim3A_416 : vector<256x1024xi1>, vector<256x1024xf32>
      %reduce_sum3A_418 = arith.constant dense<0.000000e+00> : vector<256xf32>
      %reduce_sum3A_419 = vector.multi_reduction <add>, %select_n3A_417, %reduce_sum3A_418 [1] : vector<256x1024xf32> to vector<256xf32>
      %broadcast_in_dim3A_420 = vector.shape_cast %reduce_sum3A_419 : vector<256xf32> to vector<256x1xf32>
      %le3A_421 = arith.constant 1.900000e+01 : f32
      %le3A_422 = vector.broadcast %le3A_421 : f32 to vector<256x1024xf32>
      %le3A_423 = arith.cmpf ole, %add3A_209, %le3A_422 : vector<256x1024xf32>
      %jit3A_424 = arith.constant 1.000000e+00 : f32
      %jit3A_425 = arith.constant 0.000000e+00 : f32
      %broadcast_in_dim3A_426 = vector.broadcast %jit3A_424 : f32 to vector<256x1024xf32>
      %broadcast_in_dim3A_427 = vector.broadcast %jit3A_425 : f32 to vector<256x1024xf32>
      %select_n3A_428 = arith.select %le3A_423, %broadcast_in_dim3A_426, %broadcast_in_dim3A_427 : vector<256x1024xi1>, vector<256x1024xf32>
      %reduce_sum3A_429 = arith.constant dense<0.000000e+00> : vector<256xf32>
      %reduce_sum3A_430 = vector.multi_reduction <add>, %select_n3A_428, %reduce_sum3A_429 [1] : vector<256x1024xf32> to vector<256xf32>
      %broadcast_in_dim3A_431 = vector.shape_cast %reduce_sum3A_430 : vector<256xf32> to vector<256x1xf32>
      %le3A_432 = arith.constant 2.000000e+01 : f32
      %le3A_433 = vector.broadcast %le3A_432 : f32 to vector<256x1024xf32>
      %le3A_434 = arith.cmpf ole, %add3A_209, %le3A_433 : vector<256x1024xf32>
      %jit3A_435 = arith.constant 1.000000e+00 : f32
      %jit3A_436 = arith.constant 0.000000e+00 : f32
      %broadcast_in_dim3A_437 = vector.broadcast %jit3A_435 : f32 to vector<256x1024xf32>
      %broadcast_in_dim3A_438 = vector.broadcast %jit3A_436 : f32 to vector<256x1024xf32>
      %select_n3A_439 = arith.select %le3A_434, %broadcast_in_dim3A_437, %broadcast_in_dim3A_438 : vector<256x1024xi1>, vector<256x1024xf32>
      %reduce_sum3A_440 = arith.constant dense<0.000000e+00> : vector<256xf32>
      %reduce_sum3A_441 = vector.multi_reduction <add>, %select_n3A_439, %reduce_sum3A_440 [1] : vector<256x1024xf32> to vector<256xf32>
      %broadcast_in_dim3A_442 = vector.shape_cast %reduce_sum3A_441 : vector<256xf32> to vector<256x1xf32>
      %le3A_443 = arith.constant 2.100000e+01 : f32
      %le3A_444 = vector.broadcast %le3A_443 : f32 to vector<256x1024xf32>
      %le3A_445 = arith.cmpf ole, %add3A_209, %le3A_444 : vector<256x1024xf32>
      %jit3A_446 = arith.constant 1.000000e+00 : f32
      %jit3A_447 = arith.constant 0.000000e+00 : f32
      %broadcast_in_dim3A_448 = vector.broadcast %jit3A_446 : f32 to vector<256x1024xf32>
      %broadcast_in_dim3A_449 = vector.broadcast %jit3A_447 : f32 to vector<256x1024xf32>
      %select_n3A_450 = arith.select %le3A_445, %broadcast_in_dim3A_448, %broadcast_in_dim3A_449 : vector<256x1024xi1>, vector<256x1024xf32>
      %reduce_sum3A_451 = arith.constant dense<0.000000e+00> : vector<256xf32>
      %reduce_sum3A_452 = vector.multi_reduction <add>, %select_n3A_450, %reduce_sum3A_451 [1] : vector<256x1024xf32> to vector<256xf32>
      %broadcast_in_dim3A_453 = vector.shape_cast %reduce_sum3A_452 : vector<256xf32> to vector<256x1xf32>
      %le3A_454 = arith.constant 2.200000e+01 : f32
      %le3A_455 = vector.broadcast %le3A_454 : f32 to vector<256x1024xf32>
      %le3A_456 = arith.cmpf ole, %add3A_209, %le3A_455 : vector<256x1024xf32>
      %jit3A_457 = arith.constant 1.000000e+00 : f32
      %jit3A_458 = arith.constant 0.000000e+00 : f32
      %broadcast_in_dim3A_459 = vector.broadcast %jit3A_457 : f32 to vector<256x1024xf32>
      %broadcast_in_dim3A_460 = vector.broadcast %jit3A_458 : f32 to vector<256x1024xf32>
      %select_n3A_461 = arith.select %le3A_456, %broadcast_in_dim3A_459, %broadcast_in_dim3A_460 : vector<256x1024xi1>, vector<256x1024xf32>
      %reduce_sum3A_462 = arith.constant dense<0.000000e+00> : vector<256xf32>
      %reduce_sum3A_463 = vector.multi_reduction <add>, %select_n3A_461, %reduce_sum3A_462 [1] : vector<256x1024xf32> to vector<256xf32>
      %broadcast_in_dim3A_464 = vector.shape_cast %reduce_sum3A_463 : vector<256xf32> to vector<256x1xf32>
      %le3A_465 = arith.constant 2.300000e+01 : f32
      %le3A_466 = vector.broadcast %le3A_465 : f32 to vector<256x1024xf32>
      %le3A_467 = arith.cmpf ole, %add3A_209, %le3A_466 : vector<256x1024xf32>
      %jit3A_468 = arith.constant 1.000000e+00 : f32
      %jit3A_469 = arith.constant 0.000000e+00 : f32
      %broadcast_in_dim3A_470 = vector.broadcast %jit3A_468 : f32 to vector<256x1024xf32>
      %broadcast_in_dim3A_471 = vector.broadcast %jit3A_469 : f32 to vector<256x1024xf32>
      %select_n3A_472 = arith.select %le3A_467, %broadcast_in_dim3A_470, %broadcast_in_dim3A_471 : vector<256x1024xi1>, vector<256x1024xf32>
      %reduce_sum3A_473 = arith.constant dense<0.000000e+00> : vector<256xf32>
      %reduce_sum3A_474 = vector.multi_reduction <add>, %select_n3A_472, %reduce_sum3A_473 [1] : vector<256x1024xf32> to vector<256xf32>
      %broadcast_in_dim3A_475 = vector.shape_cast %reduce_sum3A_474 : vector<256xf32> to vector<256x1xf32>
      %le3A_476 = arith.constant 2.400000e+01 : f32
      %le3A_477 = vector.broadcast %le3A_476 : f32 to vector<256x1024xf32>
      %le3A_478 = arith.cmpf ole, %add3A_209, %le3A_477 : vector<256x1024xf32>
      %jit3A_479 = arith.constant 1.000000e+00 : f32
      %jit3A_480 = arith.constant 0.000000e+00 : f32
      %broadcast_in_dim3A_481 = vector.broadcast %jit3A_479 : f32 to vector<256x1024xf32>
      %broadcast_in_dim3A_482 = vector.broadcast %jit3A_480 : f32 to vector<256x1024xf32>
      %select_n3A_483 = arith.select %le3A_478, %broadcast_in_dim3A_481, %broadcast_in_dim3A_482 : vector<256x1024xi1>, vector<256x1024xf32>
      %reduce_sum3A_484 = arith.constant dense<0.000000e+00> : vector<256xf32>
      %reduce_sum3A_485 = vector.multi_reduction <add>, %select_n3A_483, %reduce_sum3A_484 [1] : vector<256x1024xf32> to vector<256xf32>
      %broadcast_in_dim3A_486 = vector.shape_cast %reduce_sum3A_485 : vector<256xf32> to vector<256x1xf32>
      %le3A_487 = arith.constant 2.500000e+01 : f32
      %le3A_488 = vector.broadcast %le3A_487 : f32 to vector<256x1024xf32>
      %le3A_489 = arith.cmpf ole, %add3A_209, %le3A_488 : vector<256x1024xf32>
      %jit3A_490 = arith.constant 1.000000e+00 : f32
      %jit3A_491 = arith.constant 0.000000e+00 : f32
      %broadcast_in_dim3A_492 = vector.broadcast %jit3A_490 : f32 to vector<256x1024xf32>
      %broadcast_in_dim3A_493 = vector.broadcast %jit3A_491 : f32 to vector<256x1024xf32>
      %select_n3A_494 = arith.select %le3A_489, %broadcast_in_dim3A_492, %broadcast_in_dim3A_493 : vector<256x1024xi1>, vector<256x1024xf32>
      %reduce_sum3A_495 = arith.constant dense<0.000000e+00> : vector<256xf32>
      %reduce_sum3A_496 = vector.multi_reduction <add>, %select_n3A_494, %reduce_sum3A_495 [1] : vector<256x1024xf32> to vector<256xf32>
      %broadcast_in_dim3A_497 = vector.shape_cast %reduce_sum3A_496 : vector<256xf32> to vector<256x1xf32>
      %le3A_498 = arith.constant 2.600000e+01 : f32
      %le3A_499 = vector.broadcast %le3A_498 : f32 to vector<256x1024xf32>
      %le3A_500 = arith.cmpf ole, %add3A_209, %le3A_499 : vector<256x1024xf32>
      %jit3A_501 = arith.constant 1.000000e+00 : f32
      %jit3A_502 = arith.constant 0.000000e+00 : f32
      %broadcast_in_dim3A_503 = vector.broadcast %jit3A_501 : f32 to vector<256x1024xf32>
      %broadcast_in_dim3A_504 = vector.broadcast %jit3A_502 : f32 to vector<256x1024xf32>
      %select_n3A_505 = arith.select %le3A_500, %broadcast_in_dim3A_503, %broadcast_in_dim3A_504 : vector<256x1024xi1>, vector<256x1024xf32>
      %reduce_sum3A_506 = arith.constant dense<0.000000e+00> : vector<256xf32>
      %reduce_sum3A_507 = vector.multi_reduction <add>, %select_n3A_505, %reduce_sum3A_506 [1] : vector<256x1024xf32> to vector<256xf32>
      %broadcast_in_dim3A_508 = vector.shape_cast %reduce_sum3A_507 : vector<256xf32> to vector<256x1xf32>
      %le3A_509 = arith.constant 2.700000e+01 : f32
      %le3A_510 = vector.broadcast %le3A_509 : f32 to vector<256x1024xf32>
      %le3A_511 = arith.cmpf ole, %add3A_209, %le3A_510 : vector<256x1024xf32>
      %jit3A_512 = arith.constant 1.000000e+00 : f32
      %jit3A_513 = arith.constant 0.000000e+00 : f32
      %broadcast_in_dim3A_514 = vector.broadcast %jit3A_512 : f32 to vector<256x1024xf32>
      %broadcast_in_dim3A_515 = vector.broadcast %jit3A_513 : f32 to vector<256x1024xf32>
      %select_n3A_516 = arith.select %le3A_511, %broadcast_in_dim3A_514, %broadcast_in_dim3A_515 : vector<256x1024xi1>, vector<256x1024xf32>
      %reduce_sum3A_517 = arith.constant dense<0.000000e+00> : vector<256xf32>
      %reduce_sum3A_518 = vector.multi_reduction <add>, %select_n3A_516, %reduce_sum3A_517 [1] : vector<256x1024xf32> to vector<256xf32>
      %broadcast_in_dim3A_519 = vector.shape_cast %reduce_sum3A_518 : vector<256xf32> to vector<256x1xf32>
      %le3A_520 = arith.constant 2.800000e+01 : f32
      %le3A_521 = vector.broadcast %le3A_520 : f32 to vector<256x1024xf32>
      %le3A_522 = arith.cmpf ole, %add3A_209, %le3A_521 : vector<256x1024xf32>
      %jit3A_523 = arith.constant 1.000000e+00 : f32
      %jit3A_524 = arith.constant 0.000000e+00 : f32
      %broadcast_in_dim3A_525 = vector.broadcast %jit3A_523 : f32 to vector<256x1024xf32>
      %broadcast_in_dim3A_526 = vector.broadcast %jit3A_524 : f32 to vector<256x1024xf32>
      %select_n3A_527 = arith.select %le3A_522, %broadcast_in_dim3A_525, %broadcast_in_dim3A_526 : vector<256x1024xi1>, vector<256x1024xf32>
      %reduce_sum3A_528 = arith.constant dense<0.000000e+00> : vector<256xf32>
      %reduce_sum3A_529 = vector.multi_reduction <add>, %select_n3A_527, %reduce_sum3A_528 [1] : vector<256x1024xf32> to vector<256xf32>
      %broadcast_in_dim3A_530 = vector.shape_cast %reduce_sum3A_529 : vector<256xf32> to vector<256x1xf32>
      %le3A_531 = arith.constant 2.900000e+01 : f32
      %le3A_532 = vector.broadcast %le3A_531 : f32 to vector<256x1024xf32>
      %le3A_533 = arith.cmpf ole, %add3A_209, %le3A_532 : vector<256x1024xf32>
      %jit3A_534 = arith.constant 1.000000e+00 : f32
      %jit3A_535 = arith.constant 0.000000e+00 : f32
      %broadcast_in_dim3A_536 = vector.broadcast %jit3A_534 : f32 to vector<256x1024xf32>
      %broadcast_in_dim3A_537 = vector.broadcast %jit3A_535 : f32 to vector<256x1024xf32>
      %select_n3A_538 = arith.select %le3A_533, %broadcast_in_dim3A_536, %broadcast_in_dim3A_537 : vector<256x1024xi1>, vector<256x1024xf32>
      %reduce_sum3A_539 = arith.constant dense<0.000000e+00> : vector<256xf32>
      %reduce_sum3A_540 = vector.multi_reduction <add>, %select_n3A_538, %reduce_sum3A_539 [1] : vector<256x1024xf32> to vector<256xf32>
      %broadcast_in_dim3A_541 = vector.shape_cast %reduce_sum3A_540 : vector<256xf32> to vector<256x1xf32>
      %le3A_542 = arith.constant 3.000000e+01 : f32
      %le3A_543 = vector.broadcast %le3A_542 : f32 to vector<256x1024xf32>
      %le3A_544 = arith.cmpf ole, %add3A_209, %le3A_543 : vector<256x1024xf32>
      %jit3A_545 = arith.constant 1.000000e+00 : f32
      %jit3A_546 = arith.constant 0.000000e+00 : f32
      %broadcast_in_dim3A_547 = vector.broadcast %jit3A_545 : f32 to vector<256x1024xf32>
      %broadcast_in_dim3A_548 = vector.broadcast %jit3A_546 : f32 to vector<256x1024xf32>
      %select_n3A_549 = arith.select %le3A_544, %broadcast_in_dim3A_547, %broadcast_in_dim3A_548 : vector<256x1024xi1>, vector<256x1024xf32>
      %reduce_sum3A_550 = arith.constant dense<0.000000e+00> : vector<256xf32>
      %reduce_sum3A_551 = vector.multi_reduction <add>, %select_n3A_549, %reduce_sum3A_550 [1] : vector<256x1024xf32> to vector<256xf32>
      %broadcast_in_dim3A_552 = vector.shape_cast %reduce_sum3A_551 : vector<256xf32> to vector<256x1xf32>
      %le3A_553 = arith.constant 3.100000e+01 : f32
      %le3A_554 = vector.broadcast %le3A_553 : f32 to vector<256x1024xf32>
      %le3A_555 = arith.cmpf ole, %add3A_209, %le3A_554 : vector<256x1024xf32>
      %jit3A_556 = arith.constant 1.000000e+00 : f32
      %jit3A_557 = arith.constant 0.000000e+00 : f32
      %broadcast_in_dim3A_558 = vector.broadcast %jit3A_556 : f32 to vector<256x1024xf32>
      %broadcast_in_dim3A_559 = vector.broadcast %jit3A_557 : f32 to vector<256x1024xf32>
      %select_n3A_560 = arith.select %le3A_555, %broadcast_in_dim3A_558, %broadcast_in_dim3A_559 : vector<256x1024xi1>, vector<256x1024xf32>
      %reduce_sum3A_561 = arith.constant dense<0.000000e+00> : vector<256xf32>
      %reduce_sum3A_562 = vector.multi_reduction <add>, %select_n3A_560, %reduce_sum3A_561 [1] : vector<256x1024xf32> to vector<256xf32>
      %broadcast_in_dim3A_563 = vector.shape_cast %reduce_sum3A_562 : vector<256xf32> to vector<256x1xf32>
      %get3A_564 = arith.constant 0 : index
      %get3A_565 = arith.constant 0 : index
      %get3A_566 = vector.load %arg8[%get3A_564, %get3A_565] : memref<256x32xf32, #tpu.memory_space<vmem>>, vector<256x32xf32>
      %concatenate3A = tpu.concatenate %broadcast_in_dim3A_222, %broadcast_in_dim3A_233, %broadcast_in_dim3A_244, %broadcast_in_dim3A_255, %broadcast_in_dim3A_266, %broadcast_in_dim3A_277, %broadcast_in_dim3A_288, %broadcast_in_dim3A_299, %broadcast_in_dim3A_310, %broadcast_in_dim3A_321, %broadcast_in_dim3A_332, %broadcast_in_dim3A_343, %broadcast_in_dim3A_354, %broadcast_in_dim3A_365, %broadcast_in_dim3A_376, %broadcast_in_dim3A_387, %broadcast_in_dim3A_398, %broadcast_in_dim3A_409, %broadcast_in_dim3A_420, %broadcast_in_dim3A_431, %broadcast_in_dim3A_442, %broadcast_in_dim3A_453, %broadcast_in_dim3A_464, %broadcast_in_dim3A_475, %broadcast_in_dim3A_486, %broadcast_in_dim3A_497, %broadcast_in_dim3A_508, %broadcast_in_dim3A_519, %broadcast_in_dim3A_530, %broadcast_in_dim3A_541, %broadcast_in_dim3A_552, %broadcast_in_dim3A_563 in 1 : vector<256x1xf32>, vector<256x1xf32>, vector<256x1xf32>, vector<256x1xf32>, vector<256x1xf32>, vector<256x1xf32>, vector<256x1xf32>, vector<256x1xf32>, vector<256x1xf32>, vector<256x1xf32>, vector<256x1xf32>, vector<256x1xf32>, vector<256x1xf32>, vector<256x1xf32>, vector<256x1xf32>, vector<256x1xf32>, vector<256x1xf32>, vector<256x1xf32>, vector<256x1xf32>, vector<256x1xf32>, vector<256x1xf32>, vector<256x1xf32>, vector<256x1xf32>, vector<256x1xf32>, vector<256x1xf32>, vector<256x1xf32>, vector<256x1xf32>, vector<256x1xf32>, vector<256x1xf32>, vector<256x1xf32>, vector<256x1xf32>, vector<256x1xf32> -> vector<256x32xf32>
      %add3A_567 = arith.addf %get3A_566, %concatenate3A : vector<256x32xf32>
      %swap3A_568 = arith.constant 0 : index
      %swap3A_569 = arith.constant 0 : index
      %swap3A_570 = vector.load %arg8[%swap3A_568, %swap3A_569] : memref<256x32xf32, #tpu.memory_space<vmem>>, vector<256x32xf32>
      tpu.vector_store %arg8[%swap3A_568, %swap3A_569], %add3A_567 {strides = array<i32>} : memref<256x32xf32, #tpu.memory_space<vmem>>, vector<256x32xf32>,
    } else {
    }
    %get3A_80 = arith.constant 0 : index
    %get3A_81 = arith.constant 0 : index
    %get3A_82 = vector.load %arg9[%get3A_80, %get3A_81] : memref<256x1xf32, #tpu.memory_space<vmem>>, vector<256x1xf32>
    %reduce_min3A_83 = vector.shape_cast %get3A_82 : vector<256x1xf32> to vector<1x256x1xf32>
    %reduce_min3A_84 = arith.constant dense<0x7F800000> : vector<1xf32>
    %reduce_min3A_85 = vector.multi_reduction <minimumf>, %reduce_min3A_83, %reduce_min3A_84 [1, 2] : vector<1x256x1xf32> to vector<1xf32>
    %reduce_min3A_86 = vector.shape_cast %reduce_min3A_85 : vector<1xf32> to vector<1x1x1xf32>
    %reduce_min3A_87 = vector.extract %reduce_min3A_86[0, 0, 0] : f32 from vector<1x1x1xf32>
    %lt3A_88 = arith.constant 3.200000e+01 : f32
    %lt3A_89 = arith.cmpf olt, %reduce_min3A_87, %lt3A_88 : f32
    %convert_element_type3A_90 = arith.extui %lt3A_89 : i1 to i32
    %cond3A_91 = arith.constant 0 : i32
    %cond3A_92 = arith.cmpi ne, %convert_element_type3A_90, %cond3A_91 : i32
    scf.if %cond3A_92 {
      %get3A_169 = arith.constant 0 : index
      %get3A_170 = arith.constant 0 : index
      %get3A_171 = arith.constant 5120 : index
      %get3A_172 = vector.load %arg2[%get3A_169, %get3A_170, %get3A_171] : memref<1x8x8192xf32, #tpu.memory_space<vmem>>, vector<1x8x1024xf32>
      %get3A_173 = vector.shape_cast %get3A_172 : vector<1x8x1024xf32> to vector<8x1024xf32>
      %slice3A_174 = vector.extract_strided_slice %get3A_173 {offsets = [0, 0], sizes = [1, 1024], strides = [1, 1]} : vector<8x1024xf32> to vector<1x1024xf32>
      %sub3A_175 = vector.broadcast %slice3A : vector<256x1xf32> to vector<256x1024xf32>
      %sub3A_176 = vector.broadcast %slice3A_174 : vector<1x1024xf32> to vector<256x1024xf32>
      %sub3A_177 = arith.subf %sub3A_175, %sub3A_176 : vector<256x1024xf32>
      %slice3A_178 = vector.extract_strided_slice %get3A_173 {offsets = [1, 0], sizes = [1, 1024], strides = [1, 1]} : vector<8x1024xf32> to vector<1x1024xf32>
      %sub3A_179 = vector.broadcast %slice3A_8 : vector<256x1xf32> to vector<256x1024xf32>
      %sub3A_180 = vector.broadcast %slice3A_178 : vector<1x1024xf32> to vector<256x1024xf32>
      %sub3A_181 = arith.subf %sub3A_179, %sub3A_180 : vector<256x1024xf32>
      %slice3A_182 = vector.extract_strided_slice %get3A_173 {offsets = [2, 0], sizes = [1, 1024], strides = [1, 1]} : vector<8x1024xf32> to vector<1x1024xf32>
      %sub3A_183 = vector.broadcast %slice3A_9 : vector<256x1xf32> to vector<256x1024xf32>
      %sub3A_184 = vector.broadcast %slice3A_182 : vector<1x1024xf32> to vector<256x1024xf32>
      %sub3A_185 = arith.subf %sub3A_183, %sub3A_184 : vector<256x1024xf32>
      %mul3A_186 = arith.mulf %sub3A_177, %sub3A_177 : vector<256x1024xf32>
      %mul3A_187 = arith.mulf %sub3A_181, %sub3A_181 : vector<256x1024xf32>
      %add3A_188 = arith.addf %mul3A_186, %mul3A_187 : vector<256x1024xf32>
      %mul3A_189 = arith.mulf %sub3A_185, %sub3A_185 : vector<256x1024xf32>
      %add3A_190 = arith.addf %add3A_188, %mul3A_189 : vector<256x1024xf32>
      %lt3A_191 = arith.constant 4.000000e-02 : f32
      %lt3A_192 = vector.broadcast %lt3A_191 : f32 to vector<256x1024xf32>
      %lt3A_193 = arith.cmpf olt, %add3A_190, %lt3A_192 : vector<256x1024xf32>
      %jit3A_194 = arith.constant 1.000000e+00 : f32
      %jit3A_195 = arith.constant 0.000000e+00 : f32
      %broadcast_in_dim3A_196 = vector.broadcast %jit3A_194 : f32 to vector<256x1024xf32>
      %broadcast_in_dim3A_197 = vector.broadcast %jit3A_195 : f32 to vector<256x1024xf32>
      %select_n3A_198 = arith.select %lt3A_193, %broadcast_in_dim3A_196, %broadcast_in_dim3A_197 : vector<256x1024xi1>, vector<256x1024xf32>
      %convert_element_type3A_199 = arith.truncf %select_n3A_198 : vector<256x1024xf32> to vector<256x1024xbf16>
      %get3A_200 = arith.constant 0 : index
      %get3A_201 = arith.constant 0 : index
      %get3A_202 = vector.load %arg9[%get3A_200, %get3A_201] : memref<256x1xf32, #tpu.memory_space<vmem>>, vector<256x1xf32>
      %get3A_203 = arith.constant 0 : index
      %get3A_204 = arith.constant 0 : index
      %get3A_205 = vector.load %arg4[%get3A_203, %get3A_204] : memref<1024x1024xbf16, #tpu.memory_space<vmem>>, vector<1024x1024xbf16>
      %dot_general3A_206 = arith.constant dense<0.000000e+00> : vector<256x1024xf32>
      %dot_general3A_207 = tpu.matmul %convert_element_type3A_199, %get3A_205, %dot_general3A_206 {dimension_numbers = #tpu.dot_dimension_numbers<[1], [0], [0], [1], [0, 0, 1, 1], [], []>, transpose_lhs_hint = false} : vector<256x1024xbf16>, vector<1024x1024xbf16>, vector<256x1024xf32> -> vector<256x1024xf32>
      %add3A_208 = vector.broadcast %get3A_202 : vector<256x1xf32> to vector<256x1024xf32>
      %add3A_209 = arith.addf %add3A_208, %dot_general3A_207 : vector<256x1024xf32>
      %slice3A_210 = vector.extract_strided_slice %add3A_209 {offsets = [0, 1023], sizes = [256, 1], strides = [1, 1]} : vector<256x1024xf32> to vector<256x1xf32>
      %swap3A_211 = arith.constant 0 : index
      %swap3A_212 = arith.constant 0 : index
      %swap3A_213 = vector.load %arg9[%swap3A_211, %swap3A_212] : memref<256x1xf32, #tpu.memory_space<vmem>>, vector<256x1xf32>
      tpu.vector_store %arg9[%swap3A_211, %swap3A_212], %slice3A_210 {strides = array<i32>} : memref<256x1xf32, #tpu.memory_space<vmem>>, vector<256x1xf32>,
      %le3A = arith.constant 0.000000e+00 : f32
      %le3A_214 = vector.broadcast %le3A : f32 to vector<256x1024xf32>
      %le3A_215 = arith.cmpf ole, %add3A_209, %le3A_214 : vector<256x1024xf32>
      %jit3A_216 = arith.constant 1.000000e+00 : f32
      %jit3A_217 = arith.constant 0.000000e+00 : f32
      %broadcast_in_dim3A_218 = vector.broadcast %jit3A_216 : f32 to vector<256x1024xf32>
      %broadcast_in_dim3A_219 = vector.broadcast %jit3A_217 : f32 to vector<256x1024xf32>
      %select_n3A_220 = arith.select %le3A_215, %broadcast_in_dim3A_218, %broadcast_in_dim3A_219 : vector<256x1024xi1>, vector<256x1024xf32>
      %reduce_sum3A = arith.constant dense<0.000000e+00> : vector<256xf32>
      %reduce_sum3A_221 = vector.multi_reduction <add>, %select_n3A_220, %reduce_sum3A [1] : vector<256x1024xf32> to vector<256xf32>
      %broadcast_in_dim3A_222 = vector.shape_cast %reduce_sum3A_221 : vector<256xf32> to vector<256x1xf32>
      %le3A_223 = arith.constant 1.000000e+00 : f32
      %le3A_224 = vector.broadcast %le3A_223 : f32 to vector<256x1024xf32>
      %le3A_225 = arith.cmpf ole, %add3A_209, %le3A_224 : vector<256x1024xf32>
      %jit3A_226 = arith.constant 1.000000e+00 : f32
      %jit3A_227 = arith.constant 0.000000e+00 : f32
      %broadcast_in_dim3A_228 = vector.broadcast %jit3A_226 : f32 to vector<256x1024xf32>
      %broadcast_in_dim3A_229 = vector.broadcast %jit3A_227 : f32 to vector<256x1024xf32>
      %select_n3A_230 = arith.select %le3A_225, %broadcast_in_dim3A_228, %broadcast_in_dim3A_229 : vector<256x1024xi1>, vector<256x1024xf32>
      %reduce_sum3A_231 = arith.constant dense<0.000000e+00> : vector<256xf32>
      %reduce_sum3A_232 = vector.multi_reduction <add>, %select_n3A_230, %reduce_sum3A_231 [1] : vector<256x1024xf32> to vector<256xf32>
      %broadcast_in_dim3A_233 = vector.shape_cast %reduce_sum3A_232 : vector<256xf32> to vector<256x1xf32>
      %le3A_234 = arith.constant 2.000000e+00 : f32
      %le3A_235 = vector.broadcast %le3A_234 : f32 to vector<256x1024xf32>
      %le3A_236 = arith.cmpf ole, %add3A_209, %le3A_235 : vector<256x1024xf32>
      %jit3A_237 = arith.constant 1.000000e+00 : f32
      %jit3A_238 = arith.constant 0.000000e+00 : f32
      %broadcast_in_dim3A_239 = vector.broadcast %jit3A_237 : f32 to vector<256x1024xf32>
      %broadcast_in_dim3A_240 = vector.broadcast %jit3A_238 : f32 to vector<256x1024xf32>
      %select_n3A_241 = arith.select %le3A_236, %broadcast_in_dim3A_239, %broadcast_in_dim3A_240 : vector<256x1024xi1>, vector<256x1024xf32>
      %reduce_sum3A_242 = arith.constant dense<0.000000e+00> : vector<256xf32>
      %reduce_sum3A_243 = vector.multi_reduction <add>, %select_n3A_241, %reduce_sum3A_242 [1] : vector<256x1024xf32> to vector<256xf32>
      %broadcast_in_dim3A_244 = vector.shape_cast %reduce_sum3A_243 : vector<256xf32> to vector<256x1xf32>
      %le3A_245 = arith.constant 3.000000e+00 : f32
      %le3A_246 = vector.broadcast %le3A_245 : f32 to vector<256x1024xf32>
      %le3A_247 = arith.cmpf ole, %add3A_209, %le3A_246 : vector<256x1024xf32>
      %jit3A_248 = arith.constant 1.000000e+00 : f32
      %jit3A_249 = arith.constant 0.000000e+00 : f32
      %broadcast_in_dim3A_250 = vector.broadcast %jit3A_248 : f32 to vector<256x1024xf32>
      %broadcast_in_dim3A_251 = vector.broadcast %jit3A_249 : f32 to vector<256x1024xf32>
      %select_n3A_252 = arith.select %le3A_247, %broadcast_in_dim3A_250, %broadcast_in_dim3A_251 : vector<256x1024xi1>, vector<256x1024xf32>
      %reduce_sum3A_253 = arith.constant dense<0.000000e+00> : vector<256xf32>
      %reduce_sum3A_254 = vector.multi_reduction <add>, %select_n3A_252, %reduce_sum3A_253 [1] : vector<256x1024xf32> to vector<256xf32>
      %broadcast_in_dim3A_255 = vector.shape_cast %reduce_sum3A_254 : vector<256xf32> to vector<256x1xf32>
      %le3A_256 = arith.constant 4.000000e+00 : f32
      %le3A_257 = vector.broadcast %le3A_256 : f32 to vector<256x1024xf32>
      %le3A_258 = arith.cmpf ole, %add3A_209, %le3A_257 : vector<256x1024xf32>
      %jit3A_259 = arith.constant 1.000000e+00 : f32
      %jit3A_260 = arith.constant 0.000000e+00 : f32
      %broadcast_in_dim3A_261 = vector.broadcast %jit3A_259 : f32 to vector<256x1024xf32>
      %broadcast_in_dim3A_262 = vector.broadcast %jit3A_260 : f32 to vector<256x1024xf32>
      %select_n3A_263 = arith.select %le3A_258, %broadcast_in_dim3A_261, %broadcast_in_dim3A_262 : vector<256x1024xi1>, vector<256x1024xf32>
      %reduce_sum3A_264 = arith.constant dense<0.000000e+00> : vector<256xf32>
      %reduce_sum3A_265 = vector.multi_reduction <add>, %select_n3A_263, %reduce_sum3A_264 [1] : vector<256x1024xf32> to vector<256xf32>
      %broadcast_in_dim3A_266 = vector.shape_cast %reduce_sum3A_265 : vector<256xf32> to vector<256x1xf32>
      %le3A_267 = arith.constant 5.000000e+00 : f32
      %le3A_268 = vector.broadcast %le3A_267 : f32 to vector<256x1024xf32>
      %le3A_269 = arith.cmpf ole, %add3A_209, %le3A_268 : vector<256x1024xf32>
      %jit3A_270 = arith.constant 1.000000e+00 : f32
      %jit3A_271 = arith.constant 0.000000e+00 : f32
      %broadcast_in_dim3A_272 = vector.broadcast %jit3A_270 : f32 to vector<256x1024xf32>
      %broadcast_in_dim3A_273 = vector.broadcast %jit3A_271 : f32 to vector<256x1024xf32>
      %select_n3A_274 = arith.select %le3A_269, %broadcast_in_dim3A_272, %broadcast_in_dim3A_273 : vector<256x1024xi1>, vector<256x1024xf32>
      %reduce_sum3A_275 = arith.constant dense<0.000000e+00> : vector<256xf32>
      %reduce_sum3A_276 = vector.multi_reduction <add>, %select_n3A_274, %reduce_sum3A_275 [1] : vector<256x1024xf32> to vector<256xf32>
      %broadcast_in_dim3A_277 = vector.shape_cast %reduce_sum3A_276 : vector<256xf32> to vector<256x1xf32>
      %le3A_278 = arith.constant 6.000000e+00 : f32
      %le3A_279 = vector.broadcast %le3A_278 : f32 to vector<256x1024xf32>
      %le3A_280 = arith.cmpf ole, %add3A_209, %le3A_279 : vector<256x1024xf32>
      %jit3A_281 = arith.constant 1.000000e+00 : f32
      %jit3A_282 = arith.constant 0.000000e+00 : f32
      %broadcast_in_dim3A_283 = vector.broadcast %jit3A_281 : f32 to vector<256x1024xf32>
      %broadcast_in_dim3A_284 = vector.broadcast %jit3A_282 : f32 to vector<256x1024xf32>
      %select_n3A_285 = arith.select %le3A_280, %broadcast_in_dim3A_283, %broadcast_in_dim3A_284 : vector<256x1024xi1>, vector<256x1024xf32>
      %reduce_sum3A_286 = arith.constant dense<0.000000e+00> : vector<256xf32>
      %reduce_sum3A_287 = vector.multi_reduction <add>, %select_n3A_285, %reduce_sum3A_286 [1] : vector<256x1024xf32> to vector<256xf32>
      %broadcast_in_dim3A_288 = vector.shape_cast %reduce_sum3A_287 : vector<256xf32> to vector<256x1xf32>
      %le3A_289 = arith.constant 7.000000e+00 : f32
      %le3A_290 = vector.broadcast %le3A_289 : f32 to vector<256x1024xf32>
      %le3A_291 = arith.cmpf ole, %add3A_209, %le3A_290 : vector<256x1024xf32>
      %jit3A_292 = arith.constant 1.000000e+00 : f32
      %jit3A_293 = arith.constant 0.000000e+00 : f32
      %broadcast_in_dim3A_294 = vector.broadcast %jit3A_292 : f32 to vector<256x1024xf32>
      %broadcast_in_dim3A_295 = vector.broadcast %jit3A_293 : f32 to vector<256x1024xf32>
      %select_n3A_296 = arith.select %le3A_291, %broadcast_in_dim3A_294, %broadcast_in_dim3A_295 : vector<256x1024xi1>, vector<256x1024xf32>
      %reduce_sum3A_297 = arith.constant dense<0.000000e+00> : vector<256xf32>
      %reduce_sum3A_298 = vector.multi_reduction <add>, %select_n3A_296, %reduce_sum3A_297 [1] : vector<256x1024xf32> to vector<256xf32>
      %broadcast_in_dim3A_299 = vector.shape_cast %reduce_sum3A_298 : vector<256xf32> to vector<256x1xf32>
      %le3A_300 = arith.constant 8.000000e+00 : f32
      %le3A_301 = vector.broadcast %le3A_300 : f32 to vector<256x1024xf32>
      %le3A_302 = arith.cmpf ole, %add3A_209, %le3A_301 : vector<256x1024xf32>
      %jit3A_303 = arith.constant 1.000000e+00 : f32
      %jit3A_304 = arith.constant 0.000000e+00 : f32
      %broadcast_in_dim3A_305 = vector.broadcast %jit3A_303 : f32 to vector<256x1024xf32>
      %broadcast_in_dim3A_306 = vector.broadcast %jit3A_304 : f32 to vector<256x1024xf32>
      %select_n3A_307 = arith.select %le3A_302, %broadcast_in_dim3A_305, %broadcast_in_dim3A_306 : vector<256x1024xi1>, vector<256x1024xf32>
      %reduce_sum3A_308 = arith.constant dense<0.000000e+00> : vector<256xf32>
      %reduce_sum3A_309 = vector.multi_reduction <add>, %select_n3A_307, %reduce_sum3A_308 [1] : vector<256x1024xf32> to vector<256xf32>
      %broadcast_in_dim3A_310 = vector.shape_cast %reduce_sum3A_309 : vector<256xf32> to vector<256x1xf32>
      %le3A_311 = arith.constant 9.000000e+00 : f32
      %le3A_312 = vector.broadcast %le3A_311 : f32 to vector<256x1024xf32>
      %le3A_313 = arith.cmpf ole, %add3A_209, %le3A_312 : vector<256x1024xf32>
      %jit3A_314 = arith.constant 1.000000e+00 : f32
      %jit3A_315 = arith.constant 0.000000e+00 : f32
      %broadcast_in_dim3A_316 = vector.broadcast %jit3A_314 : f32 to vector<256x1024xf32>
      %broadcast_in_dim3A_317 = vector.broadcast %jit3A_315 : f32 to vector<256x1024xf32>
      %select_n3A_318 = arith.select %le3A_313, %broadcast_in_dim3A_316, %broadcast_in_dim3A_317 : vector<256x1024xi1>, vector<256x1024xf32>
      %reduce_sum3A_319 = arith.constant dense<0.000000e+00> : vector<256xf32>
      %reduce_sum3A_320 = vector.multi_reduction <add>, %select_n3A_318, %reduce_sum3A_319 [1] : vector<256x1024xf32> to vector<256xf32>
      %broadcast_in_dim3A_321 = vector.shape_cast %reduce_sum3A_320 : vector<256xf32> to vector<256x1xf32>
      %le3A_322 = arith.constant 1.000000e+01 : f32
      %le3A_323 = vector.broadcast %le3A_322 : f32 to vector<256x1024xf32>
      %le3A_324 = arith.cmpf ole, %add3A_209, %le3A_323 : vector<256x1024xf32>
      %jit3A_325 = arith.constant 1.000000e+00 : f32
      %jit3A_326 = arith.constant 0.000000e+00 : f32
      %broadcast_in_dim3A_327 = vector.broadcast %jit3A_325 : f32 to vector<256x1024xf32>
      %broadcast_in_dim3A_328 = vector.broadcast %jit3A_326 : f32 to vector<256x1024xf32>
      %select_n3A_329 = arith.select %le3A_324, %broadcast_in_dim3A_327, %broadcast_in_dim3A_328 : vector<256x1024xi1>, vector<256x1024xf32>
      %reduce_sum3A_330 = arith.constant dense<0.000000e+00> : vector<256xf32>
      %reduce_sum3A_331 = vector.multi_reduction <add>, %select_n3A_329, %reduce_sum3A_330 [1] : vector<256x1024xf32> to vector<256xf32>
      %broadcast_in_dim3A_332 = vector.shape_cast %reduce_sum3A_331 : vector<256xf32> to vector<256x1xf32>
      %le3A_333 = arith.constant 1.100000e+01 : f32
      %le3A_334 = vector.broadcast %le3A_333 : f32 to vector<256x1024xf32>
      %le3A_335 = arith.cmpf ole, %add3A_209, %le3A_334 : vector<256x1024xf32>
      %jit3A_336 = arith.constant 1.000000e+00 : f32
      %jit3A_337 = arith.constant 0.000000e+00 : f32
      %broadcast_in_dim3A_338 = vector.broadcast %jit3A_336 : f32 to vector<256x1024xf32>
      %broadcast_in_dim3A_339 = vector.broadcast %jit3A_337 : f32 to vector<256x1024xf32>
      %select_n3A_340 = arith.select %le3A_335, %broadcast_in_dim3A_338, %broadcast_in_dim3A_339 : vector<256x1024xi1>, vector<256x1024xf32>
      %reduce_sum3A_341 = arith.constant dense<0.000000e+00> : vector<256xf32>
      %reduce_sum3A_342 = vector.multi_reduction <add>, %select_n3A_340, %reduce_sum3A_341 [1] : vector<256x1024xf32> to vector<256xf32>
      %broadcast_in_dim3A_343 = vector.shape_cast %reduce_sum3A_342 : vector<256xf32> to vector<256x1xf32>
      %le3A_344 = arith.constant 1.200000e+01 : f32
      %le3A_345 = vector.broadcast %le3A_344 : f32 to vector<256x1024xf32>
      %le3A_346 = arith.cmpf ole, %add3A_209, %le3A_345 : vector<256x1024xf32>
      %jit3A_347 = arith.constant 1.000000e+00 : f32
      %jit3A_348 = arith.constant 0.000000e+00 : f32
      %broadcast_in_dim3A_349 = vector.broadcast %jit3A_347 : f32 to vector<256x1024xf32>
      %broadcast_in_dim3A_350 = vector.broadcast %jit3A_348 : f32 to vector<256x1024xf32>
      %select_n3A_351 = arith.select %le3A_346, %broadcast_in_dim3A_349, %broadcast_in_dim3A_350 : vector<256x1024xi1>, vector<256x1024xf32>
      %reduce_sum3A_352 = arith.constant dense<0.000000e+00> : vector<256xf32>
      %reduce_sum3A_353 = vector.multi_reduction <add>, %select_n3A_351, %reduce_sum3A_352 [1] : vector<256x1024xf32> to vector<256xf32>
      %broadcast_in_dim3A_354 = vector.shape_cast %reduce_sum3A_353 : vector<256xf32> to vector<256x1xf32>
      %le3A_355 = arith.constant 1.300000e+01 : f32
      %le3A_356 = vector.broadcast %le3A_355 : f32 to vector<256x1024xf32>
      %le3A_357 = arith.cmpf ole, %add3A_209, %le3A_356 : vector<256x1024xf32>
      %jit3A_358 = arith.constant 1.000000e+00 : f32
      %jit3A_359 = arith.constant 0.000000e+00 : f32
      %broadcast_in_dim3A_360 = vector.broadcast %jit3A_358 : f32 to vector<256x1024xf32>
      %broadcast_in_dim3A_361 = vector.broadcast %jit3A_359 : f32 to vector<256x1024xf32>
      %select_n3A_362 = arith.select %le3A_357, %broadcast_in_dim3A_360, %broadcast_in_dim3A_361 : vector<256x1024xi1>, vector<256x1024xf32>
      %reduce_sum3A_363 = arith.constant dense<0.000000e+00> : vector<256xf32>
      %reduce_sum3A_364 = vector.multi_reduction <add>, %select_n3A_362, %reduce_sum3A_363 [1] : vector<256x1024xf32> to vector<256xf32>
      %broadcast_in_dim3A_365 = vector.shape_cast %reduce_sum3A_364 : vector<256xf32> to vector<256x1xf32>
      %le3A_366 = arith.constant 1.400000e+01 : f32
      %le3A_367 = vector.broadcast %le3A_366 : f32 to vector<256x1024xf32>
      %le3A_368 = arith.cmpf ole, %add3A_209, %le3A_367 : vector<256x1024xf32>
      %jit3A_369 = arith.constant 1.000000e+00 : f32
      %jit3A_370 = arith.constant 0.000000e+00 : f32
      %broadcast_in_dim3A_371 = vector.broadcast %jit3A_369 : f32 to vector<256x1024xf32>
      %broadcast_in_dim3A_372 = vector.broadcast %jit3A_370 : f32 to vector<256x1024xf32>
      %select_n3A_373 = arith.select %le3A_368, %broadcast_in_dim3A_371, %broadcast_in_dim3A_372 : vector<256x1024xi1>, vector<256x1024xf32>
      %reduce_sum3A_374 = arith.constant dense<0.000000e+00> : vector<256xf32>
      %reduce_sum3A_375 = vector.multi_reduction <add>, %select_n3A_373, %reduce_sum3A_374 [1] : vector<256x1024xf32> to vector<256xf32>
      %broadcast_in_dim3A_376 = vector.shape_cast %reduce_sum3A_375 : vector<256xf32> to vector<256x1xf32>
      %le3A_377 = arith.constant 1.500000e+01 : f32
      %le3A_378 = vector.broadcast %le3A_377 : f32 to vector<256x1024xf32>
      %le3A_379 = arith.cmpf ole, %add3A_209, %le3A_378 : vector<256x1024xf32>
      %jit3A_380 = arith.constant 1.000000e+00 : f32
      %jit3A_381 = arith.constant 0.000000e+00 : f32
      %broadcast_in_dim3A_382 = vector.broadcast %jit3A_380 : f32 to vector<256x1024xf32>
      %broadcast_in_dim3A_383 = vector.broadcast %jit3A_381 : f32 to vector<256x1024xf32>
      %select_n3A_384 = arith.select %le3A_379, %broadcast_in_dim3A_382, %broadcast_in_dim3A_383 : vector<256x1024xi1>, vector<256x1024xf32>
      %reduce_sum3A_385 = arith.constant dense<0.000000e+00> : vector<256xf32>
      %reduce_sum3A_386 = vector.multi_reduction <add>, %select_n3A_384, %reduce_sum3A_385 [1] : vector<256x1024xf32> to vector<256xf32>
      %broadcast_in_dim3A_387 = vector.shape_cast %reduce_sum3A_386 : vector<256xf32> to vector<256x1xf32>
      %le3A_388 = arith.constant 1.600000e+01 : f32
      %le3A_389 = vector.broadcast %le3A_388 : f32 to vector<256x1024xf32>
      %le3A_390 = arith.cmpf ole, %add3A_209, %le3A_389 : vector<256x1024xf32>
      %jit3A_391 = arith.constant 1.000000e+00 : f32
      %jit3A_392 = arith.constant 0.000000e+00 : f32
      %broadcast_in_dim3A_393 = vector.broadcast %jit3A_391 : f32 to vector<256x1024xf32>
      %broadcast_in_dim3A_394 = vector.broadcast %jit3A_392 : f32 to vector<256x1024xf32>
      %select_n3A_395 = arith.select %le3A_390, %broadcast_in_dim3A_393, %broadcast_in_dim3A_394 : vector<256x1024xi1>, vector<256x1024xf32>
      %reduce_sum3A_396 = arith.constant dense<0.000000e+00> : vector<256xf32>
      %reduce_sum3A_397 = vector.multi_reduction <add>, %select_n3A_395, %reduce_sum3A_396 [1] : vector<256x1024xf32> to vector<256xf32>
      %broadcast_in_dim3A_398 = vector.shape_cast %reduce_sum3A_397 : vector<256xf32> to vector<256x1xf32>
      %le3A_399 = arith.constant 1.700000e+01 : f32
      %le3A_400 = vector.broadcast %le3A_399 : f32 to vector<256x1024xf32>
      %le3A_401 = arith.cmpf ole, %add3A_209, %le3A_400 : vector<256x1024xf32>
      %jit3A_402 = arith.constant 1.000000e+00 : f32
      %jit3A_403 = arith.constant 0.000000e+00 : f32
      %broadcast_in_dim3A_404 = vector.broadcast %jit3A_402 : f32 to vector<256x1024xf32>
      %broadcast_in_dim3A_405 = vector.broadcast %jit3A_403 : f32 to vector<256x1024xf32>
      %select_n3A_406 = arith.select %le3A_401, %broadcast_in_dim3A_404, %broadcast_in_dim3A_405 : vector<256x1024xi1>, vector<256x1024xf32>
      %reduce_sum3A_407 = arith.constant dense<0.000000e+00> : vector<256xf32>
      %reduce_sum3A_408 = vector.multi_reduction <add>, %select_n3A_406, %reduce_sum3A_407 [1] : vector<256x1024xf32> to vector<256xf32>
      %broadcast_in_dim3A_409 = vector.shape_cast %reduce_sum3A_408 : vector<256xf32> to vector<256x1xf32>
      %le3A_410 = arith.constant 1.800000e+01 : f32
      %le3A_411 = vector.broadcast %le3A_410 : f32 to vector<256x1024xf32>
      %le3A_412 = arith.cmpf ole, %add3A_209, %le3A_411 : vector<256x1024xf32>
      %jit3A_413 = arith.constant 1.000000e+00 : f32
      %jit3A_414 = arith.constant 0.000000e+00 : f32
      %broadcast_in_dim3A_415 = vector.broadcast %jit3A_413 : f32 to vector<256x1024xf32>
      %broadcast_in_dim3A_416 = vector.broadcast %jit3A_414 : f32 to vector<256x1024xf32>
      %select_n3A_417 = arith.select %le3A_412, %broadcast_in_dim3A_415, %broadcast_in_dim3A_416 : vector<256x1024xi1>, vector<256x1024xf32>
      %reduce_sum3A_418 = arith.constant dense<0.000000e+00> : vector<256xf32>
      %reduce_sum3A_419 = vector.multi_reduction <add>, %select_n3A_417, %reduce_sum3A_418 [1] : vector<256x1024xf32> to vector<256xf32>
      %broadcast_in_dim3A_420 = vector.shape_cast %reduce_sum3A_419 : vector<256xf32> to vector<256x1xf32>
      %le3A_421 = arith.constant 1.900000e+01 : f32
      %le3A_422 = vector.broadcast %le3A_421 : f32 to vector<256x1024xf32>
      %le3A_423 = arith.cmpf ole, %add3A_209, %le3A_422 : vector<256x1024xf32>
      %jit3A_424 = arith.constant 1.000000e+00 : f32
      %jit3A_425 = arith.constant 0.000000e+00 : f32
      %broadcast_in_dim3A_426 = vector.broadcast %jit3A_424 : f32 to vector<256x1024xf32>
      %broadcast_in_dim3A_427 = vector.broadcast %jit3A_425 : f32 to vector<256x1024xf32>
      %select_n3A_428 = arith.select %le3A_423, %broadcast_in_dim3A_426, %broadcast_in_dim3A_427 : vector<256x1024xi1>, vector<256x1024xf32>
      %reduce_sum3A_429 = arith.constant dense<0.000000e+00> : vector<256xf32>
      %reduce_sum3A_430 = vector.multi_reduction <add>, %select_n3A_428, %reduce_sum3A_429 [1] : vector<256x1024xf32> to vector<256xf32>
      %broadcast_in_dim3A_431 = vector.shape_cast %reduce_sum3A_430 : vector<256xf32> to vector<256x1xf32>
      %le3A_432 = arith.constant 2.000000e+01 : f32
      %le3A_433 = vector.broadcast %le3A_432 : f32 to vector<256x1024xf32>
      %le3A_434 = arith.cmpf ole, %add3A_209, %le3A_433 : vector<256x1024xf32>
      %jit3A_435 = arith.constant 1.000000e+00 : f32
      %jit3A_436 = arith.constant 0.000000e+00 : f32
      %broadcast_in_dim3A_437 = vector.broadcast %jit3A_435 : f32 to vector<256x1024xf32>
      %broadcast_in_dim3A_438 = vector.broadcast %jit3A_436 : f32 to vector<256x1024xf32>
      %select_n3A_439 = arith.select %le3A_434, %broadcast_in_dim3A_437, %broadcast_in_dim3A_438 : vector<256x1024xi1>, vector<256x1024xf32>
      %reduce_sum3A_440 = arith.constant dense<0.000000e+00> : vector<256xf32>
      %reduce_sum3A_441 = vector.multi_reduction <add>, %select_n3A_439, %reduce_sum3A_440 [1] : vector<256x1024xf32> to vector<256xf32>
      %broadcast_in_dim3A_442 = vector.shape_cast %reduce_sum3A_441 : vector<256xf32> to vector<256x1xf32>
      %le3A_443 = arith.constant 2.100000e+01 : f32
      %le3A_444 = vector.broadcast %le3A_443 : f32 to vector<256x1024xf32>
      %le3A_445 = arith.cmpf ole, %add3A_209, %le3A_444 : vector<256x1024xf32>
      %jit3A_446 = arith.constant 1.000000e+00 : f32
      %jit3A_447 = arith.constant 0.000000e+00 : f32
      %broadcast_in_dim3A_448 = vector.broadcast %jit3A_446 : f32 to vector<256x1024xf32>
      %broadcast_in_dim3A_449 = vector.broadcast %jit3A_447 : f32 to vector<256x1024xf32>
      %select_n3A_450 = arith.select %le3A_445, %broadcast_in_dim3A_448, %broadcast_in_dim3A_449 : vector<256x1024xi1>, vector<256x1024xf32>
      %reduce_sum3A_451 = arith.constant dense<0.000000e+00> : vector<256xf32>
      %reduce_sum3A_452 = vector.multi_reduction <add>, %select_n3A_450, %reduce_sum3A_451 [1] : vector<256x1024xf32> to vector<256xf32>
      %broadcast_in_dim3A_453 = vector.shape_cast %reduce_sum3A_452 : vector<256xf32> to vector<256x1xf32>
      %le3A_454 = arith.constant 2.200000e+01 : f32
      %le3A_455 = vector.broadcast %le3A_454 : f32 to vector<256x1024xf32>
      %le3A_456 = arith.cmpf ole, %add3A_209, %le3A_455 : vector<256x1024xf32>
      %jit3A_457 = arith.constant 1.000000e+00 : f32
      %jit3A_458 = arith.constant 0.000000e+00 : f32
      %broadcast_in_dim3A_459 = vector.broadcast %jit3A_457 : f32 to vector<256x1024xf32>
      %broadcast_in_dim3A_460 = vector.broadcast %jit3A_458 : f32 to vector<256x1024xf32>
      %select_n3A_461 = arith.select %le3A_456, %broadcast_in_dim3A_459, %broadcast_in_dim3A_460 : vector<256x1024xi1>, vector<256x1024xf32>
      %reduce_sum3A_462 = arith.constant dense<0.000000e+00> : vector<256xf32>
      %reduce_sum3A_463 = vector.multi_reduction <add>, %select_n3A_461, %reduce_sum3A_462 [1] : vector<256x1024xf32> to vector<256xf32>
      %broadcast_in_dim3A_464 = vector.shape_cast %reduce_sum3A_463 : vector<256xf32> to vector<256x1xf32>
      %le3A_465 = arith.constant 2.300000e+01 : f32
      %le3A_466 = vector.broadcast %le3A_465 : f32 to vector<256x1024xf32>
      %le3A_467 = arith.cmpf ole, %add3A_209, %le3A_466 : vector<256x1024xf32>
      %jit3A_468 = arith.constant 1.000000e+00 : f32
      %jit3A_469 = arith.constant 0.000000e+00 : f32
      %broadcast_in_dim3A_470 = vector.broadcast %jit3A_468 : f32 to vector<256x1024xf32>
      %broadcast_in_dim3A_471 = vector.broadcast %jit3A_469 : f32 to vector<256x1024xf32>
      %select_n3A_472 = arith.select %le3A_467, %broadcast_in_dim3A_470, %broadcast_in_dim3A_471 : vector<256x1024xi1>, vector<256x1024xf32>
      %reduce_sum3A_473 = arith.constant dense<0.000000e+00> : vector<256xf32>
      %reduce_sum3A_474 = vector.multi_reduction <add>, %select_n3A_472, %reduce_sum3A_473 [1] : vector<256x1024xf32> to vector<256xf32>
      %broadcast_in_dim3A_475 = vector.shape_cast %reduce_sum3A_474 : vector<256xf32> to vector<256x1xf32>
      %le3A_476 = arith.constant 2.400000e+01 : f32
      %le3A_477 = vector.broadcast %le3A_476 : f32 to vector<256x1024xf32>
      %le3A_478 = arith.cmpf ole, %add3A_209, %le3A_477 : vector<256x1024xf32>
      %jit3A_479 = arith.constant 1.000000e+00 : f32
      %jit3A_480 = arith.constant 0.000000e+00 : f32
      %broadcast_in_dim3A_481 = vector.broadcast %jit3A_479 : f32 to vector<256x1024xf32>
      %broadcast_in_dim3A_482 = vector.broadcast %jit3A_480 : f32 to vector<256x1024xf32>
      %select_n3A_483 = arith.select %le3A_478, %broadcast_in_dim3A_481, %broadcast_in_dim3A_482 : vector<256x1024xi1>, vector<256x1024xf32>
      %reduce_sum3A_484 = arith.constant dense<0.000000e+00> : vector<256xf32>
      %reduce_sum3A_485 = vector.multi_reduction <add>, %select_n3A_483, %reduce_sum3A_484 [1] : vector<256x1024xf32> to vector<256xf32>
      %broadcast_in_dim3A_486 = vector.shape_cast %reduce_sum3A_485 : vector<256xf32> to vector<256x1xf32>
      %le3A_487 = arith.constant 2.500000e+01 : f32
      %le3A_488 = vector.broadcast %le3A_487 : f32 to vector<256x1024xf32>
      %le3A_489 = arith.cmpf ole, %add3A_209, %le3A_488 : vector<256x1024xf32>
      %jit3A_490 = arith.constant 1.000000e+00 : f32
      %jit3A_491 = arith.constant 0.000000e+00 : f32
      %broadcast_in_dim3A_492 = vector.broadcast %jit3A_490 : f32 to vector<256x1024xf32>
      %broadcast_in_dim3A_493 = vector.broadcast %jit3A_491 : f32 to vector<256x1024xf32>
      %select_n3A_494 = arith.select %le3A_489, %broadcast_in_dim3A_492, %broadcast_in_dim3A_493 : vector<256x1024xi1>, vector<256x1024xf32>
      %reduce_sum3A_495 = arith.constant dense<0.000000e+00> : vector<256xf32>
      %reduce_sum3A_496 = vector.multi_reduction <add>, %select_n3A_494, %reduce_sum3A_495 [1] : vector<256x1024xf32> to vector<256xf32>
      %broadcast_in_dim3A_497 = vector.shape_cast %reduce_sum3A_496 : vector<256xf32> to vector<256x1xf32>
      %le3A_498 = arith.constant 2.600000e+01 : f32
      %le3A_499 = vector.broadcast %le3A_498 : f32 to vector<256x1024xf32>
      %le3A_500 = arith.cmpf ole, %add3A_209, %le3A_499 : vector<256x1024xf32>
      %jit3A_501 = arith.constant 1.000000e+00 : f32
      %jit3A_502 = arith.constant 0.000000e+00 : f32
      %broadcast_in_dim3A_503 = vector.broadcast %jit3A_501 : f32 to vector<256x1024xf32>
      %broadcast_in_dim3A_504 = vector.broadcast %jit3A_502 : f32 to vector<256x1024xf32>
      %select_n3A_505 = arith.select %le3A_500, %broadcast_in_dim3A_503, %broadcast_in_dim3A_504 : vector<256x1024xi1>, vector<256x1024xf32>
      %reduce_sum3A_506 = arith.constant dense<0.000000e+00> : vector<256xf32>
      %reduce_sum3A_507 = vector.multi_reduction <add>, %select_n3A_505, %reduce_sum3A_506 [1] : vector<256x1024xf32> to vector<256xf32>
      %broadcast_in_dim3A_508 = vector.shape_cast %reduce_sum3A_507 : vector<256xf32> to vector<256x1xf32>
      %le3A_509 = arith.constant 2.700000e+01 : f32
      %le3A_510 = vector.broadcast %le3A_509 : f32 to vector<256x1024xf32>
      %le3A_511 = arith.cmpf ole, %add3A_209, %le3A_510 : vector<256x1024xf32>
      %jit3A_512 = arith.constant 1.000000e+00 : f32
      %jit3A_513 = arith.constant 0.000000e+00 : f32
      %broadcast_in_dim3A_514 = vector.broadcast %jit3A_512 : f32 to vector<256x1024xf32>
      %broadcast_in_dim3A_515 = vector.broadcast %jit3A_513 : f32 to vector<256x1024xf32>
      %select_n3A_516 = arith.select %le3A_511, %broadcast_in_dim3A_514, %broadcast_in_dim3A_515 : vector<256x1024xi1>, vector<256x1024xf32>
      %reduce_sum3A_517 = arith.constant dense<0.000000e+00> : vector<256xf32>
      %reduce_sum3A_518 = vector.multi_reduction <add>, %select_n3A_516, %reduce_sum3A_517 [1] : vector<256x1024xf32> to vector<256xf32>
      %broadcast_in_dim3A_519 = vector.shape_cast %reduce_sum3A_518 : vector<256xf32> to vector<256x1xf32>
      %le3A_520 = arith.constant 2.800000e+01 : f32
      %le3A_521 = vector.broadcast %le3A_520 : f32 to vector<256x1024xf32>
      %le3A_522 = arith.cmpf ole, %add3A_209, %le3A_521 : vector<256x1024xf32>
      %jit3A_523 = arith.constant 1.000000e+00 : f32
      %jit3A_524 = arith.constant 0.000000e+00 : f32
      %broadcast_in_dim3A_525 = vector.broadcast %jit3A_523 : f32 to vector<256x1024xf32>
      %broadcast_in_dim3A_526 = vector.broadcast %jit3A_524 : f32 to vector<256x1024xf32>
      %select_n3A_527 = arith.select %le3A_522, %broadcast_in_dim3A_525, %broadcast_in_dim3A_526 : vector<256x1024xi1>, vector<256x1024xf32>
      %reduce_sum3A_528 = arith.constant dense<0.000000e+00> : vector<256xf32>
      %reduce_sum3A_529 = vector.multi_reduction <add>, %select_n3A_527, %reduce_sum3A_528 [1] : vector<256x1024xf32> to vector<256xf32>
      %broadcast_in_dim3A_530 = vector.shape_cast %reduce_sum3A_529 : vector<256xf32> to vector<256x1xf32>
      %le3A_531 = arith.constant 2.900000e+01 : f32
      %le3A_532 = vector.broadcast %le3A_531 : f32 to vector<256x1024xf32>
      %le3A_533 = arith.cmpf ole, %add3A_209, %le3A_532 : vector<256x1024xf32>
      %jit3A_534 = arith.constant 1.000000e+00 : f32
      %jit3A_535 = arith.constant 0.000000e+00 : f32
      %broadcast_in_dim3A_536 = vector.broadcast %jit3A_534 : f32 to vector<256x1024xf32>
      %broadcast_in_dim3A_537 = vector.broadcast %jit3A_535 : f32 to vector<256x1024xf32>
      %select_n3A_538 = arith.select %le3A_533, %broadcast_in_dim3A_536, %broadcast_in_dim3A_537 : vector<256x1024xi1>, vector<256x1024xf32>
      %reduce_sum3A_539 = arith.constant dense<0.000000e+00> : vector<256xf32>
      %reduce_sum3A_540 = vector.multi_reduction <add>, %select_n3A_538, %reduce_sum3A_539 [1] : vector<256x1024xf32> to vector<256xf32>
      %broadcast_in_dim3A_541 = vector.shape_cast %reduce_sum3A_540 : vector<256xf32> to vector<256x1xf32>
      %le3A_542 = arith.constant 3.000000e+01 : f32
      %le3A_543 = vector.broadcast %le3A_542 : f32 to vector<256x1024xf32>
      %le3A_544 = arith.cmpf ole, %add3A_209, %le3A_543 : vector<256x1024xf32>
      %jit3A_545 = arith.constant 1.000000e+00 : f32
      %jit3A_546 = arith.constant 0.000000e+00 : f32
      %broadcast_in_dim3A_547 = vector.broadcast %jit3A_545 : f32 to vector<256x1024xf32>
      %broadcast_in_dim3A_548 = vector.broadcast %jit3A_546 : f32 to vector<256x1024xf32>
      %select_n3A_549 = arith.select %le3A_544, %broadcast_in_dim3A_547, %broadcast_in_dim3A_548 : vector<256x1024xi1>, vector<256x1024xf32>
      %reduce_sum3A_550 = arith.constant dense<0.000000e+00> : vector<256xf32>
      %reduce_sum3A_551 = vector.multi_reduction <add>, %select_n3A_549, %reduce_sum3A_550 [1] : vector<256x1024xf32> to vector<256xf32>
      %broadcast_in_dim3A_552 = vector.shape_cast %reduce_sum3A_551 : vector<256xf32> to vector<256x1xf32>
      %le3A_553 = arith.constant 3.100000e+01 : f32
      %le3A_554 = vector.broadcast %le3A_553 : f32 to vector<256x1024xf32>
      %le3A_555 = arith.cmpf ole, %add3A_209, %le3A_554 : vector<256x1024xf32>
      %jit3A_556 = arith.constant 1.000000e+00 : f32
      %jit3A_557 = arith.constant 0.000000e+00 : f32
      %broadcast_in_dim3A_558 = vector.broadcast %jit3A_556 : f32 to vector<256x1024xf32>
      %broadcast_in_dim3A_559 = vector.broadcast %jit3A_557 : f32 to vector<256x1024xf32>
      %select_n3A_560 = arith.select %le3A_555, %broadcast_in_dim3A_558, %broadcast_in_dim3A_559 : vector<256x1024xi1>, vector<256x1024xf32>
      %reduce_sum3A_561 = arith.constant dense<0.000000e+00> : vector<256xf32>
      %reduce_sum3A_562 = vector.multi_reduction <add>, %select_n3A_560, %reduce_sum3A_561 [1] : vector<256x1024xf32> to vector<256xf32>
      %broadcast_in_dim3A_563 = vector.shape_cast %reduce_sum3A_562 : vector<256xf32> to vector<256x1xf32>
      %get3A_564 = arith.constant 0 : index
      %get3A_565 = arith.constant 0 : index
      %get3A_566 = vector.load %arg8[%get3A_564, %get3A_565] : memref<256x32xf32, #tpu.memory_space<vmem>>, vector<256x32xf32>
      %concatenate3A = tpu.concatenate %broadcast_in_dim3A_222, %broadcast_in_dim3A_233, %broadcast_in_dim3A_244, %broadcast_in_dim3A_255, %broadcast_in_dim3A_266, %broadcast_in_dim3A_277, %broadcast_in_dim3A_288, %broadcast_in_dim3A_299, %broadcast_in_dim3A_310, %broadcast_in_dim3A_321, %broadcast_in_dim3A_332, %broadcast_in_dim3A_343, %broadcast_in_dim3A_354, %broadcast_in_dim3A_365, %broadcast_in_dim3A_376, %broadcast_in_dim3A_387, %broadcast_in_dim3A_398, %broadcast_in_dim3A_409, %broadcast_in_dim3A_420, %broadcast_in_dim3A_431, %broadcast_in_dim3A_442, %broadcast_in_dim3A_453, %broadcast_in_dim3A_464, %broadcast_in_dim3A_475, %broadcast_in_dim3A_486, %broadcast_in_dim3A_497, %broadcast_in_dim3A_508, %broadcast_in_dim3A_519, %broadcast_in_dim3A_530, %broadcast_in_dim3A_541, %broadcast_in_dim3A_552, %broadcast_in_dim3A_563 in 1 : vector<256x1xf32>, vector<256x1xf32>, vector<256x1xf32>, vector<256x1xf32>, vector<256x1xf32>, vector<256x1xf32>, vector<256x1xf32>, vector<256x1xf32>, vector<256x1xf32>, vector<256x1xf32>, vector<256x1xf32>, vector<256x1xf32>, vector<256x1xf32>, vector<256x1xf32>, vector<256x1xf32>, vector<256x1xf32>, vector<256x1xf32>, vector<256x1xf32>, vector<256x1xf32>, vector<256x1xf32>, vector<256x1xf32>, vector<256x1xf32>, vector<256x1xf32>, vector<256x1xf32>, vector<256x1xf32>, vector<256x1xf32>, vector<256x1xf32>, vector<256x1xf32>, vector<256x1xf32>, vector<256x1xf32>, vector<256x1xf32>, vector<256x1xf32> -> vector<256x32xf32>
      %add3A_567 = arith.addf %get3A_566, %concatenate3A : vector<256x32xf32>
      %swap3A_568 = arith.constant 0 : index
      %swap3A_569 = arith.constant 0 : index
      %swap3A_570 = vector.load %arg8[%swap3A_568, %swap3A_569] : memref<256x32xf32, #tpu.memory_space<vmem>>, vector<256x32xf32>
      tpu.vector_store %arg8[%swap3A_568, %swap3A_569], %add3A_567 {strides = array<i32>} : memref<256x32xf32, #tpu.memory_space<vmem>>, vector<256x32xf32>,
    } else {
    }
    %get3A_93 = arith.constant 0 : index
    %get3A_94 = arith.constant 0 : index
    %get3A_95 = vector.load %arg9[%get3A_93, %get3A_94] : memref<256x1xf32, #tpu.memory_space<vmem>>, vector<256x1xf32>
    %reduce_min3A_96 = vector.shape_cast %get3A_95 : vector<256x1xf32> to vector<1x256x1xf32>
    %reduce_min3A_97 = arith.constant dense<0x7F800000> : vector<1xf32>
    %reduce_min3A_98 = vector.multi_reduction <minimumf>, %reduce_min3A_96, %reduce_min3A_97 [1, 2] : vector<1x256x1xf32> to vector<1xf32>
    %reduce_min3A_99 = vector.shape_cast %reduce_min3A_98 : vector<1xf32> to vector<1x1x1xf32>
    %reduce_min3A_100 = vector.extract %reduce_min3A_99[0, 0, 0] : f32 from vector<1x1x1xf32>
    %lt3A_101 = arith.constant 3.200000e+01 : f32
    %lt3A_102 = arith.cmpf olt, %reduce_min3A_100, %lt3A_101 : f32
    %convert_element_type3A_103 = arith.extui %lt3A_102 : i1 to i32
    %cond3A_104 = arith.constant 0 : i32
    %cond3A_105 = arith.cmpi ne, %convert_element_type3A_103, %cond3A_104 : i32
    scf.if %cond3A_105 {
      %get3A_169 = arith.constant 0 : index
      %get3A_170 = arith.constant 0 : index
      %get3A_171 = arith.constant 6144 : index
      %get3A_172 = vector.load %arg2[%get3A_169, %get3A_170, %get3A_171] : memref<1x8x8192xf32, #tpu.memory_space<vmem>>, vector<1x8x1024xf32>
      %get3A_173 = vector.shape_cast %get3A_172 : vector<1x8x1024xf32> to vector<8x1024xf32>
      %slice3A_174 = vector.extract_strided_slice %get3A_173 {offsets = [0, 0], sizes = [1, 1024], strides = [1, 1]} : vector<8x1024xf32> to vector<1x1024xf32>
      %sub3A_175 = vector.broadcast %slice3A : vector<256x1xf32> to vector<256x1024xf32>
      %sub3A_176 = vector.broadcast %slice3A_174 : vector<1x1024xf32> to vector<256x1024xf32>
      %sub3A_177 = arith.subf %sub3A_175, %sub3A_176 : vector<256x1024xf32>
      %slice3A_178 = vector.extract_strided_slice %get3A_173 {offsets = [1, 0], sizes = [1, 1024], strides = [1, 1]} : vector<8x1024xf32> to vector<1x1024xf32>
      %sub3A_179 = vector.broadcast %slice3A_8 : vector<256x1xf32> to vector<256x1024xf32>
      %sub3A_180 = vector.broadcast %slice3A_178 : vector<1x1024xf32> to vector<256x1024xf32>
      %sub3A_181 = arith.subf %sub3A_179, %sub3A_180 : vector<256x1024xf32>
      %slice3A_182 = vector.extract_strided_slice %get3A_173 {offsets = [2, 0], sizes = [1, 1024], strides = [1, 1]} : vector<8x1024xf32> to vector<1x1024xf32>
      %sub3A_183 = vector.broadcast %slice3A_9 : vector<256x1xf32> to vector<256x1024xf32>
      %sub3A_184 = vector.broadcast %slice3A_182 : vector<1x1024xf32> to vector<256x1024xf32>
      %sub3A_185 = arith.subf %sub3A_183, %sub3A_184 : vector<256x1024xf32>
      %mul3A_186 = arith.mulf %sub3A_177, %sub3A_177 : vector<256x1024xf32>
      %mul3A_187 = arith.mulf %sub3A_181, %sub3A_181 : vector<256x1024xf32>
      %add3A_188 = arith.addf %mul3A_186, %mul3A_187 : vector<256x1024xf32>
      %mul3A_189 = arith.mulf %sub3A_185, %sub3A_185 : vector<256x1024xf32>
      %add3A_190 = arith.addf %add3A_188, %mul3A_189 : vector<256x1024xf32>
      %lt3A_191 = arith.constant 4.000000e-02 : f32
      %lt3A_192 = vector.broadcast %lt3A_191 : f32 to vector<256x1024xf32>
      %lt3A_193 = arith.cmpf olt, %add3A_190, %lt3A_192 : vector<256x1024xf32>
      %jit3A_194 = arith.constant 1.000000e+00 : f32
      %jit3A_195 = arith.constant 0.000000e+00 : f32
      %broadcast_in_dim3A_196 = vector.broadcast %jit3A_194 : f32 to vector<256x1024xf32>
      %broadcast_in_dim3A_197 = vector.broadcast %jit3A_195 : f32 to vector<256x1024xf32>
      %select_n3A_198 = arith.select %lt3A_193, %broadcast_in_dim3A_196, %broadcast_in_dim3A_197 : vector<256x1024xi1>, vector<256x1024xf32>
      %convert_element_type3A_199 = arith.truncf %select_n3A_198 : vector<256x1024xf32> to vector<256x1024xbf16>
      %get3A_200 = arith.constant 0 : index
      %get3A_201 = arith.constant 0 : index
      %get3A_202 = vector.load %arg9[%get3A_200, %get3A_201] : memref<256x1xf32, #tpu.memory_space<vmem>>, vector<256x1xf32>
      %get3A_203 = arith.constant 0 : index
      %get3A_204 = arith.constant 0 : index
      %get3A_205 = vector.load %arg4[%get3A_203, %get3A_204] : memref<1024x1024xbf16, #tpu.memory_space<vmem>>, vector<1024x1024xbf16>
      %dot_general3A_206 = arith.constant dense<0.000000e+00> : vector<256x1024xf32>
      %dot_general3A_207 = tpu.matmul %convert_element_type3A_199, %get3A_205, %dot_general3A_206 {dimension_numbers = #tpu.dot_dimension_numbers<[1], [0], [0], [1], [0, 0, 1, 1], [], []>, transpose_lhs_hint = false} : vector<256x1024xbf16>, vector<1024x1024xbf16>, vector<256x1024xf32> -> vector<256x1024xf32>
      %add3A_208 = vector.broadcast %get3A_202 : vector<256x1xf32> to vector<256x1024xf32>
      %add3A_209 = arith.addf %add3A_208, %dot_general3A_207 : vector<256x1024xf32>
      %slice3A_210 = vector.extract_strided_slice %add3A_209 {offsets = [0, 1023], sizes = [256, 1], strides = [1, 1]} : vector<256x1024xf32> to vector<256x1xf32>
      %swap3A_211 = arith.constant 0 : index
      %swap3A_212 = arith.constant 0 : index
      %swap3A_213 = vector.load %arg9[%swap3A_211, %swap3A_212] : memref<256x1xf32, #tpu.memory_space<vmem>>, vector<256x1xf32>
      tpu.vector_store %arg9[%swap3A_211, %swap3A_212], %slice3A_210 {strides = array<i32>} : memref<256x1xf32, #tpu.memory_space<vmem>>, vector<256x1xf32>,
      %le3A = arith.constant 0.000000e+00 : f32
      %le3A_214 = vector.broadcast %le3A : f32 to vector<256x1024xf32>
      %le3A_215 = arith.cmpf ole, %add3A_209, %le3A_214 : vector<256x1024xf32>
      %jit3A_216 = arith.constant 1.000000e+00 : f32
      %jit3A_217 = arith.constant 0.000000e+00 : f32
      %broadcast_in_dim3A_218 = vector.broadcast %jit3A_216 : f32 to vector<256x1024xf32>
      %broadcast_in_dim3A_219 = vector.broadcast %jit3A_217 : f32 to vector<256x1024xf32>
      %select_n3A_220 = arith.select %le3A_215, %broadcast_in_dim3A_218, %broadcast_in_dim3A_219 : vector<256x1024xi1>, vector<256x1024xf32>
      %reduce_sum3A = arith.constant dense<0.000000e+00> : vector<256xf32>
      %reduce_sum3A_221 = vector.multi_reduction <add>, %select_n3A_220, %reduce_sum3A [1] : vector<256x1024xf32> to vector<256xf32>
      %broadcast_in_dim3A_222 = vector.shape_cast %reduce_sum3A_221 : vector<256xf32> to vector<256x1xf32>
      %le3A_223 = arith.constant 1.000000e+00 : f32
      %le3A_224 = vector.broadcast %le3A_223 : f32 to vector<256x1024xf32>
      %le3A_225 = arith.cmpf ole, %add3A_209, %le3A_224 : vector<256x1024xf32>
      %jit3A_226 = arith.constant 1.000000e+00 : f32
      %jit3A_227 = arith.constant 0.000000e+00 : f32
      %broadcast_in_dim3A_228 = vector.broadcast %jit3A_226 : f32 to vector<256x1024xf32>
      %broadcast_in_dim3A_229 = vector.broadcast %jit3A_227 : f32 to vector<256x1024xf32>
      %select_n3A_230 = arith.select %le3A_225, %broadcast_in_dim3A_228, %broadcast_in_dim3A_229 : vector<256x1024xi1>, vector<256x1024xf32>
      %reduce_sum3A_231 = arith.constant dense<0.000000e+00> : vector<256xf32>
      %reduce_sum3A_232 = vector.multi_reduction <add>, %select_n3A_230, %reduce_sum3A_231 [1] : vector<256x1024xf32> to vector<256xf32>
      %broadcast_in_dim3A_233 = vector.shape_cast %reduce_sum3A_232 : vector<256xf32> to vector<256x1xf32>
      %le3A_234 = arith.constant 2.000000e+00 : f32
      %le3A_235 = vector.broadcast %le3A_234 : f32 to vector<256x1024xf32>
      %le3A_236 = arith.cmpf ole, %add3A_209, %le3A_235 : vector<256x1024xf32>
      %jit3A_237 = arith.constant 1.000000e+00 : f32
      %jit3A_238 = arith.constant 0.000000e+00 : f32
      %broadcast_in_dim3A_239 = vector.broadcast %jit3A_237 : f32 to vector<256x1024xf32>
      %broadcast_in_dim3A_240 = vector.broadcast %jit3A_238 : f32 to vector<256x1024xf32>
      %select_n3A_241 = arith.select %le3A_236, %broadcast_in_dim3A_239, %broadcast_in_dim3A_240 : vector<256x1024xi1>, vector<256x1024xf32>
      %reduce_sum3A_242 = arith.constant dense<0.000000e+00> : vector<256xf32>
      %reduce_sum3A_243 = vector.multi_reduction <add>, %select_n3A_241, %reduce_sum3A_242 [1] : vector<256x1024xf32> to vector<256xf32>
      %broadcast_in_dim3A_244 = vector.shape_cast %reduce_sum3A_243 : vector<256xf32> to vector<256x1xf32>
      %le3A_245 = arith.constant 3.000000e+00 : f32
      %le3A_246 = vector.broadcast %le3A_245 : f32 to vector<256x1024xf32>
      %le3A_247 = arith.cmpf ole, %add3A_209, %le3A_246 : vector<256x1024xf32>
      %jit3A_248 = arith.constant 1.000000e+00 : f32
      %jit3A_249 = arith.constant 0.000000e+00 : f32
      %broadcast_in_dim3A_250 = vector.broadcast %jit3A_248 : f32 to vector<256x1024xf32>
      %broadcast_in_dim3A_251 = vector.broadcast %jit3A_249 : f32 to vector<256x1024xf32>
      %select_n3A_252 = arith.select %le3A_247, %broadcast_in_dim3A_250, %broadcast_in_dim3A_251 : vector<256x1024xi1>, vector<256x1024xf32>
      %reduce_sum3A_253 = arith.constant dense<0.000000e+00> : vector<256xf32>
      %reduce_sum3A_254 = vector.multi_reduction <add>, %select_n3A_252, %reduce_sum3A_253 [1] : vector<256x1024xf32> to vector<256xf32>
      %broadcast_in_dim3A_255 = vector.shape_cast %reduce_sum3A_254 : vector<256xf32> to vector<256x1xf32>
      %le3A_256 = arith.constant 4.000000e+00 : f32
      %le3A_257 = vector.broadcast %le3A_256 : f32 to vector<256x1024xf32>
      %le3A_258 = arith.cmpf ole, %add3A_209, %le3A_257 : vector<256x1024xf32>
      %jit3A_259 = arith.constant 1.000000e+00 : f32
      %jit3A_260 = arith.constant 0.000000e+00 : f32
      %broadcast_in_dim3A_261 = vector.broadcast %jit3A_259 : f32 to vector<256x1024xf32>
      %broadcast_in_dim3A_262 = vector.broadcast %jit3A_260 : f32 to vector<256x1024xf32>
      %select_n3A_263 = arith.select %le3A_258, %broadcast_in_dim3A_261, %broadcast_in_dim3A_262 : vector<256x1024xi1>, vector<256x1024xf32>
      %reduce_sum3A_264 = arith.constant dense<0.000000e+00> : vector<256xf32>
      %reduce_sum3A_265 = vector.multi_reduction <add>, %select_n3A_263, %reduce_sum3A_264 [1] : vector<256x1024xf32> to vector<256xf32>
      %broadcast_in_dim3A_266 = vector.shape_cast %reduce_sum3A_265 : vector<256xf32> to vector<256x1xf32>
      %le3A_267 = arith.constant 5.000000e+00 : f32
      %le3A_268 = vector.broadcast %le3A_267 : f32 to vector<256x1024xf32>
      %le3A_269 = arith.cmpf ole, %add3A_209, %le3A_268 : vector<256x1024xf32>
      %jit3A_270 = arith.constant 1.000000e+00 : f32
      %jit3A_271 = arith.constant 0.000000e+00 : f32
      %broadcast_in_dim3A_272 = vector.broadcast %jit3A_270 : f32 to vector<256x1024xf32>
      %broadcast_in_dim3A_273 = vector.broadcast %jit3A_271 : f32 to vector<256x1024xf32>
      %select_n3A_274 = arith.select %le3A_269, %broadcast_in_dim3A_272, %broadcast_in_dim3A_273 : vector<256x1024xi1>, vector<256x1024xf32>
      %reduce_sum3A_275 = arith.constant dense<0.000000e+00> : vector<256xf32>
      %reduce_sum3A_276 = vector.multi_reduction <add>, %select_n3A_274, %reduce_sum3A_275 [1] : vector<256x1024xf32> to vector<256xf32>
      %broadcast_in_dim3A_277 = vector.shape_cast %reduce_sum3A_276 : vector<256xf32> to vector<256x1xf32>
      %le3A_278 = arith.constant 6.000000e+00 : f32
      %le3A_279 = vector.broadcast %le3A_278 : f32 to vector<256x1024xf32>
      %le3A_280 = arith.cmpf ole, %add3A_209, %le3A_279 : vector<256x1024xf32>
      %jit3A_281 = arith.constant 1.000000e+00 : f32
      %jit3A_282 = arith.constant 0.000000e+00 : f32
      %broadcast_in_dim3A_283 = vector.broadcast %jit3A_281 : f32 to vector<256x1024xf32>
      %broadcast_in_dim3A_284 = vector.broadcast %jit3A_282 : f32 to vector<256x1024xf32>
      %select_n3A_285 = arith.select %le3A_280, %broadcast_in_dim3A_283, %broadcast_in_dim3A_284 : vector<256x1024xi1>, vector<256x1024xf32>
      %reduce_sum3A_286 = arith.constant dense<0.000000e+00> : vector<256xf32>
      %reduce_sum3A_287 = vector.multi_reduction <add>, %select_n3A_285, %reduce_sum3A_286 [1] : vector<256x1024xf32> to vector<256xf32>
      %broadcast_in_dim3A_288 = vector.shape_cast %reduce_sum3A_287 : vector<256xf32> to vector<256x1xf32>
      %le3A_289 = arith.constant 7.000000e+00 : f32
      %le3A_290 = vector.broadcast %le3A_289 : f32 to vector<256x1024xf32>
      %le3A_291 = arith.cmpf ole, %add3A_209, %le3A_290 : vector<256x1024xf32>
      %jit3A_292 = arith.constant 1.000000e+00 : f32
      %jit3A_293 = arith.constant 0.000000e+00 : f32
      %broadcast_in_dim3A_294 = vector.broadcast %jit3A_292 : f32 to vector<256x1024xf32>
      %broadcast_in_dim3A_295 = vector.broadcast %jit3A_293 : f32 to vector<256x1024xf32>
      %select_n3A_296 = arith.select %le3A_291, %broadcast_in_dim3A_294, %broadcast_in_dim3A_295 : vector<256x1024xi1>, vector<256x1024xf32>
      %reduce_sum3A_297 = arith.constant dense<0.000000e+00> : vector<256xf32>
      %reduce_sum3A_298 = vector.multi_reduction <add>, %select_n3A_296, %reduce_sum3A_297 [1] : vector<256x1024xf32> to vector<256xf32>
      %broadcast_in_dim3A_299 = vector.shape_cast %reduce_sum3A_298 : vector<256xf32> to vector<256x1xf32>
      %le3A_300 = arith.constant 8.000000e+00 : f32
      %le3A_301 = vector.broadcast %le3A_300 : f32 to vector<256x1024xf32>
      %le3A_302 = arith.cmpf ole, %add3A_209, %le3A_301 : vector<256x1024xf32>
      %jit3A_303 = arith.constant 1.000000e+00 : f32
      %jit3A_304 = arith.constant 0.000000e+00 : f32
      %broadcast_in_dim3A_305 = vector.broadcast %jit3A_303 : f32 to vector<256x1024xf32>
      %broadcast_in_dim3A_306 = vector.broadcast %jit3A_304 : f32 to vector<256x1024xf32>
      %select_n3A_307 = arith.select %le3A_302, %broadcast_in_dim3A_305, %broadcast_in_dim3A_306 : vector<256x1024xi1>, vector<256x1024xf32>
      %reduce_sum3A_308 = arith.constant dense<0.000000e+00> : vector<256xf32>
      %reduce_sum3A_309 = vector.multi_reduction <add>, %select_n3A_307, %reduce_sum3A_308 [1] : vector<256x1024xf32> to vector<256xf32>
      %broadcast_in_dim3A_310 = vector.shape_cast %reduce_sum3A_309 : vector<256xf32> to vector<256x1xf32>
      %le3A_311 = arith.constant 9.000000e+00 : f32
      %le3A_312 = vector.broadcast %le3A_311 : f32 to vector<256x1024xf32>
      %le3A_313 = arith.cmpf ole, %add3A_209, %le3A_312 : vector<256x1024xf32>
      %jit3A_314 = arith.constant 1.000000e+00 : f32
      %jit3A_315 = arith.constant 0.000000e+00 : f32
      %broadcast_in_dim3A_316 = vector.broadcast %jit3A_314 : f32 to vector<256x1024xf32>
      %broadcast_in_dim3A_317 = vector.broadcast %jit3A_315 : f32 to vector<256x1024xf32>
      %select_n3A_318 = arith.select %le3A_313, %broadcast_in_dim3A_316, %broadcast_in_dim3A_317 : vector<256x1024xi1>, vector<256x1024xf32>
      %reduce_sum3A_319 = arith.constant dense<0.000000e+00> : vector<256xf32>
      %reduce_sum3A_320 = vector.multi_reduction <add>, %select_n3A_318, %reduce_sum3A_319 [1] : vector<256x1024xf32> to vector<256xf32>
      %broadcast_in_dim3A_321 = vector.shape_cast %reduce_sum3A_320 : vector<256xf32> to vector<256x1xf32>
      %le3A_322 = arith.constant 1.000000e+01 : f32
      %le3A_323 = vector.broadcast %le3A_322 : f32 to vector<256x1024xf32>
      %le3A_324 = arith.cmpf ole, %add3A_209, %le3A_323 : vector<256x1024xf32>
      %jit3A_325 = arith.constant 1.000000e+00 : f32
      %jit3A_326 = arith.constant 0.000000e+00 : f32
      %broadcast_in_dim3A_327 = vector.broadcast %jit3A_325 : f32 to vector<256x1024xf32>
      %broadcast_in_dim3A_328 = vector.broadcast %jit3A_326 : f32 to vector<256x1024xf32>
      %select_n3A_329 = arith.select %le3A_324, %broadcast_in_dim3A_327, %broadcast_in_dim3A_328 : vector<256x1024xi1>, vector<256x1024xf32>
      %reduce_sum3A_330 = arith.constant dense<0.000000e+00> : vector<256xf32>
      %reduce_sum3A_331 = vector.multi_reduction <add>, %select_n3A_329, %reduce_sum3A_330 [1] : vector<256x1024xf32> to vector<256xf32>
      %broadcast_in_dim3A_332 = vector.shape_cast %reduce_sum3A_331 : vector<256xf32> to vector<256x1xf32>
      %le3A_333 = arith.constant 1.100000e+01 : f32
      %le3A_334 = vector.broadcast %le3A_333 : f32 to vector<256x1024xf32>
      %le3A_335 = arith.cmpf ole, %add3A_209, %le3A_334 : vector<256x1024xf32>
      %jit3A_336 = arith.constant 1.000000e+00 : f32
      %jit3A_337 = arith.constant 0.000000e+00 : f32
      %broadcast_in_dim3A_338 = vector.broadcast %jit3A_336 : f32 to vector<256x1024xf32>
      %broadcast_in_dim3A_339 = vector.broadcast %jit3A_337 : f32 to vector<256x1024xf32>
      %select_n3A_340 = arith.select %le3A_335, %broadcast_in_dim3A_338, %broadcast_in_dim3A_339 : vector<256x1024xi1>, vector<256x1024xf32>
      %reduce_sum3A_341 = arith.constant dense<0.000000e+00> : vector<256xf32>
      %reduce_sum3A_342 = vector.multi_reduction <add>, %select_n3A_340, %reduce_sum3A_341 [1] : vector<256x1024xf32> to vector<256xf32>
      %broadcast_in_dim3A_343 = vector.shape_cast %reduce_sum3A_342 : vector<256xf32> to vector<256x1xf32>
      %le3A_344 = arith.constant 1.200000e+01 : f32
      %le3A_345 = vector.broadcast %le3A_344 : f32 to vector<256x1024xf32>
      %le3A_346 = arith.cmpf ole, %add3A_209, %le3A_345 : vector<256x1024xf32>
      %jit3A_347 = arith.constant 1.000000e+00 : f32
      %jit3A_348 = arith.constant 0.000000e+00 : f32
      %broadcast_in_dim3A_349 = vector.broadcast %jit3A_347 : f32 to vector<256x1024xf32>
      %broadcast_in_dim3A_350 = vector.broadcast %jit3A_348 : f32 to vector<256x1024xf32>
      %select_n3A_351 = arith.select %le3A_346, %broadcast_in_dim3A_349, %broadcast_in_dim3A_350 : vector<256x1024xi1>, vector<256x1024xf32>
      %reduce_sum3A_352 = arith.constant dense<0.000000e+00> : vector<256xf32>
      %reduce_sum3A_353 = vector.multi_reduction <add>, %select_n3A_351, %reduce_sum3A_352 [1] : vector<256x1024xf32> to vector<256xf32>
      %broadcast_in_dim3A_354 = vector.shape_cast %reduce_sum3A_353 : vector<256xf32> to vector<256x1xf32>
      %le3A_355 = arith.constant 1.300000e+01 : f32
      %le3A_356 = vector.broadcast %le3A_355 : f32 to vector<256x1024xf32>
      %le3A_357 = arith.cmpf ole, %add3A_209, %le3A_356 : vector<256x1024xf32>
      %jit3A_358 = arith.constant 1.000000e+00 : f32
      %jit3A_359 = arith.constant 0.000000e+00 : f32
      %broadcast_in_dim3A_360 = vector.broadcast %jit3A_358 : f32 to vector<256x1024xf32>
      %broadcast_in_dim3A_361 = vector.broadcast %jit3A_359 : f32 to vector<256x1024xf32>
      %select_n3A_362 = arith.select %le3A_357, %broadcast_in_dim3A_360, %broadcast_in_dim3A_361 : vector<256x1024xi1>, vector<256x1024xf32>
      %reduce_sum3A_363 = arith.constant dense<0.000000e+00> : vector<256xf32>
      %reduce_sum3A_364 = vector.multi_reduction <add>, %select_n3A_362, %reduce_sum3A_363 [1] : vector<256x1024xf32> to vector<256xf32>
      %broadcast_in_dim3A_365 = vector.shape_cast %reduce_sum3A_364 : vector<256xf32> to vector<256x1xf32>
      %le3A_366 = arith.constant 1.400000e+01 : f32
      %le3A_367 = vector.broadcast %le3A_366 : f32 to vector<256x1024xf32>
      %le3A_368 = arith.cmpf ole, %add3A_209, %le3A_367 : vector<256x1024xf32>
      %jit3A_369 = arith.constant 1.000000e+00 : f32
      %jit3A_370 = arith.constant 0.000000e+00 : f32
      %broadcast_in_dim3A_371 = vector.broadcast %jit3A_369 : f32 to vector<256x1024xf32>
      %broadcast_in_dim3A_372 = vector.broadcast %jit3A_370 : f32 to vector<256x1024xf32>
      %select_n3A_373 = arith.select %le3A_368, %broadcast_in_dim3A_371, %broadcast_in_dim3A_372 : vector<256x1024xi1>, vector<256x1024xf32>
      %reduce_sum3A_374 = arith.constant dense<0.000000e+00> : vector<256xf32>
      %reduce_sum3A_375 = vector.multi_reduction <add>, %select_n3A_373, %reduce_sum3A_374 [1] : vector<256x1024xf32> to vector<256xf32>
      %broadcast_in_dim3A_376 = vector.shape_cast %reduce_sum3A_375 : vector<256xf32> to vector<256x1xf32>
      %le3A_377 = arith.constant 1.500000e+01 : f32
      %le3A_378 = vector.broadcast %le3A_377 : f32 to vector<256x1024xf32>
      %le3A_379 = arith.cmpf ole, %add3A_209, %le3A_378 : vector<256x1024xf32>
      %jit3A_380 = arith.constant 1.000000e+00 : f32
      %jit3A_381 = arith.constant 0.000000e+00 : f32
      %broadcast_in_dim3A_382 = vector.broadcast %jit3A_380 : f32 to vector<256x1024xf32>
      %broadcast_in_dim3A_383 = vector.broadcast %jit3A_381 : f32 to vector<256x1024xf32>
      %select_n3A_384 = arith.select %le3A_379, %broadcast_in_dim3A_382, %broadcast_in_dim3A_383 : vector<256x1024xi1>, vector<256x1024xf32>
      %reduce_sum3A_385 = arith.constant dense<0.000000e+00> : vector<256xf32>
      %reduce_sum3A_386 = vector.multi_reduction <add>, %select_n3A_384, %reduce_sum3A_385 [1] : vector<256x1024xf32> to vector<256xf32>
      %broadcast_in_dim3A_387 = vector.shape_cast %reduce_sum3A_386 : vector<256xf32> to vector<256x1xf32>
      %le3A_388 = arith.constant 1.600000e+01 : f32
      %le3A_389 = vector.broadcast %le3A_388 : f32 to vector<256x1024xf32>
      %le3A_390 = arith.cmpf ole, %add3A_209, %le3A_389 : vector<256x1024xf32>
      %jit3A_391 = arith.constant 1.000000e+00 : f32
      %jit3A_392 = arith.constant 0.000000e+00 : f32
      %broadcast_in_dim3A_393 = vector.broadcast %jit3A_391 : f32 to vector<256x1024xf32>
      %broadcast_in_dim3A_394 = vector.broadcast %jit3A_392 : f32 to vector<256x1024xf32>
      %select_n3A_395 = arith.select %le3A_390, %broadcast_in_dim3A_393, %broadcast_in_dim3A_394 : vector<256x1024xi1>, vector<256x1024xf32>
      %reduce_sum3A_396 = arith.constant dense<0.000000e+00> : vector<256xf32>
      %reduce_sum3A_397 = vector.multi_reduction <add>, %select_n3A_395, %reduce_sum3A_396 [1] : vector<256x1024xf32> to vector<256xf32>
      %broadcast_in_dim3A_398 = vector.shape_cast %reduce_sum3A_397 : vector<256xf32> to vector<256x1xf32>
      %le3A_399 = arith.constant 1.700000e+01 : f32
      %le3A_400 = vector.broadcast %le3A_399 : f32 to vector<256x1024xf32>
      %le3A_401 = arith.cmpf ole, %add3A_209, %le3A_400 : vector<256x1024xf32>
      %jit3A_402 = arith.constant 1.000000e+00 : f32
      %jit3A_403 = arith.constant 0.000000e+00 : f32
      %broadcast_in_dim3A_404 = vector.broadcast %jit3A_402 : f32 to vector<256x1024xf32>
      %broadcast_in_dim3A_405 = vector.broadcast %jit3A_403 : f32 to vector<256x1024xf32>
      %select_n3A_406 = arith.select %le3A_401, %broadcast_in_dim3A_404, %broadcast_in_dim3A_405 : vector<256x1024xi1>, vector<256x1024xf32>
      %reduce_sum3A_407 = arith.constant dense<0.000000e+00> : vector<256xf32>
      %reduce_sum3A_408 = vector.multi_reduction <add>, %select_n3A_406, %reduce_sum3A_407 [1] : vector<256x1024xf32> to vector<256xf32>
      %broadcast_in_dim3A_409 = vector.shape_cast %reduce_sum3A_408 : vector<256xf32> to vector<256x1xf32>
      %le3A_410 = arith.constant 1.800000e+01 : f32
      %le3A_411 = vector.broadcast %le3A_410 : f32 to vector<256x1024xf32>
      %le3A_412 = arith.cmpf ole, %add3A_209, %le3A_411 : vector<256x1024xf32>
      %jit3A_413 = arith.constant 1.000000e+00 : f32
      %jit3A_414 = arith.constant 0.000000e+00 : f32
      %broadcast_in_dim3A_415 = vector.broadcast %jit3A_413 : f32 to vector<256x1024xf32>
      %broadcast_in_dim3A_416 = vector.broadcast %jit3A_414 : f32 to vector<256x1024xf32>
      %select_n3A_417 = arith.select %le3A_412, %broadcast_in_dim3A_415, %broadcast_in_dim3A_416 : vector<256x1024xi1>, vector<256x1024xf32>
      %reduce_sum3A_418 = arith.constant dense<0.000000e+00> : vector<256xf32>
      %reduce_sum3A_419 = vector.multi_reduction <add>, %select_n3A_417, %reduce_sum3A_418 [1] : vector<256x1024xf32> to vector<256xf32>
      %broadcast_in_dim3A_420 = vector.shape_cast %reduce_sum3A_419 : vector<256xf32> to vector<256x1xf32>
      %le3A_421 = arith.constant 1.900000e+01 : f32
      %le3A_422 = vector.broadcast %le3A_421 : f32 to vector<256x1024xf32>
      %le3A_423 = arith.cmpf ole, %add3A_209, %le3A_422 : vector<256x1024xf32>
      %jit3A_424 = arith.constant 1.000000e+00 : f32
      %jit3A_425 = arith.constant 0.000000e+00 : f32
      %broadcast_in_dim3A_426 = vector.broadcast %jit3A_424 : f32 to vector<256x1024xf32>
      %broadcast_in_dim3A_427 = vector.broadcast %jit3A_425 : f32 to vector<256x1024xf32>
      %select_n3A_428 = arith.select %le3A_423, %broadcast_in_dim3A_426, %broadcast_in_dim3A_427 : vector<256x1024xi1>, vector<256x1024xf32>
      %reduce_sum3A_429 = arith.constant dense<0.000000e+00> : vector<256xf32>
      %reduce_sum3A_430 = vector.multi_reduction <add>, %select_n3A_428, %reduce_sum3A_429 [1] : vector<256x1024xf32> to vector<256xf32>
      %broadcast_in_dim3A_431 = vector.shape_cast %reduce_sum3A_430 : vector<256xf32> to vector<256x1xf32>
      %le3A_432 = arith.constant 2.000000e+01 : f32
      %le3A_433 = vector.broadcast %le3A_432 : f32 to vector<256x1024xf32>
      %le3A_434 = arith.cmpf ole, %add3A_209, %le3A_433 : vector<256x1024xf32>
      %jit3A_435 = arith.constant 1.000000e+00 : f32
      %jit3A_436 = arith.constant 0.000000e+00 : f32
      %broadcast_in_dim3A_437 = vector.broadcast %jit3A_435 : f32 to vector<256x1024xf32>
      %broadcast_in_dim3A_438 = vector.broadcast %jit3A_436 : f32 to vector<256x1024xf32>
      %select_n3A_439 = arith.select %le3A_434, %broadcast_in_dim3A_437, %broadcast_in_dim3A_438 : vector<256x1024xi1>, vector<256x1024xf32>
      %reduce_sum3A_440 = arith.constant dense<0.000000e+00> : vector<256xf32>
      %reduce_sum3A_441 = vector.multi_reduction <add>, %select_n3A_439, %reduce_sum3A_440 [1] : vector<256x1024xf32> to vector<256xf32>
      %broadcast_in_dim3A_442 = vector.shape_cast %reduce_sum3A_441 : vector<256xf32> to vector<256x1xf32>
      %le3A_443 = arith.constant 2.100000e+01 : f32
      %le3A_444 = vector.broadcast %le3A_443 : f32 to vector<256x1024xf32>
      %le3A_445 = arith.cmpf ole, %add3A_209, %le3A_444 : vector<256x1024xf32>
      %jit3A_446 = arith.constant 1.000000e+00 : f32
      %jit3A_447 = arith.constant 0.000000e+00 : f32
      %broadcast_in_dim3A_448 = vector.broadcast %jit3A_446 : f32 to vector<256x1024xf32>
      %broadcast_in_dim3A_449 = vector.broadcast %jit3A_447 : f32 to vector<256x1024xf32>
      %select_n3A_450 = arith.select %le3A_445, %broadcast_in_dim3A_448, %broadcast_in_dim3A_449 : vector<256x1024xi1>, vector<256x1024xf32>
      %reduce_sum3A_451 = arith.constant dense<0.000000e+00> : vector<256xf32>
      %reduce_sum3A_452 = vector.multi_reduction <add>, %select_n3A_450, %reduce_sum3A_451 [1] : vector<256x1024xf32> to vector<256xf32>
      %broadcast_in_dim3A_453 = vector.shape_cast %reduce_sum3A_452 : vector<256xf32> to vector<256x1xf32>
      %le3A_454 = arith.constant 2.200000e+01 : f32
      %le3A_455 = vector.broadcast %le3A_454 : f32 to vector<256x1024xf32>
      %le3A_456 = arith.cmpf ole, %add3A_209, %le3A_455 : vector<256x1024xf32>
      %jit3A_457 = arith.constant 1.000000e+00 : f32
      %jit3A_458 = arith.constant 0.000000e+00 : f32
      %broadcast_in_dim3A_459 = vector.broadcast %jit3A_457 : f32 to vector<256x1024xf32>
      %broadcast_in_dim3A_460 = vector.broadcast %jit3A_458 : f32 to vector<256x1024xf32>
      %select_n3A_461 = arith.select %le3A_456, %broadcast_in_dim3A_459, %broadcast_in_dim3A_460 : vector<256x1024xi1>, vector<256x1024xf32>
      %reduce_sum3A_462 = arith.constant dense<0.000000e+00> : vector<256xf32>
      %reduce_sum3A_463 = vector.multi_reduction <add>, %select_n3A_461, %reduce_sum3A_462 [1] : vector<256x1024xf32> to vector<256xf32>
      %broadcast_in_dim3A_464 = vector.shape_cast %reduce_sum3A_463 : vector<256xf32> to vector<256x1xf32>
      %le3A_465 = arith.constant 2.300000e+01 : f32
      %le3A_466 = vector.broadcast %le3A_465 : f32 to vector<256x1024xf32>
      %le3A_467 = arith.cmpf ole, %add3A_209, %le3A_466 : vector<256x1024xf32>
      %jit3A_468 = arith.constant 1.000000e+00 : f32
      %jit3A_469 = arith.constant 0.000000e+00 : f32
      %broadcast_in_dim3A_470 = vector.broadcast %jit3A_468 : f32 to vector<256x1024xf32>
      %broadcast_in_dim3A_471 = vector.broadcast %jit3A_469 : f32 to vector<256x1024xf32>
      %select_n3A_472 = arith.select %le3A_467, %broadcast_in_dim3A_470, %broadcast_in_dim3A_471 : vector<256x1024xi1>, vector<256x1024xf32>
      %reduce_sum3A_473 = arith.constant dense<0.000000e+00> : vector<256xf32>
      %reduce_sum3A_474 = vector.multi_reduction <add>, %select_n3A_472, %reduce_sum3A_473 [1] : vector<256x1024xf32> to vector<256xf32>
      %broadcast_in_dim3A_475 = vector.shape_cast %reduce_sum3A_474 : vector<256xf32> to vector<256x1xf32>
      %le3A_476 = arith.constant 2.400000e+01 : f32
      %le3A_477 = vector.broadcast %le3A_476 : f32 to vector<256x1024xf32>
      %le3A_478 = arith.cmpf ole, %add3A_209, %le3A_477 : vector<256x1024xf32>
      %jit3A_479 = arith.constant 1.000000e+00 : f32
      %jit3A_480 = arith.constant 0.000000e+00 : f32
      %broadcast_in_dim3A_481 = vector.broadcast %jit3A_479 : f32 to vector<256x1024xf32>
      %broadcast_in_dim3A_482 = vector.broadcast %jit3A_480 : f32 to vector<256x1024xf32>
      %select_n3A_483 = arith.select %le3A_478, %broadcast_in_dim3A_481, %broadcast_in_dim3A_482 : vector<256x1024xi1>, vector<256x1024xf32>
      %reduce_sum3A_484 = arith.constant dense<0.000000e+00> : vector<256xf32>
      %reduce_sum3A_485 = vector.multi_reduction <add>, %select_n3A_483, %reduce_sum3A_484 [1] : vector<256x1024xf32> to vector<256xf32>
      %broadcast_in_dim3A_486 = vector.shape_cast %reduce_sum3A_485 : vector<256xf32> to vector<256x1xf32>
      %le3A_487 = arith.constant 2.500000e+01 : f32
      %le3A_488 = vector.broadcast %le3A_487 : f32 to vector<256x1024xf32>
      %le3A_489 = arith.cmpf ole, %add3A_209, %le3A_488 : vector<256x1024xf32>
      %jit3A_490 = arith.constant 1.000000e+00 : f32
      %jit3A_491 = arith.constant 0.000000e+00 : f32
      %broadcast_in_dim3A_492 = vector.broadcast %jit3A_490 : f32 to vector<256x1024xf32>
      %broadcast_in_dim3A_493 = vector.broadcast %jit3A_491 : f32 to vector<256x1024xf32>
      %select_n3A_494 = arith.select %le3A_489, %broadcast_in_dim3A_492, %broadcast_in_dim3A_493 : vector<256x1024xi1>, vector<256x1024xf32>
      %reduce_sum3A_495 = arith.constant dense<0.000000e+00> : vector<256xf32>
      %reduce_sum3A_496 = vector.multi_reduction <add>, %select_n3A_494, %reduce_sum3A_495 [1] : vector<256x1024xf32> to vector<256xf32>
      %broadcast_in_dim3A_497 = vector.shape_cast %reduce_sum3A_496 : vector<256xf32> to vector<256x1xf32>
      %le3A_498 = arith.constant 2.600000e+01 : f32
      %le3A_499 = vector.broadcast %le3A_498 : f32 to vector<256x1024xf32>
      %le3A_500 = arith.cmpf ole, %add3A_209, %le3A_499 : vector<256x1024xf32>
      %jit3A_501 = arith.constant 1.000000e+00 : f32
      %jit3A_502 = arith.constant 0.000000e+00 : f32
      %broadcast_in_dim3A_503 = vector.broadcast %jit3A_501 : f32 to vector<256x1024xf32>
      %broadcast_in_dim3A_504 = vector.broadcast %jit3A_502 : f32 to vector<256x1024xf32>
      %select_n3A_505 = arith.select %le3A_500, %broadcast_in_dim3A_503, %broadcast_in_dim3A_504 : vector<256x1024xi1>, vector<256x1024xf32>
      %reduce_sum3A_506 = arith.constant dense<0.000000e+00> : vector<256xf32>
      %reduce_sum3A_507 = vector.multi_reduction <add>, %select_n3A_505, %reduce_sum3A_506 [1] : vector<256x1024xf32> to vector<256xf32>
      %broadcast_in_dim3A_508 = vector.shape_cast %reduce_sum3A_507 : vector<256xf32> to vector<256x1xf32>
      %le3A_509 = arith.constant 2.700000e+01 : f32
      %le3A_510 = vector.broadcast %le3A_509 : f32 to vector<256x1024xf32>
      %le3A_511 = arith.cmpf ole, %add3A_209, %le3A_510 : vector<256x1024xf32>
      %jit3A_512 = arith.constant 1.000000e+00 : f32
      %jit3A_513 = arith.constant 0.000000e+00 : f32
      %broadcast_in_dim3A_514 = vector.broadcast %jit3A_512 : f32 to vector<256x1024xf32>
      %broadcast_in_dim3A_515 = vector.broadcast %jit3A_513 : f32 to vector<256x1024xf32>
      %select_n3A_516 = arith.select %le3A_511, %broadcast_in_dim3A_514, %broadcast_in_dim3A_515 : vector<256x1024xi1>, vector<256x1024xf32>
      %reduce_sum3A_517 = arith.constant dense<0.000000e+00> : vector<256xf32>
      %reduce_sum3A_518 = vector.multi_reduction <add>, %select_n3A_516, %reduce_sum3A_517 [1] : vector<256x1024xf32> to vector<256xf32>
      %broadcast_in_dim3A_519 = vector.shape_cast %reduce_sum3A_518 : vector<256xf32> to vector<256x1xf32>
      %le3A_520 = arith.constant 2.800000e+01 : f32
      %le3A_521 = vector.broadcast %le3A_520 : f32 to vector<256x1024xf32>
      %le3A_522 = arith.cmpf ole, %add3A_209, %le3A_521 : vector<256x1024xf32>
      %jit3A_523 = arith.constant 1.000000e+00 : f32
      %jit3A_524 = arith.constant 0.000000e+00 : f32
      %broadcast_in_dim3A_525 = vector.broadcast %jit3A_523 : f32 to vector<256x1024xf32>
      %broadcast_in_dim3A_526 = vector.broadcast %jit3A_524 : f32 to vector<256x1024xf32>
      %select_n3A_527 = arith.select %le3A_522, %broadcast_in_dim3A_525, %broadcast_in_dim3A_526 : vector<256x1024xi1>, vector<256x1024xf32>
      %reduce_sum3A_528 = arith.constant dense<0.000000e+00> : vector<256xf32>
      %reduce_sum3A_529 = vector.multi_reduction <add>, %select_n3A_527, %reduce_sum3A_528 [1] : vector<256x1024xf32> to vector<256xf32>
      %broadcast_in_dim3A_530 = vector.shape_cast %reduce_sum3A_529 : vector<256xf32> to vector<256x1xf32>
      %le3A_531 = arith.constant 2.900000e+01 : f32
      %le3A_532 = vector.broadcast %le3A_531 : f32 to vector<256x1024xf32>
      %le3A_533 = arith.cmpf ole, %add3A_209, %le3A_532 : vector<256x1024xf32>
      %jit3A_534 = arith.constant 1.000000e+00 : f32
      %jit3A_535 = arith.constant 0.000000e+00 : f32
      %broadcast_in_dim3A_536 = vector.broadcast %jit3A_534 : f32 to vector<256x1024xf32>
      %broadcast_in_dim3A_537 = vector.broadcast %jit3A_535 : f32 to vector<256x1024xf32>
      %select_n3A_538 = arith.select %le3A_533, %broadcast_in_dim3A_536, %broadcast_in_dim3A_537 : vector<256x1024xi1>, vector<256x1024xf32>
      %reduce_sum3A_539 = arith.constant dense<0.000000e+00> : vector<256xf32>
      %reduce_sum3A_540 = vector.multi_reduction <add>, %select_n3A_538, %reduce_sum3A_539 [1] : vector<256x1024xf32> to vector<256xf32>
      %broadcast_in_dim3A_541 = vector.shape_cast %reduce_sum3A_540 : vector<256xf32> to vector<256x1xf32>
      %le3A_542 = arith.constant 3.000000e+01 : f32
      %le3A_543 = vector.broadcast %le3A_542 : f32 to vector<256x1024xf32>
      %le3A_544 = arith.cmpf ole, %add3A_209, %le3A_543 : vector<256x1024xf32>
      %jit3A_545 = arith.constant 1.000000e+00 : f32
      %jit3A_546 = arith.constant 0.000000e+00 : f32
      %broadcast_in_dim3A_547 = vector.broadcast %jit3A_545 : f32 to vector<256x1024xf32>
      %broadcast_in_dim3A_548 = vector.broadcast %jit3A_546 : f32 to vector<256x1024xf32>
      %select_n3A_549 = arith.select %le3A_544, %broadcast_in_dim3A_547, %broadcast_in_dim3A_548 : vector<256x1024xi1>, vector<256x1024xf32>
      %reduce_sum3A_550 = arith.constant dense<0.000000e+00> : vector<256xf32>
      %reduce_sum3A_551 = vector.multi_reduction <add>, %select_n3A_549, %reduce_sum3A_550 [1] : vector<256x1024xf32> to vector<256xf32>
      %broadcast_in_dim3A_552 = vector.shape_cast %reduce_sum3A_551 : vector<256xf32> to vector<256x1xf32>
      %le3A_553 = arith.constant 3.100000e+01 : f32
      %le3A_554 = vector.broadcast %le3A_553 : f32 to vector<256x1024xf32>
      %le3A_555 = arith.cmpf ole, %add3A_209, %le3A_554 : vector<256x1024xf32>
      %jit3A_556 = arith.constant 1.000000e+00 : f32
      %jit3A_557 = arith.constant 0.000000e+00 : f32
      %broadcast_in_dim3A_558 = vector.broadcast %jit3A_556 : f32 to vector<256x1024xf32>
      %broadcast_in_dim3A_559 = vector.broadcast %jit3A_557 : f32 to vector<256x1024xf32>
      %select_n3A_560 = arith.select %le3A_555, %broadcast_in_dim3A_558, %broadcast_in_dim3A_559 : vector<256x1024xi1>, vector<256x1024xf32>
      %reduce_sum3A_561 = arith.constant dense<0.000000e+00> : vector<256xf32>
      %reduce_sum3A_562 = vector.multi_reduction <add>, %select_n3A_560, %reduce_sum3A_561 [1] : vector<256x1024xf32> to vector<256xf32>
      %broadcast_in_dim3A_563 = vector.shape_cast %reduce_sum3A_562 : vector<256xf32> to vector<256x1xf32>
      %get3A_564 = arith.constant 0 : index
      %get3A_565 = arith.constant 0 : index
      %get3A_566 = vector.load %arg8[%get3A_564, %get3A_565] : memref<256x32xf32, #tpu.memory_space<vmem>>, vector<256x32xf32>
      %concatenate3A = tpu.concatenate %broadcast_in_dim3A_222, %broadcast_in_dim3A_233, %broadcast_in_dim3A_244, %broadcast_in_dim3A_255, %broadcast_in_dim3A_266, %broadcast_in_dim3A_277, %broadcast_in_dim3A_288, %broadcast_in_dim3A_299, %broadcast_in_dim3A_310, %broadcast_in_dim3A_321, %broadcast_in_dim3A_332, %broadcast_in_dim3A_343, %broadcast_in_dim3A_354, %broadcast_in_dim3A_365, %broadcast_in_dim3A_376, %broadcast_in_dim3A_387, %broadcast_in_dim3A_398, %broadcast_in_dim3A_409, %broadcast_in_dim3A_420, %broadcast_in_dim3A_431, %broadcast_in_dim3A_442, %broadcast_in_dim3A_453, %broadcast_in_dim3A_464, %broadcast_in_dim3A_475, %broadcast_in_dim3A_486, %broadcast_in_dim3A_497, %broadcast_in_dim3A_508, %broadcast_in_dim3A_519, %broadcast_in_dim3A_530, %broadcast_in_dim3A_541, %broadcast_in_dim3A_552, %broadcast_in_dim3A_563 in 1 : vector<256x1xf32>, vector<256x1xf32>, vector<256x1xf32>, vector<256x1xf32>, vector<256x1xf32>, vector<256x1xf32>, vector<256x1xf32>, vector<256x1xf32>, vector<256x1xf32>, vector<256x1xf32>, vector<256x1xf32>, vector<256x1xf32>, vector<256x1xf32>, vector<256x1xf32>, vector<256x1xf32>, vector<256x1xf32>, vector<256x1xf32>, vector<256x1xf32>, vector<256x1xf32>, vector<256x1xf32>, vector<256x1xf32>, vector<256x1xf32>, vector<256x1xf32>, vector<256x1xf32>, vector<256x1xf32>, vector<256x1xf32>, vector<256x1xf32>, vector<256x1xf32>, vector<256x1xf32>, vector<256x1xf32>, vector<256x1xf32>, vector<256x1xf32> -> vector<256x32xf32>
      %add3A_567 = arith.addf %get3A_566, %concatenate3A : vector<256x32xf32>
      %swap3A_568 = arith.constant 0 : index
      %swap3A_569 = arith.constant 0 : index
      %swap3A_570 = vector.load %arg8[%swap3A_568, %swap3A_569] : memref<256x32xf32, #tpu.memory_space<vmem>>, vector<256x32xf32>
      tpu.vector_store %arg8[%swap3A_568, %swap3A_569], %add3A_567 {strides = array<i32>} : memref<256x32xf32, #tpu.memory_space<vmem>>, vector<256x32xf32>,
    } else {
    }
    %get3A_106 = arith.constant 0 : index
    %get3A_107 = arith.constant 0 : index
    %get3A_108 = vector.load %arg9[%get3A_106, %get3A_107] : memref<256x1xf32, #tpu.memory_space<vmem>>, vector<256x1xf32>
    %reduce_min3A_109 = vector.shape_cast %get3A_108 : vector<256x1xf32> to vector<1x256x1xf32>
    %reduce_min3A_110 = arith.constant dense<0x7F800000> : vector<1xf32>
    %reduce_min3A_111 = vector.multi_reduction <minimumf>, %reduce_min3A_109, %reduce_min3A_110 [1, 2] : vector<1x256x1xf32> to vector<1xf32>
    %reduce_min3A_112 = vector.shape_cast %reduce_min3A_111 : vector<1xf32> to vector<1x1x1xf32>
    %reduce_min3A_113 = vector.extract %reduce_min3A_112[0, 0, 0] : f32 from vector<1x1x1xf32>
    %lt3A_114 = arith.constant 3.200000e+01 : f32
    %lt3A_115 = arith.cmpf olt, %reduce_min3A_113, %lt3A_114 : f32
    %convert_element_type3A_116 = arith.extui %lt3A_115 : i1 to i32
    %cond3A_117 = arith.constant 0 : i32
    %cond3A_118 = arith.cmpi ne, %convert_element_type3A_116, %cond3A_117 : i32
    scf.if %cond3A_118 {
      %get3A_169 = arith.constant 0 : index
      %get3A_170 = arith.constant 0 : index
      %get3A_171 = arith.constant 7168 : index
      %get3A_172 = vector.load %arg2[%get3A_169, %get3A_170, %get3A_171] : memref<1x8x8192xf32, #tpu.memory_space<vmem>>, vector<1x8x1024xf32>
      %get3A_173 = vector.shape_cast %get3A_172 : vector<1x8x1024xf32> to vector<8x1024xf32>
      %slice3A_174 = vector.extract_strided_slice %get3A_173 {offsets = [0, 0], sizes = [1, 1024], strides = [1, 1]} : vector<8x1024xf32> to vector<1x1024xf32>
      %sub3A_175 = vector.broadcast %slice3A : vector<256x1xf32> to vector<256x1024xf32>
      %sub3A_176 = vector.broadcast %slice3A_174 : vector<1x1024xf32> to vector<256x1024xf32>
      %sub3A_177 = arith.subf %sub3A_175, %sub3A_176 : vector<256x1024xf32>
      %slice3A_178 = vector.extract_strided_slice %get3A_173 {offsets = [1, 0], sizes = [1, 1024], strides = [1, 1]} : vector<8x1024xf32> to vector<1x1024xf32>
      %sub3A_179 = vector.broadcast %slice3A_8 : vector<256x1xf32> to vector<256x1024xf32>
      %sub3A_180 = vector.broadcast %slice3A_178 : vector<1x1024xf32> to vector<256x1024xf32>
      %sub3A_181 = arith.subf %sub3A_179, %sub3A_180 : vector<256x1024xf32>
      %slice3A_182 = vector.extract_strided_slice %get3A_173 {offsets = [2, 0], sizes = [1, 1024], strides = [1, 1]} : vector<8x1024xf32> to vector<1x1024xf32>
      %sub3A_183 = vector.broadcast %slice3A_9 : vector<256x1xf32> to vector<256x1024xf32>
      %sub3A_184 = vector.broadcast %slice3A_182 : vector<1x1024xf32> to vector<256x1024xf32>
      %sub3A_185 = arith.subf %sub3A_183, %sub3A_184 : vector<256x1024xf32>
      %mul3A_186 = arith.mulf %sub3A_177, %sub3A_177 : vector<256x1024xf32>
      %mul3A_187 = arith.mulf %sub3A_181, %sub3A_181 : vector<256x1024xf32>
      %add3A_188 = arith.addf %mul3A_186, %mul3A_187 : vector<256x1024xf32>
      %mul3A_189 = arith.mulf %sub3A_185, %sub3A_185 : vector<256x1024xf32>
      %add3A_190 = arith.addf %add3A_188, %mul3A_189 : vector<256x1024xf32>
      %lt3A_191 = arith.constant 4.000000e-02 : f32
      %lt3A_192 = vector.broadcast %lt3A_191 : f32 to vector<256x1024xf32>
      %lt3A_193 = arith.cmpf olt, %add3A_190, %lt3A_192 : vector<256x1024xf32>
      %jit3A_194 = arith.constant 1.000000e+00 : f32
      %jit3A_195 = arith.constant 0.000000e+00 : f32
      %broadcast_in_dim3A_196 = vector.broadcast %jit3A_194 : f32 to vector<256x1024xf32>
      %broadcast_in_dim3A_197 = vector.broadcast %jit3A_195 : f32 to vector<256x1024xf32>
      %select_n3A_198 = arith.select %lt3A_193, %broadcast_in_dim3A_196, %broadcast_in_dim3A_197 : vector<256x1024xi1>, vector<256x1024xf32>
      %convert_element_type3A_199 = arith.truncf %select_n3A_198 : vector<256x1024xf32> to vector<256x1024xbf16>
      %get3A_200 = arith.constant 0 : index
      %get3A_201 = arith.constant 0 : index
      %get3A_202 = vector.load %arg9[%get3A_200, %get3A_201] : memref<256x1xf32, #tpu.memory_space<vmem>>, vector<256x1xf32>
      %get3A_203 = arith.constant 0 : index
      %get3A_204 = arith.constant 0 : index
      %get3A_205 = vector.load %arg4[%get3A_203, %get3A_204] : memref<1024x1024xbf16, #tpu.memory_space<vmem>>, vector<1024x1024xbf16>
      %dot_general3A_206 = arith.constant dense<0.000000e+00> : vector<256x1024xf32>
      %dot_general3A_207 = tpu.matmul %convert_element_type3A_199, %get3A_205, %dot_general3A_206 {dimension_numbers = #tpu.dot_dimension_numbers<[1], [0], [0], [1], [0, 0, 1, 1], [], []>, transpose_lhs_hint = false} : vector<256x1024xbf16>, vector<1024x1024xbf16>, vector<256x1024xf32> -> vector<256x1024xf32>
      %add3A_208 = vector.broadcast %get3A_202 : vector<256x1xf32> to vector<256x1024xf32>
      %add3A_209 = arith.addf %add3A_208, %dot_general3A_207 : vector<256x1024xf32>
      %slice3A_210 = vector.extract_strided_slice %add3A_209 {offsets = [0, 1023], sizes = [256, 1], strides = [1, 1]} : vector<256x1024xf32> to vector<256x1xf32>
      %swap3A_211 = arith.constant 0 : index
      %swap3A_212 = arith.constant 0 : index
      %swap3A_213 = vector.load %arg9[%swap3A_211, %swap3A_212] : memref<256x1xf32, #tpu.memory_space<vmem>>, vector<256x1xf32>
      tpu.vector_store %arg9[%swap3A_211, %swap3A_212], %slice3A_210 {strides = array<i32>} : memref<256x1xf32, #tpu.memory_space<vmem>>, vector<256x1xf32>,
      %le3A = arith.constant 0.000000e+00 : f32
      %le3A_214 = vector.broadcast %le3A : f32 to vector<256x1024xf32>
      %le3A_215 = arith.cmpf ole, %add3A_209, %le3A_214 : vector<256x1024xf32>
      %jit3A_216 = arith.constant 1.000000e+00 : f32
      %jit3A_217 = arith.constant 0.000000e+00 : f32
      %broadcast_in_dim3A_218 = vector.broadcast %jit3A_216 : f32 to vector<256x1024xf32>
      %broadcast_in_dim3A_219 = vector.broadcast %jit3A_217 : f32 to vector<256x1024xf32>
      %select_n3A_220 = arith.select %le3A_215, %broadcast_in_dim3A_218, %broadcast_in_dim3A_219 : vector<256x1024xi1>, vector<256x1024xf32>
      %reduce_sum3A = arith.constant dense<0.000000e+00> : vector<256xf32>
      %reduce_sum3A_221 = vector.multi_reduction <add>, %select_n3A_220, %reduce_sum3A [1] : vector<256x1024xf32> to vector<256xf32>
      %broadcast_in_dim3A_222 = vector.shape_cast %reduce_sum3A_221 : vector<256xf32> to vector<256x1xf32>
      %le3A_223 = arith.constant 1.000000e+00 : f32
      %le3A_224 = vector.broadcast %le3A_223 : f32 to vector<256x1024xf32>
      %le3A_225 = arith.cmpf ole, %add3A_209, %le3A_224 : vector<256x1024xf32>
      %jit3A_226 = arith.constant 1.000000e+00 : f32
      %jit3A_227 = arith.constant 0.000000e+00 : f32
      %broadcast_in_dim3A_228 = vector.broadcast %jit3A_226 : f32 to vector<256x1024xf32>
      %broadcast_in_dim3A_229 = vector.broadcast %jit3A_227 : f32 to vector<256x1024xf32>
      %select_n3A_230 = arith.select %le3A_225, %broadcast_in_dim3A_228, %broadcast_in_dim3A_229 : vector<256x1024xi1>, vector<256x1024xf32>
      %reduce_sum3A_231 = arith.constant dense<0.000000e+00> : vector<256xf32>
      %reduce_sum3A_232 = vector.multi_reduction <add>, %select_n3A_230, %reduce_sum3A_231 [1] : vector<256x1024xf32> to vector<256xf32>
      %broadcast_in_dim3A_233 = vector.shape_cast %reduce_sum3A_232 : vector<256xf32> to vector<256x1xf32>
      %le3A_234 = arith.constant 2.000000e+00 : f32
      %le3A_235 = vector.broadcast %le3A_234 : f32 to vector<256x1024xf32>
      %le3A_236 = arith.cmpf ole, %add3A_209, %le3A_235 : vector<256x1024xf32>
      %jit3A_237 = arith.constant 1.000000e+00 : f32
      %jit3A_238 = arith.constant 0.000000e+00 : f32
      %broadcast_in_dim3A_239 = vector.broadcast %jit3A_237 : f32 to vector<256x1024xf32>
      %broadcast_in_dim3A_240 = vector.broadcast %jit3A_238 : f32 to vector<256x1024xf32>
      %select_n3A_241 = arith.select %le3A_236, %broadcast_in_dim3A_239, %broadcast_in_dim3A_240 : vector<256x1024xi1>, vector<256x1024xf32>
      %reduce_sum3A_242 = arith.constant dense<0.000000e+00> : vector<256xf32>
      %reduce_sum3A_243 = vector.multi_reduction <add>, %select_n3A_241, %reduce_sum3A_242 [1] : vector<256x1024xf32> to vector<256xf32>
      %broadcast_in_dim3A_244 = vector.shape_cast %reduce_sum3A_243 : vector<256xf32> to vector<256x1xf32>
      %le3A_245 = arith.constant 3.000000e+00 : f32
      %le3A_246 = vector.broadcast %le3A_245 : f32 to vector<256x1024xf32>
      %le3A_247 = arith.cmpf ole, %add3A_209, %le3A_246 : vector<256x1024xf32>
      %jit3A_248 = arith.constant 1.000000e+00 : f32
      %jit3A_249 = arith.constant 0.000000e+00 : f32
      %broadcast_in_dim3A_250 = vector.broadcast %jit3A_248 : f32 to vector<256x1024xf32>
      %broadcast_in_dim3A_251 = vector.broadcast %jit3A_249 : f32 to vector<256x1024xf32>
      %select_n3A_252 = arith.select %le3A_247, %broadcast_in_dim3A_250, %broadcast_in_dim3A_251 : vector<256x1024xi1>, vector<256x1024xf32>
      %reduce_sum3A_253 = arith.constant dense<0.000000e+00> : vector<256xf32>
      %reduce_sum3A_254 = vector.multi_reduction <add>, %select_n3A_252, %reduce_sum3A_253 [1] : vector<256x1024xf32> to vector<256xf32>
      %broadcast_in_dim3A_255 = vector.shape_cast %reduce_sum3A_254 : vector<256xf32> to vector<256x1xf32>
      %le3A_256 = arith.constant 4.000000e+00 : f32
      %le3A_257 = vector.broadcast %le3A_256 : f32 to vector<256x1024xf32>
      %le3A_258 = arith.cmpf ole, %add3A_209, %le3A_257 : vector<256x1024xf32>
      %jit3A_259 = arith.constant 1.000000e+00 : f32
      %jit3A_260 = arith.constant 0.000000e+00 : f32
      %broadcast_in_dim3A_261 = vector.broadcast %jit3A_259 : f32 to vector<256x1024xf32>
      %broadcast_in_dim3A_262 = vector.broadcast %jit3A_260 : f32 to vector<256x1024xf32>
      %select_n3A_263 = arith.select %le3A_258, %broadcast_in_dim3A_261, %broadcast_in_dim3A_262 : vector<256x1024xi1>, vector<256x1024xf32>
      %reduce_sum3A_264 = arith.constant dense<0.000000e+00> : vector<256xf32>
      %reduce_sum3A_265 = vector.multi_reduction <add>, %select_n3A_263, %reduce_sum3A_264 [1] : vector<256x1024xf32> to vector<256xf32>
      %broadcast_in_dim3A_266 = vector.shape_cast %reduce_sum3A_265 : vector<256xf32> to vector<256x1xf32>
      %le3A_267 = arith.constant 5.000000e+00 : f32
      %le3A_268 = vector.broadcast %le3A_267 : f32 to vector<256x1024xf32>
      %le3A_269 = arith.cmpf ole, %add3A_209, %le3A_268 : vector<256x1024xf32>
      %jit3A_270 = arith.constant 1.000000e+00 : f32
      %jit3A_271 = arith.constant 0.000000e+00 : f32
      %broadcast_in_dim3A_272 = vector.broadcast %jit3A_270 : f32 to vector<256x1024xf32>
      %broadcast_in_dim3A_273 = vector.broadcast %jit3A_271 : f32 to vector<256x1024xf32>
      %select_n3A_274 = arith.select %le3A_269, %broadcast_in_dim3A_272, %broadcast_in_dim3A_273 : vector<256x1024xi1>, vector<256x1024xf32>
      %reduce_sum3A_275 = arith.constant dense<0.000000e+00> : vector<256xf32>
      %reduce_sum3A_276 = vector.multi_reduction <add>, %select_n3A_274, %reduce_sum3A_275 [1] : vector<256x1024xf32> to vector<256xf32>
      %broadcast_in_dim3A_277 = vector.shape_cast %reduce_sum3A_276 : vector<256xf32> to vector<256x1xf32>
      %le3A_278 = arith.constant 6.000000e+00 : f32
      %le3A_279 = vector.broadcast %le3A_278 : f32 to vector<256x1024xf32>
      %le3A_280 = arith.cmpf ole, %add3A_209, %le3A_279 : vector<256x1024xf32>
      %jit3A_281 = arith.constant 1.000000e+00 : f32
      %jit3A_282 = arith.constant 0.000000e+00 : f32
      %broadcast_in_dim3A_283 = vector.broadcast %jit3A_281 : f32 to vector<256x1024xf32>
      %broadcast_in_dim3A_284 = vector.broadcast %jit3A_282 : f32 to vector<256x1024xf32>
      %select_n3A_285 = arith.select %le3A_280, %broadcast_in_dim3A_283, %broadcast_in_dim3A_284 : vector<256x1024xi1>, vector<256x1024xf32>
      %reduce_sum3A_286 = arith.constant dense<0.000000e+00> : vector<256xf32>
      %reduce_sum3A_287 = vector.multi_reduction <add>, %select_n3A_285, %reduce_sum3A_286 [1] : vector<256x1024xf32> to vector<256xf32>
      %broadcast_in_dim3A_288 = vector.shape_cast %reduce_sum3A_287 : vector<256xf32> to vector<256x1xf32>
      %le3A_289 = arith.constant 7.000000e+00 : f32
      %le3A_290 = vector.broadcast %le3A_289 : f32 to vector<256x1024xf32>
      %le3A_291 = arith.cmpf ole, %add3A_209, %le3A_290 : vector<256x1024xf32>
      %jit3A_292 = arith.constant 1.000000e+00 : f32
      %jit3A_293 = arith.constant 0.000000e+00 : f32
      %broadcast_in_dim3A_294 = vector.broadcast %jit3A_292 : f32 to vector<256x1024xf32>
      %broadcast_in_dim3A_295 = vector.broadcast %jit3A_293 : f32 to vector<256x1024xf32>
      %select_n3A_296 = arith.select %le3A_291, %broadcast_in_dim3A_294, %broadcast_in_dim3A_295 : vector<256x1024xi1>, vector<256x1024xf32>
      %reduce_sum3A_297 = arith.constant dense<0.000000e+00> : vector<256xf32>
      %reduce_sum3A_298 = vector.multi_reduction <add>, %select_n3A_296, %reduce_sum3A_297 [1] : vector<256x1024xf32> to vector<256xf32>
      %broadcast_in_dim3A_299 = vector.shape_cast %reduce_sum3A_298 : vector<256xf32> to vector<256x1xf32>
      %le3A_300 = arith.constant 8.000000e+00 : f32
      %le3A_301 = vector.broadcast %le3A_300 : f32 to vector<256x1024xf32>
      %le3A_302 = arith.cmpf ole, %add3A_209, %le3A_301 : vector<256x1024xf32>
      %jit3A_303 = arith.constant 1.000000e+00 : f32
      %jit3A_304 = arith.constant 0.000000e+00 : f32
      %broadcast_in_dim3A_305 = vector.broadcast %jit3A_303 : f32 to vector<256x1024xf32>
      %broadcast_in_dim3A_306 = vector.broadcast %jit3A_304 : f32 to vector<256x1024xf32>
      %select_n3A_307 = arith.select %le3A_302, %broadcast_in_dim3A_305, %broadcast_in_dim3A_306 : vector<256x1024xi1>, vector<256x1024xf32>
      %reduce_sum3A_308 = arith.constant dense<0.000000e+00> : vector<256xf32>
      %reduce_sum3A_309 = vector.multi_reduction <add>, %select_n3A_307, %reduce_sum3A_308 [1] : vector<256x1024xf32> to vector<256xf32>
      %broadcast_in_dim3A_310 = vector.shape_cast %reduce_sum3A_309 : vector<256xf32> to vector<256x1xf32>
      %le3A_311 = arith.constant 9.000000e+00 : f32
      %le3A_312 = vector.broadcast %le3A_311 : f32 to vector<256x1024xf32>
      %le3A_313 = arith.cmpf ole, %add3A_209, %le3A_312 : vector<256x1024xf32>
      %jit3A_314 = arith.constant 1.000000e+00 : f32
      %jit3A_315 = arith.constant 0.000000e+00 : f32
      %broadcast_in_dim3A_316 = vector.broadcast %jit3A_314 : f32 to vector<256x1024xf32>
      %broadcast_in_dim3A_317 = vector.broadcast %jit3A_315 : f32 to vector<256x1024xf32>
      %select_n3A_318 = arith.select %le3A_313, %broadcast_in_dim3A_316, %broadcast_in_dim3A_317 : vector<256x1024xi1>, vector<256x1024xf32>
      %reduce_sum3A_319 = arith.constant dense<0.000000e+00> : vector<256xf32>
      %reduce_sum3A_320 = vector.multi_reduction <add>, %select_n3A_318, %reduce_sum3A_319 [1] : vector<256x1024xf32> to vector<256xf32>
      %broadcast_in_dim3A_321 = vector.shape_cast %reduce_sum3A_320 : vector<256xf32> to vector<256x1xf32>
      %le3A_322 = arith.constant 1.000000e+01 : f32
      %le3A_323 = vector.broadcast %le3A_322 : f32 to vector<256x1024xf32>
      %le3A_324 = arith.cmpf ole, %add3A_209, %le3A_323 : vector<256x1024xf32>
      %jit3A_325 = arith.constant 1.000000e+00 : f32
      %jit3A_326 = arith.constant 0.000000e+00 : f32
      %broadcast_in_dim3A_327 = vector.broadcast %jit3A_325 : f32 to vector<256x1024xf32>
      %broadcast_in_dim3A_328 = vector.broadcast %jit3A_326 : f32 to vector<256x1024xf32>
      %select_n3A_329 = arith.select %le3A_324, %broadcast_in_dim3A_327, %broadcast_in_dim3A_328 : vector<256x1024xi1>, vector<256x1024xf32>
      %reduce_sum3A_330 = arith.constant dense<0.000000e+00> : vector<256xf32>
      %reduce_sum3A_331 = vector.multi_reduction <add>, %select_n3A_329, %reduce_sum3A_330 [1] : vector<256x1024xf32> to vector<256xf32>
      %broadcast_in_dim3A_332 = vector.shape_cast %reduce_sum3A_331 : vector<256xf32> to vector<256x1xf32>
      %le3A_333 = arith.constant 1.100000e+01 : f32
      %le3A_334 = vector.broadcast %le3A_333 : f32 to vector<256x1024xf32>
      %le3A_335 = arith.cmpf ole, %add3A_209, %le3A_334 : vector<256x1024xf32>
      %jit3A_336 = arith.constant 1.000000e+00 : f32
      %jit3A_337 = arith.constant 0.000000e+00 : f32
      %broadcast_in_dim3A_338 = vector.broadcast %jit3A_336 : f32 to vector<256x1024xf32>
      %broadcast_in_dim3A_339 = vector.broadcast %jit3A_337 : f32 to vector<256x1024xf32>
      %select_n3A_340 = arith.select %le3A_335, %broadcast_in_dim3A_338, %broadcast_in_dim3A_339 : vector<256x1024xi1>, vector<256x1024xf32>
      %reduce_sum3A_341 = arith.constant dense<0.000000e+00> : vector<256xf32>
      %reduce_sum3A_342 = vector.multi_reduction <add>, %select_n3A_340, %reduce_sum3A_341 [1] : vector<256x1024xf32> to vector<256xf32>
      %broadcast_in_dim3A_343 = vector.shape_cast %reduce_sum3A_342 : vector<256xf32> to vector<256x1xf32>
      %le3A_344 = arith.constant 1.200000e+01 : f32
      %le3A_345 = vector.broadcast %le3A_344 : f32 to vector<256x1024xf32>
      %le3A_346 = arith.cmpf ole, %add3A_209, %le3A_345 : vector<256x1024xf32>
      %jit3A_347 = arith.constant 1.000000e+00 : f32
      %jit3A_348 = arith.constant 0.000000e+00 : f32
      %broadcast_in_dim3A_349 = vector.broadcast %jit3A_347 : f32 to vector<256x1024xf32>
      %broadcast_in_dim3A_350 = vector.broadcast %jit3A_348 : f32 to vector<256x1024xf32>
      %select_n3A_351 = arith.select %le3A_346, %broadcast_in_dim3A_349, %broadcast_in_dim3A_350 : vector<256x1024xi1>, vector<256x1024xf32>
      %reduce_sum3A_352 = arith.constant dense<0.000000e+00> : vector<256xf32>
      %reduce_sum3A_353 = vector.multi_reduction <add>, %select_n3A_351, %reduce_sum3A_352 [1] : vector<256x1024xf32> to vector<256xf32>
      %broadcast_in_dim3A_354 = vector.shape_cast %reduce_sum3A_353 : vector<256xf32> to vector<256x1xf32>
      %le3A_355 = arith.constant 1.300000e+01 : f32
      %le3A_356 = vector.broadcast %le3A_355 : f32 to vector<256x1024xf32>
      %le3A_357 = arith.cmpf ole, %add3A_209, %le3A_356 : vector<256x1024xf32>
      %jit3A_358 = arith.constant 1.000000e+00 : f32
      %jit3A_359 = arith.constant 0.000000e+00 : f32
      %broadcast_in_dim3A_360 = vector.broadcast %jit3A_358 : f32 to vector<256x1024xf32>
      %broadcast_in_dim3A_361 = vector.broadcast %jit3A_359 : f32 to vector<256x1024xf32>
      %select_n3A_362 = arith.select %le3A_357, %broadcast_in_dim3A_360, %broadcast_in_dim3A_361 : vector<256x1024xi1>, vector<256x1024xf32>
      %reduce_sum3A_363 = arith.constant dense<0.000000e+00> : vector<256xf32>
      %reduce_sum3A_364 = vector.multi_reduction <add>, %select_n3A_362, %reduce_sum3A_363 [1] : vector<256x1024xf32> to vector<256xf32>
      %broadcast_in_dim3A_365 = vector.shape_cast %reduce_sum3A_364 : vector<256xf32> to vector<256x1xf32>
      %le3A_366 = arith.constant 1.400000e+01 : f32
      %le3A_367 = vector.broadcast %le3A_366 : f32 to vector<256x1024xf32>
      %le3A_368 = arith.cmpf ole, %add3A_209, %le3A_367 : vector<256x1024xf32>
      %jit3A_369 = arith.constant 1.000000e+00 : f32
      %jit3A_370 = arith.constant 0.000000e+00 : f32
      %broadcast_in_dim3A_371 = vector.broadcast %jit3A_369 : f32 to vector<256x1024xf32>
      %broadcast_in_dim3A_372 = vector.broadcast %jit3A_370 : f32 to vector<256x1024xf32>
      %select_n3A_373 = arith.select %le3A_368, %broadcast_in_dim3A_371, %broadcast_in_dim3A_372 : vector<256x1024xi1>, vector<256x1024xf32>
      %reduce_sum3A_374 = arith.constant dense<0.000000e+00> : vector<256xf32>
      %reduce_sum3A_375 = vector.multi_reduction <add>, %select_n3A_373, %reduce_sum3A_374 [1] : vector<256x1024xf32> to vector<256xf32>
      %broadcast_in_dim3A_376 = vector.shape_cast %reduce_sum3A_375 : vector<256xf32> to vector<256x1xf32>
      %le3A_377 = arith.constant 1.500000e+01 : f32
      %le3A_378 = vector.broadcast %le3A_377 : f32 to vector<256x1024xf32>
      %le3A_379 = arith.cmpf ole, %add3A_209, %le3A_378 : vector<256x1024xf32>
      %jit3A_380 = arith.constant 1.000000e+00 : f32
      %jit3A_381 = arith.constant 0.000000e+00 : f32
      %broadcast_in_dim3A_382 = vector.broadcast %jit3A_380 : f32 to vector<256x1024xf32>
      %broadcast_in_dim3A_383 = vector.broadcast %jit3A_381 : f32 to vector<256x1024xf32>
      %select_n3A_384 = arith.select %le3A_379, %broadcast_in_dim3A_382, %broadcast_in_dim3A_383 : vector<256x1024xi1>, vector<256x1024xf32>
      %reduce_sum3A_385 = arith.constant dense<0.000000e+00> : vector<256xf32>
      %reduce_sum3A_386 = vector.multi_reduction <add>, %select_n3A_384, %reduce_sum3A_385 [1] : vector<256x1024xf32> to vector<256xf32>
      %broadcast_in_dim3A_387 = vector.shape_cast %reduce_sum3A_386 : vector<256xf32> to vector<256x1xf32>
      %le3A_388 = arith.constant 1.600000e+01 : f32
      %le3A_389 = vector.broadcast %le3A_388 : f32 to vector<256x1024xf32>
      %le3A_390 = arith.cmpf ole, %add3A_209, %le3A_389 : vector<256x1024xf32>
      %jit3A_391 = arith.constant 1.000000e+00 : f32
      %jit3A_392 = arith.constant 0.000000e+00 : f32
      %broadcast_in_dim3A_393 = vector.broadcast %jit3A_391 : f32 to vector<256x1024xf32>
      %broadcast_in_dim3A_394 = vector.broadcast %jit3A_392 : f32 to vector<256x1024xf32>
      %select_n3A_395 = arith.select %le3A_390, %broadcast_in_dim3A_393, %broadcast_in_dim3A_394 : vector<256x1024xi1>, vector<256x1024xf32>
      %reduce_sum3A_396 = arith.constant dense<0.000000e+00> : vector<256xf32>
      %reduce_sum3A_397 = vector.multi_reduction <add>, %select_n3A_395, %reduce_sum3A_396 [1] : vector<256x1024xf32> to vector<256xf32>
      %broadcast_in_dim3A_398 = vector.shape_cast %reduce_sum3A_397 : vector<256xf32> to vector<256x1xf32>
      %le3A_399 = arith.constant 1.700000e+01 : f32
      %le3A_400 = vector.broadcast %le3A_399 : f32 to vector<256x1024xf32>
      %le3A_401 = arith.cmpf ole, %add3A_209, %le3A_400 : vector<256x1024xf32>
      %jit3A_402 = arith.constant 1.000000e+00 : f32
      %jit3A_403 = arith.constant 0.000000e+00 : f32
      %broadcast_in_dim3A_404 = vector.broadcast %jit3A_402 : f32 to vector<256x1024xf32>
      %broadcast_in_dim3A_405 = vector.broadcast %jit3A_403 : f32 to vector<256x1024xf32>
      %select_n3A_406 = arith.select %le3A_401, %broadcast_in_dim3A_404, %broadcast_in_dim3A_405 : vector<256x1024xi1>, vector<256x1024xf32>
      %reduce_sum3A_407 = arith.constant dense<0.000000e+00> : vector<256xf32>
      %reduce_sum3A_408 = vector.multi_reduction <add>, %select_n3A_406, %reduce_sum3A_407 [1] : vector<256x1024xf32> to vector<256xf32>
      %broadcast_in_dim3A_409 = vector.shape_cast %reduce_sum3A_408 : vector<256xf32> to vector<256x1xf32>
      %le3A_410 = arith.constant 1.800000e+01 : f32
      %le3A_411 = vector.broadcast %le3A_410 : f32 to vector<256x1024xf32>
      %le3A_412 = arith.cmpf ole, %add3A_209, %le3A_411 : vector<256x1024xf32>
      %jit3A_413 = arith.constant 1.000000e+00 : f32
      %jit3A_414 = arith.constant 0.000000e+00 : f32
      %broadcast_in_dim3A_415 = vector.broadcast %jit3A_413 : f32 to vector<256x1024xf32>
      %broadcast_in_dim3A_416 = vector.broadcast %jit3A_414 : f32 to vector<256x1024xf32>
      %select_n3A_417 = arith.select %le3A_412, %broadcast_in_dim3A_415, %broadcast_in_dim3A_416 : vector<256x1024xi1>, vector<256x1024xf32>
      %reduce_sum3A_418 = arith.constant dense<0.000000e+00> : vector<256xf32>
      %reduce_sum3A_419 = vector.multi_reduction <add>, %select_n3A_417, %reduce_sum3A_418 [1] : vector<256x1024xf32> to vector<256xf32>
      %broadcast_in_dim3A_420 = vector.shape_cast %reduce_sum3A_419 : vector<256xf32> to vector<256x1xf32>
      %le3A_421 = arith.constant 1.900000e+01 : f32
      %le3A_422 = vector.broadcast %le3A_421 : f32 to vector<256x1024xf32>
      %le3A_423 = arith.cmpf ole, %add3A_209, %le3A_422 : vector<256x1024xf32>
      %jit3A_424 = arith.constant 1.000000e+00 : f32
      %jit3A_425 = arith.constant 0.000000e+00 : f32
      %broadcast_in_dim3A_426 = vector.broadcast %jit3A_424 : f32 to vector<256x1024xf32>
      %broadcast_in_dim3A_427 = vector.broadcast %jit3A_425 : f32 to vector<256x1024xf32>
      %select_n3A_428 = arith.select %le3A_423, %broadcast_in_dim3A_426, %broadcast_in_dim3A_427 : vector<256x1024xi1>, vector<256x1024xf32>
      %reduce_sum3A_429 = arith.constant dense<0.000000e+00> : vector<256xf32>
      %reduce_sum3A_430 = vector.multi_reduction <add>, %select_n3A_428, %reduce_sum3A_429 [1] : vector<256x1024xf32> to vector<256xf32>
      %broadcast_in_dim3A_431 = vector.shape_cast %reduce_sum3A_430 : vector<256xf32> to vector<256x1xf32>
      %le3A_432 = arith.constant 2.000000e+01 : f32
      %le3A_433 = vector.broadcast %le3A_432 : f32 to vector<256x1024xf32>
      %le3A_434 = arith.cmpf ole, %add3A_209, %le3A_433 : vector<256x1024xf32>
      %jit3A_435 = arith.constant 1.000000e+00 : f32
      %jit3A_436 = arith.constant 0.000000e+00 : f32
      %broadcast_in_dim3A_437 = vector.broadcast %jit3A_435 : f32 to vector<256x1024xf32>
      %broadcast_in_dim3A_438 = vector.broadcast %jit3A_436 : f32 to vector<256x1024xf32>
      %select_n3A_439 = arith.select %le3A_434, %broadcast_in_dim3A_437, %broadcast_in_dim3A_438 : vector<256x1024xi1>, vector<256x1024xf32>
      %reduce_sum3A_440 = arith.constant dense<0.000000e+00> : vector<256xf32>
      %reduce_sum3A_441 = vector.multi_reduction <add>, %select_n3A_439, %reduce_sum3A_440 [1] : vector<256x1024xf32> to vector<256xf32>
      %broadcast_in_dim3A_442 = vector.shape_cast %reduce_sum3A_441 : vector<256xf32> to vector<256x1xf32>
      %le3A_443 = arith.constant 2.100000e+01 : f32
      %le3A_444 = vector.broadcast %le3A_443 : f32 to vector<256x1024xf32>
      %le3A_445 = arith.cmpf ole, %add3A_209, %le3A_444 : vector<256x1024xf32>
      %jit3A_446 = arith.constant 1.000000e+00 : f32
      %jit3A_447 = arith.constant 0.000000e+00 : f32
      %broadcast_in_dim3A_448 = vector.broadcast %jit3A_446 : f32 to vector<256x1024xf32>
      %broadcast_in_dim3A_449 = vector.broadcast %jit3A_447 : f32 to vector<256x1024xf32>
      %select_n3A_450 = arith.select %le3A_445, %broadcast_in_dim3A_448, %broadcast_in_dim3A_449 : vector<256x1024xi1>, vector<256x1024xf32>
      %reduce_sum3A_451 = arith.constant dense<0.000000e+00> : vector<256xf32>
      %reduce_sum3A_452 = vector.multi_reduction <add>, %select_n3A_450, %reduce_sum3A_451 [1] : vector<256x1024xf32> to vector<256xf32>
      %broadcast_in_dim3A_453 = vector.shape_cast %reduce_sum3A_452 : vector<256xf32> to vector<256x1xf32>
      %le3A_454 = arith.constant 2.200000e+01 : f32
      %le3A_455 = vector.broadcast %le3A_454 : f32 to vector<256x1024xf32>
      %le3A_456 = arith.cmpf ole, %add3A_209, %le3A_455 : vector<256x1024xf32>
      %jit3A_457 = arith.constant 1.000000e+00 : f32
      %jit3A_458 = arith.constant 0.000000e+00 : f32
      %broadcast_in_dim3A_459 = vector.broadcast %jit3A_457 : f32 to vector<256x1024xf32>
      %broadcast_in_dim3A_460 = vector.broadcast %jit3A_458 : f32 to vector<256x1024xf32>
      %select_n3A_461 = arith.select %le3A_456, %broadcast_in_dim3A_459, %broadcast_in_dim3A_460 : vector<256x1024xi1>, vector<256x1024xf32>
      %reduce_sum3A_462 = arith.constant dense<0.000000e+00> : vector<256xf32>
      %reduce_sum3A_463 = vector.multi_reduction <add>, %select_n3A_461, %reduce_sum3A_462 [1] : vector<256x1024xf32> to vector<256xf32>
      %broadcast_in_dim3A_464 = vector.shape_cast %reduce_sum3A_463 : vector<256xf32> to vector<256x1xf32>
      %le3A_465 = arith.constant 2.300000e+01 : f32
      %le3A_466 = vector.broadcast %le3A_465 : f32 to vector<256x1024xf32>
      %le3A_467 = arith.cmpf ole, %add3A_209, %le3A_466 : vector<256x1024xf32>
      %jit3A_468 = arith.constant 1.000000e+00 : f32
      %jit3A_469 = arith.constant 0.000000e+00 : f32
      %broadcast_in_dim3A_470 = vector.broadcast %jit3A_468 : f32 to vector<256x1024xf32>
      %broadcast_in_dim3A_471 = vector.broadcast %jit3A_469 : f32 to vector<256x1024xf32>
      %select_n3A_472 = arith.select %le3A_467, %broadcast_in_dim3A_470, %broadcast_in_dim3A_471 : vector<256x1024xi1>, vector<256x1024xf32>
      %reduce_sum3A_473 = arith.constant dense<0.000000e+00> : vector<256xf32>
      %reduce_sum3A_474 = vector.multi_reduction <add>, %select_n3A_472, %reduce_sum3A_473 [1] : vector<256x1024xf32> to vector<256xf32>
      %broadcast_in_dim3A_475 = vector.shape_cast %reduce_sum3A_474 : vector<256xf32> to vector<256x1xf32>
      %le3A_476 = arith.constant 2.400000e+01 : f32
      %le3A_477 = vector.broadcast %le3A_476 : f32 to vector<256x1024xf32>
      %le3A_478 = arith.cmpf ole, %add3A_209, %le3A_477 : vector<256x1024xf32>
      %jit3A_479 = arith.constant 1.000000e+00 : f32
      %jit3A_480 = arith.constant 0.000000e+00 : f32
      %broadcast_in_dim3A_481 = vector.broadcast %jit3A_479 : f32 to vector<256x1024xf32>
      %broadcast_in_dim3A_482 = vector.broadcast %jit3A_480 : f32 to vector<256x1024xf32>
      %select_n3A_483 = arith.select %le3A_478, %broadcast_in_dim3A_481, %broadcast_in_dim3A_482 : vector<256x1024xi1>, vector<256x1024xf32>
      %reduce_sum3A_484 = arith.constant dense<0.000000e+00> : vector<256xf32>
      %reduce_sum3A_485 = vector.multi_reduction <add>, %select_n3A_483, %reduce_sum3A_484 [1] : vector<256x1024xf32> to vector<256xf32>
      %broadcast_in_dim3A_486 = vector.shape_cast %reduce_sum3A_485 : vector<256xf32> to vector<256x1xf32>
      %le3A_487 = arith.constant 2.500000e+01 : f32
      %le3A_488 = vector.broadcast %le3A_487 : f32 to vector<256x1024xf32>
      %le3A_489 = arith.cmpf ole, %add3A_209, %le3A_488 : vector<256x1024xf32>
      %jit3A_490 = arith.constant 1.000000e+00 : f32
      %jit3A_491 = arith.constant 0.000000e+00 : f32
      %broadcast_in_dim3A_492 = vector.broadcast %jit3A_490 : f32 to vector<256x1024xf32>
      %broadcast_in_dim3A_493 = vector.broadcast %jit3A_491 : f32 to vector<256x1024xf32>
      %select_n3A_494 = arith.select %le3A_489, %broadcast_in_dim3A_492, %broadcast_in_dim3A_493 : vector<256x1024xi1>, vector<256x1024xf32>
      %reduce_sum3A_495 = arith.constant dense<0.000000e+00> : vector<256xf32>
      %reduce_sum3A_496 = vector.multi_reduction <add>, %select_n3A_494, %reduce_sum3A_495 [1] : vector<256x1024xf32> to vector<256xf32>
      %broadcast_in_dim3A_497 = vector.shape_cast %reduce_sum3A_496 : vector<256xf32> to vector<256x1xf32>
      %le3A_498 = arith.constant 2.600000e+01 : f32
      %le3A_499 = vector.broadcast %le3A_498 : f32 to vector<256x1024xf32>
      %le3A_500 = arith.cmpf ole, %add3A_209, %le3A_499 : vector<256x1024xf32>
      %jit3A_501 = arith.constant 1.000000e+00 : f32
      %jit3A_502 = arith.constant 0.000000e+00 : f32
      %broadcast_in_dim3A_503 = vector.broadcast %jit3A_501 : f32 to vector<256x1024xf32>
      %broadcast_in_dim3A_504 = vector.broadcast %jit3A_502 : f32 to vector<256x1024xf32>
      %select_n3A_505 = arith.select %le3A_500, %broadcast_in_dim3A_503, %broadcast_in_dim3A_504 : vector<256x1024xi1>, vector<256x1024xf32>
      %reduce_sum3A_506 = arith.constant dense<0.000000e+00> : vector<256xf32>
      %reduce_sum3A_507 = vector.multi_reduction <add>, %select_n3A_505, %reduce_sum3A_506 [1] : vector<256x1024xf32> to vector<256xf32>
      %broadcast_in_dim3A_508 = vector.shape_cast %reduce_sum3A_507 : vector<256xf32> to vector<256x1xf32>
      %le3A_509 = arith.constant 2.700000e+01 : f32
      %le3A_510 = vector.broadcast %le3A_509 : f32 to vector<256x1024xf32>
      %le3A_511 = arith.cmpf ole, %add3A_209, %le3A_510 : vector<256x1024xf32>
      %jit3A_512 = arith.constant 1.000000e+00 : f32
      %jit3A_513 = arith.constant 0.000000e+00 : f32
      %broadcast_in_dim3A_514 = vector.broadcast %jit3A_512 : f32 to vector<256x1024xf32>
      %broadcast_in_dim3A_515 = vector.broadcast %jit3A_513 : f32 to vector<256x1024xf32>
      %select_n3A_516 = arith.select %le3A_511, %broadcast_in_dim3A_514, %broadcast_in_dim3A_515 : vector<256x1024xi1>, vector<256x1024xf32>
      %reduce_sum3A_517 = arith.constant dense<0.000000e+00> : vector<256xf32>
      %reduce_sum3A_518 = vector.multi_reduction <add>, %select_n3A_516, %reduce_sum3A_517 [1] : vector<256x1024xf32> to vector<256xf32>
      %broadcast_in_dim3A_519 = vector.shape_cast %reduce_sum3A_518 : vector<256xf32> to vector<256x1xf32>
      %le3A_520 = arith.constant 2.800000e+01 : f32
      %le3A_521 = vector.broadcast %le3A_520 : f32 to vector<256x1024xf32>
      %le3A_522 = arith.cmpf ole, %add3A_209, %le3A_521 : vector<256x1024xf32>
      %jit3A_523 = arith.constant 1.000000e+00 : f32
      %jit3A_524 = arith.constant 0.000000e+00 : f32
      %broadcast_in_dim3A_525 = vector.broadcast %jit3A_523 : f32 to vector<256x1024xf32>
      %broadcast_in_dim3A_526 = vector.broadcast %jit3A_524 : f32 to vector<256x1024xf32>
      %select_n3A_527 = arith.select %le3A_522, %broadcast_in_dim3A_525, %broadcast_in_dim3A_526 : vector<256x1024xi1>, vector<256x1024xf32>
      %reduce_sum3A_528 = arith.constant dense<0.000000e+00> : vector<256xf32>
      %reduce_sum3A_529 = vector.multi_reduction <add>, %select_n3A_527, %reduce_sum3A_528 [1] : vector<256x1024xf32> to vector<256xf32>
      %broadcast_in_dim3A_530 = vector.shape_cast %reduce_sum3A_529 : vector<256xf32> to vector<256x1xf32>
      %le3A_531 = arith.constant 2.900000e+01 : f32
      %le3A_532 = vector.broadcast %le3A_531 : f32 to vector<256x1024xf32>
      %le3A_533 = arith.cmpf ole, %add3A_209, %le3A_532 : vector<256x1024xf32>
      %jit3A_534 = arith.constant 1.000000e+00 : f32
      %jit3A_535 = arith.constant 0.000000e+00 : f32
      %broadcast_in_dim3A_536 = vector.broadcast %jit3A_534 : f32 to vector<256x1024xf32>
      %broadcast_in_dim3A_537 = vector.broadcast %jit3A_535 : f32 to vector<256x1024xf32>
      %select_n3A_538 = arith.select %le3A_533, %broadcast_in_dim3A_536, %broadcast_in_dim3A_537 : vector<256x1024xi1>, vector<256x1024xf32>
      %reduce_sum3A_539 = arith.constant dense<0.000000e+00> : vector<256xf32>
      %reduce_sum3A_540 = vector.multi_reduction <add>, %select_n3A_538, %reduce_sum3A_539 [1] : vector<256x1024xf32> to vector<256xf32>
      %broadcast_in_dim3A_541 = vector.shape_cast %reduce_sum3A_540 : vector<256xf32> to vector<256x1xf32>
      %le3A_542 = arith.constant 3.000000e+01 : f32
      %le3A_543 = vector.broadcast %le3A_542 : f32 to vector<256x1024xf32>
      %le3A_544 = arith.cmpf ole, %add3A_209, %le3A_543 : vector<256x1024xf32>
      %jit3A_545 = arith.constant 1.000000e+00 : f32
      %jit3A_546 = arith.constant 0.000000e+00 : f32
      %broadcast_in_dim3A_547 = vector.broadcast %jit3A_545 : f32 to vector<256x1024xf32>
      %broadcast_in_dim3A_548 = vector.broadcast %jit3A_546 : f32 to vector<256x1024xf32>
      %select_n3A_549 = arith.select %le3A_544, %broadcast_in_dim3A_547, %broadcast_in_dim3A_548 : vector<256x1024xi1>, vector<256x1024xf32>
      %reduce_sum3A_550 = arith.constant dense<0.000000e+00> : vector<256xf32>
      %reduce_sum3A_551 = vector.multi_reduction <add>, %select_n3A_549, %reduce_sum3A_550 [1] : vector<256x1024xf32> to vector<256xf32>
      %broadcast_in_dim3A_552 = vector.shape_cast %reduce_sum3A_551 : vector<256xf32> to vector<256x1xf32>
      %le3A_553 = arith.constant 3.100000e+01 : f32
      %le3A_554 = vector.broadcast %le3A_553 : f32 to vector<256x1024xf32>
      %le3A_555 = arith.cmpf ole, %add3A_209, %le3A_554 : vector<256x1024xf32>
      %jit3A_556 = arith.constant 1.000000e+00 : f32
      %jit3A_557 = arith.constant 0.000000e+00 : f32
      %broadcast_in_dim3A_558 = vector.broadcast %jit3A_556 : f32 to vector<256x1024xf32>
      %broadcast_in_dim3A_559 = vector.broadcast %jit3A_557 : f32 to vector<256x1024xf32>
      %select_n3A_560 = arith.select %le3A_555, %broadcast_in_dim3A_558, %broadcast_in_dim3A_559 : vector<256x1024xi1>, vector<256x1024xf32>
      %reduce_sum3A_561 = arith.constant dense<0.000000e+00> : vector<256xf32>
      %reduce_sum3A_562 = vector.multi_reduction <add>, %select_n3A_560, %reduce_sum3A_561 [1] : vector<256x1024xf32> to vector<256xf32>
      %broadcast_in_dim3A_563 = vector.shape_cast %reduce_sum3A_562 : vector<256xf32> to vector<256x1xf32>
      %get3A_564 = arith.constant 0 : index
      %get3A_565 = arith.constant 0 : index
      %get3A_566 = vector.load %arg8[%get3A_564, %get3A_565] : memref<256x32xf32, #tpu.memory_space<vmem>>, vector<256x32xf32>
      %concatenate3A = tpu.concatenate %broadcast_in_dim3A_222, %broadcast_in_dim3A_233, %broadcast_in_dim3A_244, %broadcast_in_dim3A_255, %broadcast_in_dim3A_266, %broadcast_in_dim3A_277, %broadcast_in_dim3A_288, %broadcast_in_dim3A_299, %broadcast_in_dim3A_310, %broadcast_in_dim3A_321, %broadcast_in_dim3A_332, %broadcast_in_dim3A_343, %broadcast_in_dim3A_354, %broadcast_in_dim3A_365, %broadcast_in_dim3A_376, %broadcast_in_dim3A_387, %broadcast_in_dim3A_398, %broadcast_in_dim3A_409, %broadcast_in_dim3A_420, %broadcast_in_dim3A_431, %broadcast_in_dim3A_442, %broadcast_in_dim3A_453, %broadcast_in_dim3A_464, %broadcast_in_dim3A_475, %broadcast_in_dim3A_486, %broadcast_in_dim3A_497, %broadcast_in_dim3A_508, %broadcast_in_dim3A_519, %broadcast_in_dim3A_530, %broadcast_in_dim3A_541, %broadcast_in_dim3A_552, %broadcast_in_dim3A_563 in 1 : vector<256x1xf32>, vector<256x1xf32>, vector<256x1xf32>, vector<256x1xf32>, vector<256x1xf32>, vector<256x1xf32>, vector<256x1xf32>, vector<256x1xf32>, vector<256x1xf32>, vector<256x1xf32>, vector<256x1xf32>, vector<256x1xf32>, vector<256x1xf32>, vector<256x1xf32>, vector<256x1xf32>, vector<256x1xf32>, vector<256x1xf32>, vector<256x1xf32>, vector<256x1xf32>, vector<256x1xf32>, vector<256x1xf32>, vector<256x1xf32>, vector<256x1xf32>, vector<256x1xf32>, vector<256x1xf32>, vector<256x1xf32>, vector<256x1xf32>, vector<256x1xf32>, vector<256x1xf32>, vector<256x1xf32>, vector<256x1xf32>, vector<256x1xf32> -> vector<256x32xf32>
      %add3A_567 = arith.addf %get3A_566, %concatenate3A : vector<256x32xf32>
      %swap3A_568 = arith.constant 0 : index
      %swap3A_569 = arith.constant 0 : index
      %swap3A_570 = vector.load %arg8[%swap3A_568, %swap3A_569] : memref<256x32xf32, #tpu.memory_space<vmem>>, vector<256x32xf32>
      tpu.vector_store %arg8[%swap3A_568, %swap3A_569], %add3A_567 {strides = array<i32>} : memref<256x32xf32, #tpu.memory_space<vmem>>, vector<256x32xf32>,
    } else {
    }
    %get3A_119 = arith.constant 0 : index
    %get3A_120 = arith.constant 0 : index
    %get3A_121 = vector.load %arg8[%get3A_119, %get3A_120] : memref<256x32xf32, #tpu.memory_space<vmem>>, vector<256x32xf32>
    %slice3A_122 = vector.extract_strided_slice %get3A_121 {offsets = [0, 0], sizes = [256, 1], strides = [1, 1]} : vector<256x32xf32> to vector<256x1xf32>
    %ge3A = arith.constant 8.192000e+03 : f32
    %ge3A_123 = vector.broadcast %ge3A : f32 to vector<256x32xf32>
    %ge3A_124 = arith.cmpf oge, %get3A_121, %ge3A_123 : vector<256x32xf32>
    %ge3A_125 = arith.constant 8.192000e+03 : f32
    %ge3A_126 = vector.broadcast %ge3A_125 : f32 to vector<256x1xf32>
    %ge3A_127 = arith.cmpf oge, %slice3A_122, %ge3A_126 : vector<256x1xf32>
    %jit3A = arith.constant 0.000000e+00 : f32
    %broadcast_in_dim3A_128 = vector.broadcast %jit3A : f32 to vector<256x1xf32>
    %select_n3A = arith.select %ge3A_127, %broadcast_in_dim3A_128, %slice3A_122 : vector<256x1xi1>, vector<256x1xf32>
    %broadcast_in_dim3A_129 = vector.shape_cast %select_n3A : vector<256x1xf32> to vector<256x1xf32>
    %broadcast_in_dim3A_130 = vector.broadcast %broadcast_in_dim3A_129 : vector<256x1xf32> to vector<256x32xf32>
    %select_n3A_131 = arith.select %ge3A_124, %broadcast_in_dim3A_130, %get3A_121 : vector<256x32xi1>, vector<256x32xf32>
    %mul3A = arith.constant 256 : i32
    %mul3A_132 = arith.muli %arg0, %mul3A : i32
    %jit3A_133 = arith.constant 1024 : i32
    %div3A = arith.divsi %mul3A_132, %jit3A_133 : i32
    %sign3A = arith.constant 0 : i32
    %sign3A_134 = arith.cmpi sgt, %mul3A_132, %sign3A : i32
    %sign3A_135 = arith.extui %sign3A_134 : i1 to i32
    %sign3A_136 = arith.constant 0 : i32
    %sign3A_137 = arith.cmpi slt, %mul3A_132, %sign3A_136 : i32
    %sign3A_138 = arith.extui %sign3A_137 : i1 to i32
    %sign3A_139 = arith.subi %sign3A_135, %sign3A_138 : i32
    %sign3A_140 = arith.constant 0 : i32
    %sign3A_141 = arith.cmpi sgt, %jit3A_133, %sign3A_140 : i32
    %sign3A_142 = arith.extui %sign3A_141 : i1 to i32
    %sign3A_143 = arith.constant 0 : i32
    %sign3A_144 = arith.cmpi slt, %jit3A_133, %sign3A_143 : i32
    %sign3A_145 = arith.extui %sign3A_144 : i1 to i32
    %sign3A_146 = arith.subi %sign3A_142, %sign3A_145 : i32
    %ne3A = arith.cmpi ne, %sign3A_139, %sign3A_146 : i32
    %rem3A = arith.remsi %mul3A_132, %jit3A_133 : i32
    %ne3A_147 = arith.constant 0 : i32
    %ne3A_148 = arith.cmpi ne, %rem3A, %ne3A_147 : i32
    %and3A = arith.andi %ne3A, %ne3A_148 : i1
    %sub3A = arith.constant 1 : i32
    %sub3A_149 = arith.subi %div3A, %sub3A : i32
    %select_n3A_150 = arith.select %and3A, %sub3A_149, %div3A : i32
    %convert_element_type3A_151 = arith.fptosi %select_n3A_131 : vector<256x32xf32> to vector<256x32xi32>
    %mul3A_152 = arith.constant 8192 : i32
    %mul3A_153 = arith.muli %select_n3A_150, %mul3A_152 : i32
    %add3A = vector.broadcast %mul3A_153 : i32 to vector<256x32xi32>
    %add3A_154 = arith.addi %convert_element_type3A_151, %add3A : vector<256x32xi32>
    %swap3A_155 = arith.constant 0 : index
    %swap3A_156 = arith.constant 0 : index
    %swap3A_157 = vector.load %arg5[%swap3A_155, %swap3A_156] : memref<256x32xi32, #tpu.memory_space<vmem>>, vector<256x32xi32>
    tpu.vector_store %arg5[%swap3A_155, %swap3A_156], %add3A_154 {strides = array<i32>} : memref<256x32xi32, #tpu.memory_space<vmem>>, vector<256x32xi32>,
    %lt3A_158 = arith.constant 8.192000e+03 : f32
    %lt3A_159 = vector.broadcast %lt3A_158 : f32 to vector<256x1xf32>
    %lt3A_160 = arith.cmpf olt, %slice3A_122, %lt3A_159 : vector<256x1xf32>
    %jit3A_161 = arith.constant 1.000000e+00 : f32
    %jit3A_162 = arith.constant 0.000000e+00 : f32
    %broadcast_in_dim3A_163 = vector.broadcast %jit3A_161 : f32 to vector<256x1xf32>
    %broadcast_in_dim3A_164 = vector.broadcast %jit3A_162 : f32 to vector<256x1xf32>
    %select_n3A_165 = arith.select %lt3A_160, %broadcast_in_dim3A_163, %broadcast_in_dim3A_164 : vector<256x1xi1>, vector<256x1xf32>
    %swap3A_166 = arith.constant 0 : index
    %swap3A_167 = arith.constant 0 : index
    %swap3A_168 = vector.load %arg6[%swap3A_166, %swap3A_167] : memref<256x1xf32, #tpu.memory_space<vmem>>, vector<256x1xf32>
    tpu.vector_store %arg6[%swap3A_166, %swap3A_167], %select_n3A_165 {strides = array<i32>} : memref<256x1xf32, #tpu.memory_space<vmem>>, vector<256x1xf32>,
    return
  }
  func.func @transform_0(%arg0: i32) -> (i32, i32) {
    %c0_i32 = arith.constant 0 : i32
    %c0_i32_0 = arith.constant 0 : i32
    return %arg0, %c0_i32 : i32, i32
  }
  func.func @transform_1(%arg0: i32) -> (i32, i32, i32) {
    %mul3A = arith.constant 256 : i32
    %mul3A_0 = arith.muli %arg0, %mul3A : i32
    %jit3A = arith.constant 1024 : i32
    %div3A = arith.divsi %mul3A_0, %jit3A : i32
    %sign3A = arith.constant 0 : i32
    %sign3A_1 = arith.cmpi sgt, %mul3A_0, %sign3A : i32
    %sign3A_2 = arith.extui %sign3A_1 : i1 to i32
    %sign3A_3 = arith.constant 0 : i32
    %sign3A_4 = arith.cmpi slt, %mul3A_0, %sign3A_3 : i32
    %sign3A_5 = arith.extui %sign3A_4 : i1 to i32
    %sign3A_6 = arith.subi %sign3A_2, %sign3A_5 : i32
    %sign3A_7 = arith.constant 0 : i32
    %sign3A_8 = arith.cmpi sgt, %jit3A, %sign3A_7 : i32
    %sign3A_9 = arith.extui %sign3A_8 : i1 to i32
    %sign3A_10 = arith.constant 0 : i32
    %sign3A_11 = arith.cmpi slt, %jit3A, %sign3A_10 : i32
    %sign3A_12 = arith.extui %sign3A_11 : i1 to i32
    %sign3A_13 = arith.subi %sign3A_9, %sign3A_12 : i32
    %ne3A = arith.cmpi ne, %sign3A_6, %sign3A_13 : i32
    %rem3A = arith.remsi %mul3A_0, %jit3A : i32
    %ne3A_14 = arith.constant 0 : i32
    %ne3A_15 = arith.cmpi ne, %rem3A, %ne3A_14 : i32
    %and3A = arith.andi %ne3A, %ne3A_15 : i1
    %sub3A = arith.constant 1 : i32
    %sub3A_16 = arith.subi %div3A, %sub3A : i32
    %select_n3A = arith.select %and3A, %sub3A_16, %div3A : i32
    %c0_i32 = arith.constant 0 : i32
    %c0_i32_17 = arith.constant 0 : i32
    %c0_i32_18 = arith.constant 0 : i32
    return %select_n3A, %c0_i32, %c0_i32_17 : i32, i32, i32
  }
  func.func @transform_2(%arg0: i32) -> (i32, i32) {
    %c0_i32 = arith.constant 0 : i32
    %c0_i32_0 = arith.constant 0 : i32
    %c0_i32_1 = arith.constant 0 : i32
    return %c0_i32, %c0_i32_0 : i32, i32
  }
  func.func @transform_3(%arg0: i32) -> (i32, i32) {
    %c0_i32 = arith.constant 0 : i32
    %c0_i32_0 = arith.constant 0 : i32
    %c0_i32_1 = arith.constant 0 : i32
    return %c0_i32, %c0_i32_0 : i32, i32
  }
  func.func @transform_4(%arg0: i32) -> (i32, i32) {
    %c0_i32 = arith.constant 0 : i32
    %c0_i32_0 = arith.constant 0 : i32
    return %arg0, %c0_i32 : i32, i32
  }
  func.func @transform_5(%arg0: i32) -> (i32, i32) {
    %c0_i32 = arith.constant 0 : i32
    %c0_i32_0 = arith.constant 0 : i32
    return %arg0, %c0_i32 : i32, i32
  }
  func.func @transform_6(%arg0: i32) -> (i32, i32) {
    %c0_i32 = arith.constant 0 : i32
    %c0_i32_0 = arith.constant 0 : i32
    return %arg0, %c0_i32 : i32, i32
  }
}

module attributes {stable_mosaic.version = 14 : i64} {
  func.func @_mlp_body(%arg0: i32, %arg1: i32, %arg2: memref<1x1024x64xf32, #tpu.memory_space<vmem>>, %arg3: memref<1024x64xf32, #tpu.memory_space<vmem>>, %arg4: memref<1024x1xf32, #tpu.memory_space<vmem>>, %arg5: memref<64x64xbf16, #tpu.memory_space<vmem>>, %arg6: memref<64x128xbf16, #tpu.memory_space<vmem>>, %arg7: memref<1x64xf32, #tpu.memory_space<vmem>>, %arg8: memref<1x128xf32, #tpu.memory_space<vmem>>, %arg9: memref<1024x128xf32, #tpu.memory_space<vmem>>) attributes {dimension_semantics = [#tpu.dimension_semantics<parallel>, #tpu.dimension_semantics<arbitrary>], iteration_bounds = array<i64: 4, 32>, scalar_prefetch = 0 : i64, scratch_operands = 0 : i64, tpu.core_type = #tpu.core_type<tc>, window_params = [{transform_indices = @transform_0, window_bounds = array<i64: 1, 1024, 64>}, {transform_indices = @transform_1, window_bounds = array<i64: 1024, 64>}, {transform_indices = @transform_2, window_bounds = array<i64: 1024, 1>}, {pipeline_mode = #tpu.pipeline_mode<synchronous>, transform_indices = @transform_3, window_bounds = array<i64: 64, 64>}, {pipeline_mode = #tpu.pipeline_mode<synchronous>, transform_indices = @transform_4, window_bounds = array<i64: 64, 128>}, {pipeline_mode = #tpu.pipeline_mode<synchronous>, transform_indices = @transform_5, window_bounds = array<i64: 1, 64>}, {pipeline_mode = #tpu.pipeline_mode<synchronous>, transform_indices = @transform_6, window_bounds = array<i64: 1, 128>}, {transform_indices = @transform_7, window_bounds = array<i64: 1024, 128>}]} {
    %get3A = arith.constant 0 : index
    %get3A_0 = arith.constant 0 : index
    %get3A_1 = arith.constant 0 : index
    %get3A_2 = vector.load %arg2[%get3A, %get3A_0, %get3A_1] : memref<1x1024x64xf32, #tpu.memory_space<vmem>>, vector<1x1024x64xf32>
    %get3A_3 = vector.shape_cast %get3A_2 : vector<1x1024x64xf32> to vector<1024x64xf32>
    %get3A_4 = arith.constant 0 : index
    %get3A_5 = arith.constant 0 : index
    %get3A_6 = vector.load %arg3[%get3A_4, %get3A_5] : memref<1024x64xf32, #tpu.memory_space<vmem>>, vector<1024x64xf32>
    %sub3A = arith.subf %get3A_3, %get3A_6 : vector<1024x64xf32>
    %max3A = arith.constant 0.000000e+00 : f32
    %max3A_7 = vector.broadcast %max3A : f32 to vector<1024x64xf32>
    %max3A_8 = arith.maximumf %sub3A, %max3A_7 : vector<1024x64xf32>
    %convert_element_type3A = arith.truncf %max3A_8 : vector<1024x64xf32> to vector<1024x64xbf16>
    %get3A_9 = arith.constant 0 : index
    %get3A_10 = arith.constant 0 : index
    %get3A_11 = vector.load %arg5[%get3A_9, %get3A_10] : memref<64x64xbf16, #tpu.memory_space<vmem>>, vector<64x64xbf16>
    %dot_general3A = arith.constant dense<0.000000e+00> : vector<1024x64xf32>
    %dot_general3A_12 = tpu.matmul %convert_element_type3A, %get3A_11, %dot_general3A {dimension_numbers = #tpu.dot_dimension_numbers<[1], [0], [0], [1], [0, 0, 1, 1], [], []>, transpose_lhs_hint = false} : vector<1024x64xbf16>, vector<64x64xbf16>, vector<1024x64xf32> -> vector<1024x64xf32>
    %get3A_13 = arith.constant 0 : index
    %get3A_14 = arith.constant 0 : index
    %get3A_15 = vector.load %arg7[%get3A_13, %get3A_14] : memref<1x64xf32, #tpu.memory_space<vmem>>, vector<1x64xf32>
    %add3A = vector.broadcast %get3A_15 : vector<1x64xf32> to vector<1024x64xf32>
    %add3A_16 = arith.addf %dot_general3A_12, %add3A : vector<1024x64xf32>
    %max3A_17 = arith.constant 0.000000e+00 : f32
    %max3A_18 = vector.broadcast %max3A_17 : f32 to vector<1024x64xf32>
    %max3A_19 = arith.maximumf %add3A_16, %max3A_18 : vector<1024x64xf32>
    %convert_element_type3A_20 = arith.truncf %max3A_19 : vector<1024x64xf32> to vector<1024x64xbf16>
    %get3A_21 = arith.constant 0 : index
    %get3A_22 = arith.constant 0 : index
    %get3A_23 = vector.load %arg6[%get3A_21, %get3A_22] : memref<64x128xbf16, #tpu.memory_space<vmem>>, vector<64x128xbf16>
    %dot_general3A_24 = arith.constant dense<0.000000e+00> : vector<1024x128xf32>
    %dot_general3A_25 = tpu.matmul %convert_element_type3A_20, %get3A_23, %dot_general3A_24 {dimension_numbers = #tpu.dot_dimension_numbers<[1], [0], [0], [1], [0, 0, 1, 1], [], []>, transpose_lhs_hint = false} : vector<1024x64xbf16>, vector<64x128xbf16>, vector<1024x128xf32> -> vector<1024x128xf32>
    %get3A_26 = arith.constant 0 : index
    %get3A_27 = arith.constant 0 : index
    %get3A_28 = vector.load %arg8[%get3A_26, %get3A_27] : memref<1x128xf32, #tpu.memory_space<vmem>>, vector<1x128xf32>
    %add3A_29 = vector.broadcast %get3A_28 : vector<1x128xf32> to vector<1024x128xf32>
    %add3A_30 = arith.addf %dot_general3A_25, %add3A_29 : vector<1024x128xf32>
    %max3A_31 = arith.constant 0.000000e+00 : f32
    %max3A_32 = vector.broadcast %max3A_31 : f32 to vector<1024x128xf32>
    %max3A_33 = arith.maximumf %add3A_30, %max3A_32 : vector<1024x128xf32>
    %eq3A = arith.constant 0 : i32
    %eq3A_34 = arith.cmpi eq, %arg1, %eq3A : i32
    %convert_element_type3A_35 = arith.extui %eq3A_34 : i1 to i32
    %cond3A = arith.constant 0 : i32
    %cond3A_36 = arith.cmpi ne, %convert_element_type3A_35, %cond3A : i32
    scf.if %cond3A_36 {
      %swap3A = arith.constant 0 : index
      %swap3A_46 = arith.constant 0 : index
      %swap3A_47 = vector.load %arg9[%swap3A, %swap3A_46] : memref<1024x128xf32, #tpu.memory_space<vmem>>, vector<1024x128xf32>
      tpu.vector_store %arg9[%swap3A, %swap3A_46], %max3A_33 {strides = array<i32>} : memref<1024x128xf32, #tpu.memory_space<vmem>>, vector<1024x128xf32>,
    } else {
    }
    %gt3A = arith.constant 0 : i32
    %gt3A_37 = arith.cmpi sgt, %arg1, %gt3A : i32
    %convert_element_type3A_38 = arith.extui %gt3A_37 : i1 to i32
    %cond3A_39 = arith.constant 0 : i32
    %cond3A_40 = arith.cmpi ne, %convert_element_type3A_38, %cond3A_39 : i32
    scf.if %cond3A_40 {
      %get3A_46 = arith.constant 0 : index
      %get3A_47 = arith.constant 0 : index
      %get3A_48 = vector.load %arg9[%get3A_46, %get3A_47] : memref<1024x128xf32, #tpu.memory_space<vmem>>, vector<1024x128xf32>
      %max3A_49 = arith.maximumf %get3A_48, %max3A_33 : vector<1024x128xf32>
      %swap3A = arith.constant 0 : index
      %swap3A_50 = arith.constant 0 : index
      %swap3A_51 = vector.load %arg9[%swap3A, %swap3A_50] : memref<1024x128xf32, #tpu.memory_space<vmem>>, vector<1024x128xf32>
      tpu.vector_store %arg9[%swap3A, %swap3A_50], %max3A_49 {strides = array<i32>} : memref<1024x128xf32, #tpu.memory_space<vmem>>, vector<1024x128xf32>,
    } else {
    }
    %eq3A_41 = arith.constant 31 : i32
    %eq3A_42 = arith.cmpi eq, %arg1, %eq3A_41 : i32
    %convert_element_type3A_43 = arith.extui %eq3A_42 : i1 to i32
    %cond3A_44 = arith.constant 0 : i32
    %cond3A_45 = arith.cmpi ne, %convert_element_type3A_43, %cond3A_44 : i32
    scf.if %cond3A_45 {
      %get3A_46 = arith.constant 0 : index
      %get3A_47 = arith.constant 0 : index
      %get3A_48 = vector.load %arg9[%get3A_46, %get3A_47] : memref<1024x128xf32, #tpu.memory_space<vmem>>, vector<1024x128xf32>
      %get3A_49 = arith.constant 0 : index
      %get3A_50 = arith.constant 0 : index
      %get3A_51 = vector.load %arg4[%get3A_49, %get3A_50] : memref<1024x1xf32, #tpu.memory_space<vmem>>, vector<1024x1xf32>
      %mul3A = vector.broadcast %get3A_51 : vector<1024x1xf32> to vector<1024x128xf32>
      %mul3A_52 = arith.mulf %get3A_48, %mul3A : vector<1024x128xf32>
      %swap3A = arith.constant 0 : index
      %swap3A_53 = arith.constant 0 : index
      %swap3A_54 = vector.load %arg9[%swap3A, %swap3A_53] : memref<1024x128xf32, #tpu.memory_space<vmem>>, vector<1024x128xf32>
      tpu.vector_store %arg9[%swap3A, %swap3A_53], %mul3A_52 {strides = array<i32>} : memref<1024x128xf32, #tpu.memory_space<vmem>>, vector<1024x128xf32>,
    } else {
    }
    return
  }
  func.func @transform_0(%arg0: i32, %arg1: i32) -> (i32, i32, i32) {
    %c0_i32 = arith.constant 0 : i32
    %c0_i32_0 = arith.constant 0 : i32
    return %arg1, %arg0, %c0_i32 : i32, i32, i32
  }
  func.func @transform_1(%arg0: i32, %arg1: i32) -> (i32, i32) {
    %c0_i32 = arith.constant 0 : i32
    %c0_i32_0 = arith.constant 0 : i32
    return %arg0, %c0_i32 : i32, i32
  }
  func.func @transform_2(%arg0: i32, %arg1: i32) -> (i32, i32) {
    %c0_i32 = arith.constant 0 : i32
    %c0_i32_0 = arith.constant 0 : i32
    return %arg0, %c0_i32 : i32, i32
  }
  func.func @transform_3(%arg0: i32, %arg1: i32) -> (i32, i32) {
    %c0_i32 = arith.constant 0 : i32
    %c0_i32_0 = arith.constant 0 : i32
    %c0_i32_1 = arith.constant 0 : i32
    return %c0_i32, %c0_i32_0 : i32, i32
  }
  func.func @transform_4(%arg0: i32, %arg1: i32) -> (i32, i32) {
    %c0_i32 = arith.constant 0 : i32
    %c0_i32_0 = arith.constant 0 : i32
    %c0_i32_1 = arith.constant 0 : i32
    return %c0_i32, %c0_i32_0 : i32, i32
  }
  func.func @transform_5(%arg0: i32, %arg1: i32) -> (i32, i32) {
    %c0_i32 = arith.constant 0 : i32
    %c0_i32_0 = arith.constant 0 : i32
    %c0_i32_1 = arith.constant 0 : i32
    return %c0_i32, %c0_i32_0 : i32, i32
  }
  func.func @transform_6(%arg0: i32, %arg1: i32) -> (i32, i32) {
    %c0_i32 = arith.constant 0 : i32
    %c0_i32_0 = arith.constant 0 : i32
    %c0_i32_1 = arith.constant 0 : i32
    return %c0_i32, %c0_i32_0 : i32, i32
  }
  func.func @transform_7(%arg0: i32, %arg1: i32) -> (i32, i32) {
    %c0_i32 = arith.constant 0 : i32
    %c0_i32_0 = arith.constant 0 : i32
    return %arg0, %c0_i32 : i32, i32
  }
}

</mosaic_0001>

<sc_bundles>
// kernel: kernel.6.cloned.1.call-start
scs
__scs_entry_jumppad:
0x0: {  	(pc) =	sbr.rel $0x88, $3  }
0x1: {  	(tag) =	ssettag $0x0;
	lr =	simm.s32 $0x1  }
0x2: {  	[smem:$0x3F8F] =	sst lr;
	_ =	strace $0xD0000000  }
0x3: {  	_ = 	snop  }
0x4: {  	_ = 	snop  }
0x5: {  	_ = 	snop  }
0x6: {  	_ = 	snop  }
0x7: {  	_ = 	snop  }
__scs_overlays_trampoline_lowered:
0x8: {  	[smem:$0x3F9E] =	sst s0  }
0x9: {  	[smem:$0x3F9F] =	sst s1  }
0xa: {  	[smem:$0x3FA0] =	sst s2  }
0xb: {  	[smem:$0x3FA1] =	sst s3  }
0xc: {  	[smem:$0x3FA2] =	sst s4  }
0xd: {  	[smem:$0x3FA3] =	sst s5  }
0xe: {  	[smem:$0x3FA4] =	sst s6  }
0xf: {  	[smem:$0x3FA5] =	sst s7  }
0x10: {  	[smem:$0x3FA6] =	sst s8  }
0x11: {  	[smem:$0x3FA7] =	sst s9;
	s0 =	simm.s32 @!p0 $0x0  }
0x12: {  	s1 =	sld [smem:$0x3F8D];
	s0 =	simm.s32 @p0 $0x1  }
0x13: {  	[smem:$0x3FA8] =	sst s0;
	s0 =	simm.s32 @!p1 $0x0  }
0x14: {  	s2 =	sld [smem:$0x3F8C];
	s0 =	simm.s32 @p1 $0x1  }
0x15: {  	[smem:$0x3FA9] =	sst s0;
	s0 =	simm.s32 @!p2 $0x0  }
0x16: {  	s3 =	sld [smem:$0x3FDB];
	s0 =	simm.s32 @p2 $0x1  }
0x17: {  	s4 =	simm.s32 $0x1BF5;
	[smem:$0x3FAB] =	sst s0  }
0x18: {  	s0 =	sld [smem:$0x3F8E];
	_ =	swait.ge [sflag:s4], $0x0  }
0x19: {  	s7 =	sld [smem:$0x3F8F]  }
0x1a: {  	s8 =	sadd.s32 $0xFFFFE003, lr  }
0x1b: {  	s9 =	sadd.s32 $0xFFFFFEF7, lr;
	s5 =	simm.s32 $0xFFFFFFFF;
	p2 =	slt.u32 s8, $0xFFFFF086  }
0x1c: {  	p1 =	slt.u32 s9, $0xF7A;
	s5 =	simm.s32 @!p2 $0x0  }
0x1d: {  	s5 =	simm.s32 @p1 $0x1;
	p0 =	seq.s32 s7, s2  }
0x1e: {  	s7 =	smul.u32 @!p0 $0xF7A, s2;
	p2 =	seq.s32 @!p0 s5, $0x0  }
0x1f: {  	s9 =	smul.u32 $0xF7A, s1;
	s8 =	simm.s32 @!p0 $0x1BF5;
	p2 =	por !p2, p0  }
0x20: {  	[sflag:s8] =	ssyncset.s32 @!p0 $0xFFFFF086;
	s6 =	sadd.s32 @!p0 s3, s7;
	s7 =	simm.s32 @!p0 $0x108  }
0x21: {  	s3 =	sadd.s32 s3, s9;
	s6 =	sadd.s32 @!p0 $0x88, s6;
	s7 =	simm.s32 @p2 $0x1082  }
0x22: {  	[simem:s7], [sflag:s8] =	dma.local @!p0 [hbm:s6], $0xF7A  }
0x23: {  	s9 =	sor.u32 $0xD0000000, s2;
	s6 =	simm.s32 $0x108;
	_ =	swait.ge @!p0 [sflag:s8], $0x0  }
0x24: {  	s3 =	sadd.s32 $0x88, s3;
	s6 =	simm.s32 @!p1 $0x1082;
	[sflag:s4] =	ssyncset.s32 $0xFFFFF086  }
0x25: {  	[simem:s6], [sflag:s4] =	dma.local [hbm:s3], $0xF7A  }
0x26: {  	[smem:$0x3F8F] =	sst s1;
	(tag) =	ssettag s2;
	_ =	strace s9  }
0x27: {  	s1 =	sld [smem:$0x3F9F]  }
0x28: {  	s2 =	sld [smem:$0x3FA0]  }
0x29: {  	s4 =	sld [smem:$0x3FA2]  }
0x2a: {  	p0 =	seq.s32 s5, $0x0;
	s5 =	sld [smem:$0x3FA3]  }
0x2b: {  	s6 =	sld [smem:$0x3FA4]  }
0x2c: {  	s7 =	sld [smem:$0x3FA5]  }
0x2d: {  	s3 =	simm.s32 $0x108;
	s8 =	sld [smem:$0x3FA6]  }
0x2e: {  	s3 =	simm.s32 @!p0 $0x1082;
	s9 =	sld [smem:$0x3FA7]  }
0x2f: {  	lr =	sadd.s32 s0, s3;
	s0 =	sld [smem:$0x3F9E]  }
0x30: {  	s3 =	sld [smem:$0x3FA1]  }
0x31: {  	[smem:$0x3FAA] =	sst s10  }
0x32: {  	s10 =	sld [smem:$0x3FA8];
	_ =	sdelay $0x3  }
0x33: {  	p0 =	seq.s32 s10, $0x1;
	s10 =	sld [smem:$0x3FAA];
	_ =	sdelay $0x3  }
0x34: {  	[smem:$0x3FAA] =	sst s10  }
0x35: {  	s10 =	sld [smem:$0x3FA9];
	_ =	sdelay $0x3  }
0x36: {  	p1 =	seq.s32 s10, $0x1;
	s10 =	sld [smem:$0x3FAA];
	_ =	sdelay $0x3  }
0x37: {  	[smem:$0x3FAA] =	sst s10  }
0x38: {  	s10 =	sld [smem:$0x3FAB]  }
0x39: {  	_ = 	snop;
	(pc) =	sbr.ind lr, $3  }
0x3a: {  	_ = 	snop  }
0x3b: {  	_ = 	snop  }
0x3c: {  	p2 =	seq.s32 s10, $0x1;
	s10 =	sld [smem:$0x3FAA]  }
0x3d: {  	_ =	shalt  }
0x3e: {  	_ =	shalt  }
0x3f: {  	_ =	shalt  }
0x40: {  	_ =	shalt  }
0x41: {  	_ =	shalt  }
0x42: {  	_ =	shalt  }
0x43: {  	_ =	shalt  }
0x44: {  	_ =	shalt  }
0x45: {  	_ =	shalt  }
0x46: {  	_ =	shalt  }
0x47: {  	_ =	shalt  }
0x48: {  	_ =	shalt  }
0x49: {  	_ =	shalt  }
0x4a: {  	_ =	shalt  }
0x4b: {  	_ =	shalt  }
0x4c: {  	_ =	shalt  }
0x4d: {  	_ =	shalt  }
0x4e: {  	_ =	shalt  }
0x4f: {  	_ =	shalt  }
0x50: {  	_ =	shalt  }
0x51: {  	_ =	shalt  }
0x52: {  	_ =	shalt  }
0x53: {  	_ =	shalt  }
0x54: {  	_ =	shalt  }
0x55: {  	_ =	shalt  }
0x56: {  	_ =	shalt  }
0x57: {  	_ =	shalt  }
0x58: {  	_ =	shalt  }
0x59: {  	_ =	shalt  }
0x5a: {  	_ =	shalt  }
0x5b: {  	_ =	shalt  }
0x5c: {  	_ =	shalt  }
0x5d: {  	_ =	shalt  }
0x5e: {  	_ =	shalt  }
0x5f: {  	_ =	shalt  }
0x60: {  	_ =	shalt  }
0x61: {  	_ =	shalt  }
0x62: {  	_ =	shalt  }
0x63: {  	_ =	shalt  }
0x64: {  	_ =	shalt  }
0x65: {  	_ =	shalt  }
0x66: {  	_ =	shalt  }
0x67: {  	_ =	shalt  }
0x68: {  	_ =	shalt  }
0x69: {  	_ =	shalt  }
0x6a: {  	_ =	shalt  }
0x6b: {  	_ =	shalt  }
0x6c: {  	_ =	shalt  }
0x6d: {  	_ =	shalt  }
0x6e: {  	_ =	shalt  }
0x6f: {  	_ =	shalt  }
0x70: {  	_ =	shalt  }
0x71: {  	_ =	shalt  }
0x72: {  	_ =	shalt  }
0x73: {  	_ =	shalt  }
0x74: {  	_ =	shalt  }
0x75: {  	_ =	shalt  }
0x76: {  	_ =	shalt  }
0x77: {  	_ =	shalt  }
0x78: {  	_ =	shalt  }
0x79: {  	_ =	shalt  }
0x7a: {  	_ =	shalt  }
0x7b: {  	_ =	shalt  }
0x7c: {  	_ =	shalt  }
0x7d: {  	_ =	shalt  }
0x7e: {  	_ =	shalt  }
0x7f: {  	_ =	shalt  }
0x80: {  	_ =	shalt  }
0x81: {  	_ =	shalt  }
0x82: {  	_ =	shalt  }
0x83: {  	_ =	shalt  }
0x84: {  	_ =	shalt  }
0x85: {  	_ =	shalt  }
0x86: {  	_ =	shalt  }
0x87: {  	_ =	shalt  }
.Lfunc_end0:
.L_simem_size_0:
called_computation_lowered:
.L_overlay_start_0:
0x88: {  	s2 =	sld [smem:$0x3FD9]  }
0x89: {  	s3 =	sld [smem:$0x3FFE];
	_ =	sdelay $0x1  }
0x8a: {  	s1 =	srdreg.scid  }
0x8b: {  	s0 =	sand.u32 $0x1, s1  }
0x8c: {  	s17 =	sshll.u32 s0, $0xA;
	s2 =	sadd.s32 s3, s2  }
0x8d: {  	s2 =	sadd.s32 s2, s17  }
0x8e: {  	[smem:$0x3FB6] =	sst s2  }
0x8f: {  	_ = 	snop  }
0x90: {  	s2 =	sld [smem:$0x3FD0];
	(tm) =	ssettm $0x1  }
0x91: {  	s18 =	sld [smem:$0x3FFB];
	_ =	sdelay $0x3  }
0x92: {  	_ =	strace s18  }
0x93: {  	s3 =	sld [smem:$0x3FFC];
	_ =	sdelay $0x3  }
0x94: {  	_ =	strace s3  }
0x95: {  	s3 =	sld [smem:$0x3FFD];
	_ =	sdelay $0x3  }
0x96: {  	_ =	strace s3  }
0x97: {  	_ =	strace $0x8FFFFFFF  }
0x98: {  	s19 =	sld [smem:$0x3FDB];
	_ =	sdelay $0x1  }
0x99: {  	s4 =	simm.s32 $_scs_section_size  }
0x9a: {  	s5 =	simm.s32 $_size__tile_overlayer_lowered;
	s6 =	simm.s32 $_tile_overlayer_lowered  }
0x9b: {  	s22 =	simm.s32 $0x1BFF;
	s21 =	sshll.u32 s6, $0x1;
	s3 =	sadd.s32 s4, s19  }
0x9c: {  	s7 =	simm.s32 $0x0;
	s20 =	sshll.u32 s5, $0x1;
	s5 =	sadd.s32 s21, s3  }
0x9d: {  	[timem:s7], [sflag:s22] =	dma.local [hbm:s5], s20  }
0x9e: {  	_ =	swait.ge [sflag:s22], s20  }
0x9f: {  	s4 =	ssub.s32 $0x0, s20;
	[sflag:s22] =	ssyncset.done $0x0  }
0xa0: {  	[sflag:s22] =	ssyncadd.s32 s4;
	_ =	sdelay $0x1  }
0xa1: {  	s23 =	simm.s32 $0x1B8B  }
0xa2: {  	_ =	swait.ge [sflag:s23], $0x1  }
0xa3: {  	[sflag:s23] =	ssyncset.done $0x0  }
0xa4: {  	s25 =	simm.s32 $0x1B8E;
	s24 =	sld [smem:$0x3FFE];
	[sflag:s23] =	ssyncadd.s32 $0xFFFFFFFF  }
0xa5: {  	s26 =	simm.s32 $execute0_lowered;
	[smem:$0x3FD2] =	sst s25  }
0xa6: {  	s5 =	sshll.u32 s26, $0x1;
	_ =	strace $0x80000046;
	[dreg:$0x1] =	wrdreg $0xFFFFFFFF  }
0xa7: {  	s28 =	simm.s32 $_size_execute0_lowered;
	s3 =	sadd.s32 s3, s5;
	[dreg:$0x0] =	wrdreg $0x0  }
0xa8: {  	s5 =	sshll.u32 s28, $0x1;
	[dreg:$0x2] =	wrdreg s3  }
0xa9: {  	[dreg:$0x3] =	wrdreg s5  }
0xaa: {  	[dreg:$0x4] =	wrdreg $0xC0  }
0xab: {  	_ =	task [dreg:s7], $0x5FFFF  }
0xac: {  	[dreg:$0x1] =	wrdreg $0xFFFFFFFF  }
0xad: {  	[dreg:$0x0] =	wrdreg $0x60  }
0xae: {  	[dreg:$0x2] =	wrdreg s24  }
0xaf: {  	[dreg:$0x3] =	wrdreg s2  }
0xb0: {  	[dreg:$0x4] =	wrdreg $0x9  }
0xb1: {  	_ =	task.clear_ibuf [dreg:s7], $0x5FFFF;
	_ =	strace $0x90000046  }
0xb2: {  	s29 =	simm.s32 $0x9;
	_ =	strace $0x80000048  }
0xb3: {  	_ =	swait.ge [sflag:s29], $0x1  }
0xb4: {  	[sflag:s29] =	ssyncadd.s32 $0xFFFFFFFF  }
0xb5: {  	_ =	strace $0x90000048  }
0xb6: {  	_ =	sfence  }
0xb7: {  	s30 =	sld [smem:$0x0];
	_ =	sdelay $0x2  }
0xb8: {  	s31 =	sshll.u32 s1, $0xD;
	s1 =	sshrl.u32 s1, $0x2  }
0xb9: {  	s3 =	sand.u32 $0x4000, s31;
	s1 =	sadd.s32 s1, s30  }
0xba: {  	s0 =	sor.u32 s3, s0;
	s1 =	sshll.u32 s1, $0x11  }
0xbb: {  	s0 =	sor.u32 s1, s0  }
0xbc: {  	s0 =	sadd.s32 $0x8F2B, s0  }
0xbd: {  	[sflag:s0] =	ssyncadd.remote.s32 $0x1  }
0xbe: {  	_ =	sfence.sel $0xFFFF  }
0xbf: {  	[dreg:$0x0] =	wrdreg $0xFFFFFFFF;
	(pc) =	sbr.abs _section_cstart, $3  }
0xc0: {  	[dreg:$0x1] =	wrdreg $0xFFFFFFFF  }
0xc1: {  	_ =	task.clear_ibuf [dreg:s7], $0x2FFFF;
	_ =	strace $0x9FFFFFFF  }
0xc2: {  	(tm) =	ssettm $0x7FFFFFFF  }
0xc3: {  	_ =	shalt  }
tec
execute0_lowered:
.L_overlay_start_1:
0x0: {  	(tag) =	ssettag $0x1  }
0x1: {  	s4 =	rddreg [dreg:$0x0]  }
0x2: {  	s5 =	rddreg [dreg:$0x1]  }
0x3: {  	s0 =	rddreg [dreg:$0x2];
	s2 =	simm.s32 $0x0;
	s6 =	srdreg.scid  }
0x4: {  	s1 =	stileid.u32;
	s12 =	simm.s32 $0x3000;
	s13 =	simm.s32 $0x1  }
0x5: {  	s14 =	simm.s32 $0x2;
	s15 =	simm.s32 $0xF80;
	s16 =	simm.s32 $0x0  }
0x6: {  	[smem:$0x7FF] =	sst s2;
	s3 =	sadd.s32 $0x2E00, s4;
	s8 =	sand.u32 $0x1, s6  }
0x7: {  	s29 =	sshll.u32 s1, $0x1;
	s9 =	sadd.s32 $0x42E00, s4;
	s11 =	sshll.u32 s1, $0x10  }
0x8: {  	_ =	strace $0x80000047;
	s30 =	ssub.s32 $0x2, s8;
	s6 =	sor.u32 s8, s29  }
0x9: {  	s8 =	sshll.u32 s8, $0xF;
	s7 =	sshrl.u32 s30, $0x1;
	s10 =	sshll.u32 s6, $0x9  }
0xa: {  	s6 =	sshll.u32 s6, $0xF;
	s7 =	ssub.s32 s30, s7;
	s4 =	sadd.s32 s5, s10  }
0xb: {  	s31 =	sadd.s32 s9, s6;
	s9 =	sadd.s32 s11, s9;
	s10 =	simm.s32 $0x1000  }
0xc: {  	s11 =	simm.s32 $0x80;
	s5 =	smax.u32 s7, $0x1;
	s6 =	sadd.s32 $0x7800, s31  }
0xd: {  	s7 =	sadd.s32 $0x7C00, s31;
	s8 =	sadd.s32 s8, s9;
	s9 =	simm.s32 $0x3  }
.LBB2_1:
0xe: {  	[tilespmem:s2], [sflag:$0x3] =	stream.linear.gather [hbm4b:s4+s2], $0x1000, $0x38;
	[tilespmem:$0x5000] =	vst v63  }
0xf: {  	_ =	swait.ge [sflag:s9], $0x1000  }
0x10: {  	[sflag:s9] =	ssyncset.done $0x0  }
0x11: {  	[sflag:s9] =	ssyncadd.s32 $0xFFFFF000  }
0x12: {  	[tilespmem:s10], [sflag:$0x1] =	stream.indirect.gather [hbm4b:s3+s11], $0x40, s2, s11, $0xb8;
	[tilespmem:$0x5000] =	vst v63  }
0x13: {  	_ = 	snop  }
0x14: {  	[tilespmem:s12], [sflag:$0x2] =	stream.indirect.gather [hbm4b:s3+s11], $0x40, s11, s11, $0xb8;
	[tilespmem:$0x5000] =	vst v63  }
0x15: {  	_ =	swait.ge [sflag:s13], $0x2000  }
0x16: {  	[sflag:s13] =	ssyncset.done $0x0  }
0x17: {  	s17 =	sadd.s32 $0x0, s8;
	[sflag:s13] =	ssyncadd.s32 $0xFFFFE000  }
0x18: {  	[hbm4b:s17+s2] =	stream.linear.scatter [tilespmem:s10], [sflag:$0x3], $0x2000, $0x38;
	[tilespmem:$0x5000] =	vst v63  }
0x19: {  	_ =	swait.ge [sflag:s9], $0x2000  }
0x1a: {  	[sflag:s9] =	ssyncset.done $0x0  }
0x1b: {  	s18 =	simm.s32 $0x100;
	[sflag:s9] =	ssyncadd.s32 $0xFFFFE000  }
0x1c: {  	[tilespmem:s10], [sflag:$0x1] =	stream.indirect.gather [hbm4b:s3+s11], $0x40, s18, s11, $0xb8;
	[tilespmem:$0x5000] =	vst v63  }
0x1d: {  	_ =	swait.ge [sflag:s14], $0x2000  }
0x1e: {  	[sflag:s14] =	ssyncset.done $0x0  }
0x1f: {  	s17 =	sadd.s32 $0x400, s17;
	[sflag:s14] =	ssyncadd.s32 $0xFFFFE000  }
0x20: {  	[hbm4b:s17+s2] =	stream.linear.scatter [tilespmem:s12], [sflag:$0x3], $0x2000, $0x38;
	[tilespmem:$0x5000] =	vst v63  }
0x21: {  	_ =	swait.ge [sflag:s9], $0x2000  }
0x22: {  	s18 =	simm.s32 $0x80;
	s17 =	simm.s32 $0x800;
	[sflag:s9] =	ssyncset.done $0x0  }
.LBB2_2:
0x23: {  	p0 =	sne.s32 s17, $0x7000;
	[sflag:s9] =	ssyncadd.s32 $0xFFFFE000;
	s18 =	sadd.s32 $0x100, s18  }
0x24: {  	[tilespmem:s12], [sflag:$0x2] =	stream.indirect.gather [hbm4b:s3+s11], $0x40, s18, s11, $0xb8;
	[tilespmem:$0x5000] =	vst v63  }
0x25: {  	s19 =	smov.u32 s17;
	s17 =	sadd.s32 $0x800, s17;
	_ =	swait.ge [sflag:s13], $0x2000  }
0x26: {  	[sflag:s13] =	ssyncset.done $0x0  }
0x27: {  	s19 =	sadd.s32 s19, s8;
	[sflag:s13] =	ssyncadd.s32 $0xFFFFE000  }
0x28: {  	[hbm4b:s19+s2] =	stream.linear.scatter [tilespmem:s10], [sflag:$0x3], $0x2000, $0x38;
	[tilespmem:$0x5000] =	vst v63  }
0x29: {  	_ =	swait.ge [sflag:s9], $0x2000  }
0x2a: {  	[sflag:s9] =	ssyncset.done $0x0  }
0x2b: {  	s20 =	sadd.s32 $0x80, s18;
	[sflag:s9] =	ssyncadd.s32 $0xFFFFE000  }
0x2c: {  	[tilespmem:s10], [sflag:$0x1] =	stream.indirect.gather [hbm4b:s3+s11], $0x40, s20, s11, $0xb8;
	[tilespmem:$0x5000] =	vst v63  }
0x2d: {  	_ =	swait.ge [sflag:s14], $0x2000  }
.Ltmp0:
0x2e: {  	[sflag:s14] =	ssyncset.done $0x0;
	(pc) =	sbr.rel @p0 .LBB2_2-.Ltmp0, $4  }
0x2f: {  	s19 =	sadd.s32 $0x400, s19;
	[sflag:s14] =	ssyncadd.s32 $0xFFFFE000  }
0x30: {  	[hbm4b:s19+s2] =	stream.linear.scatter [tilespmem:s12], [sflag:$0x3], $0x2000, $0x38;
	[tilespmem:$0x5000] =	vst v63  }
0x31: {  	_ =	swait.ge [sflag:s9], $0x2000  }
0x32: {  	[sflag:s9] =	ssyncset.done $0x0  }
0x33: {  	[sflag:s9] =	ssyncadd.s32 $0xFFFFE000  }
0x34: {  	[tilespmem:s12], [sflag:$0x2] =	stream.indirect.gather [hbm4b:s3+s11], $0x40, s15, s11, $0xb8;
	[tilespmem:$0x5000] =	vst v63  }
0x35: {  	_ =	swait.ge [sflag:s13], $0x2000  }
0x36: {  	[sflag:s13] =	ssyncset.done $0x0  }
0x37: {  	[sflag:s13] =	ssyncadd.s32 $0xFFFFE000  }
0x38: {  	[hbm4b:s6+s2] =	stream.linear.scatter [tilespmem:s10], [sflag:$0x3], $0x2000, $0x38;
	[tilespmem:$0x5000] =	vst v63  }
0x39: {  	_ =	swait.ge [sflag:s9], $0x2000  }
0x3a: {  	[sflag:s9] =	ssyncset.done $0x0  }
0x3b: {  	[sflag:s9] =	ssyncadd.s32 $0xFFFFE000  }
0x3c: {  	s16 =	sadd.s32 $0x1, s16;
	_ =	swait.ge [sflag:s14], $0x2000  }
0x3d: {  	p0 =	sne.s32 s16, s5;
	[sflag:s14] =	ssyncset.done $0x0  }
.Ltmp1:
0x3e: {  	[sflag:s14] =	ssyncadd.s32 $0xFFFFE000;
	(pc) =	sbr.rel @p0 .LBB2_1-.Ltmp1, $4  }
0x3f: {  	[hbm4b:s7+s2] =	stream.linear.scatter [tilespmem:s12], [sflag:$0x3], $0x2000, $0x38;
	[tilespmem:$0x5000] =	vst v63  }
0x40: {  	_ =	swait.ge [sflag:s9], $0x2000  }
0x41: {  	[sflag:s9] =	ssyncset.done $0x0  }
0x42: {  	[sflag:s9] =	ssyncadd.s32 $0xFFFFE000  }
0x43: {  	_ =	sfence.sel $0x180000  }
0x44: {  	[bflag:$0x0] =	sbarrier.arrive $0xFFFF  }
0x45: {  	p0 =	sne.s32 s1, $0x0;
	_ =	strace $0x90000047  }
0x46: {  	s0 =	sadd.s32 @!p0 $0x100000, s0;
	[bflag:$0x2] =	sbarrier.arrive $0xFFFF  }
0x47: {  	[sflag:s0] =	ssyncadd.tile.s32 @!p0 $0x1;
	_ =	shalt  }
.Lfunc_end2:
_tile_overlayer_lowered:
.L_overlay_start_2:
0x48: {  	(tag) =	ssettag $0x2  }
0x49: {  	s0 =	rddreg [dreg:$0x0];
	s2 =	stileid.u32  }
0x4a: {  	s1 =	rddreg [dreg:$0x1];
	p0 =	sne.s32 s2, $0x0  }
0x4b: {  	s3 =	rddreg [dreg:$0x2];
	[bflag:$0x3] =	sbarrier.arrive $0xFFFF;
	s2 =	simm.s32 @!p0 $0x1C03  }
0x4c: {  	[timem:s3], [sflag:s2] =	dma.local @!p0 [hbm:s0], s1  }
0x4d: {  	s0 =	simm.s32 @!p0 $0x3  }
0x4e: {  	_ =	swait.ge @!p0 [sflag:s0], s1  }
0x4f: {  	s1 =	ssub.s32 @!p0 $0x0, s1;
	[sflag:s0] =	ssyncset.done @!p0 $0x0  }
0x50: {  	[sflag:s0] =	ssyncadd.s32 @!p0 s1  }
0x51: {  	[bflag:$0x3] =	sbarrier.arrive $0xFFFF  }
0x52: {  	_ =	shalt  }

</sc_bundles>
